<compile_context>
chip_gen: v7x
topology: tpu7x:2x2x1
jax: 0.10.2.dev20260603
libtpu: 0.0.44.dev20260713+nightly
codegen_flags: <defaults>
</compile_context>

<pallas_src>
import functools

import jax
import jax.numpy as jnp
from jax import lax
from jax.experimental import pallas as pl
from jax.experimental.pallas import tpu as pltpu
from jax.experimental.pallas import tpu_sc as plsc

NC = 2
NS = 16
CHUNK = 128

F32 = jnp.float32


def _node_body(p_ref, wpp_ref, bpp_ref, wpi1_ref, bpi1_ref, a_ref, b_ref):
    d = p_ref.shape[1]
    p1 = jnp.tanh(
        jnp.dot(p_ref[...], wpp_ref[...], preferred_element_type=F32)
        + bpp_ref[...]
    )
    a_ref[...] = (jnp.dot(p1, wpi1_ref[:d, :], preferred_element_type=F32)
                  + bpi1_ref[...])
    b_ref[...] = jnp.dot(p1, wpi1_ref[d:, :], preferred_element_type=F32)


def _node_call(p, W_pp, b_pp, W_pi1, b_pi1):
    n, d = p.shape
    h = W_pi1.shape[1]
    bn = 1000
    grid = (n + bn - 1) // bn
    return pl.pallas_call(
        _node_body,
        grid=(grid,),
        in_specs=[
            pl.BlockSpec((bn, d), lambda g: (g, 0)),
            pl.BlockSpec((d, d), lambda g: (0, 0)),
            pl.BlockSpec((1, d), lambda g: (0, 0)),
            pl.BlockSpec((2 * d, h), lambda g: (0, 0)),
            pl.BlockSpec((1, h), lambda g: (0, 0)),
        ],
        out_specs=(
            pl.BlockSpec((bn, h), lambda g: (g, 0)),
            pl.BlockSpec((bn, h), lambda g: (g, 0)),
        ),
        out_shape=(
            jax.ShapeDtypeStruct((n, h), F32),
            jax.ShapeDtypeStruct((n, h), F32),
        ),
    )(p, W_pp, b_pp.reshape(1, d), W_pi1, b_pi1.reshape(1, h))


def _gather_body(n_chunks_w, a_hbm, b_hbm, ii_hbm, jj_hbm, x_hbm,
                 idxi_v, idxj_v, rowsa_v, sema, semb):
    wid = lax.axis_index("s") * NC + lax.axis_index("c")
    base = wid * n_chunks_w * CHUNK

    def body(c, carry):
        off = base + c * CHUNK
        pltpu.sync_copy(ii_hbm.at[pl.ds(off, CHUNK)], idxi_v)
        pltpu.sync_copy(jj_hbm.at[pl.ds(off, CHUNK)], idxj_v)
        cpa = pltpu.async_copy(a_hbm.at[idxi_v], rowsa_v, sema)
        cpa.wait()
        cpb = pltpu.async_copy(b_hbm.at[idxj_v], rowsa_v, semb, add=True)
        cpb.wait()
        pltpu.sync_copy(rowsa_v, x_hbm.at[pl.ds(off, CHUNK)])
        return carry

    lax.fori_loop(0, n_chunks_w, body, 0)


def _gather_call(A, B, idx_i_p, idx_j_p):
    h = A.shape[1]
    dt = A.dtype
    ep = idx_i_p.shape[0]
    n_chunks_w = ep // (NC * NS * CHUNK)
    mesh = plsc.VectorSubcoreMesh(
        core_axis_name="c", subcore_axis_name="s", num_cores=NC,
        num_subcores=NS)
    kern = functools.partial(
        pl.kernel,
        out_type=jax.ShapeDtypeStruct((ep, h), dt),
        mesh=mesh,
        scratch_types=[
            pltpu.VMEM((CHUNK,), jnp.int32),
            pltpu.VMEM((CHUNK,), jnp.int32),
            pltpu.VMEM((CHUNK, h), dt),
            pltpu.SemaphoreType.DMA,
            pltpu.SemaphoreType.DMA,
        ],
        compiler_params=pltpu.CompilerParams(use_tc_tiling_on_sc=False),
    )(functools.partial(_gather_body, n_chunks_w))
    return kern(A, B, idx_i_p, idx_j_p)


def _edge_body(e_valid, be, nb, x_ref, basis_ref, w2p_ref, wii_ref,
               bii_ref, out_ref):
    h = x_ref.shape[1]
    t = jnp.dot(x_ref[...], w2p_ref[...],
                preferred_element_type=F32)
    y = t[:, 0:h] * basis_ref[:, 0:1]
    for c in range(1, nb):
        y = y + t[:, c * h:(c + 1) * h] * basis_ref[:, c:c + 1]
    i1 = jnp.tanh(jnp.dot(y, wii_ref[...], preferred_element_type=F32)
                  + bii_ref[...])
    row = pl.program_id(0) * be + lax.broadcasted_iota(jnp.int32, i1.shape, 0)
    out_ref[...] = jnp.where(row < e_valid, i1, 0.0)


def _edge_call(x, basis, W2perm, W_ii, b_ii, e_valid, row0):
    ck, h = x.shape
    e, nb = basis.shape
    d = W_ii.shape[1]
    be = 512
    grid = ck // be
    cb = row0 // be
    last_full = e // be - 1
    return pl.pallas_call(
        functools.partial(_edge_body, e_valid - row0, be, nb),
        grid=(grid,),
        in_specs=[
            pl.BlockSpec((be, h), lambda g: (g, 0)),
            pl.BlockSpec((be, nb),
                         lambda g: (jnp.minimum(cb + g, last_full), 0)),
            pl.BlockSpec((h, nb * h), lambda g: (0, 0)),
            pl.BlockSpec((h, d), lambda g: (0, 0)),
            pl.BlockSpec((1, d), lambda g: (0, 0)),
        ],
        out_specs=pl.BlockSpec((be, d), lambda g: (g, 0)),
        out_shape=jax.ShapeDtypeStruct((ck, d), F32),
        compiler_params=pltpu.CompilerParams(
            dimension_semantics=("arbitrary",)),
    )(x, basis, W2perm, W_ii, b_ii.reshape(1, d))


def _scatter_body(n_chunks, n_pad, i1_hbm, ii_hbm, zeros_hbm, parts_hbm,
                  idx_v, rows_v, slab_v, shared):
    cid = lax.axis_index("c")
    sid = lax.axis_index("s")
    slab = n_pad // NS
    dh = rows_v.shape[1]

    pltpu.sync_copy(zeros_hbm.at[pl.ds(sid * slab, slab)], slab_v)
    pltpu.sync_copy(slab_v, shared.at[pl.ds(sid * slab, slab)])
    plsc.subcore_barrier()

    base = sid * n_chunks * CHUNK

    def body(c, carry):
        off = base + c * CHUNK
        pltpu.sync_copy(ii_hbm.at[pl.ds(off, CHUNK)], idx_v)
        pltpu.sync_copy(i1_hbm.at[pl.ds(off, CHUNK), pl.ds(cid * dh, dh)],
                        rows_v)
        pltpu.sync_copy(rows_v, shared.at[idx_v], add=True)
        return carry

    lax.fori_loop(0, n_chunks, body, 0)
    plsc.subcore_barrier()

    pltpu.sync_copy(shared.at[pl.ds(sid * slab, slab)], slab_v)
    pltpu.sync_copy(slab_v, parts_hbm.at[pl.ds(cid * n_pad + sid * slab,
                                               slab)])


def _scatter_call(i1, idx_i_p, zeros_nd):
    ep, d = i1.shape
    n_pad, dh = zeros_nd.shape
    n_chunks = ep // (NS * CHUNK)
    mesh = plsc.VectorSubcoreMesh(
        core_axis_name="c", subcore_axis_name="s", num_cores=NC,
        num_subcores=NS)
    kern = functools.partial(
        pl.kernel,
        out_type=jax.ShapeDtypeStruct((NC * n_pad, dh), F32),
        mesh=mesh,
        scratch_types=[
            pltpu.VMEM((CHUNK,), jnp.int32),
            pltpu.VMEM((CHUNK, dh), F32),
            pltpu.VMEM((n_pad // NS, dh), F32),
            pltpu.VMEM_SHARED((n_pad, dh), F32),
        ],
        compiler_params=pltpu.CompilerParams(use_tc_tiling_on_sc=False),
    )(functools.partial(_scatter_body, n_chunks, n_pad))
    return kern(i1, idx_i_p, zeros_nd)


def _combine_body(p_ref, *refs):
    parts_refs = refs[:-1]
    out_ref = refs[-1]
    dh = parts_refs[0].shape[2]
    k = len(parts_refs) // 2
    lo = p_ref[:, :dh]
    hi = p_ref[:, dh:]
    for pr in parts_refs[:k]:
        lo = lo + pr[0]
    for pr in parts_refs[k:]:
        hi = hi + pr[0]
    out_ref[:, :dh] = lo
    out_ref[:, dh:] = hi


def _combine_call(p, parts_list):
    n, d = p.shape
    n_pad = parts_list[0].shape[0] // NC
    dh = parts_list[0].shape[1]
    bn = n_pad // 8
    grid = (n + bn - 1) // bn
    parts3 = [q.reshape(NC, n_pad, dh) for q in parts_list]
    in_specs = [pl.BlockSpec((bn, d), lambda g: (g, 0))]
    in_specs += [pl.BlockSpec((1, bn, dh), lambda g: (0, g, 0))
                 for _ in parts3]
    in_specs += [pl.BlockSpec((1, bn, dh), lambda g: (1, g, 0))
                 for _ in parts3]
    return pl.pallas_call(
        _combine_body,
        grid=(grid,),
        in_specs=in_specs,
        out_specs=pl.BlockSpec((bn, d), lambda g: (g, 0)),
        out_shape=jax.ShapeDtypeStruct((n, d), F32),
    )(p, *parts3, *parts3)


def kernel(p, idx_i, idx_j, basis, W_pp, b_pp, W_pi1, b_pi1, W_pi2, W_ii,
           b_ii):
    n, d = p.shape
    e = idx_i.shape[0]
    h = W_pi1.shape[1]
    nb = basis.shape[1]

    K = 5
    align = K * NC * NS * CHUNK
    ep = ((e + align - 1) // align) * align
    ck = ep // K
    pad = ep - e
    idx_i_p = jnp.pad(idx_i, (0, pad))
    idx_j_p = jnp.pad(idx_j, (0, pad))

    W2perm = W_pi2.reshape(h, h, nb).transpose(0, 2, 1).reshape(h, nb * h)

    nalign = NS * 8
    n_pad = ((n + nalign - 1) // nalign) * nalign
    zeros_nd = jnp.zeros((n_pad, d // NC), F32)

    A, B = _node_call(p, W_pp, b_pp, W_pi1, b_pi1)
    xs = []
    for k in range(K):
        sl = slice(k * ck, (k + 1) * ck)
        xs.append(_gather_call(A, B, idx_i_p[sl], idx_j_p[sl]))
    parts_list = []
    for k in range(K):
        sl = slice(k * ck, (k + 1) * ck)
        i1_k = _edge_call(xs[k], basis, W2perm, W_ii, b_ii, e, k * ck)
        parts_list.append(_scatter_call(i1_k, idx_i_p[sl], zeros_nd))
    return _combine_call(p, parts_list)

# --- scband reference (transcript-rebuilt; emitter-appended) ---
"""Pipeline reference for scband-gcblock-p1-15745350107645 (READ-ONLY COPY).

The authoritative reference and input builder live on the scoring server;
editing this copy changes nothing except your own understanding.
"""

import jax, jax.numpy as jnp
import numpy as np

N = 10000
E = 320000
D = 128
H = 64
NB = 10

def setup_inputs(seed: int = 0) -> dict:
    key = jax.random.key(seed)
    ks = jax.random.split(key, 12)
    p = jax.random.normal(ks[0], (N, D), dtype=jnp.float32)
    idx_i = jax.random.randint(ks[1], (E,), 0, N, dtype=jnp.int32)
    idx_j = jax.random.randint(ks[2], (E,), 0, N, dtype=jnp.int32)
    basis = jax.random.normal(ks[3], (E, NB), dtype=jnp.float32)
    # pp_layer: MLP over pp_nodes=[128,128] with tanh activation
    W_pp = jax.random.normal(ks[4], (D, D), dtype=jnp.float32) / np.sqrt(D)
    b_pp = jnp.zeros((D,), dtype=jnp.float32)
    # pi_layer: n_neurons = [2*128, 64, 64*10], activation=None, last layer no bias
    W_pi1 = jax.random.normal(ks[5], (2 * D, H), dtype=jnp.float32) / np.sqrt(2 * D)
    b_pi1 = jnp.zeros((H,), dtype=jnp.float32)
    W_pi2 = jax.random.normal(ks[6], (H, H * NB), dtype=jnp.float32) / np.sqrt(H)
    # ii_layer: MLP over ii_nodes=[64,128] with tanh activation
    W_ii = jax.random.normal(ks[7], (H, D), dtype=jnp.float32) / np.sqrt(H)
    b_ii = jnp.zeros((D,), dtype=jnp.float32)
    return {"p": p, "idx_i": idx_i, "idx_j": idx_j, "basis": basis,
            "W_pp": W_pp, "b_pp": b_pp, "W_pi1": W_pi1, "b_pi1": b_pi1,
            "W_pi2": W_pi2, "W_ii": W_ii, "b_ii": b_ii}

def reference(p, idx_i, idx_j, basis, W_pp, b_pp, W_pi1, b_pi1, W_pi2, W_ii, b_ii):
    # pp_layer (tanh MLP)
    p1 = jnp.tanh(p @ W_pp + b_pp)
    # pi_layer: gather endpoints, concat, linear MLP (activation=None, last_bias=False)
    prop_i = jnp.take(p1, idx_i, axis=0)
    prop_j = jnp.take(p1, idx_j, axis=0)
    inter = jnp.concatenate([prop_i, prop_j], axis=-1)
    inter = inter @ W_pi1 + b_pi1
    inter = inter @ W_pi2
    inter = inter.reshape(inter.shape[0], H, NB)
    inter = jnp.einsum('ibc,ic->ib', inter, basis)
    # ii_layer (tanh MLP)
    i1 = jnp.tanh(inter @ W_ii + b_ii)
    # ip_layer: scatter-add interactions back onto nodes
    p_out = p.at[idx_i].add(i1)
    return p_out

if __name__ == "__main__":
    import jax
    _d = setup_inputs()
    print(jax.jit(kernel)(*tuple(_d.values())))

</pallas_src>

<mosaic_0001>
#map = affine_map<(d0, d1) -> (0, 0)>
#map1 = affine_map<(d0, d1) -> (0)>
module attributes {stable_mosaic.version = 14 : i64} {
  func.func @_gather_body(%arg0: i32, %arg1: i32, %arg2: memref<10000x64xf32, #tpu.memory_space<hbm>>, %arg3: memref<10000x64xf32, #tpu.memory_space<hbm>>, %arg4: memref<65536xi32, #tpu.memory_space<hbm>>, %arg5: memref<65536xi32, #tpu.memory_space<hbm>>, %arg6: memref<65536x64xf32, #tpu.memory_space<hbm>>, %arg7: memref<128xi32, #tpu.memory_space<vmem>>, %arg8: memref<128xi32, #tpu.memory_space<vmem>>, %arg9: memref<128x64xf32, #tpu.memory_space<vmem>>, %arg10: memref<!tpu.dma_semaphore, #tpu.memory_space<semaphore_mem>>, %arg11: memref<!tpu.dma_semaphore, #tpu.memory_space<semaphore_mem>>) attributes {dimension_semantics = [#tpu.dimension_semantics<core_parallel>, #tpu.dimension_semantics<subcore_parallel>], iteration_bounds = array<i64: 2, 16>, scalar_prefetch = 0 : i64, scratch_operands = 5 : i64, tpu.core_type = #tpu.core_type<sc_vector_subcore>, window_params = [{transform_indices = #map}, {transform_indices = #map}, {transform_indices = #map1}, {transform_indices = #map1}, {transform_indices = #map}]} {
    %mul3A = arith.constant 2 : i32
    %mul3A_0 = arith.muli %arg1, %mul3A : i32
    %add3A = arith.addi %mul3A_0, %arg0 : i32
    %mul3A_1 = arith.constant 16 : i32
    %mul3A_2 = arith.muli %add3A, %mul3A_1 : i32
    %mul3A_3 = arith.constant 128 : i32
    %mul3A_4 = arith.muli %mul3A_2, %mul3A_3 : i32
    %scan3A = arith.constant 0 : i32
    %scan3A_5 = arith.constant 0 : i32
    %scan3A_6 = arith.constant 16 : i32
    %scan3A_7 = arith.addi %scan3A_5, %scan3A_6 : i32
    %scan3A_8 = arith.constant 1 : i32
    scf.for %scan3A_10 = %scan3A_5 to %scan3A_7 step %scan3A_8  : i32 {
      %mul3A_11 = arith.constant 128 : i32
      %mul3A_12 = arith.muli %scan3A_10, %mul3A_11 : i32
      %add3A_13 = arith.addi %mul3A_4, %mul3A_12 : i32
      "tpu.region"() ({
        %run_scoped3A = tpu.sem_alloc : memref<!tpu.dma_semaphore, #tpu.memory_space<semaphore_mem>>
        %dma_start3A_24 = tpu.memref_slice %arg4[%add3A_13] : memref<65536xi32, #tpu.memory_space<hbm>> -> memref<128xi32, #tpu.memory_space<hbm>>
        %dma_start3A_25 = tpu.memref_slice %arg4[%add3A_13] : memref<65536xi32, #tpu.memory_space<hbm>> -> memref<128xi32, #tpu.memory_space<hbm>>
        tpu.enqueue_dma source(%dma_start3A_25 : memref<128xi32, #tpu.memory_space<hbm>>) target(%arg7 : memref<128xi32, #tpu.memory_space<vmem>>) target_semaphore(%run_scoped3A : memref<!tpu.dma_semaphore, #tpu.memory_space<semaphore_mem>>)
        %dma_wait3A_26 = tpu.memref_slice %arg4[%add3A_13] : memref<65536xi32, #tpu.memory_space<hbm>> -> memref<128xi32, #tpu.memory_space<hbm>>
        %dma_wait3A_27 = tpu.memref_slice %arg4[%add3A_13] : memref<65536xi32, #tpu.memory_space<hbm>> -> memref<128xi32, #tpu.memory_space<hbm>>
        tpu.wait_dma2 semaphore(%run_scoped3A : memref<!tpu.dma_semaphore, #tpu.memory_space<semaphore_mem>>) src(%dma_wait3A_27 : memref<128xi32, #tpu.memory_space<hbm>>) dst(%arg7 : memref<128xi32, #tpu.memory_space<vmem>>)
        tpu.yield
      }) : () -> ()
      "tpu.region"() ({
        %run_scoped3A = tpu.sem_alloc : memref<!tpu.dma_semaphore, #tpu.memory_space<semaphore_mem>>
        %dma_start3A_24 = tpu.memref_slice %arg5[%add3A_13] : memref<65536xi32, #tpu.memory_space<hbm>> -> memref<128xi32, #tpu.memory_space<hbm>>
        %dma_start3A_25 = tpu.memref_slice %arg5[%add3A_13] : memref<65536xi32, #tpu.memory_space<hbm>> -> memref<128xi32, #tpu.memory_space<hbm>>
        tpu.enqueue_dma source(%dma_start3A_25 : memref<128xi32, #tpu.memory_space<hbm>>) target(%arg8 : memref<128xi32, #tpu.memory_space<vmem>>) target_semaphore(%run_scoped3A : memref<!tpu.dma_semaphore, #tpu.memory_space<semaphore_mem>>)
        %dma_wait3A_26 = tpu.memref_slice %arg5[%add3A_13] : memref<65536xi32, #tpu.memory_space<hbm>> -> memref<128xi32, #tpu.memory_space<hbm>>
        %dma_wait3A_27 = tpu.memref_slice %arg5[%add3A_13] : memref<65536xi32, #tpu.memory_space<hbm>> -> memref<128xi32, #tpu.memory_space<hbm>>
        tpu.wait_dma2 semaphore(%run_scoped3A : memref<!tpu.dma_semaphore, #tpu.memory_space<semaphore_mem>>) src(%dma_wait3A_27 : memref<128xi32, #tpu.memory_space<hbm>>) dst(%arg8 : memref<128xi32, #tpu.memory_space<vmem>>)
        tpu.yield
      }) : () -> ()
      %dma_start3A = arith.constant 0 : i32
      %dma_start3A_14 = arith.constant 0 : i32
      %dma_start3A_15 = tpu.memref_slice %arg2[%dma_start3A, %dma_start3A_14] : memref<10000x64xf32, #tpu.memory_space<hbm>> -> memref<10000x64xf32, #tpu.memory_space<hbm>>
      tpu.enqueue_indirect_dma source(%dma_start3A_15 : memref<10000x64xf32, #tpu.memory_space<hbm>>) target(%arg9 : memref<128x64xf32, #tpu.memory_space<vmem>>) offsets(%arg7 : memref<128xi32, #tpu.memory_space<vmem>>) semaphore(%arg10 : memref<!tpu.dma_semaphore, #tpu.memory_space<semaphore_mem>>)
      %dma_wait3A = arith.constant 0 : i32
      %dma_wait3A_16 = arith.constant 0 : i32
      %dma_wait3A_17 = tpu.memref_slice %arg2[%dma_wait3A, %dma_wait3A_16] : memref<10000x64xf32, #tpu.memory_space<hbm>> -> memref<10000x64xf32, #tpu.memory_space<hbm>>
      tpu.wait_indirect_dma semaphore(%arg10 : memref<!tpu.dma_semaphore, #tpu.memory_space<semaphore_mem>>) src(%dma_wait3A_17 : memref<10000x64xf32, #tpu.memory_space<hbm>>) dst(%arg9 : memref<128x64xf32, #tpu.memory_space<vmem>>)
      %dma_start3A_18 = arith.constant 0 : i32
      %dma_start3A_19 = arith.constant 0 : i32
      %dma_start3A_20 = tpu.memref_slice %arg3[%dma_start3A_18, %dma_start3A_19] : memref<10000x64xf32, #tpu.memory_space<hbm>> -> memref<10000x64xf32, #tpu.memory_space<hbm>>
      tpu.enqueue_indirect_dma source(%dma_start3A_20 : memref<10000x64xf32, #tpu.memory_space<hbm>>) target(%arg9 : memref<128x64xf32, #tpu.memory_space<vmem>>) offsets(%arg8 : memref<128xi32, #tpu.memory_space<vmem>>) semaphore(%arg11 : memref<!tpu.dma_semaphore, #tpu.memory_space<semaphore_mem>>) {add = true}
      %dma_wait3A_21 = arith.constant 0 : i32
      %dma_wait3A_22 = arith.constant 0 : i32
      %dma_wait3A_23 = tpu.memref_slice %arg3[%dma_wait3A_21, %dma_wait3A_22] : memref<10000x64xf32, #tpu.memory_space<hbm>> -> memref<10000x64xf32, #tpu.memory_space<hbm>>
      tpu.wait_indirect_dma semaphore(%arg11 : memref<!tpu.dma_semaphore, #tpu.memory_space<semaphore_mem>>) src(%dma_wait3A_23 : memref<10000x64xf32, #tpu.memory_space<hbm>>) dst(%arg9 : memref<128x64xf32, #tpu.memory_space<vmem>>)
      "tpu.region"() ({
        %run_scoped3A = tpu.sem_alloc : memref<!tpu.dma_semaphore, #tpu.memory_space<semaphore_mem>>
        %dma_start3A_24 = arith.constant 0 : i32
        %dma_start3A_25 = tpu.memref_slice %arg6[%add3A_13, %dma_start3A_24] : memref<65536x64xf32, #tpu.memory_space<hbm>> -> memref<128x64xf32, #tpu.memory_space<hbm>>
        %dma_start3A_26 = arith.constant 0 : i32
        %dma_start3A_27 = tpu.memref_slice %arg6[%add3A_13, %dma_start3A_26] : memref<65536x64xf32, #tpu.memory_space<hbm>> -> memref<128x64xf32, #tpu.memory_space<hbm>>
        tpu.enqueue_dma source(%arg9 : memref<128x64xf32, #tpu.memory_space<vmem>>) target(%dma_start3A_27 : memref<128x64xf32, #tpu.memory_space<hbm>>) target_semaphore(%run_scoped3A : memref<!tpu.dma_semaphore, #tpu.memory_space<semaphore_mem>>)
        %dma_wait3A_28 = arith.constant 0 : i32
        %dma_wait3A_29 = tpu.memref_slice %arg6[%add3A_13, %dma_wait3A_28] : memref<65536x64xf32, #tpu.memory_space<hbm>> -> memref<128x64xf32, #tpu.memory_space<hbm>>
        %dma_wait3A_30 = arith.constant 0 : i32
        %dma_wait3A_31 = tpu.memref_slice %arg6[%add3A_13, %dma_wait3A_30] : memref<65536x64xf32, #tpu.memory_space<hbm>> -> memref<128x64xf32, #tpu.memory_space<hbm>>
        tpu.wait_dma2 semaphore(%run_scoped3A : memref<!tpu.dma_semaphore, #tpu.memory_space<semaphore_mem>>) src(%arg9 : memref<128x64xf32, #tpu.memory_space<vmem>>) dst(%dma_wait3A_31 : memref<128x64xf32, #tpu.memory_space<hbm>>)
        tpu.yield
      }) : () -> ()
    }
    %scan3A_9 = arith.constant 16 : i32
    return
  }
}

#map = affine_map<(d0, d1) -> (0, 0)>
#map1 = affine_map<(d0, d1) -> (0)>
module attributes {stable_mosaic.version = 14 : i64} {
  func.func @_gather_body(%arg0: i32, %arg1: i32, %arg2: memref<10000x64xf32, #tpu.memory_space<hbm>>, %arg3: memref<10000x64xf32, #tpu.memory_space<hbm>>, %arg4: memref<65536xi32, #tpu.memory_space<hbm>>, %arg5: memref<65536xi32, #tpu.memory_space<hbm>>, %arg6: memref<65536x64xf32, #tpu.memory_space<hbm>>, %arg7: memref<128xi32, #tpu.memory_space<vmem>>, %arg8: memref<128xi32, #tpu.memory_space<vmem>>, %arg9: memref<128x64xf32, #tpu.memory_space<vmem>>, %arg10: memref<!tpu.dma_semaphore, #tpu.memory_space<semaphore_mem>>, %arg11: memref<!tpu.dma_semaphore, #tpu.memory_space<semaphore_mem>>) attributes {dimension_semantics = [#tpu.dimension_semantics<core_parallel>, #tpu.dimension_semantics<subcore_parallel>], iteration_bounds = array<i64: 2, 16>, scalar_prefetch = 0 : i64, scratch_operands = 5 : i64, tpu.core_type = #tpu.core_type<sc_vector_subcore>, window_params = [{transform_indices = #map}, {transform_indices = #map}, {transform_indices = #map1}, {transform_indices = #map1}, {transform_indices = #map}]} {
    %mul3A = arith.constant 2 : i32
    %mul3A_0 = arith.muli %arg1, %mul3A : i32
    %add3A = arith.addi %mul3A_0, %arg0 : i32
    %mul3A_1 = arith.constant 16 : i32
    %mul3A_2 = arith.muli %add3A, %mul3A_1 : i32
    %mul3A_3 = arith.constant 128 : i32
    %mul3A_4 = arith.muli %mul3A_2, %mul3A_3 : i32
    %scan3A = arith.constant 0 : i32
    %scan3A_5 = arith.constant 0 : i32
    %scan3A_6 = arith.constant 16 : i32
    %scan3A_7 = arith.addi %scan3A_5, %scan3A_6 : i32
    %scan3A_8 = arith.constant 1 : i32
    scf.for %scan3A_10 = %scan3A_5 to %scan3A_7 step %scan3A_8  : i32 {
      %mul3A_11 = arith.constant 128 : i32
      %mul3A_12 = arith.muli %scan3A_10, %mul3A_11 : i32
      %add3A_13 = arith.addi %mul3A_4, %mul3A_12 : i32
      "tpu.region"() ({
        %run_scoped3A = tpu.sem_alloc : memref<!tpu.dma_semaphore, #tpu.memory_space<semaphore_mem>>
        %dma_start3A_24 = tpu.memref_slice %arg4[%add3A_13] : memref<65536xi32, #tpu.memory_space<hbm>> -> memref<128xi32, #tpu.memory_space<hbm>>
        %dma_start3A_25 = tpu.memref_slice %arg4[%add3A_13] : memref<65536xi32, #tpu.memory_space<hbm>> -> memref<128xi32, #tpu.memory_space<hbm>>
        tpu.enqueue_dma source(%dma_start3A_25 : memref<128xi32, #tpu.memory_space<hbm>>) target(%arg7 : memref<128xi32, #tpu.memory_space<vmem>>) target_semaphore(%run_scoped3A : memref<!tpu.dma_semaphore, #tpu.memory_space<semaphore_mem>>)
        %dma_wait3A_26 = tpu.memref_slice %arg4[%add3A_13] : memref<65536xi32, #tpu.memory_space<hbm>> -> memref<128xi32, #tpu.memory_space<hbm>>
        %dma_wait3A_27 = tpu.memref_slice %arg4[%add3A_13] : memref<65536xi32, #tpu.memory_space<hbm>> -> memref<128xi32, #tpu.memory_space<hbm>>
        tpu.wait_dma2 semaphore(%run_scoped3A : memref<!tpu.dma_semaphore, #tpu.memory_space<semaphore_mem>>) src(%dma_wait3A_27 : memref<128xi32, #tpu.memory_space<hbm>>) dst(%arg7 : memref<128xi32, #tpu.memory_space<vmem>>)
        tpu.yield
      }) : () -> ()
      "tpu.region"() ({
        %run_scoped3A = tpu.sem_alloc : memref<!tpu.dma_semaphore, #tpu.memory_space<semaphore_mem>>
        %dma_start3A_24 = tpu.memref_slice %arg5[%add3A_13] : memref<65536xi32, #tpu.memory_space<hbm>> -> memref<128xi32, #tpu.memory_space<hbm>>
        %dma_start3A_25 = tpu.memref_slice %arg5[%add3A_13] : memref<65536xi32, #tpu.memory_space<hbm>> -> memref<128xi32, #tpu.memory_space<hbm>>
        tpu.enqueue_dma source(%dma_start3A_25 : memref<128xi32, #tpu.memory_space<hbm>>) target(%arg8 : memref<128xi32, #tpu.memory_space<vmem>>) target_semaphore(%run_scoped3A : memref<!tpu.dma_semaphore, #tpu.memory_space<semaphore_mem>>)
        %dma_wait3A_26 = tpu.memref_slice %arg5[%add3A_13] : memref<65536xi32, #tpu.memory_space<hbm>> -> memref<128xi32, #tpu.memory_space<hbm>>
        %dma_wait3A_27 = tpu.memref_slice %arg5[%add3A_13] : memref<65536xi32, #tpu.memory_space<hbm>> -> memref<128xi32, #tpu.memory_space<hbm>>
        tpu.wait_dma2 semaphore(%run_scoped3A : memref<!tpu.dma_semaphore, #tpu.memory_space<semaphore_mem>>) src(%dma_wait3A_27 : memref<128xi32, #tpu.memory_space<hbm>>) dst(%arg8 : memref<128xi32, #tpu.memory_space<vmem>>)
        tpu.yield
      }) : () -> ()
      %dma_start3A = arith.constant 0 : i32
      %dma_start3A_14 = arith.constant 0 : i32
      %dma_start3A_15 = tpu.memref_slice %arg2[%dma_start3A, %dma_start3A_14] : memref<10000x64xf32, #tpu.memory_space<hbm>> -> memref<10000x64xf32, #tpu.memory_space<hbm>>
      tpu.enqueue_indirect_dma source(%dma_start3A_15 : memref<10000x64xf32, #tpu.memory_space<hbm>>) target(%arg9 : memref<128x64xf32, #tpu.memory_space<vmem>>) offsets(%arg7 : memref<128xi32, #tpu.memory_space<vmem>>) semaphore(%arg10 : memref<!tpu.dma_semaphore, #tpu.memory_space<semaphore_mem>>)
      %dma_wait3A = arith.constant 0 : i32
      %dma_wait3A_16 = arith.constant 0 : i32
      %dma_wait3A_17 = tpu.memref_slice %arg2[%dma_wait3A, %dma_wait3A_16] : memref<10000x64xf32, #tpu.memory_space<hbm>> -> memref<10000x64xf32, #tpu.memory_space<hbm>>
      tpu.wait_indirect_dma semaphore(%arg10 : memref<!tpu.dma_semaphore, #tpu.memory_space<semaphore_mem>>) src(%dma_wait3A_17 : memref<10000x64xf32, #tpu.memory_space<hbm>>) dst(%arg9 : memref<128x64xf32, #tpu.memory_space<vmem>>)
      %dma_start3A_18 = arith.constant 0 : i32
      %dma_start3A_19 = arith.constant 0 : i32
      %dma_start3A_20 = tpu.memref_slice %arg3[%dma_start3A_18, %dma_start3A_19] : memref<10000x64xf32, #tpu.memory_space<hbm>> -> memref<10000x64xf32, #tpu.memory_space<hbm>>
      tpu.enqueue_indirect_dma source(%dma_start3A_20 : memref<10000x64xf32, #tpu.memory_space<hbm>>) target(%arg9 : memref<128x64xf32, #tpu.memory_space<vmem>>) offsets(%arg8 : memref<128xi32, #tpu.memory_space<vmem>>) semaphore(%arg11 : memref<!tpu.dma_semaphore, #tpu.memory_space<semaphore_mem>>) {add = true}
      %dma_wait3A_21 = arith.constant 0 : i32
      %dma_wait3A_22 = arith.constant 0 : i32
      %dma_wait3A_23 = tpu.memref_slice %arg3[%dma_wait3A_21, %dma_wait3A_22] : memref<10000x64xf32, #tpu.memory_space<hbm>> -> memref<10000x64xf32, #tpu.memory_space<hbm>>
      tpu.wait_indirect_dma semaphore(%arg11 : memref<!tpu.dma_semaphore, #tpu.memory_space<semaphore_mem>>) src(%dma_wait3A_23 : memref<10000x64xf32, #tpu.memory_space<hbm>>) dst(%arg9 : memref<128x64xf32, #tpu.memory_space<vmem>>)
      "tpu.region"() ({
        %run_scoped3A = tpu.sem_alloc : memref<!tpu.dma_semaphore, #tpu.memory_space<semaphore_mem>>
        %dma_start3A_24 = arith.constant 0 : i32
        %dma_start3A_25 = tpu.memref_slice %arg6[%add3A_13, %dma_start3A_24] : memref<65536x64xf32, #tpu.memory_space<hbm>> -> memref<128x64xf32, #tpu.memory_space<hbm>>
        %dma_start3A_26 = arith.constant 0 : i32
        %dma_start3A_27 = tpu.memref_slice %arg6[%add3A_13, %dma_start3A_26] : memref<65536x64xf32, #tpu.memory_space<hbm>> -> memref<128x64xf32, #tpu.memory_space<hbm>>
        tpu.enqueue_dma source(%arg9 : memref<128x64xf32, #tpu.memory_space<vmem>>) target(%dma_start3A_27 : memref<128x64xf32, #tpu.memory_space<hbm>>) target_semaphore(%run_scoped3A : memref<!tpu.dma_semaphore, #tpu.memory_space<semaphore_mem>>)
        %dma_wait3A_28 = arith.constant 0 : i32
        %dma_wait3A_29 = tpu.memref_slice %arg6[%add3A_13, %dma_wait3A_28] : memref<65536x64xf32, #tpu.memory_space<hbm>> -> memref<128x64xf32, #tpu.memory_space<hbm>>
        %dma_wait3A_30 = arith.constant 0 : i32
        %dma_wait3A_31 = tpu.memref_slice %arg6[%add3A_13, %dma_wait3A_30] : memref<65536x64xf32, #tpu.memory_space<hbm>> -> memref<128x64xf32, #tpu.memory_space<hbm>>
        tpu.wait_dma2 semaphore(%run_scoped3A : memref<!tpu.dma_semaphore, #tpu.memory_space<semaphore_mem>>) src(%arg9 : memref<128x64xf32, #tpu.memory_space<vmem>>) dst(%dma_wait3A_31 : memref<128x64xf32, #tpu.memory_space<hbm>>)
        tpu.yield
      }) : () -> ()
    }
    %scan3A_9 = arith.constant 16 : i32
    return
  }
}

#map = affine_map<(d0, d1) -> (0, 0)>
#map1 = affine_map<(d0, d1) -> (0)>
module attributes {stable_mosaic.version = 14 : i64} {
  func.func @_gather_body(%arg0: i32, %arg1: i32, %arg2: memref<10000x64xf32, #tpu.memory_space<hbm>>, %arg3: memref<10000x64xf32, #tpu.memory_space<hbm>>, %arg4: memref<65536xi32, #tpu.memory_space<hbm>>, %arg5: memref<65536xi32, #tpu.memory_space<hbm>>, %arg6: memref<65536x64xf32, #tpu.memory_space<hbm>>, %arg7: memref<128xi32, #tpu.memory_space<vmem>>, %arg8: memref<128xi32, #tpu.memory_space<vmem>>, %arg9: memref<128x64xf32, #tpu.memory_space<vmem>>, %arg10: memref<!tpu.dma_semaphore, #tpu.memory_space<semaphore_mem>>, %arg11: memref<!tpu.dma_semaphore, #tpu.memory_space<semaphore_mem>>) attributes {dimension_semantics = [#tpu.dimension_semantics<core_parallel>, #tpu.dimension_semantics<subcore_parallel>], iteration_bounds = array<i64: 2, 16>, scalar_prefetch = 0 : i64, scratch_operands = 5 : i64, tpu.core_type = #tpu.core_type<sc_vector_subcore>, window_params = [{transform_indices = #map}, {transform_indices = #map}, {transform_indices = #map1}, {transform_indices = #map1}, {transform_indices = #map}]} {
    %mul3A = arith.constant 2 : i32
    %mul3A_0 = arith.muli %arg1, %mul3A : i32
    %add3A = arith.addi %mul3A_0, %arg0 : i32
    %mul3A_1 = arith.constant 16 : i32
    %mul3A_2 = arith.muli %add3A, %mul3A_1 : i32
    %mul3A_3 = arith.constant 128 : i32
    %mul3A_4 = arith.muli %mul3A_2, %mul3A_3 : i32
    %scan3A = arith.constant 0 : i32
    %scan3A_5 = arith.constant 0 : i32
    %scan3A_6 = arith.constant 16 : i32
    %scan3A_7 = arith.addi %scan3A_5, %scan3A_6 : i32
    %scan3A_8 = arith.constant 1 : i32
    scf.for %scan3A_10 = %scan3A_5 to %scan3A_7 step %scan3A_8  : i32 {
      %mul3A_11 = arith.constant 128 : i32
      %mul3A_12 = arith.muli %scan3A_10, %mul3A_11 : i32
      %add3A_13 = arith.addi %mul3A_4, %mul3A_12 : i32
      "tpu.region"() ({
        %run_scoped3A = tpu.sem_alloc : memref<!tpu.dma_semaphore, #tpu.memory_space<semaphore_mem>>
        %dma_start3A_24 = tpu.memref_slice %arg4[%add3A_13] : memref<65536xi32, #tpu.memory_space<hbm>> -> memref<128xi32, #tpu.memory_space<hbm>>
        %dma_start3A_25 = tpu.memref_slice %arg4[%add3A_13] : memref<65536xi32, #tpu.memory_space<hbm>> -> memref<128xi32, #tpu.memory_space<hbm>>
        tpu.enqueue_dma source(%dma_start3A_25 : memref<128xi32, #tpu.memory_space<hbm>>) target(%arg7 : memref<128xi32, #tpu.memory_space<vmem>>) target_semaphore(%run_scoped3A : memref<!tpu.dma_semaphore, #tpu.memory_space<semaphore_mem>>)
        %dma_wait3A_26 = tpu.memref_slice %arg4[%add3A_13] : memref<65536xi32, #tpu.memory_space<hbm>> -> memref<128xi32, #tpu.memory_space<hbm>>
        %dma_wait3A_27 = tpu.memref_slice %arg4[%add3A_13] : memref<65536xi32, #tpu.memory_space<hbm>> -> memref<128xi32, #tpu.memory_space<hbm>>
        tpu.wait_dma2 semaphore(%run_scoped3A : memref<!tpu.dma_semaphore, #tpu.memory_space<semaphore_mem>>) src(%dma_wait3A_27 : memref<128xi32, #tpu.memory_space<hbm>>) dst(%arg7 : memref<128xi32, #tpu.memory_space<vmem>>)
        tpu.yield
      }) : () -> ()
      "tpu.region"() ({
        %run_scoped3A = tpu.sem_alloc : memref<!tpu.dma_semaphore, #tpu.memory_space<semaphore_mem>>
        %dma_start3A_24 = tpu.memref_slice %arg5[%add3A_13] : memref<65536xi32, #tpu.memory_space<hbm>> -> memref<128xi32, #tpu.memory_space<hbm>>
        %dma_start3A_25 = tpu.memref_slice %arg5[%add3A_13] : memref<65536xi32, #tpu.memory_space<hbm>> -> memref<128xi32, #tpu.memory_space<hbm>>
        tpu.enqueue_dma source(%dma_start3A_25 : memref<128xi32, #tpu.memory_space<hbm>>) target(%arg8 : memref<128xi32, #tpu.memory_space<vmem>>) target_semaphore(%run_scoped3A : memref<!tpu.dma_semaphore, #tpu.memory_space<semaphore_mem>>)
        %dma_wait3A_26 = tpu.memref_slice %arg5[%add3A_13] : memref<65536xi32, #tpu.memory_space<hbm>> -> memref<128xi32, #tpu.memory_space<hbm>>
        %dma_wait3A_27 = tpu.memref_slice %arg5[%add3A_13] : memref<65536xi32, #tpu.memory_space<hbm>> -> memref<128xi32, #tpu.memory_space<hbm>>
        tpu.wait_dma2 semaphore(%run_scoped3A : memref<!tpu.dma_semaphore, #tpu.memory_space<semaphore_mem>>) src(%dma_wait3A_27 : memref<128xi32, #tpu.memory_space<hbm>>) dst(%arg8 : memref<128xi32, #tpu.memory_space<vmem>>)
        tpu.yield
      }) : () -> ()
      %dma_start3A = arith.constant 0 : i32
      %dma_start3A_14 = arith.constant 0 : i32
      %dma_start3A_15 = tpu.memref_slice %arg2[%dma_start3A, %dma_start3A_14] : memref<10000x64xf32, #tpu.memory_space<hbm>> -> memref<10000x64xf32, #tpu.memory_space<hbm>>
      tpu.enqueue_indirect_dma source(%dma_start3A_15 : memref<10000x64xf32, #tpu.memory_space<hbm>>) target(%arg9 : memref<128x64xf32, #tpu.memory_space<vmem>>) offsets(%arg7 : memref<128xi32, #tpu.memory_space<vmem>>) semaphore(%arg10 : memref<!tpu.dma_semaphore, #tpu.memory_space<semaphore_mem>>)
      %dma_wait3A = arith.constant 0 : i32
      %dma_wait3A_16 = arith.constant 0 : i32
      %dma_wait3A_17 = tpu.memref_slice %arg2[%dma_wait3A, %dma_wait3A_16] : memref<10000x64xf32, #tpu.memory_space<hbm>> -> memref<10000x64xf32, #tpu.memory_space<hbm>>
      tpu.wait_indirect_dma semaphore(%arg10 : memref<!tpu.dma_semaphore, #tpu.memory_space<semaphore_mem>>) src(%dma_wait3A_17 : memref<10000x64xf32, #tpu.memory_space<hbm>>) dst(%arg9 : memref<128x64xf32, #tpu.memory_space<vmem>>)
      %dma_start3A_18 = arith.constant 0 : i32
      %dma_start3A_19 = arith.constant 0 : i32
      %dma_start3A_20 = tpu.memref_slice %arg3[%dma_start3A_18, %dma_start3A_19] : memref<10000x64xf32, #tpu.memory_space<hbm>> -> memref<10000x64xf32, #tpu.memory_space<hbm>>
      tpu.enqueue_indirect_dma source(%dma_start3A_20 : memref<10000x64xf32, #tpu.memory_space<hbm>>) target(%arg9 : memref<128x64xf32, #tpu.memory_space<vmem>>) offsets(%arg8 : memref<128xi32, #tpu.memory_space<vmem>>) semaphore(%arg11 : memref<!tpu.dma_semaphore, #tpu.memory_space<semaphore_mem>>) {add = true}
      %dma_wait3A_21 = arith.constant 0 : i32
      %dma_wait3A_22 = arith.constant 0 : i32
      %dma_wait3A_23 = tpu.memref_slice %arg3[%dma_wait3A_21, %dma_wait3A_22] : memref<10000x64xf32, #tpu.memory_space<hbm>> -> memref<10000x64xf32, #tpu.memory_space<hbm>>
      tpu.wait_indirect_dma semaphore(%arg11 : memref<!tpu.dma_semaphore, #tpu.memory_space<semaphore_mem>>) src(%dma_wait3A_23 : memref<10000x64xf32, #tpu.memory_space<hbm>>) dst(%arg9 : memref<128x64xf32, #tpu.memory_space<vmem>>)
      "tpu.region"() ({
        %run_scoped3A = tpu.sem_alloc : memref<!tpu.dma_semaphore, #tpu.memory_space<semaphore_mem>>
        %dma_start3A_24 = arith.constant 0 : i32
        %dma_start3A_25 = tpu.memref_slice %arg6[%add3A_13, %dma_start3A_24] : memref<65536x64xf32, #tpu.memory_space<hbm>> -> memref<128x64xf32, #tpu.memory_space<hbm>>
        %dma_start3A_26 = arith.constant 0 : i32
        %dma_start3A_27 = tpu.memref_slice %arg6[%add3A_13, %dma_start3A_26] : memref<65536x64xf32, #tpu.memory_space<hbm>> -> memref<128x64xf32, #tpu.memory_space<hbm>>
        tpu.enqueue_dma source(%arg9 : memref<128x64xf32, #tpu.memory_space<vmem>>) target(%dma_start3A_27 : memref<128x64xf32, #tpu.memory_space<hbm>>) target_semaphore(%run_scoped3A : memref<!tpu.dma_semaphore, #tpu.memory_space<semaphore_mem>>)
        %dma_wait3A_28 = arith.constant 0 : i32
        %dma_wait3A_29 = tpu.memref_slice %arg6[%add3A_13, %dma_wait3A_28] : memref<65536x64xf32, #tpu.memory_space<hbm>> -> memref<128x64xf32, #tpu.memory_space<hbm>>
        %dma_wait3A_30 = arith.constant 0 : i32
        %dma_wait3A_31 = tpu.memref_slice %arg6[%add3A_13, %dma_wait3A_30] : memref<65536x64xf32, #tpu.memory_space<hbm>> -> memref<128x64xf32, #tpu.memory_space<hbm>>
        tpu.wait_dma2 semaphore(%run_scoped3A : memref<!tpu.dma_semaphore, #tpu.memory_space<semaphore_mem>>) src(%arg9 : memref<128x64xf32, #tpu.memory_space<vmem>>) dst(%dma_wait3A_31 : memref<128x64xf32, #tpu.memory_space<hbm>>)
        tpu.yield
      }) : () -> ()
    }
    %scan3A_9 = arith.constant 16 : i32
    return
  }
}

#map = affine_map<(d0, d1) -> (0, 0)>
#map1 = affine_map<(d0, d1) -> (0)>
module attributes {stable_mosaic.version = 14 : i64} {
  func.func @_gather_body(%arg0: i32, %arg1: i32, %arg2: memref<10000x64xf32, #tpu.memory_space<hbm>>, %arg3: memref<10000x64xf32, #tpu.memory_space<hbm>>, %arg4: memref<65536xi32, #tpu.memory_space<hbm>>, %arg5: memref<65536xi32, #tpu.memory_space<hbm>>, %arg6: memref<65536x64xf32, #tpu.memory_space<hbm>>, %arg7: memref<128xi32, #tpu.memory_space<vmem>>, %arg8: memref<128xi32, #tpu.memory_space<vmem>>, %arg9: memref<128x64xf32, #tpu.memory_space<vmem>>, %arg10: memref<!tpu.dma_semaphore, #tpu.memory_space<semaphore_mem>>, %arg11: memref<!tpu.dma_semaphore, #tpu.memory_space<semaphore_mem>>) attributes {dimension_semantics = [#tpu.dimension_semantics<core_parallel>, #tpu.dimension_semantics<subcore_parallel>], iteration_bounds = array<i64: 2, 16>, scalar_prefetch = 0 : i64, scratch_operands = 5 : i64, tpu.core_type = #tpu.core_type<sc_vector_subcore>, window_params = [{transform_indices = #map}, {transform_indices = #map}, {transform_indices = #map1}, {transform_indices = #map1}, {transform_indices = #map}]} {
    %mul3A = arith.constant 2 : i32
    %mul3A_0 = arith.muli %arg1, %mul3A : i32
    %add3A = arith.addi %mul3A_0, %arg0 : i32
    %mul3A_1 = arith.constant 16 : i32
    %mul3A_2 = arith.muli %add3A, %mul3A_1 : i32
    %mul3A_3 = arith.constant 128 : i32
    %mul3A_4 = arith.muli %mul3A_2, %mul3A_3 : i32
    %scan3A = arith.constant 0 : i32
    %scan3A_5 = arith.constant 0 : i32
    %scan3A_6 = arith.constant 16 : i32
    %scan3A_7 = arith.addi %scan3A_5, %scan3A_6 : i32
    %scan3A_8 = arith.constant 1 : i32
    scf.for %scan3A_10 = %scan3A_5 to %scan3A_7 step %scan3A_8  : i32 {
      %mul3A_11 = arith.constant 128 : i32
      %mul3A_12 = arith.muli %scan3A_10, %mul3A_11 : i32
      %add3A_13 = arith.addi %mul3A_4, %mul3A_12 : i32
      "tpu.region"() ({
        %run_scoped3A = tpu.sem_alloc : memref<!tpu.dma_semaphore, #tpu.memory_space<semaphore_mem>>
        %dma_start3A_24 = tpu.memref_slice %arg4[%add3A_13] : memref<65536xi32, #tpu.memory_space<hbm>> -> memref<128xi32, #tpu.memory_space<hbm>>
        %dma_start3A_25 = tpu.memref_slice %arg4[%add3A_13] : memref<65536xi32, #tpu.memory_space<hbm>> -> memref<128xi32, #tpu.memory_space<hbm>>
        tpu.enqueue_dma source(%dma_start3A_25 : memref<128xi32, #tpu.memory_space<hbm>>) target(%arg7 : memref<128xi32, #tpu.memory_space<vmem>>) target_semaphore(%run_scoped3A : memref<!tpu.dma_semaphore, #tpu.memory_space<semaphore_mem>>)
        %dma_wait3A_26 = tpu.memref_slice %arg4[%add3A_13] : memref<65536xi32, #tpu.memory_space<hbm>> -> memref<128xi32, #tpu.memory_space<hbm>>
        %dma_wait3A_27 = tpu.memref_slice %arg4[%add3A_13] : memref<65536xi32, #tpu.memory_space<hbm>> -> memref<128xi32, #tpu.memory_space<hbm>>
        tpu.wait_dma2 semaphore(%run_scoped3A : memref<!tpu.dma_semaphore, #tpu.memory_space<semaphore_mem>>) src(%dma_wait3A_27 : memref<128xi32, #tpu.memory_space<hbm>>) dst(%arg7 : memref<128xi32, #tpu.memory_space<vmem>>)
        tpu.yield
      }) : () -> ()
      "tpu.region"() ({
        %run_scoped3A = tpu.sem_alloc : memref<!tpu.dma_semaphore, #tpu.memory_space<semaphore_mem>>
        %dma_start3A_24 = tpu.memref_slice %arg5[%add3A_13] : memref<65536xi32, #tpu.memory_space<hbm>> -> memref<128xi32, #tpu.memory_space<hbm>>
        %dma_start3A_25 = tpu.memref_slice %arg5[%add3A_13] : memref<65536xi32, #tpu.memory_space<hbm>> -> memref<128xi32, #tpu.memory_space<hbm>>
        tpu.enqueue_dma source(%dma_start3A_25 : memref<128xi32, #tpu.memory_space<hbm>>) target(%arg8 : memref<128xi32, #tpu.memory_space<vmem>>) target_semaphore(%run_scoped3A : memref<!tpu.dma_semaphore, #tpu.memory_space<semaphore_mem>>)
        %dma_wait3A_26 = tpu.memref_slice %arg5[%add3A_13] : memref<65536xi32, #tpu.memory_space<hbm>> -> memref<128xi32, #tpu.memory_space<hbm>>
        %dma_wait3A_27 = tpu.memref_slice %arg5[%add3A_13] : memref<65536xi32, #tpu.memory_space<hbm>> -> memref<128xi32, #tpu.memory_space<hbm>>
        tpu.wait_dma2 semaphore(%run_scoped3A : memref<!tpu.dma_semaphore, #tpu.memory_space<semaphore_mem>>) src(%dma_wait3A_27 : memref<128xi32, #tpu.memory_space<hbm>>) dst(%arg8 : memref<128xi32, #tpu.memory_space<vmem>>)
        tpu.yield
      }) : () -> ()
      %dma_start3A = arith.constant 0 : i32
      %dma_start3A_14 = arith.constant 0 : i32
      %dma_start3A_15 = tpu.memref_slice %arg2[%dma_start3A, %dma_start3A_14] : memref<10000x64xf32, #tpu.memory_space<hbm>> -> memref<10000x64xf32, #tpu.memory_space<hbm>>
      tpu.enqueue_indirect_dma source(%dma_start3A_15 : memref<10000x64xf32, #tpu.memory_space<hbm>>) target(%arg9 : memref<128x64xf32, #tpu.memory_space<vmem>>) offsets(%arg7 : memref<128xi32, #tpu.memory_space<vmem>>) semaphore(%arg10 : memref<!tpu.dma_semaphore, #tpu.memory_space<semaphore_mem>>)
      %dma_wait3A = arith.constant 0 : i32
      %dma_wait3A_16 = arith.constant 0 : i32
      %dma_wait3A_17 = tpu.memref_slice %arg2[%dma_wait3A, %dma_wait3A_16] : memref<10000x64xf32, #tpu.memory_space<hbm>> -> memref<10000x64xf32, #tpu.memory_space<hbm>>
      tpu.wait_indirect_dma semaphore(%arg10 : memref<!tpu.dma_semaphore, #tpu.memory_space<semaphore_mem>>) src(%dma_wait3A_17 : memref<10000x64xf32, #tpu.memory_space<hbm>>) dst(%arg9 : memref<128x64xf32, #tpu.memory_space<vmem>>)
      %dma_start3A_18 = arith.constant 0 : i32
      %dma_start3A_19 = arith.constant 0 : i32
      %dma_start3A_20 = tpu.memref_slice %arg3[%dma_start3A_18, %dma_start3A_19] : memref<10000x64xf32, #tpu.memory_space<hbm>> -> memref<10000x64xf32, #tpu.memory_space<hbm>>
      tpu.enqueue_indirect_dma source(%dma_start3A_20 : memref<10000x64xf32, #tpu.memory_space<hbm>>) target(%arg9 : memref<128x64xf32, #tpu.memory_space<vmem>>) offsets(%arg8 : memref<128xi32, #tpu.memory_space<vmem>>) semaphore(%arg11 : memref<!tpu.dma_semaphore, #tpu.memory_space<semaphore_mem>>) {add = true}
      %dma_wait3A_21 = arith.constant 0 : i32
      %dma_wait3A_22 = arith.constant 0 : i32
      %dma_wait3A_23 = tpu.memref_slice %arg3[%dma_wait3A_21, %dma_wait3A_22] : memref<10000x64xf32, #tpu.memory_space<hbm>> -> memref<10000x64xf32, #tpu.memory_space<hbm>>
      tpu.wait_indirect_dma semaphore(%arg11 : memref<!tpu.dma_semaphore, #tpu.memory_space<semaphore_mem>>) src(%dma_wait3A_23 : memref<10000x64xf32, #tpu.memory_space<hbm>>) dst(%arg9 : memref<128x64xf32, #tpu.memory_space<vmem>>)
      "tpu.region"() ({
        %run_scoped3A = tpu.sem_alloc : memref<!tpu.dma_semaphore, #tpu.memory_space<semaphore_mem>>
        %dma_start3A_24 = arith.constant 0 : i32
        %dma_start3A_25 = tpu.memref_slice %arg6[%add3A_13, %dma_start3A_24] : memref<65536x64xf32, #tpu.memory_space<hbm>> -> memref<128x64xf32, #tpu.memory_space<hbm>>
        %dma_start3A_26 = arith.constant 0 : i32
        %dma_start3A_27 = tpu.memref_slice %arg6[%add3A_13, %dma_start3A_26] : memref<65536x64xf32, #tpu.memory_space<hbm>> -> memref<128x64xf32, #tpu.memory_space<hbm>>
        tpu.enqueue_dma source(%arg9 : memref<128x64xf32, #tpu.memory_space<vmem>>) target(%dma_start3A_27 : memref<128x64xf32, #tpu.memory_space<hbm>>) target_semaphore(%run_scoped3A : memref<!tpu.dma_semaphore, #tpu.memory_space<semaphore_mem>>)
        %dma_wait3A_28 = arith.constant 0 : i32
        %dma_wait3A_29 = tpu.memref_slice %arg6[%add3A_13, %dma_wait3A_28] : memref<65536x64xf32, #tpu.memory_space<hbm>> -> memref<128x64xf32, #tpu.memory_space<hbm>>
        %dma_wait3A_30 = arith.constant 0 : i32
        %dma_wait3A_31 = tpu.memref_slice %arg6[%add3A_13, %dma_wait3A_30] : memref<65536x64xf32, #tpu.memory_space<hbm>> -> memref<128x64xf32, #tpu.memory_space<hbm>>
        tpu.wait_dma2 semaphore(%run_scoped3A : memref<!tpu.dma_semaphore, #tpu.memory_space<semaphore_mem>>) src(%arg9 : memref<128x64xf32, #tpu.memory_space<vmem>>) dst(%dma_wait3A_31 : memref<128x64xf32, #tpu.memory_space<hbm>>)
        tpu.yield
      }) : () -> ()
    }
    %scan3A_9 = arith.constant 16 : i32
    return
  }
}

#map = affine_map<(d0, d1) -> (0, 0)>
#map1 = affine_map<(d0, d1) -> (0)>
module attributes {stable_mosaic.version = 14 : i64} {
  func.func @_gather_body(%arg0: i32, %arg1: i32, %arg2: memref<10000x64xf32, #tpu.memory_space<hbm>>, %arg3: memref<10000x64xf32, #tpu.memory_space<hbm>>, %arg4: memref<65536xi32, #tpu.memory_space<hbm>>, %arg5: memref<65536xi32, #tpu.memory_space<hbm>>, %arg6: memref<65536x64xf32, #tpu.memory_space<hbm>>, %arg7: memref<128xi32, #tpu.memory_space<vmem>>, %arg8: memref<128xi32, #tpu.memory_space<vmem>>, %arg9: memref<128x64xf32, #tpu.memory_space<vmem>>, %arg10: memref<!tpu.dma_semaphore, #tpu.memory_space<semaphore_mem>>, %arg11: memref<!tpu.dma_semaphore, #tpu.memory_space<semaphore_mem>>) attributes {dimension_semantics = [#tpu.dimension_semantics<core_parallel>, #tpu.dimension_semantics<subcore_parallel>], iteration_bounds = array<i64: 2, 16>, scalar_prefetch = 0 : i64, scratch_operands = 5 : i64, tpu.core_type = #tpu.core_type<sc_vector_subcore>, window_params = [{transform_indices = #map}, {transform_indices = #map}, {transform_indices = #map1}, {transform_indices = #map1}, {transform_indices = #map}]} {
    %mul3A = arith.constant 2 : i32
    %mul3A_0 = arith.muli %arg1, %mul3A : i32
    %add3A = arith.addi %mul3A_0, %arg0 : i32
    %mul3A_1 = arith.constant 16 : i32
    %mul3A_2 = arith.muli %add3A, %mul3A_1 : i32
    %mul3A_3 = arith.constant 128 : i32
    %mul3A_4 = arith.muli %mul3A_2, %mul3A_3 : i32
    %scan3A = arith.constant 0 : i32
    %scan3A_5 = arith.constant 0 : i32
    %scan3A_6 = arith.constant 16 : i32
    %scan3A_7 = arith.addi %scan3A_5, %scan3A_6 : i32
    %scan3A_8 = arith.constant 1 : i32
    scf.for %scan3A_10 = %scan3A_5 to %scan3A_7 step %scan3A_8  : i32 {
      %mul3A_11 = arith.constant 128 : i32
      %mul3A_12 = arith.muli %scan3A_10, %mul3A_11 : i32
      %add3A_13 = arith.addi %mul3A_4, %mul3A_12 : i32
      "tpu.region"() ({
        %run_scoped3A = tpu.sem_alloc : memref<!tpu.dma_semaphore, #tpu.memory_space<semaphore_mem>>
        %dma_start3A_24 = tpu.memref_slice %arg4[%add3A_13] : memref<65536xi32, #tpu.memory_space<hbm>> -> memref<128xi32, #tpu.memory_space<hbm>>
        %dma_start3A_25 = tpu.memref_slice %arg4[%add3A_13] : memref<65536xi32, #tpu.memory_space<hbm>> -> memref<128xi32, #tpu.memory_space<hbm>>
        tpu.enqueue_dma source(%dma_start3A_25 : memref<128xi32, #tpu.memory_space<hbm>>) target(%arg7 : memref<128xi32, #tpu.memory_space<vmem>>) target_semaphore(%run_scoped3A : memref<!tpu.dma_semaphore, #tpu.memory_space<semaphore_mem>>)
        %dma_wait3A_26 = tpu.memref_slice %arg4[%add3A_13] : memref<65536xi32, #tpu.memory_space<hbm>> -> memref<128xi32, #tpu.memory_space<hbm>>
        %dma_wait3A_27 = tpu.memref_slice %arg4[%add3A_13] : memref<65536xi32, #tpu.memory_space<hbm>> -> memref<128xi32, #tpu.memory_space<hbm>>
        tpu.wait_dma2 semaphore(%run_scoped3A : memref<!tpu.dma_semaphore, #tpu.memory_space<semaphore_mem>>) src(%dma_wait3A_27 : memref<128xi32, #tpu.memory_space<hbm>>) dst(%arg7 : memref<128xi32, #tpu.memory_space<vmem>>)
        tpu.yield
      }) : () -> ()
      "tpu.region"() ({
        %run_scoped3A = tpu.sem_alloc : memref<!tpu.dma_semaphore, #tpu.memory_space<semaphore_mem>>
        %dma_start3A_24 = tpu.memref_slice %arg5[%add3A_13] : memref<65536xi32, #tpu.memory_space<hbm>> -> memref<128xi32, #tpu.memory_space<hbm>>
        %dma_start3A_25 = tpu.memref_slice %arg5[%add3A_13] : memref<65536xi32, #tpu.memory_space<hbm>> -> memref<128xi32, #tpu.memory_space<hbm>>
        tpu.enqueue_dma source(%dma_start3A_25 : memref<128xi32, #tpu.memory_space<hbm>>) target(%arg8 : memref<128xi32, #tpu.memory_space<vmem>>) target_semaphore(%run_scoped3A : memref<!tpu.dma_semaphore, #tpu.memory_space<semaphore_mem>>)
        %dma_wait3A_26 = tpu.memref_slice %arg5[%add3A_13] : memref<65536xi32, #tpu.memory_space<hbm>> -> memref<128xi32, #tpu.memory_space<hbm>>
        %dma_wait3A_27 = tpu.memref_slice %arg5[%add3A_13] : memref<65536xi32, #tpu.memory_space<hbm>> -> memref<128xi32, #tpu.memory_space<hbm>>
        tpu.wait_dma2 semaphore(%run_scoped3A : memref<!tpu.dma_semaphore, #tpu.memory_space<semaphore_mem>>) src(%dma_wait3A_27 : memref<128xi32, #tpu.memory_space<hbm>>) dst(%arg8 : memref<128xi32, #tpu.memory_space<vmem>>)
        tpu.yield
      }) : () -> ()
      %dma_start3A = arith.constant 0 : i32
      %dma_start3A_14 = arith.constant 0 : i32
      %dma_start3A_15 = tpu.memref_slice %arg2[%dma_start3A, %dma_start3A_14] : memref<10000x64xf32, #tpu.memory_space<hbm>> -> memref<10000x64xf32, #tpu.memory_space<hbm>>
      tpu.enqueue_indirect_dma source(%dma_start3A_15 : memref<10000x64xf32, #tpu.memory_space<hbm>>) target(%arg9 : memref<128x64xf32, #tpu.memory_space<vmem>>) offsets(%arg7 : memref<128xi32, #tpu.memory_space<vmem>>) semaphore(%arg10 : memref<!tpu.dma_semaphore, #tpu.memory_space<semaphore_mem>>)
      %dma_wait3A = arith.constant 0 : i32
      %dma_wait3A_16 = arith.constant 0 : i32
      %dma_wait3A_17 = tpu.memref_slice %arg2[%dma_wait3A, %dma_wait3A_16] : memref<10000x64xf32, #tpu.memory_space<hbm>> -> memref<10000x64xf32, #tpu.memory_space<hbm>>
      tpu.wait_indirect_dma semaphore(%arg10 : memref<!tpu.dma_semaphore, #tpu.memory_space<semaphore_mem>>) src(%dma_wait3A_17 : memref<10000x64xf32, #tpu.memory_space<hbm>>) dst(%arg9 : memref<128x64xf32, #tpu.memory_space<vmem>>)
      %dma_start3A_18 = arith.constant 0 : i32
      %dma_start3A_19 = arith.constant 0 : i32
      %dma_start3A_20 = tpu.memref_slice %arg3[%dma_start3A_18, %dma_start3A_19] : memref<10000x64xf32, #tpu.memory_space<hbm>> -> memref<10000x64xf32, #tpu.memory_space<hbm>>
      tpu.enqueue_indirect_dma source(%dma_start3A_20 : memref<10000x64xf32, #tpu.memory_space<hbm>>) target(%arg9 : memref<128x64xf32, #tpu.memory_space<vmem>>) offsets(%arg8 : memref<128xi32, #tpu.memory_space<vmem>>) semaphore(%arg11 : memref<!tpu.dma_semaphore, #tpu.memory_space<semaphore_mem>>) {add = true}
      %dma_wait3A_21 = arith.constant 0 : i32
      %dma_wait3A_22 = arith.constant 0 : i32
      %dma_wait3A_23 = tpu.memref_slice %arg3[%dma_wait3A_21, %dma_wait3A_22] : memref<10000x64xf32, #tpu.memory_space<hbm>> -> memref<10000x64xf32, #tpu.memory_space<hbm>>
      tpu.wait_indirect_dma semaphore(%arg11 : memref<!tpu.dma_semaphore, #tpu.memory_space<semaphore_mem>>) src(%dma_wait3A_23 : memref<10000x64xf32, #tpu.memory_space<hbm>>) dst(%arg9 : memref<128x64xf32, #tpu.memory_space<vmem>>)
      "tpu.region"() ({
        %run_scoped3A = tpu.sem_alloc : memref<!tpu.dma_semaphore, #tpu.memory_space<semaphore_mem>>
        %dma_start3A_24 = arith.constant 0 : i32
        %dma_start3A_25 = tpu.memref_slice %arg6[%add3A_13, %dma_start3A_24] : memref<65536x64xf32, #tpu.memory_space<hbm>> -> memref<128x64xf32, #tpu.memory_space<hbm>>
        %dma_start3A_26 = arith.constant 0 : i32
        %dma_start3A_27 = tpu.memref_slice %arg6[%add3A_13, %dma_start3A_26] : memref<65536x64xf32, #tpu.memory_space<hbm>> -> memref<128x64xf32, #tpu.memory_space<hbm>>
        tpu.enqueue_dma source(%arg9 : memref<128x64xf32, #tpu.memory_space<vmem>>) target(%dma_start3A_27 : memref<128x64xf32, #tpu.memory_space<hbm>>) target_semaphore(%run_scoped3A : memref<!tpu.dma_semaphore, #tpu.memory_space<semaphore_mem>>)
        %dma_wait3A_28 = arith.constant 0 : i32
        %dma_wait3A_29 = tpu.memref_slice %arg6[%add3A_13, %dma_wait3A_28] : memref<65536x64xf32, #tpu.memory_space<hbm>> -> memref<128x64xf32, #tpu.memory_space<hbm>>
        %dma_wait3A_30 = arith.constant 0 : i32
        %dma_wait3A_31 = tpu.memref_slice %arg6[%add3A_13, %dma_wait3A_30] : memref<65536x64xf32, #tpu.memory_space<hbm>> -> memref<128x64xf32, #tpu.memory_space<hbm>>
        tpu.wait_dma2 semaphore(%run_scoped3A : memref<!tpu.dma_semaphore, #tpu.memory_space<semaphore_mem>>) src(%arg9 : memref<128x64xf32, #tpu.memory_space<vmem>>) dst(%dma_wait3A_31 : memref<128x64xf32, #tpu.memory_space<hbm>>)
        tpu.yield
      }) : () -> ()
    }
    %scan3A_9 = arith.constant 16 : i32
    return
  }
}

#map = affine_map<(d0, d1) -> (0, 0)>
#map1 = affine_map<(d0, d1) -> (0)>
module attributes {stable_mosaic.version = 14 : i64} {
  func.func @_scatter_body(%arg0: i32, %arg1: i32, %arg2: memref<65536x128xf32, #tpu.memory_space<hbm>>, %arg3: memref<65536xi32, #tpu.memory_space<hbm>>, %arg4: memref<10112x64xf32, #tpu.memory_space<hbm>>, %arg5: memref<20224x64xf32, #tpu.memory_space<hbm>>, %arg6: memref<128xi32, #tpu.memory_space<vmem>>, %arg7: memref<128x64xf32, #tpu.memory_space<vmem>>, %arg8: memref<632x64xf32, #tpu.memory_space<vmem>>, %arg9: memref<10112x64xf32, #tpu.memory_space<vmem_shared>>) attributes {dimension_semantics = [#tpu.dimension_semantics<core_parallel>, #tpu.dimension_semantics<subcore_parallel>], iteration_bounds = array<i64: 2, 16>, scalar_prefetch = 0 : i64, scratch_operands = 4 : i64, tpu.core_type = #tpu.core_type<sc_vector_subcore>, window_params = [{transform_indices = #map}, {transform_indices = #map1}, {transform_indices = #map}, {transform_indices = #map}]} {
    %mul3A = arith.constant 632 : i32
    %mul3A_0 = arith.muli %arg1, %mul3A : i32
    "tpu.region"() ({
      %run_scoped3A = tpu.sem_alloc : memref<!tpu.dma_semaphore, #tpu.memory_space<semaphore_mem>>
      %dma_start3A = arith.constant 0 : i32
      %dma_start3A_19 = tpu.memref_slice %arg4[%mul3A_0, %dma_start3A] : memref<10112x64xf32, #tpu.memory_space<hbm>> -> memref<632x64xf32, #tpu.memory_space<hbm>>
      %dma_start3A_20 = arith.constant 0 : i32
      %dma_start3A_21 = tpu.memref_slice %arg4[%mul3A_0, %dma_start3A_20] : memref<10112x64xf32, #tpu.memory_space<hbm>> -> memref<632x64xf32, #tpu.memory_space<hbm>>
      tpu.enqueue_dma source(%dma_start3A_21 : memref<632x64xf32, #tpu.memory_space<hbm>>) target(%arg8 : memref<632x64xf32, #tpu.memory_space<vmem>>) target_semaphore(%run_scoped3A : memref<!tpu.dma_semaphore, #tpu.memory_space<semaphore_mem>>)
      %dma_wait3A = arith.constant 0 : i32
      %dma_wait3A_22 = tpu.memref_slice %arg4[%mul3A_0, %dma_wait3A] : memref<10112x64xf32, #tpu.memory_space<hbm>> -> memref<632x64xf32, #tpu.memory_space<hbm>>
      %dma_wait3A_23 = arith.constant 0 : i32
      %dma_wait3A_24 = tpu.memref_slice %arg4[%mul3A_0, %dma_wait3A_23] : memref<10112x64xf32, #tpu.memory_space<hbm>> -> memref<632x64xf32, #tpu.memory_space<hbm>>
      tpu.wait_dma2 semaphore(%run_scoped3A : memref<!tpu.dma_semaphore, #tpu.memory_space<semaphore_mem>>) src(%dma_wait3A_24 : memref<632x64xf32, #tpu.memory_space<hbm>>) dst(%arg8 : memref<632x64xf32, #tpu.memory_space<vmem>>)
      tpu.yield
    }) : () -> ()
    %mul3A_1 = arith.constant 632 : i32
    %mul3A_2 = arith.muli %arg1, %mul3A_1 : i32
    "tpu.region"() ({
      %run_scoped3A = tpu.sem_alloc : memref<!tpu.dma_semaphore, #tpu.memory_space<semaphore_mem>>
      %dma_start3A = arith.constant 0 : i32
      %dma_start3A_19 = tpu.memref_slice %arg9[%mul3A_2, %dma_start3A] : memref<10112x64xf32, #tpu.memory_space<vmem_shared>> -> memref<632x64xf32, #tpu.memory_space<vmem_shared>>
      %dma_start3A_20 = arith.constant 0 : i32
      %dma_start3A_21 = tpu.memref_slice %arg9[%mul3A_2, %dma_start3A_20] : memref<10112x64xf32, #tpu.memory_space<vmem_shared>> -> memref<632x64xf32, #tpu.memory_space<vmem_shared>>
      tpu.enqueue_dma source(%arg8 : memref<632x64xf32, #tpu.memory_space<vmem>>) target(%dma_start3A_21 : memref<632x64xf32, #tpu.memory_space<vmem_shared>>) target_semaphore(%run_scoped3A : memref<!tpu.dma_semaphore, #tpu.memory_space<semaphore_mem>>)
      %dma_wait3A = arith.constant 0 : i32
      %dma_wait3A_22 = tpu.memref_slice %arg9[%mul3A_2, %dma_wait3A] : memref<10112x64xf32, #tpu.memory_space<vmem_shared>> -> memref<632x64xf32, #tpu.memory_space<vmem_shared>>
      %dma_wait3A_23 = arith.constant 0 : i32
      %dma_wait3A_24 = tpu.memref_slice %arg9[%mul3A_2, %dma_wait3A_23] : memref<10112x64xf32, #tpu.memory_space<vmem_shared>> -> memref<632x64xf32, #tpu.memory_space<vmem_shared>>
      tpu.wait_dma2 semaphore(%run_scoped3A : memref<!tpu.dma_semaphore, #tpu.memory_space<semaphore_mem>>) src(%arg8 : memref<632x64xf32, #tpu.memory_space<vmem>>) dst(%dma_wait3A_24 : memref<632x64xf32, #tpu.memory_space<vmem_shared>>)
      tpu.yield
    }) : () -> ()
    %barrier3A = arith.constant 0 : index
    tpu.barrier barrier_id(%barrier3A)
    %mul3A_3 = arith.constant 32 : i32
    %mul3A_4 = arith.muli %arg1, %mul3A_3 : i32
    %mul3A_5 = arith.constant 128 : i32
    %mul3A_6 = arith.muli %mul3A_4, %mul3A_5 : i32
    %scan3A = arith.constant 0 : i32
    %scan3A_7 = arith.constant 0 : i32
    %scan3A_8 = arith.constant 32 : i32
    %scan3A_9 = arith.addi %scan3A_7, %scan3A_8 : i32
    %scan3A_10 = arith.constant 1 : i32
    scf.for %scan3A_19 = %scan3A_7 to %scan3A_9 step %scan3A_10  : i32 {
      %mul3A_20 = arith.constant 128 : i32
      %mul3A_21 = arith.muli %scan3A_19, %mul3A_20 : i32
      %add3A_22 = arith.addi %mul3A_6, %mul3A_21 : i32
      "tpu.region"() ({
        %run_scoped3A = tpu.sem_alloc : memref<!tpu.dma_semaphore, #tpu.memory_space<semaphore_mem>>
        %dma_start3A = tpu.memref_slice %arg3[%add3A_22] : memref<65536xi32, #tpu.memory_space<hbm>> -> memref<128xi32, #tpu.memory_space<hbm>>
        %dma_start3A_25 = tpu.memref_slice %arg3[%add3A_22] : memref<65536xi32, #tpu.memory_space<hbm>> -> memref<128xi32, #tpu.memory_space<hbm>>
        tpu.enqueue_dma source(%dma_start3A_25 : memref<128xi32, #tpu.memory_space<hbm>>) target(%arg6 : memref<128xi32, #tpu.memory_space<vmem>>) target_semaphore(%run_scoped3A : memref<!tpu.dma_semaphore, #tpu.memory_space<semaphore_mem>>)
        %dma_wait3A = tpu.memref_slice %arg3[%add3A_22] : memref<65536xi32, #tpu.memory_space<hbm>> -> memref<128xi32, #tpu.memory_space<hbm>>
        %dma_wait3A_26 = tpu.memref_slice %arg3[%add3A_22] : memref<65536xi32, #tpu.memory_space<hbm>> -> memref<128xi32, #tpu.memory_space<hbm>>
        tpu.wait_dma2 semaphore(%run_scoped3A : memref<!tpu.dma_semaphore, #tpu.memory_space<semaphore_mem>>) src(%dma_wait3A_26 : memref<128xi32, #tpu.memory_space<hbm>>) dst(%arg6 : memref<128xi32, #tpu.memory_space<vmem>>)
        tpu.yield
      }) : () -> ()
      %mul3A_23 = arith.constant 64 : i32
      %mul3A_24 = arith.muli %arg0, %mul3A_23 : i32
      "tpu.region"() ({
        %run_scoped3A = tpu.sem_alloc : memref<!tpu.dma_semaphore, #tpu.memory_space<semaphore_mem>>
        %dma_start3A = tpu.memref_slice %arg2[%add3A_22, %mul3A_24] : memref<65536x128xf32, #tpu.memory_space<hbm>> -> memref<128x64xf32, #tpu.memory_space<hbm>>
        %dma_start3A_25 = tpu.memref_slice %arg2[%add3A_22, %mul3A_24] : memref<65536x128xf32, #tpu.memory_space<hbm>> -> memref<128x64xf32, #tpu.memory_space<hbm>>
        tpu.enqueue_dma source(%dma_start3A_25 : memref<128x64xf32, #tpu.memory_space<hbm>>) target(%arg7 : memref<128x64xf32, #tpu.memory_space<vmem>>) target_semaphore(%run_scoped3A : memref<!tpu.dma_semaphore, #tpu.memory_space<semaphore_mem>>)
        %dma_wait3A = tpu.memref_slice %arg2[%add3A_22, %mul3A_24] : memref<65536x128xf32, #tpu.memory_space<hbm>> -> memref<128x64xf32, #tpu.memory_space<hbm>>
        %dma_wait3A_26 = tpu.memref_slice %arg2[%add3A_22, %mul3A_24] : memref<65536x128xf32, #tpu.memory_space<hbm>> -> memref<128x64xf32, #tpu.memory_space<hbm>>
        tpu.wait_dma2 semaphore(%run_scoped3A : memref<!tpu.dma_semaphore, #tpu.memory_space<semaphore_mem>>) src(%dma_wait3A_26 : memref<128x64xf32, #tpu.memory_space<hbm>>) dst(%arg7 : memref<128x64xf32, #tpu.memory_space<vmem>>)
        tpu.yield
      }) : () -> ()
      "tpu.region"() ({
        %run_scoped3A = tpu.sem_alloc : memref<!tpu.dma_semaphore, #tpu.memory_space<semaphore_mem>>
        %dma_start3A = arith.constant 0 : i32
        %dma_start3A_25 = arith.constant 0 : i32
        %dma_start3A_26 = tpu.memref_slice %arg9[%dma_start3A, %dma_start3A_25] : memref<10112x64xf32, #tpu.memory_space<vmem_shared>> -> memref<10112x64xf32, #tpu.memory_space<vmem_shared>>
        tpu.enqueue_indirect_dma source(%arg7 : memref<128x64xf32, #tpu.memory_space<vmem>>) target(%dma_start3A_26 : memref<10112x64xf32, #tpu.memory_space<vmem_shared>>) offsets(%arg6 : memref<128xi32, #tpu.memory_space<vmem>>) semaphore(%run_scoped3A : memref<!tpu.dma_semaphore, #tpu.memory_space<semaphore_mem>>) {add = true}
        %dma_wait3A = arith.constant 0 : i32
        %dma_wait3A_27 = arith.constant 0 : i32
        %dma_wait3A_28 = tpu.memref_slice %arg9[%dma_wait3A, %dma_wait3A_27] : memref<10112x64xf32, #tpu.memory_space<vmem_shared>> -> memref<10112x64xf32, #tpu.memory_space<vmem_shared>>
        tpu.wait_indirect_dma semaphore(%run_scoped3A : memref<!tpu.dma_semaphore, #tpu.memory_space<semaphore_mem>>) src(%arg7 : memref<128x64xf32, #tpu.memory_space<vmem>>) dst(%dma_wait3A_28 : memref<10112x64xf32, #tpu.memory_space<vmem_shared>>)
        tpu.yield
      }) : () -> ()
    }
    %scan3A_11 = arith.constant 32 : i32
    %barrier3A_12 = arith.constant 0 : index
    tpu.barrier barrier_id(%barrier3A_12)
    %mul3A_13 = arith.constant 632 : i32
    %mul3A_14 = arith.muli %arg1, %mul3A_13 : i32
    "tpu.region"() ({
      %run_scoped3A = tpu.sem_alloc : memref<!tpu.dma_semaphore, #tpu.memory_space<semaphore_mem>>
      %dma_start3A = arith.constant 0 : i32
      %dma_start3A_19 = tpu.memref_slice %arg9[%mul3A_14, %dma_start3A] : memref<10112x64xf32, #tpu.memory_space<vmem_shared>> -> memref<632x64xf32, #tpu.memory_space<vmem_shared>>
      %dma_start3A_20 = arith.constant 0 : i32
      %dma_start3A_21 = tpu.memref_slice %arg9[%mul3A_14, %dma_start3A_20] : memref<10112x64xf32, #tpu.memory_space<vmem_shared>> -> memref<632x64xf32, #tpu.memory_space<vmem_shared>>
      tpu.enqueue_dma source(%dma_start3A_21 : memref<632x64xf32, #tpu.memory_space<vmem_shared>>) target(%arg8 : memref<632x64xf32, #tpu.memory_space<vmem>>) target_semaphore(%run_scoped3A : memref<!tpu.dma_semaphore, #tpu.memory_space<semaphore_mem>>)
      %dma_wait3A = arith.constant 0 : i32
      %dma_wait3A_22 = tpu.memref_slice %arg9[%mul3A_14, %dma_wait3A] : memref<10112x64xf32, #tpu.memory_space<vmem_shared>> -> memref<632x64xf32, #tpu.memory_space<vmem_shared>>
      %dma_wait3A_23 = arith.constant 0 : i32
      %dma_wait3A_24 = tpu.memref_slice %arg9[%mul3A_14, %dma_wait3A_23] : memref<10112x64xf32, #tpu.memory_space<vmem_shared>> -> memref<632x64xf32, #tpu.memory_space<vmem_shared>>
      tpu.wait_dma2 semaphore(%run_scoped3A : memref<!tpu.dma_semaphore, #tpu.memory_space<semaphore_mem>>) src(%dma_wait3A_24 : memref<632x64xf32, #tpu.memory_space<vmem_shared>>) dst(%arg8 : memref<632x64xf32, #tpu.memory_space<vmem>>)
      tpu.yield
    }) : () -> ()
    %mul3A_15 = arith.constant 10112 : i32
    %mul3A_16 = arith.muli %arg0, %mul3A_15 : i32
    %mul3A_17 = arith.constant 632 : i32
    %mul3A_18 = arith.muli %arg1, %mul3A_17 : i32
    %add3A = arith.addi %mul3A_16, %mul3A_18 : i32
    "tpu.region"() ({
      %run_scoped3A = tpu.sem_alloc : memref<!tpu.dma_semaphore, #tpu.memory_space<semaphore_mem>>
      %dma_start3A = arith.constant 0 : i32
      %dma_start3A_19 = tpu.memref_slice %arg5[%add3A, %dma_start3A] : memref<20224x64xf32, #tpu.memory_space<hbm>> -> memref<632x64xf32, #tpu.memory_space<hbm>>
      %dma_start3A_20 = arith.constant 0 : i32
      %dma_start3A_21 = tpu.memref_slice %arg5[%add3A, %dma_start3A_20] : memref<20224x64xf32, #tpu.memory_space<hbm>> -> memref<632x64xf32, #tpu.memory_space<hbm>>
      tpu.enqueue_dma source(%arg8 : memref<632x64xf32, #tpu.memory_space<vmem>>) target(%dma_start3A_21 : memref<632x64xf32, #tpu.memory_space<hbm>>) target_semaphore(%run_scoped3A : memref<!tpu.dma_semaphore, #tpu.memory_space<semaphore_mem>>)
      %dma_wait3A = arith.constant 0 : i32
      %dma_wait3A_22 = tpu.memref_slice %arg5[%add3A, %dma_wait3A] : memref<20224x64xf32, #tpu.memory_space<hbm>> -> memref<632x64xf32, #tpu.memory_space<hbm>>
      %dma_wait3A_23 = arith.constant 0 : i32
      %dma_wait3A_24 = tpu.memref_slice %arg5[%add3A, %dma_wait3A_23] : memref<20224x64xf32, #tpu.memory_space<hbm>> -> memref<632x64xf32, #tpu.memory_space<hbm>>
      tpu.wait_dma2 semaphore(%run_scoped3A : memref<!tpu.dma_semaphore, #tpu.memory_space<semaphore_mem>>) src(%arg8 : memref<632x64xf32, #tpu.memory_space<vmem>>) dst(%dma_wait3A_24 : memref<632x64xf32, #tpu.memory_space<hbm>>)
      tpu.yield
    }) : () -> ()
    return
  }
}

#map = affine_map<(d0, d1) -> (0, 0)>
#map1 = affine_map<(d0, d1) -> (0)>
module attributes {stable_mosaic.version = 14 : i64} {
  func.func @_scatter_body(%arg0: i32, %arg1: i32, %arg2: memref<65536x128xf32, #tpu.memory_space<hbm>>, %arg3: memref<65536xi32, #tpu.memory_space<hbm>>, %arg4: memref<10112x64xf32, #tpu.memory_space<hbm>>, %arg5: memref<20224x64xf32, #tpu.memory_space<hbm>>, %arg6: memref<128xi32, #tpu.memory_space<vmem>>, %arg7: memref<128x64xf32, #tpu.memory_space<vmem>>, %arg8: memref<632x64xf32, #tpu.memory_space<vmem>>, %arg9: memref<10112x64xf32, #tpu.memory_space<vmem_shared>>) attributes {dimension_semantics = [#tpu.dimension_semantics<core_parallel>, #tpu.dimension_semantics<subcore_parallel>], iteration_bounds = array<i64: 2, 16>, scalar_prefetch = 0 : i64, scratch_operands = 4 : i64, tpu.core_type = #tpu.core_type<sc_vector_subcore>, window_params = [{transform_indices = #map}, {transform_indices = #map1}, {transform_indices = #map}, {transform_indices = #map}]} {
    %mul3A = arith.constant 632 : i32
    %mul3A_0 = arith.muli %arg1, %mul3A : i32
    "tpu.region"() ({
      %run_scoped3A = tpu.sem_alloc : memref<!tpu.dma_semaphore, #tpu.memory_space<semaphore_mem>>
      %dma_start3A = arith.constant 0 : i32
      %dma_start3A_19 = tpu.memref_slice %arg4[%mul3A_0, %dma_start3A] : memref<10112x64xf32, #tpu.memory_space<hbm>> -> memref<632x64xf32, #tpu.memory_space<hbm>>
      %dma_start3A_20 = arith.constant 0 : i32
      %dma_start3A_21 = tpu.memref_slice %arg4[%mul3A_0, %dma_start3A_20] : memref<10112x64xf32, #tpu.memory_space<hbm>> -> memref<632x64xf32, #tpu.memory_space<hbm>>
      tpu.enqueue_dma source(%dma_start3A_21 : memref<632x64xf32, #tpu.memory_space<hbm>>) target(%arg8 : memref<632x64xf32, #tpu.memory_space<vmem>>) target_semaphore(%run_scoped3A : memref<!tpu.dma_semaphore, #tpu.memory_space<semaphore_mem>>)
      %dma_wait3A = arith.constant 0 : i32
      %dma_wait3A_22 = tpu.memref_slice %arg4[%mul3A_0, %dma_wait3A] : memref<10112x64xf32, #tpu.memory_space<hbm>> -> memref<632x64xf32, #tpu.memory_space<hbm>>
      %dma_wait3A_23 = arith.constant 0 : i32
      %dma_wait3A_24 = tpu.memref_slice %arg4[%mul3A_0, %dma_wait3A_23] : memref<10112x64xf32, #tpu.memory_space<hbm>> -> memref<632x64xf32, #tpu.memory_space<hbm>>
      tpu.wait_dma2 semaphore(%run_scoped3A : memref<!tpu.dma_semaphore, #tpu.memory_space<semaphore_mem>>) src(%dma_wait3A_24 : memref<632x64xf32, #tpu.memory_space<hbm>>) dst(%arg8 : memref<632x64xf32, #tpu.memory_space<vmem>>)
      tpu.yield
    }) : () -> ()
    %mul3A_1 = arith.constant 632 : i32
    %mul3A_2 = arith.muli %arg1, %mul3A_1 : i32
    "tpu.region"() ({
      %run_scoped3A = tpu.sem_alloc : memref<!tpu.dma_semaphore, #tpu.memory_space<semaphore_mem>>
      %dma_start3A = arith.constant 0 : i32
      %dma_start3A_19 = tpu.memref_slice %arg9[%mul3A_2, %dma_start3A] : memref<10112x64xf32, #tpu.memory_space<vmem_shared>> -> memref<632x64xf32, #tpu.memory_space<vmem_shared>>
      %dma_start3A_20 = arith.constant 0 : i32
      %dma_start3A_21 = tpu.memref_slice %arg9[%mul3A_2, %dma_start3A_20] : memref<10112x64xf32, #tpu.memory_space<vmem_shared>> -> memref<632x64xf32, #tpu.memory_space<vmem_shared>>
      tpu.enqueue_dma source(%arg8 : memref<632x64xf32, #tpu.memory_space<vmem>>) target(%dma_start3A_21 : memref<632x64xf32, #tpu.memory_space<vmem_shared>>) target_semaphore(%run_scoped3A : memref<!tpu.dma_semaphore, #tpu.memory_space<semaphore_mem>>)
      %dma_wait3A = arith.constant 0 : i32
      %dma_wait3A_22 = tpu.memref_slice %arg9[%mul3A_2, %dma_wait3A] : memref<10112x64xf32, #tpu.memory_space<vmem_shared>> -> memref<632x64xf32, #tpu.memory_space<vmem_shared>>
      %dma_wait3A_23 = arith.constant 0 : i32
      %dma_wait3A_24 = tpu.memref_slice %arg9[%mul3A_2, %dma_wait3A_23] : memref<10112x64xf32, #tpu.memory_space<vmem_shared>> -> memref<632x64xf32, #tpu.memory_space<vmem_shared>>
      tpu.wait_dma2 semaphore(%run_scoped3A : memref<!tpu.dma_semaphore, #tpu.memory_space<semaphore_mem>>) src(%arg8 : memref<632x64xf32, #tpu.memory_space<vmem>>) dst(%dma_wait3A_24 : memref<632x64xf32, #tpu.memory_space<vmem_shared>>)
      tpu.yield
    }) : () -> ()
    %barrier3A = arith.constant 0 : index
    tpu.barrier barrier_id(%barrier3A)
    %mul3A_3 = arith.constant 32 : i32
    %mul3A_4 = arith.muli %arg1, %mul3A_3 : i32
    %mul3A_5 = arith.constant 128 : i32
    %mul3A_6 = arith.muli %mul3A_4, %mul3A_5 : i32
    %scan3A = arith.constant 0 : i32
    %scan3A_7 = arith.constant 0 : i32
    %scan3A_8 = arith.constant 32 : i32
    %scan3A_9 = arith.addi %scan3A_7, %scan3A_8 : i32
    %scan3A_10 = arith.constant 1 : i32
    scf.for %scan3A_19 = %scan3A_7 to %scan3A_9 step %scan3A_10  : i32 {
      %mul3A_20 = arith.constant 128 : i32
      %mul3A_21 = arith.muli %scan3A_19, %mul3A_20 : i32
      %add3A_22 = arith.addi %mul3A_6, %mul3A_21 : i32
      "tpu.region"() ({
        %run_scoped3A = tpu.sem_alloc : memref<!tpu.dma_semaphore, #tpu.memory_space<semaphore_mem>>
        %dma_start3A = tpu.memref_slice %arg3[%add3A_22] : memref<65536xi32, #tpu.memory_space<hbm>> -> memref<128xi32, #tpu.memory_space<hbm>>
        %dma_start3A_25 = tpu.memref_slice %arg3[%add3A_22] : memref<65536xi32, #tpu.memory_space<hbm>> -> memref<128xi32, #tpu.memory_space<hbm>>
        tpu.enqueue_dma source(%dma_start3A_25 : memref<128xi32, #tpu.memory_space<hbm>>) target(%arg6 : memref<128xi32, #tpu.memory_space<vmem>>) target_semaphore(%run_scoped3A : memref<!tpu.dma_semaphore, #tpu.memory_space<semaphore_mem>>)
        %dma_wait3A = tpu.memref_slice %arg3[%add3A_22] : memref<65536xi32, #tpu.memory_space<hbm>> -> memref<128xi32, #tpu.memory_space<hbm>>
        %dma_wait3A_26 = tpu.memref_slice %arg3[%add3A_22] : memref<65536xi32, #tpu.memory_space<hbm>> -> memref<128xi32, #tpu.memory_space<hbm>>
        tpu.wait_dma2 semaphore(%run_scoped3A : memref<!tpu.dma_semaphore, #tpu.memory_space<semaphore_mem>>) src(%dma_wait3A_26 : memref<128xi32, #tpu.memory_space<hbm>>) dst(%arg6 : memref<128xi32, #tpu.memory_space<vmem>>)
        tpu.yield
      }) : () -> ()
      %mul3A_23 = arith.constant 64 : i32
      %mul3A_24 = arith.muli %arg0, %mul3A_23 : i32
      "tpu.region"() ({
        %run_scoped3A = tpu.sem_alloc : memref<!tpu.dma_semaphore, #tpu.memory_space<semaphore_mem>>
        %dma_start3A = tpu.memref_slice %arg2[%add3A_22, %mul3A_24] : memref<65536x128xf32, #tpu.memory_space<hbm>> -> memref<128x64xf32, #tpu.memory_space<hbm>>
        %dma_start3A_25 = tpu.memref_slice %arg2[%add3A_22, %mul3A_24] : memref<65536x128xf32, #tpu.memory_space<hbm>> -> memref<128x64xf32, #tpu.memory_space<hbm>>
        tpu.enqueue_dma source(%dma_start3A_25 : memref<128x64xf32, #tpu.memory_space<hbm>>) target(%arg7 : memref<128x64xf32, #tpu.memory_space<vmem>>) target_semaphore(%run_scoped3A : memref<!tpu.dma_semaphore, #tpu.memory_space<semaphore_mem>>)
        %dma_wait3A = tpu.memref_slice %arg2[%add3A_22, %mul3A_24] : memref<65536x128xf32, #tpu.memory_space<hbm>> -> memref<128x64xf32, #tpu.memory_space<hbm>>
        %dma_wait3A_26 = tpu.memref_slice %arg2[%add3A_22, %mul3A_24] : memref<65536x128xf32, #tpu.memory_space<hbm>> -> memref<128x64xf32, #tpu.memory_space<hbm>>
        tpu.wait_dma2 semaphore(%run_scoped3A : memref<!tpu.dma_semaphore, #tpu.memory_space<semaphore_mem>>) src(%dma_wait3A_26 : memref<128x64xf32, #tpu.memory_space<hbm>>) dst(%arg7 : memref<128x64xf32, #tpu.memory_space<vmem>>)
        tpu.yield
      }) : () -> ()
      "tpu.region"() ({
        %run_scoped3A = tpu.sem_alloc : memref<!tpu.dma_semaphore, #tpu.memory_space<semaphore_mem>>
        %dma_start3A = arith.constant 0 : i32
        %dma_start3A_25 = arith.constant 0 : i32
        %dma_start3A_26 = tpu.memref_slice %arg9[%dma_start3A, %dma_start3A_25] : memref<10112x64xf32, #tpu.memory_space<vmem_shared>> -> memref<10112x64xf32, #tpu.memory_space<vmem_shared>>
        tpu.enqueue_indirect_dma source(%arg7 : memref<128x64xf32, #tpu.memory_space<vmem>>) target(%dma_start3A_26 : memref<10112x64xf32, #tpu.memory_space<vmem_shared>>) offsets(%arg6 : memref<128xi32, #tpu.memory_space<vmem>>) semaphore(%run_scoped3A : memref<!tpu.dma_semaphore, #tpu.memory_space<semaphore_mem>>) {add = true}
        %dma_wait3A = arith.constant 0 : i32
        %dma_wait3A_27 = arith.constant 0 : i32
        %dma_wait3A_28 = tpu.memref_slice %arg9[%dma_wait3A, %dma_wait3A_27] : memref<10112x64xf32, #tpu.memory_space<vmem_shared>> -> memref<10112x64xf32, #tpu.memory_space<vmem_shared>>
        tpu.wait_indirect_dma semaphore(%run_scoped3A : memref<!tpu.dma_semaphore, #tpu.memory_space<semaphore_mem>>) src(%arg7 : memref<128x64xf32, #tpu.memory_space<vmem>>) dst(%dma_wait3A_28 : memref<10112x64xf32, #tpu.memory_space<vmem_shared>>)
        tpu.yield
      }) : () -> ()
    }
    %scan3A_11 = arith.constant 32 : i32
    %barrier3A_12 = arith.constant 0 : index
    tpu.barrier barrier_id(%barrier3A_12)
    %mul3A_13 = arith.constant 632 : i32
    %mul3A_14 = arith.muli %arg1, %mul3A_13 : i32
    "tpu.region"() ({
      %run_scoped3A = tpu.sem_alloc : memref<!tpu.dma_semaphore, #tpu.memory_space<semaphore_mem>>
      %dma_start3A = arith.constant 0 : i32
      %dma_start3A_19 = tpu.memref_slice %arg9[%mul3A_14, %dma_start3A] : memref<10112x64xf32, #tpu.memory_space<vmem_shared>> -> memref<632x64xf32, #tpu.memory_space<vmem_shared>>
      %dma_start3A_20 = arith.constant 0 : i32
      %dma_start3A_21 = tpu.memref_slice %arg9[%mul3A_14, %dma_start3A_20] : memref<10112x64xf32, #tpu.memory_space<vmem_shared>> -> memref<632x64xf32, #tpu.memory_space<vmem_shared>>
      tpu.enqueue_dma source(%dma_start3A_21 : memref<632x64xf32, #tpu.memory_space<vmem_shared>>) target(%arg8 : memref<632x64xf32, #tpu.memory_space<vmem>>) target_semaphore(%run_scoped3A : memref<!tpu.dma_semaphore, #tpu.memory_space<semaphore_mem>>)
      %dma_wait3A = arith.constant 0 : i32
      %dma_wait3A_22 = tpu.memref_slice %arg9[%mul3A_14, %dma_wait3A] : memref<10112x64xf32, #tpu.memory_space<vmem_shared>> -> memref<632x64xf32, #tpu.memory_space<vmem_shared>>
      %dma_wait3A_23 = arith.constant 0 : i32
      %dma_wait3A_24 = tpu.memref_slice %arg9[%mul3A_14, %dma_wait3A_23] : memref<10112x64xf32, #tpu.memory_space<vmem_shared>> -> memref<632x64xf32, #tpu.memory_space<vmem_shared>>
      tpu.wait_dma2 semaphore(%run_scoped3A : memref<!tpu.dma_semaphore, #tpu.memory_space<semaphore_mem>>) src(%dma_wait3A_24 : memref<632x64xf32, #tpu.memory_space<vmem_shared>>) dst(%arg8 : memref<632x64xf32, #tpu.memory_space<vmem>>)
      tpu.yield
    }) : () -> ()
    %mul3A_15 = arith.constant 10112 : i32
    %mul3A_16 = arith.muli %arg0, %mul3A_15 : i32
    %mul3A_17 = arith.constant 632 : i32
    %mul3A_18 = arith.muli %arg1, %mul3A_17 : i32
    %add3A = arith.addi %mul3A_16, %mul3A_18 : i32
    "tpu.region"() ({
      %run_scoped3A = tpu.sem_alloc : memref<!tpu.dma_semaphore, #tpu.memory_space<semaphore_mem>>
      %dma_start3A = arith.constant 0 : i32
      %dma_start3A_19 = tpu.memref_slice %arg5[%add3A, %dma_start3A] : memref<20224x64xf32, #tpu.memory_space<hbm>> -> memref<632x64xf32, #tpu.memory_space<hbm>>
      %dma_start3A_20 = arith.constant 0 : i32
      %dma_start3A_21 = tpu.memref_slice %arg5[%add3A, %dma_start3A_20] : memref<20224x64xf32, #tpu.memory_space<hbm>> -> memref<632x64xf32, #tpu.memory_space<hbm>>
      tpu.enqueue_dma source(%arg8 : memref<632x64xf32, #tpu.memory_space<vmem>>) target(%dma_start3A_21 : memref<632x64xf32, #tpu.memory_space<hbm>>) target_semaphore(%run_scoped3A : memref<!tpu.dma_semaphore, #tpu.memory_space<semaphore_mem>>)
      %dma_wait3A = arith.constant 0 : i32
      %dma_wait3A_22 = tpu.memref_slice %arg5[%add3A, %dma_wait3A] : memref<20224x64xf32, #tpu.memory_space<hbm>> -> memref<632x64xf32, #tpu.memory_space<hbm>>
      %dma_wait3A_23 = arith.constant 0 : i32
      %dma_wait3A_24 = tpu.memref_slice %arg5[%add3A, %dma_wait3A_23] : memref<20224x64xf32, #tpu.memory_space<hbm>> -> memref<632x64xf32, #tpu.memory_space<hbm>>
      tpu.wait_dma2 semaphore(%run_scoped3A : memref<!tpu.dma_semaphore, #tpu.memory_space<semaphore_mem>>) src(%arg8 : memref<632x64xf32, #tpu.memory_space<vmem>>) dst(%dma_wait3A_24 : memref<632x64xf32, #tpu.memory_space<hbm>>)
      tpu.yield
    }) : () -> ()
    return
  }
}

#map = affine_map<(d0, d1) -> (0, 0)>
#map1 = affine_map<(d0, d1) -> (0)>
module attributes {stable_mosaic.version = 14 : i64} {
  func.func @_scatter_body(%arg0: i32, %arg1: i32, %arg2: memref<65536x128xf32, #tpu.memory_space<hbm>>, %arg3: memref<65536xi32, #tpu.memory_space<hbm>>, %arg4: memref<10112x64xf32, #tpu.memory_space<hbm>>, %arg5: memref<20224x64xf32, #tpu.memory_space<hbm>>, %arg6: memref<128xi32, #tpu.memory_space<vmem>>, %arg7: memref<128x64xf32, #tpu.memory_space<vmem>>, %arg8: memref<632x64xf32, #tpu.memory_space<vmem>>, %arg9: memref<10112x64xf32, #tpu.memory_space<vmem_shared>>) attributes {dimension_semantics = [#tpu.dimension_semantics<core_parallel>, #tpu.dimension_semantics<subcore_parallel>], iteration_bounds = array<i64: 2, 16>, scalar_prefetch = 0 : i64, scratch_operands = 4 : i64, tpu.core_type = #tpu.core_type<sc_vector_subcore>, window_params = [{transform_indices = #map}, {transform_indices = #map1}, {transform_indices = #map}, {transform_indices = #map}]} {
    %mul3A = arith.constant 632 : i32
    %mul3A_0 = arith.muli %arg1, %mul3A : i32
    "tpu.region"() ({
      %run_scoped3A = tpu.sem_alloc : memref<!tpu.dma_semaphore, #tpu.memory_space<semaphore_mem>>
      %dma_start3A = arith.constant 0 : i32
      %dma_start3A_19 = tpu.memref_slice %arg4[%mul3A_0, %dma_start3A] : memref<10112x64xf32, #tpu.memory_space<hbm>> -> memref<632x64xf32, #tpu.memory_space<hbm>>
      %dma_start3A_20 = arith.constant 0 : i32
      %dma_start3A_21 = tpu.memref_slice %arg4[%mul3A_0, %dma_start3A_20] : memref<10112x64xf32, #tpu.memory_space<hbm>> -> memref<632x64xf32, #tpu.memory_space<hbm>>
      tpu.enqueue_dma source(%dma_start3A_21 : memref<632x64xf32, #tpu.memory_space<hbm>>) target(%arg8 : memref<632x64xf32, #tpu.memory_space<vmem>>) target_semaphore(%run_scoped3A : memref<!tpu.dma_semaphore, #tpu.memory_space<semaphore_mem>>)
      %dma_wait3A = arith.constant 0 : i32
      %dma_wait3A_22 = tpu.memref_slice %arg4[%mul3A_0, %dma_wait3A] : memref<10112x64xf32, #tpu.memory_space<hbm>> -> memref<632x64xf32, #tpu.memory_space<hbm>>
      %dma_wait3A_23 = arith.constant 0 : i32
      %dma_wait3A_24 = tpu.memref_slice %arg4[%mul3A_0, %dma_wait3A_23] : memref<10112x64xf32, #tpu.memory_space<hbm>> -> memref<632x64xf32, #tpu.memory_space<hbm>>
      tpu.wait_dma2 semaphore(%run_scoped3A : memref<!tpu.dma_semaphore, #tpu.memory_space<semaphore_mem>>) src(%dma_wait3A_24 : memref<632x64xf32, #tpu.memory_space<hbm>>) dst(%arg8 : memref<632x64xf32, #tpu.memory_space<vmem>>)
      tpu.yield
    }) : () -> ()
    %mul3A_1 = arith.constant 632 : i32
    %mul3A_2 = arith.muli %arg1, %mul3A_1 : i32
    "tpu.region"() ({
      %run_scoped3A = tpu.sem_alloc : memref<!tpu.dma_semaphore, #tpu.memory_space<semaphore_mem>>
      %dma_start3A = arith.constant 0 : i32
      %dma_start3A_19 = tpu.memref_slice %arg9[%mul3A_2, %dma_start3A] : memref<10112x64xf32, #tpu.memory_space<vmem_shared>> -> memref<632x64xf32, #tpu.memory_space<vmem_shared>>
      %dma_start3A_20 = arith.constant 0 : i32
      %dma_start3A_21 = tpu.memref_slice %arg9[%mul3A_2, %dma_start3A_20] : memref<10112x64xf32, #tpu.memory_space<vmem_shared>> -> memref<632x64xf32, #tpu.memory_space<vmem_shared>>
      tpu.enqueue_dma source(%arg8 : memref<632x64xf32, #tpu.memory_space<vmem>>) target(%dma_start3A_21 : memref<632x64xf32, #tpu.memory_space<vmem_shared>>) target_semaphore(%run_scoped3A : memref<!tpu.dma_semaphore, #tpu.memory_space<semaphore_mem>>)
      %dma_wait3A = arith.constant 0 : i32
      %dma_wait3A_22 = tpu.memref_slice %arg9[%mul3A_2, %dma_wait3A] : memref<10112x64xf32, #tpu.memory_space<vmem_shared>> -> memref<632x64xf32, #tpu.memory_space<vmem_shared>>
      %dma_wait3A_23 = arith.constant 0 : i32
      %dma_wait3A_24 = tpu.memref_slice %arg9[%mul3A_2, %dma_wait3A_23] : memref<10112x64xf32, #tpu.memory_space<vmem_shared>> -> memref<632x64xf32, #tpu.memory_space<vmem_shared>>
      tpu.wait_dma2 semaphore(%run_scoped3A : memref<!tpu.dma_semaphore, #tpu.memory_space<semaphore_mem>>) src(%arg8 : memref<632x64xf32, #tpu.memory_space<vmem>>) dst(%dma_wait3A_24 : memref<632x64xf32, #tpu.memory_space<vmem_shared>>)
      tpu.yield
    }) : () -> ()
    %barrier3A = arith.constant 0 : index
    tpu.barrier barrier_id(%barrier3A)
    %mul3A_3 = arith.constant 32 : i32
    %mul3A_4 = arith.muli %arg1, %mul3A_3 : i32
    %mul3A_5 = arith.constant 128 : i32
    %mul3A_6 = arith.muli %mul3A_4, %mul3A_5 : i32
    %scan3A = arith.constant 0 : i32
    %scan3A_7 = arith.constant 0 : i32
    %scan3A_8 = arith.constant 32 : i32
    %scan3A_9 = arith.addi %scan3A_7, %scan3A_8 : i32
    %scan3A_10 = arith.constant 1 : i32
    scf.for %scan3A_19 = %scan3A_7 to %scan3A_9 step %scan3A_10  : i32 {
      %mul3A_20 = arith.constant 128 : i32
      %mul3A_21 = arith.muli %scan3A_19, %mul3A_20 : i32
      %add3A_22 = arith.addi %mul3A_6, %mul3A_21 : i32
      "tpu.region"() ({
        %run_scoped3A = tpu.sem_alloc : memref<!tpu.dma_semaphore, #tpu.memory_space<semaphore_mem>>
        %dma_start3A = tpu.memref_slice %arg3[%add3A_22] : memref<65536xi32, #tpu.memory_space<hbm>> -> memref<128xi32, #tpu.memory_space<hbm>>
        %dma_start3A_25 = tpu.memref_slice %arg3[%add3A_22] : memref<65536xi32, #tpu.memory_space<hbm>> -> memref<128xi32, #tpu.memory_space<hbm>>
        tpu.enqueue_dma source(%dma_start3A_25 : memref<128xi32, #tpu.memory_space<hbm>>) target(%arg6 : memref<128xi32, #tpu.memory_space<vmem>>) target_semaphore(%run_scoped3A : memref<!tpu.dma_semaphore, #tpu.memory_space<semaphore_mem>>)
        %dma_wait3A = tpu.memref_slice %arg3[%add3A_22] : memref<65536xi32, #tpu.memory_space<hbm>> -> memref<128xi32, #tpu.memory_space<hbm>>
        %dma_wait3A_26 = tpu.memref_slice %arg3[%add3A_22] : memref<65536xi32, #tpu.memory_space<hbm>> -> memref<128xi32, #tpu.memory_space<hbm>>
        tpu.wait_dma2 semaphore(%run_scoped3A : memref<!tpu.dma_semaphore, #tpu.memory_space<semaphore_mem>>) src(%dma_wait3A_26 : memref<128xi32, #tpu.memory_space<hbm>>) dst(%arg6 : memref<128xi32, #tpu.memory_space<vmem>>)
        tpu.yield
      }) : () -> ()
      %mul3A_23 = arith.constant 64 : i32
      %mul3A_24 = arith.muli %arg0, %mul3A_23 : i32
      "tpu.region"() ({
        %run_scoped3A = tpu.sem_alloc : memref<!tpu.dma_semaphore, #tpu.memory_space<semaphore_mem>>
        %dma_start3A = tpu.memref_slice %arg2[%add3A_22, %mul3A_24] : memref<65536x128xf32, #tpu.memory_space<hbm>> -> memref<128x64xf32, #tpu.memory_space<hbm>>
        %dma_start3A_25 = tpu.memref_slice %arg2[%add3A_22, %mul3A_24] : memref<65536x128xf32, #tpu.memory_space<hbm>> -> memref<128x64xf32, #tpu.memory_space<hbm>>
        tpu.enqueue_dma source(%dma_start3A_25 : memref<128x64xf32, #tpu.memory_space<hbm>>) target(%arg7 : memref<128x64xf32, #tpu.memory_space<vmem>>) target_semaphore(%run_scoped3A : memref<!tpu.dma_semaphore, #tpu.memory_space<semaphore_mem>>)
        %dma_wait3A = tpu.memref_slice %arg2[%add3A_22, %mul3A_24] : memref<65536x128xf32, #tpu.memory_space<hbm>> -> memref<128x64xf32, #tpu.memory_space<hbm>>
        %dma_wait3A_26 = tpu.memref_slice %arg2[%add3A_22, %mul3A_24] : memref<65536x128xf32, #tpu.memory_space<hbm>> -> memref<128x64xf32, #tpu.memory_space<hbm>>
        tpu.wait_dma2 semaphore(%run_scoped3A : memref<!tpu.dma_semaphore, #tpu.memory_space<semaphore_mem>>) src(%dma_wait3A_26 : memref<128x64xf32, #tpu.memory_space<hbm>>) dst(%arg7 : memref<128x64xf32, #tpu.memory_space<vmem>>)
        tpu.yield
      }) : () -> ()
      "tpu.region"() ({
        %run_scoped3A = tpu.sem_alloc : memref<!tpu.dma_semaphore, #tpu.memory_space<semaphore_mem>>
        %dma_start3A = arith.constant 0 : i32
        %dma_start3A_25 = arith.constant 0 : i32
        %dma_start3A_26 = tpu.memref_slice %arg9[%dma_start3A, %dma_start3A_25] : memref<10112x64xf32, #tpu.memory_space<vmem_shared>> -> memref<10112x64xf32, #tpu.memory_space<vmem_shared>>
        tpu.enqueue_indirect_dma source(%arg7 : memref<128x64xf32, #tpu.memory_space<vmem>>) target(%dma_start3A_26 : memref<10112x64xf32, #tpu.memory_space<vmem_shared>>) offsets(%arg6 : memref<128xi32, #tpu.memory_space<vmem>>) semaphore(%run_scoped3A : memref<!tpu.dma_semaphore, #tpu.memory_space<semaphore_mem>>) {add = true}
        %dma_wait3A = arith.constant 0 : i32
        %dma_wait3A_27 = arith.constant 0 : i32
        %dma_wait3A_28 = tpu.memref_slice %arg9[%dma_wait3A, %dma_wait3A_27] : memref<10112x64xf32, #tpu.memory_space<vmem_shared>> -> memref<10112x64xf32, #tpu.memory_space<vmem_shared>>
        tpu.wait_indirect_dma semaphore(%run_scoped3A : memref<!tpu.dma_semaphore, #tpu.memory_space<semaphore_mem>>) src(%arg7 : memref<128x64xf32, #tpu.memory_space<vmem>>) dst(%dma_wait3A_28 : memref<10112x64xf32, #tpu.memory_space<vmem_shared>>)
        tpu.yield
      }) : () -> ()
    }
    %scan3A_11 = arith.constant 32 : i32
    %barrier3A_12 = arith.constant 0 : index
    tpu.barrier barrier_id(%barrier3A_12)
    %mul3A_13 = arith.constant 632 : i32
    %mul3A_14 = arith.muli %arg1, %mul3A_13 : i32
    "tpu.region"() ({
      %run_scoped3A = tpu.sem_alloc : memref<!tpu.dma_semaphore, #tpu.memory_space<semaphore_mem>>
      %dma_start3A = arith.constant 0 : i32
      %dma_start3A_19 = tpu.memref_slice %arg9[%mul3A_14, %dma_start3A] : memref<10112x64xf32, #tpu.memory_space<vmem_shared>> -> memref<632x64xf32, #tpu.memory_space<vmem_shared>>
      %dma_start3A_20 = arith.constant 0 : i32
      %dma_start3A_21 = tpu.memref_slice %arg9[%mul3A_14, %dma_start3A_20] : memref<10112x64xf32, #tpu.memory_space<vmem_shared>> -> memref<632x64xf32, #tpu.memory_space<vmem_shared>>
      tpu.enqueue_dma source(%dma_start3A_21 : memref<632x64xf32, #tpu.memory_space<vmem_shared>>) target(%arg8 : memref<632x64xf32, #tpu.memory_space<vmem>>) target_semaphore(%run_scoped3A : memref<!tpu.dma_semaphore, #tpu.memory_space<semaphore_mem>>)
      %dma_wait3A = arith.constant 0 : i32
      %dma_wait3A_22 = tpu.memref_slice %arg9[%mul3A_14, %dma_wait3A] : memref<10112x64xf32, #tpu.memory_space<vmem_shared>> -> memref<632x64xf32, #tpu.memory_space<vmem_shared>>
      %dma_wait3A_23 = arith.constant 0 : i32
      %dma_wait3A_24 = tpu.memref_slice %arg9[%mul3A_14, %dma_wait3A_23] : memref<10112x64xf32, #tpu.memory_space<vmem_shared>> -> memref<632x64xf32, #tpu.memory_space<vmem_shared>>
      tpu.wait_dma2 semaphore(%run_scoped3A : memref<!tpu.dma_semaphore, #tpu.memory_space<semaphore_mem>>) src(%dma_wait3A_24 : memref<632x64xf32, #tpu.memory_space<vmem_shared>>) dst(%arg8 : memref<632x64xf32, #tpu.memory_space<vmem>>)
      tpu.yield
    }) : () -> ()
    %mul3A_15 = arith.constant 10112 : i32
    %mul3A_16 = arith.muli %arg0, %mul3A_15 : i32
    %mul3A_17 = arith.constant 632 : i32
    %mul3A_18 = arith.muli %arg1, %mul3A_17 : i32
    %add3A = arith.addi %mul3A_16, %mul3A_18 : i32
    "tpu.region"() ({
      %run_scoped3A = tpu.sem_alloc : memref<!tpu.dma_semaphore, #tpu.memory_space<semaphore_mem>>
      %dma_start3A = arith.constant 0 : i32
      %dma_start3A_19 = tpu.memref_slice %arg5[%add3A, %dma_start3A] : memref<20224x64xf32, #tpu.memory_space<hbm>> -> memref<632x64xf32, #tpu.memory_space<hbm>>
      %dma_start3A_20 = arith.constant 0 : i32
      %dma_start3A_21 = tpu.memref_slice %arg5[%add3A, %dma_start3A_20] : memref<20224x64xf32, #tpu.memory_space<hbm>> -> memref<632x64xf32, #tpu.memory_space<hbm>>
      tpu.enqueue_dma source(%arg8 : memref<632x64xf32, #tpu.memory_space<vmem>>) target(%dma_start3A_21 : memref<632x64xf32, #tpu.memory_space<hbm>>) target_semaphore(%run_scoped3A : memref<!tpu.dma_semaphore, #tpu.memory_space<semaphore_mem>>)
      %dma_wait3A = arith.constant 0 : i32
      %dma_wait3A_22 = tpu.memref_slice %arg5[%add3A, %dma_wait3A] : memref<20224x64xf32, #tpu.memory_space<hbm>> -> memref<632x64xf32, #tpu.memory_space<hbm>>
      %dma_wait3A_23 = arith.constant 0 : i32
      %dma_wait3A_24 = tpu.memref_slice %arg5[%add3A, %dma_wait3A_23] : memref<20224x64xf32, #tpu.memory_space<hbm>> -> memref<632x64xf32, #tpu.memory_space<hbm>>
      tpu.wait_dma2 semaphore(%run_scoped3A : memref<!tpu.dma_semaphore, #tpu.memory_space<semaphore_mem>>) src(%arg8 : memref<632x64xf32, #tpu.memory_space<vmem>>) dst(%dma_wait3A_24 : memref<632x64xf32, #tpu.memory_space<hbm>>)
      tpu.yield
    }) : () -> ()
    return
  }
}

#map = affine_map<(d0, d1) -> (0, 0)>
#map1 = affine_map<(d0, d1) -> (0)>
module attributes {stable_mosaic.version = 14 : i64} {
  func.func @_scatter_body(%arg0: i32, %arg1: i32, %arg2: memref<65536x128xf32, #tpu.memory_space<hbm>>, %arg3: memref<65536xi32, #tpu.memory_space<hbm>>, %arg4: memref<10112x64xf32, #tpu.memory_space<hbm>>, %arg5: memref<20224x64xf32, #tpu.memory_space<hbm>>, %arg6: memref<128xi32, #tpu.memory_space<vmem>>, %arg7: memref<128x64xf32, #tpu.memory_space<vmem>>, %arg8: memref<632x64xf32, #tpu.memory_space<vmem>>, %arg9: memref<10112x64xf32, #tpu.memory_space<vmem_shared>>) attributes {dimension_semantics = [#tpu.dimension_semantics<core_parallel>, #tpu.dimension_semantics<subcore_parallel>], iteration_bounds = array<i64: 2, 16>, scalar_prefetch = 0 : i64, scratch_operands = 4 : i64, tpu.core_type = #tpu.core_type<sc_vector_subcore>, window_params = [{transform_indices = #map}, {transform_indices = #map1}, {transform_indices = #map}, {transform_indices = #map}]} {
    %mul3A = arith.constant 632 : i32
    %mul3A_0 = arith.muli %arg1, %mul3A : i32
    "tpu.region"() ({
      %run_scoped3A = tpu.sem_alloc : memref<!tpu.dma_semaphore, #tpu.memory_space<semaphore_mem>>
      %dma_start3A = arith.constant 0 : i32
      %dma_start3A_19 = tpu.memref_slice %arg4[%mul3A_0, %dma_start3A] : memref<10112x64xf32, #tpu.memory_space<hbm>> -> memref<632x64xf32, #tpu.memory_space<hbm>>
      %dma_start3A_20 = arith.constant 0 : i32
      %dma_start3A_21 = tpu.memref_slice %arg4[%mul3A_0, %dma_start3A_20] : memref<10112x64xf32, #tpu.memory_space<hbm>> -> memref<632x64xf32, #tpu.memory_space<hbm>>
      tpu.enqueue_dma source(%dma_start3A_21 : memref<632x64xf32, #tpu.memory_space<hbm>>) target(%arg8 : memref<632x64xf32, #tpu.memory_space<vmem>>) target_semaphore(%run_scoped3A : memref<!tpu.dma_semaphore, #tpu.memory_space<semaphore_mem>>)
      %dma_wait3A = arith.constant 0 : i32
      %dma_wait3A_22 = tpu.memref_slice %arg4[%mul3A_0, %dma_wait3A] : memref<10112x64xf32, #tpu.memory_space<hbm>> -> memref<632x64xf32, #tpu.memory_space<hbm>>
      %dma_wait3A_23 = arith.constant 0 : i32
      %dma_wait3A_24 = tpu.memref_slice %arg4[%mul3A_0, %dma_wait3A_23] : memref<10112x64xf32, #tpu.memory_space<hbm>> -> memref<632x64xf32, #tpu.memory_space<hbm>>
      tpu.wait_dma2 semaphore(%run_scoped3A : memref<!tpu.dma_semaphore, #tpu.memory_space<semaphore_mem>>) src(%dma_wait3A_24 : memref<632x64xf32, #tpu.memory_space<hbm>>) dst(%arg8 : memref<632x64xf32, #tpu.memory_space<vmem>>)
      tpu.yield
    }) : () -> ()
    %mul3A_1 = arith.constant 632 : i32
    %mul3A_2 = arith.muli %arg1, %mul3A_1 : i32
    "tpu.region"() ({
      %run_scoped3A = tpu.sem_alloc : memref<!tpu.dma_semaphore, #tpu.memory_space<semaphore_mem>>
      %dma_start3A = arith.constant 0 : i32
      %dma_start3A_19 = tpu.memref_slice %arg9[%mul3A_2, %dma_start3A] : memref<10112x64xf32, #tpu.memory_space<vmem_shared>> -> memref<632x64xf32, #tpu.memory_space<vmem_shared>>
      %dma_start3A_20 = arith.constant 0 : i32
      %dma_start3A_21 = tpu.memref_slice %arg9[%mul3A_2, %dma_start3A_20] : memref<10112x64xf32, #tpu.memory_space<vmem_shared>> -> memref<632x64xf32, #tpu.memory_space<vmem_shared>>
      tpu.enqueue_dma source(%arg8 : memref<632x64xf32, #tpu.memory_space<vmem>>) target(%dma_start3A_21 : memref<632x64xf32, #tpu.memory_space<vmem_shared>>) target_semaphore(%run_scoped3A : memref<!tpu.dma_semaphore, #tpu.memory_space<semaphore_mem>>)
      %dma_wait3A = arith.constant 0 : i32
      %dma_wait3A_22 = tpu.memref_slice %arg9[%mul3A_2, %dma_wait3A] : memref<10112x64xf32, #tpu.memory_space<vmem_shared>> -> memref<632x64xf32, #tpu.memory_space<vmem_shared>>
      %dma_wait3A_23 = arith.constant 0 : i32
      %dma_wait3A_24 = tpu.memref_slice %arg9[%mul3A_2, %dma_wait3A_23] : memref<10112x64xf32, #tpu.memory_space<vmem_shared>> -> memref<632x64xf32, #tpu.memory_space<vmem_shared>>
      tpu.wait_dma2 semaphore(%run_scoped3A : memref<!tpu.dma_semaphore, #tpu.memory_space<semaphore_mem>>) src(%arg8 : memref<632x64xf32, #tpu.memory_space<vmem>>) dst(%dma_wait3A_24 : memref<632x64xf32, #tpu.memory_space<vmem_shared>>)
      tpu.yield
    }) : () -> ()
    %barrier3A = arith.constant 0 : index
    tpu.barrier barrier_id(%barrier3A)
    %mul3A_3 = arith.constant 32 : i32
    %mul3A_4 = arith.muli %arg1, %mul3A_3 : i32
    %mul3A_5 = arith.constant 128 : i32
    %mul3A_6 = arith.muli %mul3A_4, %mul3A_5 : i32
    %scan3A = arith.constant 0 : i32
    %scan3A_7 = arith.constant 0 : i32
    %scan3A_8 = arith.constant 32 : i32
    %scan3A_9 = arith.addi %scan3A_7, %scan3A_8 : i32
    %scan3A_10 = arith.constant 1 : i32
    scf.for %scan3A_19 = %scan3A_7 to %scan3A_9 step %scan3A_10  : i32 {
      %mul3A_20 = arith.constant 128 : i32
      %mul3A_21 = arith.muli %scan3A_19, %mul3A_20 : i32
      %add3A_22 = arith.addi %mul3A_6, %mul3A_21 : i32
      "tpu.region"() ({
        %run_scoped3A = tpu.sem_alloc : memref<!tpu.dma_semaphore, #tpu.memory_space<semaphore_mem>>
        %dma_start3A = tpu.memref_slice %arg3[%add3A_22] : memref<65536xi32, #tpu.memory_space<hbm>> -> memref<128xi32, #tpu.memory_space<hbm>>
        %dma_start3A_25 = tpu.memref_slice %arg3[%add3A_22] : memref<65536xi32, #tpu.memory_space<hbm>> -> memref<128xi32, #tpu.memory_space<hbm>>
        tpu.enqueue_dma source(%dma_start3A_25 : memref<128xi32, #tpu.memory_space<hbm>>) target(%arg6 : memref<128xi32, #tpu.memory_space<vmem>>) target_semaphore(%run_scoped3A : memref<!tpu.dma_semaphore, #tpu.memory_space<semaphore_mem>>)
        %dma_wait3A = tpu.memref_slice %arg3[%add3A_22] : memref<65536xi32, #tpu.memory_space<hbm>> -> memref<128xi32, #tpu.memory_space<hbm>>
        %dma_wait3A_26 = tpu.memref_slice %arg3[%add3A_22] : memref<65536xi32, #tpu.memory_space<hbm>> -> memref<128xi32, #tpu.memory_space<hbm>>
        tpu.wait_dma2 semaphore(%run_scoped3A : memref<!tpu.dma_semaphore, #tpu.memory_space<semaphore_mem>>) src(%dma_wait3A_26 : memref<128xi32, #tpu.memory_space<hbm>>) dst(%arg6 : memref<128xi32, #tpu.memory_space<vmem>>)
        tpu.yield
      }) : () -> ()
      %mul3A_23 = arith.constant 64 : i32
      %mul3A_24 = arith.muli %arg0, %mul3A_23 : i32
      "tpu.region"() ({
        %run_scoped3A = tpu.sem_alloc : memref<!tpu.dma_semaphore, #tpu.memory_space<semaphore_mem>>
        %dma_start3A = tpu.memref_slice %arg2[%add3A_22, %mul3A_24] : memref<65536x128xf32, #tpu.memory_space<hbm>> -> memref<128x64xf32, #tpu.memory_space<hbm>>
        %dma_start3A_25 = tpu.memref_slice %arg2[%add3A_22, %mul3A_24] : memref<65536x128xf32, #tpu.memory_space<hbm>> -> memref<128x64xf32, #tpu.memory_space<hbm>>
        tpu.enqueue_dma source(%dma_start3A_25 : memref<128x64xf32, #tpu.memory_space<hbm>>) target(%arg7 : memref<128x64xf32, #tpu.memory_space<vmem>>) target_semaphore(%run_scoped3A : memref<!tpu.dma_semaphore, #tpu.memory_space<semaphore_mem>>)
        %dma_wait3A = tpu.memref_slice %arg2[%add3A_22, %mul3A_24] : memref<65536x128xf32, #tpu.memory_space<hbm>> -> memref<128x64xf32, #tpu.memory_space<hbm>>
        %dma_wait3A_26 = tpu.memref_slice %arg2[%add3A_22, %mul3A_24] : memref<65536x128xf32, #tpu.memory_space<hbm>> -> memref<128x64xf32, #tpu.memory_space<hbm>>
        tpu.wait_dma2 semaphore(%run_scoped3A : memref<!tpu.dma_semaphore, #tpu.memory_space<semaphore_mem>>) src(%dma_wait3A_26 : memref<128x64xf32, #tpu.memory_space<hbm>>) dst(%arg7 : memref<128x64xf32, #tpu.memory_space<vmem>>)
        tpu.yield
      }) : () -> ()
      "tpu.region"() ({
        %run_scoped3A = tpu.sem_alloc : memref<!tpu.dma_semaphore, #tpu.memory_space<semaphore_mem>>
        %dma_start3A = arith.constant 0 : i32
        %dma_start3A_25 = arith.constant 0 : i32
        %dma_start3A_26 = tpu.memref_slice %arg9[%dma_start3A, %dma_start3A_25] : memref<10112x64xf32, #tpu.memory_space<vmem_shared>> -> memref<10112x64xf32, #tpu.memory_space<vmem_shared>>
        tpu.enqueue_indirect_dma source(%arg7 : memref<128x64xf32, #tpu.memory_space<vmem>>) target(%dma_start3A_26 : memref<10112x64xf32, #tpu.memory_space<vmem_shared>>) offsets(%arg6 : memref<128xi32, #tpu.memory_space<vmem>>) semaphore(%run_scoped3A : memref<!tpu.dma_semaphore, #tpu.memory_space<semaphore_mem>>) {add = true}
        %dma_wait3A = arith.constant 0 : i32
        %dma_wait3A_27 = arith.constant 0 : i32
        %dma_wait3A_28 = tpu.memref_slice %arg9[%dma_wait3A, %dma_wait3A_27] : memref<10112x64xf32, #tpu.memory_space<vmem_shared>> -> memref<10112x64xf32, #tpu.memory_space<vmem_shared>>
        tpu.wait_indirect_dma semaphore(%run_scoped3A : memref<!tpu.dma_semaphore, #tpu.memory_space<semaphore_mem>>) src(%arg7 : memref<128x64xf32, #tpu.memory_space<vmem>>) dst(%dma_wait3A_28 : memref<10112x64xf32, #tpu.memory_space<vmem_shared>>)
        tpu.yield
      }) : () -> ()
    }
    %scan3A_11 = arith.constant 32 : i32
    %barrier3A_12 = arith.constant 0 : index
    tpu.barrier barrier_id(%barrier3A_12)
    %mul3A_13 = arith.constant 632 : i32
    %mul3A_14 = arith.muli %arg1, %mul3A_13 : i32
    "tpu.region"() ({
      %run_scoped3A = tpu.sem_alloc : memref<!tpu.dma_semaphore, #tpu.memory_space<semaphore_mem>>
      %dma_start3A = arith.constant 0 : i32
      %dma_start3A_19 = tpu.memref_slice %arg9[%mul3A_14, %dma_start3A] : memref<10112x64xf32, #tpu.memory_space<vmem_shared>> -> memref<632x64xf32, #tpu.memory_space<vmem_shared>>
      %dma_start3A_20 = arith.constant 0 : i32
      %dma_start3A_21 = tpu.memref_slice %arg9[%mul3A_14, %dma_start3A_20] : memref<10112x64xf32, #tpu.memory_space<vmem_shared>> -> memref<632x64xf32, #tpu.memory_space<vmem_shared>>
      tpu.enqueue_dma source(%dma_start3A_21 : memref<632x64xf32, #tpu.memory_space<vmem_shared>>) target(%arg8 : memref<632x64xf32, #tpu.memory_space<vmem>>) target_semaphore(%run_scoped3A : memref<!tpu.dma_semaphore, #tpu.memory_space<semaphore_mem>>)
      %dma_wait3A = arith.constant 0 : i32
      %dma_wait3A_22 = tpu.memref_slice %arg9[%mul3A_14, %dma_wait3A] : memref<10112x64xf32, #tpu.memory_space<vmem_shared>> -> memref<632x64xf32, #tpu.memory_space<vmem_shared>>
      %dma_wait3A_23 = arith.constant 0 : i32
      %dma_wait3A_24 = tpu.memref_slice %arg9[%mul3A_14, %dma_wait3A_23] : memref<10112x64xf32, #tpu.memory_space<vmem_shared>> -> memref<632x64xf32, #tpu.memory_space<vmem_shared>>
      tpu.wait_dma2 semaphore(%run_scoped3A : memref<!tpu.dma_semaphore, #tpu.memory_space<semaphore_mem>>) src(%dma_wait3A_24 : memref<632x64xf32, #tpu.memory_space<vmem_shared>>) dst(%arg8 : memref<632x64xf32, #tpu.memory_space<vmem>>)
      tpu.yield
    }) : () -> ()
    %mul3A_15 = arith.constant 10112 : i32
    %mul3A_16 = arith.muli %arg0, %mul3A_15 : i32
    %mul3A_17 = arith.constant 632 : i32
    %mul3A_18 = arith.muli %arg1, %mul3A_17 : i32
    %add3A = arith.addi %mul3A_16, %mul3A_18 : i32
    "tpu.region"() ({
      %run_scoped3A = tpu.sem_alloc : memref<!tpu.dma_semaphore, #tpu.memory_space<semaphore_mem>>
      %dma_start3A = arith.constant 0 : i32
      %dma_start3A_19 = tpu.memref_slice %arg5[%add3A, %dma_start3A] : memref<20224x64xf32, #tpu.memory_space<hbm>> -> memref<632x64xf32, #tpu.memory_space<hbm>>
      %dma_start3A_20 = arith.constant 0 : i32
      %dma_start3A_21 = tpu.memref_slice %arg5[%add3A, %dma_start3A_20] : memref<20224x64xf32, #tpu.memory_space<hbm>> -> memref<632x64xf32, #tpu.memory_space<hbm>>
      tpu.enqueue_dma source(%arg8 : memref<632x64xf32, #tpu.memory_space<vmem>>) target(%dma_start3A_21 : memref<632x64xf32, #tpu.memory_space<hbm>>) target_semaphore(%run_scoped3A : memref<!tpu.dma_semaphore, #tpu.memory_space<semaphore_mem>>)
      %dma_wait3A = arith.constant 0 : i32
      %dma_wait3A_22 = tpu.memref_slice %arg5[%add3A, %dma_wait3A] : memref<20224x64xf32, #tpu.memory_space<hbm>> -> memref<632x64xf32, #tpu.memory_space<hbm>>
      %dma_wait3A_23 = arith.constant 0 : i32
      %dma_wait3A_24 = tpu.memref_slice %arg5[%add3A, %dma_wait3A_23] : memref<20224x64xf32, #tpu.memory_space<hbm>> -> memref<632x64xf32, #tpu.memory_space<hbm>>
      tpu.wait_dma2 semaphore(%run_scoped3A : memref<!tpu.dma_semaphore, #tpu.memory_space<semaphore_mem>>) src(%arg8 : memref<632x64xf32, #tpu.memory_space<vmem>>) dst(%dma_wait3A_24 : memref<632x64xf32, #tpu.memory_space<hbm>>)
      tpu.yield
    }) : () -> ()
    return
  }
}

#map = affine_map<(d0, d1) -> (0, 0)>
#map1 = affine_map<(d0, d1) -> (0)>
module attributes {stable_mosaic.version = 14 : i64} {
  func.func @_scatter_body(%arg0: i32, %arg1: i32, %arg2: memref<65536x128xf32, #tpu.memory_space<hbm>>, %arg3: memref<65536xi32, #tpu.memory_space<hbm>>, %arg4: memref<10112x64xf32, #tpu.memory_space<hbm>>, %arg5: memref<20224x64xf32, #tpu.memory_space<hbm>>, %arg6: memref<128xi32, #tpu.memory_space<vmem>>, %arg7: memref<128x64xf32, #tpu.memory_space<vmem>>, %arg8: memref<632x64xf32, #tpu.memory_space<vmem>>, %arg9: memref<10112x64xf32, #tpu.memory_space<vmem_shared>>) attributes {dimension_semantics = [#tpu.dimension_semantics<core_parallel>, #tpu.dimension_semantics<subcore_parallel>], iteration_bounds = array<i64: 2, 16>, scalar_prefetch = 0 : i64, scratch_operands = 4 : i64, tpu.core_type = #tpu.core_type<sc_vector_subcore>, window_params = [{transform_indices = #map}, {transform_indices = #map1}, {transform_indices = #map}, {transform_indices = #map}]} {
    %mul3A = arith.constant 632 : i32
    %mul3A_0 = arith.muli %arg1, %mul3A : i32
    "tpu.region"() ({
      %run_scoped3A = tpu.sem_alloc : memref<!tpu.dma_semaphore, #tpu.memory_space<semaphore_mem>>
      %dma_start3A = arith.constant 0 : i32
      %dma_start3A_19 = tpu.memref_slice %arg4[%mul3A_0, %dma_start3A] : memref<10112x64xf32, #tpu.memory_space<hbm>> -> memref<632x64xf32, #tpu.memory_space<hbm>>
      %dma_start3A_20 = arith.constant 0 : i32
      %dma_start3A_21 = tpu.memref_slice %arg4[%mul3A_0, %dma_start3A_20] : memref<10112x64xf32, #tpu.memory_space<hbm>> -> memref<632x64xf32, #tpu.memory_space<hbm>>
      tpu.enqueue_dma source(%dma_start3A_21 : memref<632x64xf32, #tpu.memory_space<hbm>>) target(%arg8 : memref<632x64xf32, #tpu.memory_space<vmem>>) target_semaphore(%run_scoped3A : memref<!tpu.dma_semaphore, #tpu.memory_space<semaphore_mem>>)
      %dma_wait3A = arith.constant 0 : i32
      %dma_wait3A_22 = tpu.memref_slice %arg4[%mul3A_0, %dma_wait3A] : memref<10112x64xf32, #tpu.memory_space<hbm>> -> memref<632x64xf32, #tpu.memory_space<hbm>>
      %dma_wait3A_23 = arith.constant 0 : i32
      %dma_wait3A_24 = tpu.memref_slice %arg4[%mul3A_0, %dma_wait3A_23] : memref<10112x64xf32, #tpu.memory_space<hbm>> -> memref<632x64xf32, #tpu.memory_space<hbm>>
      tpu.wait_dma2 semaphore(%run_scoped3A : memref<!tpu.dma_semaphore, #tpu.memory_space<semaphore_mem>>) src(%dma_wait3A_24 : memref<632x64xf32, #tpu.memory_space<hbm>>) dst(%arg8 : memref<632x64xf32, #tpu.memory_space<vmem>>)
      tpu.yield
    }) : () -> ()
    %mul3A_1 = arith.constant 632 : i32
    %mul3A_2 = arith.muli %arg1, %mul3A_1 : i32
    "tpu.region"() ({
      %run_scoped3A = tpu.sem_alloc : memref<!tpu.dma_semaphore, #tpu.memory_space<semaphore_mem>>
      %dma_start3A = arith.constant 0 : i32
      %dma_start3A_19 = tpu.memref_slice %arg9[%mul3A_2, %dma_start3A] : memref<10112x64xf32, #tpu.memory_space<vmem_shared>> -> memref<632x64xf32, #tpu.memory_space<vmem_shared>>
      %dma_start3A_20 = arith.constant 0 : i32
      %dma_start3A_21 = tpu.memref_slice %arg9[%mul3A_2, %dma_start3A_20] : memref<10112x64xf32, #tpu.memory_space<vmem_shared>> -> memref<632x64xf32, #tpu.memory_space<vmem_shared>>
      tpu.enqueue_dma source(%arg8 : memref<632x64xf32, #tpu.memory_space<vmem>>) target(%dma_start3A_21 : memref<632x64xf32, #tpu.memory_space<vmem_shared>>) target_semaphore(%run_scoped3A : memref<!tpu.dma_semaphore, #tpu.memory_space<semaphore_mem>>)
      %dma_wait3A = arith.constant 0 : i32
      %dma_wait3A_22 = tpu.memref_slice %arg9[%mul3A_2, %dma_wait3A] : memref<10112x64xf32, #tpu.memory_space<vmem_shared>> -> memref<632x64xf32, #tpu.memory_space<vmem_shared>>
      %dma_wait3A_23 = arith.constant 0 : i32
      %dma_wait3A_24 = tpu.memref_slice %arg9[%mul3A_2, %dma_wait3A_23] : memref<10112x64xf32, #tpu.memory_space<vmem_shared>> -> memref<632x64xf32, #tpu.memory_space<vmem_shared>>
      tpu.wait_dma2 semaphore(%run_scoped3A : memref<!tpu.dma_semaphore, #tpu.memory_space<semaphore_mem>>) src(%arg8 : memref<632x64xf32, #tpu.memory_space<vmem>>) dst(%dma_wait3A_24 : memref<632x64xf32, #tpu.memory_space<vmem_shared>>)
      tpu.yield
    }) : () -> ()
    %barrier3A = arith.constant 0 : index
    tpu.barrier barrier_id(%barrier3A)
    %mul3A_3 = arith.constant 32 : i32
    %mul3A_4 = arith.muli %arg1, %mul3A_3 : i32
    %mul3A_5 = arith.constant 128 : i32
    %mul3A_6 = arith.muli %mul3A_4, %mul3A_5 : i32
    %scan3A = arith.constant 0 : i32
    %scan3A_7 = arith.constant 0 : i32
    %scan3A_8 = arith.constant 32 : i32
    %scan3A_9 = arith.addi %scan3A_7, %scan3A_8 : i32
    %scan3A_10 = arith.constant 1 : i32
    scf.for %scan3A_19 = %scan3A_7 to %scan3A_9 step %scan3A_10  : i32 {
      %mul3A_20 = arith.constant 128 : i32
      %mul3A_21 = arith.muli %scan3A_19, %mul3A_20 : i32
      %add3A_22 = arith.addi %mul3A_6, %mul3A_21 : i32
      "tpu.region"() ({
        %run_scoped3A = tpu.sem_alloc : memref<!tpu.dma_semaphore, #tpu.memory_space<semaphore_mem>>
        %dma_start3A = tpu.memref_slice %arg3[%add3A_22] : memref<65536xi32, #tpu.memory_space<hbm>> -> memref<128xi32, #tpu.memory_space<hbm>>
        %dma_start3A_25 = tpu.memref_slice %arg3[%add3A_22] : memref<65536xi32, #tpu.memory_space<hbm>> -> memref<128xi32, #tpu.memory_space<hbm>>
        tpu.enqueue_dma source(%dma_start3A_25 : memref<128xi32, #tpu.memory_space<hbm>>) target(%arg6 : memref<128xi32, #tpu.memory_space<vmem>>) target_semaphore(%run_scoped3A : memref<!tpu.dma_semaphore, #tpu.memory_space<semaphore_mem>>)
        %dma_wait3A = tpu.memref_slice %arg3[%add3A_22] : memref<65536xi32, #tpu.memory_space<hbm>> -> memref<128xi32, #tpu.memory_space<hbm>>
        %dma_wait3A_26 = tpu.memref_slice %arg3[%add3A_22] : memref<65536xi32, #tpu.memory_space<hbm>> -> memref<128xi32, #tpu.memory_space<hbm>>
        tpu.wait_dma2 semaphore(%run_scoped3A : memref<!tpu.dma_semaphore, #tpu.memory_space<semaphore_mem>>) src(%dma_wait3A_26 : memref<128xi32, #tpu.memory_space<hbm>>) dst(%arg6 : memref<128xi32, #tpu.memory_space<vmem>>)
        tpu.yield
      }) : () -> ()
      %mul3A_23 = arith.constant 64 : i32
      %mul3A_24 = arith.muli %arg0, %mul3A_23 : i32
      "tpu.region"() ({
        %run_scoped3A = tpu.sem_alloc : memref<!tpu.dma_semaphore, #tpu.memory_space<semaphore_mem>>
        %dma_start3A = tpu.memref_slice %arg2[%add3A_22, %mul3A_24] : memref<65536x128xf32, #tpu.memory_space<hbm>> -> memref<128x64xf32, #tpu.memory_space<hbm>>
        %dma_start3A_25 = tpu.memref_slice %arg2[%add3A_22, %mul3A_24] : memref<65536x128xf32, #tpu.memory_space<hbm>> -> memref<128x64xf32, #tpu.memory_space<hbm>>
        tpu.enqueue_dma source(%dma_start3A_25 : memref<128x64xf32, #tpu.memory_space<hbm>>) target(%arg7 : memref<128x64xf32, #tpu.memory_space<vmem>>) target_semaphore(%run_scoped3A : memref<!tpu.dma_semaphore, #tpu.memory_space<semaphore_mem>>)
        %dma_wait3A = tpu.memref_slice %arg2[%add3A_22, %mul3A_24] : memref<65536x128xf32, #tpu.memory_space<hbm>> -> memref<128x64xf32, #tpu.memory_space<hbm>>
        %dma_wait3A_26 = tpu.memref_slice %arg2[%add3A_22, %mul3A_24] : memref<65536x128xf32, #tpu.memory_space<hbm>> -> memref<128x64xf32, #tpu.memory_space<hbm>>
        tpu.wait_dma2 semaphore(%run_scoped3A : memref<!tpu.dma_semaphore, #tpu.memory_space<semaphore_mem>>) src(%dma_wait3A_26 : memref<128x64xf32, #tpu.memory_space<hbm>>) dst(%arg7 : memref<128x64xf32, #tpu.memory_space<vmem>>)
        tpu.yield
      }) : () -> ()
      "tpu.region"() ({
        %run_scoped3A = tpu.sem_alloc : memref<!tpu.dma_semaphore, #tpu.memory_space<semaphore_mem>>
        %dma_start3A = arith.constant 0 : i32
        %dma_start3A_25 = arith.constant 0 : i32
        %dma_start3A_26 = tpu.memref_slice %arg9[%dma_start3A, %dma_start3A_25] : memref<10112x64xf32, #tpu.memory_space<vmem_shared>> -> memref<10112x64xf32, #tpu.memory_space<vmem_shared>>
        tpu.enqueue_indirect_dma source(%arg7 : memref<128x64xf32, #tpu.memory_space<vmem>>) target(%dma_start3A_26 : memref<10112x64xf32, #tpu.memory_space<vmem_shared>>) offsets(%arg6 : memref<128xi32, #tpu.memory_space<vmem>>) semaphore(%run_scoped3A : memref<!tpu.dma_semaphore, #tpu.memory_space<semaphore_mem>>) {add = true}
        %dma_wait3A = arith.constant 0 : i32
        %dma_wait3A_27 = arith.constant 0 : i32
        %dma_wait3A_28 = tpu.memref_slice %arg9[%dma_wait3A, %dma_wait3A_27] : memref<10112x64xf32, #tpu.memory_space<vmem_shared>> -> memref<10112x64xf32, #tpu.memory_space<vmem_shared>>
        tpu.wait_indirect_dma semaphore(%run_scoped3A : memref<!tpu.dma_semaphore, #tpu.memory_space<semaphore_mem>>) src(%arg7 : memref<128x64xf32, #tpu.memory_space<vmem>>) dst(%dma_wait3A_28 : memref<10112x64xf32, #tpu.memory_space<vmem_shared>>)
        tpu.yield
      }) : () -> ()
    }
    %scan3A_11 = arith.constant 32 : i32
    %barrier3A_12 = arith.constant 0 : index
    tpu.barrier barrier_id(%barrier3A_12)
    %mul3A_13 = arith.constant 632 : i32
    %mul3A_14 = arith.muli %arg1, %mul3A_13 : i32
    "tpu.region"() ({
      %run_scoped3A = tpu.sem_alloc : memref<!tpu.dma_semaphore, #tpu.memory_space<semaphore_mem>>
      %dma_start3A = arith.constant 0 : i32
      %dma_start3A_19 = tpu.memref_slice %arg9[%mul3A_14, %dma_start3A] : memref<10112x64xf32, #tpu.memory_space<vmem_shared>> -> memref<632x64xf32, #tpu.memory_space<vmem_shared>>
      %dma_start3A_20 = arith.constant 0 : i32
      %dma_start3A_21 = tpu.memref_slice %arg9[%mul3A_14, %dma_start3A_20] : memref<10112x64xf32, #tpu.memory_space<vmem_shared>> -> memref<632x64xf32, #tpu.memory_space<vmem_shared>>
      tpu.enqueue_dma source(%dma_start3A_21 : memref<632x64xf32, #tpu.memory_space<vmem_shared>>) target(%arg8 : memref<632x64xf32, #tpu.memory_space<vmem>>) target_semaphore(%run_scoped3A : memref<!tpu.dma_semaphore, #tpu.memory_space<semaphore_mem>>)
      %dma_wait3A = arith.constant 0 : i32
      %dma_wait3A_22 = tpu.memref_slice %arg9[%mul3A_14, %dma_wait3A] : memref<10112x64xf32, #tpu.memory_space<vmem_shared>> -> memref<632x64xf32, #tpu.memory_space<vmem_shared>>
      %dma_wait3A_23 = arith.constant 0 : i32
      %dma_wait3A_24 = tpu.memref_slice %arg9[%mul3A_14, %dma_wait3A_23] : memref<10112x64xf32, #tpu.memory_space<vmem_shared>> -> memref<632x64xf32, #tpu.memory_space<vmem_shared>>
      tpu.wait_dma2 semaphore(%run_scoped3A : memref<!tpu.dma_semaphore, #tpu.memory_space<semaphore_mem>>) src(%dma_wait3A_24 : memref<632x64xf32, #tpu.memory_space<vmem_shared>>) dst(%arg8 : memref<632x64xf32, #tpu.memory_space<vmem>>)
      tpu.yield
    }) : () -> ()
    %mul3A_15 = arith.constant 10112 : i32
    %mul3A_16 = arith.muli %arg0, %mul3A_15 : i32
    %mul3A_17 = arith.constant 632 : i32
    %mul3A_18 = arith.muli %arg1, %mul3A_17 : i32
    %add3A = arith.addi %mul3A_16, %mul3A_18 : i32
    "tpu.region"() ({
      %run_scoped3A = tpu.sem_alloc : memref<!tpu.dma_semaphore, #tpu.memory_space<semaphore_mem>>
      %dma_start3A = arith.constant 0 : i32
      %dma_start3A_19 = tpu.memref_slice %arg5[%add3A, %dma_start3A] : memref<20224x64xf32, #tpu.memory_space<hbm>> -> memref<632x64xf32, #tpu.memory_space<hbm>>
      %dma_start3A_20 = arith.constant 0 : i32
      %dma_start3A_21 = tpu.memref_slice %arg5[%add3A, %dma_start3A_20] : memref<20224x64xf32, #tpu.memory_space<hbm>> -> memref<632x64xf32, #tpu.memory_space<hbm>>
      tpu.enqueue_dma source(%arg8 : memref<632x64xf32, #tpu.memory_space<vmem>>) target(%dma_start3A_21 : memref<632x64xf32, #tpu.memory_space<hbm>>) target_semaphore(%run_scoped3A : memref<!tpu.dma_semaphore, #tpu.memory_space<semaphore_mem>>)
      %dma_wait3A = arith.constant 0 : i32
      %dma_wait3A_22 = tpu.memref_slice %arg5[%add3A, %dma_wait3A] : memref<20224x64xf32, #tpu.memory_space<hbm>> -> memref<632x64xf32, #tpu.memory_space<hbm>>
      %dma_wait3A_23 = arith.constant 0 : i32
      %dma_wait3A_24 = tpu.memref_slice %arg5[%add3A, %dma_wait3A_23] : memref<20224x64xf32, #tpu.memory_space<hbm>> -> memref<632x64xf32, #tpu.memory_space<hbm>>
      tpu.wait_dma2 semaphore(%run_scoped3A : memref<!tpu.dma_semaphore, #tpu.memory_space<semaphore_mem>>) src(%arg8 : memref<632x64xf32, #tpu.memory_space<vmem>>) dst(%dma_wait3A_24 : memref<632x64xf32, #tpu.memory_space<hbm>>)
      tpu.yield
    }) : () -> ()
    return
  }
}

module attributes {stable_mosaic.version = 14 : i64} {
  func.func @_node_body(%arg0: i32, %arg1: memref<1000x128xf32, #tpu.memory_space<vmem>>, %arg2: memref<128x128xf32, #tpu.memory_space<vmem>>, %arg3: memref<1x128xf32, #tpu.memory_space<vmem>>, %arg4: memref<256x64xf32, #tpu.memory_space<vmem>>, %arg5: memref<1x64xf32, #tpu.memory_space<vmem>>, %arg6: memref<1000x64xf32, #tpu.memory_space<vmem>>, %arg7: memref<1000x64xf32, #tpu.memory_space<vmem>>) attributes {dimension_semantics = [#tpu.dimension_semantics<arbitrary>], iteration_bounds = array<i64: 10>, scalar_prefetch = 0 : i64, scratch_operands = 0 : i64, tpu.core_type = #tpu.core_type<tc>, window_params = [{transform_indices = @transform_0, window_bounds = array<i64: 1000, 128>}, {pipeline_mode = #tpu.pipeline_mode<synchronous>, transform_indices = @transform_1, window_bounds = array<i64: 128, 128>}, {pipeline_mode = #tpu.pipeline_mode<synchronous>, transform_indices = @transform_2, window_bounds = array<i64: 1, 128>}, {pipeline_mode = #tpu.pipeline_mode<synchronous>, transform_indices = @transform_3, window_bounds = array<i64: 256, 64>}, {pipeline_mode = #tpu.pipeline_mode<synchronous>, transform_indices = @transform_4, window_bounds = array<i64: 1, 64>}, {transform_indices = @transform_5, window_bounds = array<i64: 1000, 64>}, {transform_indices = @transform_6, window_bounds = array<i64: 1000, 64>}]} {
    %get3A = arith.constant 0 : index
    %get3A_0 = arith.constant 0 : index
    %get3A_1 = vector.load %arg1[%get3A, %get3A_0] : memref<1000x128xf32, #tpu.memory_space<vmem>>, vector<1000x128xf32>
    %get3A_2 = arith.constant 0 : index
    %get3A_3 = arith.constant 0 : index
    %get3A_4 = vector.load %arg2[%get3A_2, %get3A_3] : memref<128x128xf32, #tpu.memory_space<vmem>>, vector<128x128xf32>
    %dot_general3A = arith.constant dense<0.000000e+00> : vector<1000x128xf32>
    %dot_general3A_5 = tpu.matmul %get3A_1, %get3A_4, %dot_general3A {dimension_numbers = #tpu.dot_dimension_numbers<[1], [0], [0], [1], [0, 0, 1, 1], [], []>, transpose_lhs_hint = false} : vector<1000x128xf32>, vector<128x128xf32>, vector<1000x128xf32> -> vector<1000x128xf32>
    %get3A_6 = arith.constant 0 : index
    %get3A_7 = arith.constant 0 : index
    %get3A_8 = vector.load %arg3[%get3A_6, %get3A_7] : memref<1x128xf32, #tpu.memory_space<vmem>>, vector<1x128xf32>
    %add3A = vector.broadcast %get3A_8 : vector<1x128xf32> to vector<1000x128xf32>
    %add3A_9 = arith.addf %dot_general3A_5, %add3A : vector<1000x128xf32>
    %tanh3A = math.tanh %add3A_9 : vector<1000x128xf32>
    %get3A_10 = arith.constant 0 : index
    %get3A_11 = arith.constant 0 : index
    %get3A_12 = vector.load %arg4[%get3A_10, %get3A_11] : memref<256x64xf32, #tpu.memory_space<vmem>>, vector<128x64xf32>
    %dot_general3A_13 = arith.constant dense<0.000000e+00> : vector<1000x64xf32>
    %dot_general3A_14 = tpu.matmul %tanh3A, %get3A_12, %dot_general3A_13 {dimension_numbers = #tpu.dot_dimension_numbers<[1], [0], [0], [1], [0, 0, 1, 1], [], []>, transpose_lhs_hint = false} : vector<1000x128xf32>, vector<128x64xf32>, vector<1000x64xf32> -> vector<1000x64xf32>
    %get3A_15 = arith.constant 0 : index
    %get3A_16 = arith.constant 0 : index
    %get3A_17 = vector.load %arg5[%get3A_15, %get3A_16] : memref<1x64xf32, #tpu.memory_space<vmem>>, vector<1x64xf32>
    %add3A_18 = vector.broadcast %get3A_17 : vector<1x64xf32> to vector<1000x64xf32>
    %add3A_19 = arith.addf %dot_general3A_14, %add3A_18 : vector<1000x64xf32>
    %swap3A = arith.constant 0 : index
    %swap3A_20 = arith.constant 0 : index
    %swap3A_21 = vector.load %arg6[%swap3A, %swap3A_20] : memref<1000x64xf32, #tpu.memory_space<vmem>>, vector<1000x64xf32>
    tpu.vector_store %arg6[%swap3A, %swap3A_20], %add3A_19 {strides = array<i32>} : memref<1000x64xf32, #tpu.memory_space<vmem>>, vector<1000x64xf32>,
    %get3A_22 = arith.constant 128 : index
    %get3A_23 = arith.constant 0 : index
    %get3A_24 = vector.load %arg4[%get3A_22, %get3A_23] : memref<256x64xf32, #tpu.memory_space<vmem>>, vector<128x64xf32>
    %dot_general3A_25 = arith.constant dense<0.000000e+00> : vector<1000x64xf32>
    %dot_general3A_26 = tpu.matmul %tanh3A, %get3A_24, %dot_general3A_25 {dimension_numbers = #tpu.dot_dimension_numbers<[1], [0], [0], [1], [0, 0, 1, 1], [], []>, transpose_lhs_hint = false} : vector<1000x128xf32>, vector<128x64xf32>, vector<1000x64xf32> -> vector<1000x64xf32>
    %swap3A_27 = arith.constant 0 : index
    %swap3A_28 = arith.constant 0 : index
    %swap3A_29 = vector.load %arg7[%swap3A_27, %swap3A_28] : memref<1000x64xf32, #tpu.memory_space<vmem>>, vector<1000x64xf32>
    tpu.vector_store %arg7[%swap3A_27, %swap3A_28], %dot_general3A_26 {strides = array<i32>} : memref<1000x64xf32, #tpu.memory_space<vmem>>, vector<1000x64xf32>,
    return
  }
  func.func @transform_0(%arg0: i32) -> (i32, i32) {
    %c0_i32 = arith.constant 0 : i32
    %c0_i32_0 = arith.constant 0 : i32
    return %arg0, %c0_i32 : i32, i32
  }
  func.func @transform_1(%arg0: i32) -> (i32, i32) {
    %c0_i32 = arith.constant 0 : i32
    %c0_i32_0 = arith.constant 0 : i32
    %c0_i32_1 = arith.constant 0 : i32
    return %c0_i32, %c0_i32_0 : i32, i32
  }
  func.func @transform_2(%arg0: i32) -> (i32, i32) {
    %c0_i32 = arith.constant 0 : i32
    %c0_i32_0 = arith.constant 0 : i32
    %c0_i32_1 = arith.constant 0 : i32
    return %c0_i32, %c0_i32_0 : i32, i32
  }
  func.func @transform_3(%arg0: i32) -> (i32, i32) {
    %c0_i32 = arith.constant 0 : i32
    %c0_i32_0 = arith.constant 0 : i32
    %c0_i32_1 = arith.constant 0 : i32
    return %c0_i32, %c0_i32_0 : i32, i32
  }
  func.func @transform_4(%arg0: i32) -> (i32, i32) {
    %c0_i32 = arith.constant 0 : i32
    %c0_i32_0 = arith.constant 0 : i32
    %c0_i32_1 = arith.constant 0 : i32
    return %c0_i32, %c0_i32_0 : i32, i32
  }
  func.func @transform_5(%arg0: i32) -> (i32, i32) {
    %c0_i32 = arith.constant 0 : i32
    %c0_i32_0 = arith.constant 0 : i32
    return %arg0, %c0_i32 : i32, i32
  }
  func.func @transform_6(%arg0: i32) -> (i32, i32) {
    %c0_i32 = arith.constant 0 : i32
    %c0_i32_0 = arith.constant 0 : i32
    return %arg0, %c0_i32 : i32, i32
  }
}

module attributes {stable_mosaic.version = 14 : i64} {
  func.func @_edge_body(%arg0: i32, %arg1: memref<512x64xf32, #tpu.memory_space<vmem>>, %arg2: memref<512x10xf32, #tpu.memory_space<vmem>>, %arg3: memref<64x640xf32, #tpu.memory_space<vmem>>, %arg4: memref<64x128xf32, #tpu.memory_space<vmem>>, %arg5: memref<1x128xf32, #tpu.memory_space<vmem>>, %arg6: memref<512x128xf32, #tpu.memory_space<vmem>>) attributes {dimension_semantics = [#tpu.dimension_semantics<arbitrary>], iteration_bounds = array<i64: 128>, scalar_prefetch = 0 : i64, scratch_operands = 0 : i64, tpu.core_type = #tpu.core_type<tc>, window_params = [{transform_indices = @transform_0, window_bounds = array<i64: 512, 64>}, {transform_indices = @transform_1, window_bounds = array<i64: 512, 10>}, {pipeline_mode = #tpu.pipeline_mode<synchronous>, transform_indices = @transform_2, window_bounds = array<i64: 64, 640>}, {pipeline_mode = #tpu.pipeline_mode<synchronous>, transform_indices = @transform_3, window_bounds = array<i64: 64, 128>}, {pipeline_mode = #tpu.pipeline_mode<synchronous>, transform_indices = @transform_4, window_bounds = array<i64: 1, 128>}, {transform_indices = @transform_5, window_bounds = array<i64: 512, 128>}]} {
    %get3A = arith.constant 0 : index
    %get3A_0 = arith.constant 0 : index
    %get3A_1 = vector.load %arg1[%get3A, %get3A_0] : memref<512x64xf32, #tpu.memory_space<vmem>>, vector<512x64xf32>
    %get3A_2 = arith.constant 0 : index
    %get3A_3 = arith.constant 0 : index
    %get3A_4 = vector.load %arg3[%get3A_2, %get3A_3] : memref<64x640xf32, #tpu.memory_space<vmem>>, vector<64x640xf32>
    %dot_general3A = arith.constant dense<0.000000e+00> : vector<512x640xf32>
    %dot_general3A_5 = tpu.matmul %get3A_1, %get3A_4, %dot_general3A {dimension_numbers = #tpu.dot_dimension_numbers<[1], [0], [0], [1], [0, 0, 1, 1], [], []>, transpose_lhs_hint = false} : vector<512x64xf32>, vector<64x640xf32>, vector<512x640xf32> -> vector<512x640xf32>
    %slice3A = vector.extract_strided_slice %dot_general3A_5 {offsets = [0, 0], sizes = [512, 64], strides = [1, 1]} : vector<512x640xf32> to vector<512x64xf32>
    %get3A_6 = arith.constant 0 : index
    %get3A_7 = arith.constant 0 : index
    %get3A_8 = vector.load %arg2[%get3A_6, %get3A_7] : memref<512x10xf32, #tpu.memory_space<vmem>>, vector<512x1xf32>
    %mul3A = vector.broadcast %get3A_8 : vector<512x1xf32> to vector<512x64xf32>
    %mul3A_9 = arith.mulf %slice3A, %mul3A : vector<512x64xf32>
    %slice3A_10 = vector.extract_strided_slice %dot_general3A_5 {offsets = [0, 64], sizes = [512, 64], strides = [1, 1]} : vector<512x640xf32> to vector<512x64xf32>
    %get3A_11 = arith.constant 0 : index
    %get3A_12 = arith.constant 1 : index
    %get3A_13 = vector.load %arg2[%get3A_11, %get3A_12] : memref<512x10xf32, #tpu.memory_space<vmem>>, vector<512x1xf32>
    %mul3A_14 = vector.broadcast %get3A_13 : vector<512x1xf32> to vector<512x64xf32>
    %mul3A_15 = arith.mulf %slice3A_10, %mul3A_14 : vector<512x64xf32>
    %add3A = arith.addf %mul3A_9, %mul3A_15 : vector<512x64xf32>
    %slice3A_16 = vector.extract_strided_slice %dot_general3A_5 {offsets = [0, 128], sizes = [512, 64], strides = [1, 1]} : vector<512x640xf32> to vector<512x64xf32>
    %get3A_17 = arith.constant 0 : index
    %get3A_18 = arith.constant 2 : index
    %get3A_19 = vector.load %arg2[%get3A_17, %get3A_18] : memref<512x10xf32, #tpu.memory_space<vmem>>, vector<512x1xf32>
    %mul3A_20 = vector.broadcast %get3A_19 : vector<512x1xf32> to vector<512x64xf32>
    %mul3A_21 = arith.mulf %slice3A_16, %mul3A_20 : vector<512x64xf32>
    %add3A_22 = arith.addf %add3A, %mul3A_21 : vector<512x64xf32>
    %slice3A_23 = vector.extract_strided_slice %dot_general3A_5 {offsets = [0, 192], sizes = [512, 64], strides = [1, 1]} : vector<512x640xf32> to vector<512x64xf32>
    %get3A_24 = arith.constant 0 : index
    %get3A_25 = arith.constant 3 : index
    %get3A_26 = vector.load %arg2[%get3A_24, %get3A_25] : memref<512x10xf32, #tpu.memory_space<vmem>>, vector<512x1xf32>
    %mul3A_27 = vector.broadcast %get3A_26 : vector<512x1xf32> to vector<512x64xf32>
    %mul3A_28 = arith.mulf %slice3A_23, %mul3A_27 : vector<512x64xf32>
    %add3A_29 = arith.addf %add3A_22, %mul3A_28 : vector<512x64xf32>
    %slice3A_30 = vector.extract_strided_slice %dot_general3A_5 {offsets = [0, 256], sizes = [512, 64], strides = [1, 1]} : vector<512x640xf32> to vector<512x64xf32>
    %get3A_31 = arith.constant 0 : index
    %get3A_32 = arith.constant 4 : index
    %get3A_33 = vector.load %arg2[%get3A_31, %get3A_32] : memref<512x10xf32, #tpu.memory_space<vmem>>, vector<512x1xf32>
    %mul3A_34 = vector.broadcast %get3A_33 : vector<512x1xf32> to vector<512x64xf32>
    %mul3A_35 = arith.mulf %slice3A_30, %mul3A_34 : vector<512x64xf32>
    %add3A_36 = arith.addf %add3A_29, %mul3A_35 : vector<512x64xf32>
    %slice3A_37 = vector.extract_strided_slice %dot_general3A_5 {offsets = [0, 320], sizes = [512, 64], strides = [1, 1]} : vector<512x640xf32> to vector<512x64xf32>
    %get3A_38 = arith.constant 0 : index
    %get3A_39 = arith.constant 5 : index
    %get3A_40 = vector.load %arg2[%get3A_38, %get3A_39] : memref<512x10xf32, #tpu.memory_space<vmem>>, vector<512x1xf32>
    %mul3A_41 = vector.broadcast %get3A_40 : vector<512x1xf32> to vector<512x64xf32>
    %mul3A_42 = arith.mulf %slice3A_37, %mul3A_41 : vector<512x64xf32>
    %add3A_43 = arith.addf %add3A_36, %mul3A_42 : vector<512x64xf32>
    %slice3A_44 = vector.extract_strided_slice %dot_general3A_5 {offsets = [0, 384], sizes = [512, 64], strides = [1, 1]} : vector<512x640xf32> to vector<512x64xf32>
    %get3A_45 = arith.constant 0 : index
    %get3A_46 = arith.constant 6 : index
    %get3A_47 = vector.load %arg2[%get3A_45, %get3A_46] : memref<512x10xf32, #tpu.memory_space<vmem>>, vector<512x1xf32>
    %mul3A_48 = vector.broadcast %get3A_47 : vector<512x1xf32> to vector<512x64xf32>
    %mul3A_49 = arith.mulf %slice3A_44, %mul3A_48 : vector<512x64xf32>
    %add3A_50 = arith.addf %add3A_43, %mul3A_49 : vector<512x64xf32>
    %slice3A_51 = vector.extract_strided_slice %dot_general3A_5 {offsets = [0, 448], sizes = [512, 64], strides = [1, 1]} : vector<512x640xf32> to vector<512x64xf32>
    %get3A_52 = arith.constant 0 : index
    %get3A_53 = arith.constant 7 : index
    %get3A_54 = vector.load %arg2[%get3A_52, %get3A_53] : memref<512x10xf32, #tpu.memory_space<vmem>>, vector<512x1xf32>
    %mul3A_55 = vector.broadcast %get3A_54 : vector<512x1xf32> to vector<512x64xf32>
    %mul3A_56 = arith.mulf %slice3A_51, %mul3A_55 : vector<512x64xf32>
    %add3A_57 = arith.addf %add3A_50, %mul3A_56 : vector<512x64xf32>
    %slice3A_58 = vector.extract_strided_slice %dot_general3A_5 {offsets = [0, 512], sizes = [512, 64], strides = [1, 1]} : vector<512x640xf32> to vector<512x64xf32>
    %get3A_59 = arith.constant 0 : index
    %get3A_60 = arith.constant 8 : index
    %get3A_61 = vector.load %arg2[%get3A_59, %get3A_60] : memref<512x10xf32, #tpu.memory_space<vmem>>, vector<512x1xf32>
    %mul3A_62 = vector.broadcast %get3A_61 : vector<512x1xf32> to vector<512x64xf32>
    %mul3A_63 = arith.mulf %slice3A_58, %mul3A_62 : vector<512x64xf32>
    %add3A_64 = arith.addf %add3A_57, %mul3A_63 : vector<512x64xf32>
    %slice3A_65 = vector.extract_strided_slice %dot_general3A_5 {offsets = [0, 576], sizes = [512, 64], strides = [1, 1]} : vector<512x640xf32> to vector<512x64xf32>
    %get3A_66 = arith.constant 0 : index
    %get3A_67 = arith.constant 9 : index
    %get3A_68 = vector.load %arg2[%get3A_66, %get3A_67] : memref<512x10xf32, #tpu.memory_space<vmem>>, vector<512x1xf32>
    %mul3A_69 = vector.broadcast %get3A_68 : vector<512x1xf32> to vector<512x64xf32>
    %mul3A_70 = arith.mulf %slice3A_65, %mul3A_69 : vector<512x64xf32>
    %add3A_71 = arith.addf %add3A_64, %mul3A_70 : vector<512x64xf32>
    %get3A_72 = arith.constant 0 : index
    %get3A_73 = arith.constant 0 : index
    %get3A_74 = vector.load %arg4[%get3A_72, %get3A_73] : memref<64x128xf32, #tpu.memory_space<vmem>>, vector<64x128xf32>
    %dot_general3A_75 = arith.constant dense<0.000000e+00> : vector<512x128xf32>
    %dot_general3A_76 = tpu.matmul %add3A_71, %get3A_74, %dot_general3A_75 {dimension_numbers = #tpu.dot_dimension_numbers<[1], [0], [0], [1], [0, 0, 1, 1], [], []>, transpose_lhs_hint = false} : vector<512x64xf32>, vector<64x128xf32>, vector<512x128xf32> -> vector<512x128xf32>
    %get3A_77 = arith.constant 0 : index
    %get3A_78 = arith.constant 0 : index
    %get3A_79 = vector.load %arg5[%get3A_77, %get3A_78] : memref<1x128xf32, #tpu.memory_space<vmem>>, vector<1x128xf32>
    %add3A_80 = vector.broadcast %get3A_79 : vector<1x128xf32> to vector<512x128xf32>
    %add3A_81 = arith.addf %dot_general3A_76, %add3A_80 : vector<512x128xf32>
    %tanh3A = math.tanh %add3A_81 : vector<512x128xf32>
    %mul3A_82 = arith.constant 512 : i32
    %mul3A_83 = arith.muli %arg0, %mul3A_82 : i32
    %iota3A = tpu.iota {dimensions = array<i32: 0>} : vector<512x128xi32>
    %add3A_84 = vector.broadcast %mul3A_83 : i32 to vector<512x128xi32>
    %add3A_85 = arith.addi %add3A_84, %iota3A : vector<512x128xi32>
    %lt3A = arith.constant 188928 : i32
    %lt3A_86 = vector.broadcast %lt3A : i32 to vector<512x128xi32>
    %lt3A_87 = arith.cmpi slt, %add3A_85, %lt3A_86 : vector<512x128xi32>
    %jit3A = arith.constant 0.000000e+00 : f32
    %broadcast_in_dim3A = vector.broadcast %jit3A : f32 to vector<512x128xf32>
    %select_n3A = arith.select %lt3A_87, %tanh3A, %broadcast_in_dim3A : vector<512x128xi1>, vector<512x128xf32>
    %swap3A = arith.constant 0 : index
    %swap3A_88 = arith.constant 0 : index
    %swap3A_89 = vector.load %arg6[%swap3A, %swap3A_88] : memref<512x128xf32, #tpu.memory_space<vmem>>, vector<512x128xf32>
    tpu.vector_store %arg6[%swap3A, %swap3A_88], %select_n3A {strides = array<i32>} : memref<512x128xf32, #tpu.memory_space<vmem>>, vector<512x128xf32>,
    return
  }
  func.func @transform_0(%arg0: i32) -> (i32, i32) {
    %c0_i32 = arith.constant 0 : i32
    %c0_i32_0 = arith.constant 0 : i32
    return %arg0, %c0_i32 : i32, i32
  }
  func.func @transform_1(%arg0: i32) -> (i32, i32) {
    %add3A = arith.constant 256 : i32
    %add3A_0 = arith.addi %add3A, %arg0 : i32
    %min3A = arith.constant 624 : i32
    %min3A_1 = arith.minsi %add3A_0, %min3A : i32
    %c0_i32 = arith.constant 0 : i32
    %c0_i32_2 = arith.constant 0 : i32
    return %min3A_1, %c0_i32 : i32, i32
  }
  func.func @transform_2(%arg0: i32) -> (i32, i32) {
    %c0_i32 = arith.constant 0 : i32
    %c0_i32_0 = arith.constant 0 : i32
    %c0_i32_1 = arith.constant 0 : i32
    return %c0_i32, %c0_i32_0 : i32, i32
  }
  func.func @transform_3(%arg0: i32) -> (i32, i32) {
    %c0_i32 = arith.constant 0 : i32
    %c0_i32_0 = arith.constant 0 : i32
    %c0_i32_1 = arith.constant 0 : i32
    return %c0_i32, %c0_i32_0 : i32, i32
  }
  func.func @transform_4(%arg0: i32) -> (i32, i32) {
    %c0_i32 = arith.constant 0 : i32
    %c0_i32_0 = arith.constant 0 : i32
    %c0_i32_1 = arith.constant 0 : i32
    return %c0_i32, %c0_i32_0 : i32, i32
  }
  func.func @transform_5(%arg0: i32) -> (i32, i32) {
    %c0_i32 = arith.constant 0 : i32
    %c0_i32_0 = arith.constant 0 : i32
    return %arg0, %c0_i32 : i32, i32
  }
}

module attributes {stable_mosaic.version = 14 : i64} {
  func.func @_edge_body(%arg0: i32, %arg1: memref<512x64xf32, #tpu.memory_space<vmem>>, %arg2: memref<512x10xf32, #tpu.memory_space<vmem>>, %arg3: memref<64x640xf32, #tpu.memory_space<vmem>>, %arg4: memref<64x128xf32, #tpu.memory_space<vmem>>, %arg5: memref<1x128xf32, #tpu.memory_space<vmem>>, %arg6: memref<512x128xf32, #tpu.memory_space<vmem>>) attributes {dimension_semantics = [#tpu.dimension_semantics<arbitrary>], iteration_bounds = array<i64: 128>, scalar_prefetch = 0 : i64, scratch_operands = 0 : i64, tpu.core_type = #tpu.core_type<tc>, window_params = [{transform_indices = @transform_0, window_bounds = array<i64: 512, 64>}, {transform_indices = @transform_1, window_bounds = array<i64: 512, 10>}, {pipeline_mode = #tpu.pipeline_mode<synchronous>, transform_indices = @transform_2, window_bounds = array<i64: 64, 640>}, {pipeline_mode = #tpu.pipeline_mode<synchronous>, transform_indices = @transform_3, window_bounds = array<i64: 64, 128>}, {pipeline_mode = #tpu.pipeline_mode<synchronous>, transform_indices = @transform_4, window_bounds = array<i64: 1, 128>}, {transform_indices = @transform_5, window_bounds = array<i64: 512, 128>}]} {
    %get3A = arith.constant 0 : index
    %get3A_0 = arith.constant 0 : index
    %get3A_1 = vector.load %arg1[%get3A, %get3A_0] : memref<512x64xf32, #tpu.memory_space<vmem>>, vector<512x64xf32>
    %get3A_2 = arith.constant 0 : index
    %get3A_3 = arith.constant 0 : index
    %get3A_4 = vector.load %arg3[%get3A_2, %get3A_3] : memref<64x640xf32, #tpu.memory_space<vmem>>, vector<64x640xf32>
    %dot_general3A = arith.constant dense<0.000000e+00> : vector<512x640xf32>
    %dot_general3A_5 = tpu.matmul %get3A_1, %get3A_4, %dot_general3A {dimension_numbers = #tpu.dot_dimension_numbers<[1], [0], [0], [1], [0, 0, 1, 1], [], []>, transpose_lhs_hint = false} : vector<512x64xf32>, vector<64x640xf32>, vector<512x640xf32> -> vector<512x640xf32>
    %slice3A = vector.extract_strided_slice %dot_general3A_5 {offsets = [0, 0], sizes = [512, 64], strides = [1, 1]} : vector<512x640xf32> to vector<512x64xf32>
    %get3A_6 = arith.constant 0 : index
    %get3A_7 = arith.constant 0 : index
    %get3A_8 = vector.load %arg2[%get3A_6, %get3A_7] : memref<512x10xf32, #tpu.memory_space<vmem>>, vector<512x1xf32>
    %mul3A = vector.broadcast %get3A_8 : vector<512x1xf32> to vector<512x64xf32>
    %mul3A_9 = arith.mulf %slice3A, %mul3A : vector<512x64xf32>
    %slice3A_10 = vector.extract_strided_slice %dot_general3A_5 {offsets = [0, 64], sizes = [512, 64], strides = [1, 1]} : vector<512x640xf32> to vector<512x64xf32>
    %get3A_11 = arith.constant 0 : index
    %get3A_12 = arith.constant 1 : index
    %get3A_13 = vector.load %arg2[%get3A_11, %get3A_12] : memref<512x10xf32, #tpu.memory_space<vmem>>, vector<512x1xf32>
    %mul3A_14 = vector.broadcast %get3A_13 : vector<512x1xf32> to vector<512x64xf32>
    %mul3A_15 = arith.mulf %slice3A_10, %mul3A_14 : vector<512x64xf32>
    %add3A = arith.addf %mul3A_9, %mul3A_15 : vector<512x64xf32>
    %slice3A_16 = vector.extract_strided_slice %dot_general3A_5 {offsets = [0, 128], sizes = [512, 64], strides = [1, 1]} : vector<512x640xf32> to vector<512x64xf32>
    %get3A_17 = arith.constant 0 : index
    %get3A_18 = arith.constant 2 : index
    %get3A_19 = vector.load %arg2[%get3A_17, %get3A_18] : memref<512x10xf32, #tpu.memory_space<vmem>>, vector<512x1xf32>
    %mul3A_20 = vector.broadcast %get3A_19 : vector<512x1xf32> to vector<512x64xf32>
    %mul3A_21 = arith.mulf %slice3A_16, %mul3A_20 : vector<512x64xf32>
    %add3A_22 = arith.addf %add3A, %mul3A_21 : vector<512x64xf32>
    %slice3A_23 = vector.extract_strided_slice %dot_general3A_5 {offsets = [0, 192], sizes = [512, 64], strides = [1, 1]} : vector<512x640xf32> to vector<512x64xf32>
    %get3A_24 = arith.constant 0 : index
    %get3A_25 = arith.constant 3 : index
    %get3A_26 = vector.load %arg2[%get3A_24, %get3A_25] : memref<512x10xf32, #tpu.memory_space<vmem>>, vector<512x1xf32>
    %mul3A_27 = vector.broadcast %get3A_26 : vector<512x1xf32> to vector<512x64xf32>
    %mul3A_28 = arith.mulf %slice3A_23, %mul3A_27 : vector<512x64xf32>
    %add3A_29 = arith.addf %add3A_22, %mul3A_28 : vector<512x64xf32>
    %slice3A_30 = vector.extract_strided_slice %dot_general3A_5 {offsets = [0, 256], sizes = [512, 64], strides = [1, 1]} : vector<512x640xf32> to vector<512x64xf32>
    %get3A_31 = arith.constant 0 : index
    %get3A_32 = arith.constant 4 : index
    %get3A_33 = vector.load %arg2[%get3A_31, %get3A_32] : memref<512x10xf32, #tpu.memory_space<vmem>>, vector<512x1xf32>
    %mul3A_34 = vector.broadcast %get3A_33 : vector<512x1xf32> to vector<512x64xf32>
    %mul3A_35 = arith.mulf %slice3A_30, %mul3A_34 : vector<512x64xf32>
    %add3A_36 = arith.addf %add3A_29, %mul3A_35 : vector<512x64xf32>
    %slice3A_37 = vector.extract_strided_slice %dot_general3A_5 {offsets = [0, 320], sizes = [512, 64], strides = [1, 1]} : vector<512x640xf32> to vector<512x64xf32>
    %get3A_38 = arith.constant 0 : index
    %get3A_39 = arith.constant 5 : index
    %get3A_40 = vector.load %arg2[%get3A_38, %get3A_39] : memref<512x10xf32, #tpu.memory_space<vmem>>, vector<512x1xf32>
    %mul3A_41 = vector.broadcast %get3A_40 : vector<512x1xf32> to vector<512x64xf32>
    %mul3A_42 = arith.mulf %slice3A_37, %mul3A_41 : vector<512x64xf32>
    %add3A_43 = arith.addf %add3A_36, %mul3A_42 : vector<512x64xf32>
    %slice3A_44 = vector.extract_strided_slice %dot_general3A_5 {offsets = [0, 384], sizes = [512, 64], strides = [1, 1]} : vector<512x640xf32> to vector<512x64xf32>
    %get3A_45 = arith.constant 0 : index
    %get3A_46 = arith.constant 6 : index
    %get3A_47 = vector.load %arg2[%get3A_45, %get3A_46] : memref<512x10xf32, #tpu.memory_space<vmem>>, vector<512x1xf32>
    %mul3A_48 = vector.broadcast %get3A_47 : vector<512x1xf32> to vector<512x64xf32>
    %mul3A_49 = arith.mulf %slice3A_44, %mul3A_48 : vector<512x64xf32>
    %add3A_50 = arith.addf %add3A_43, %mul3A_49 : vector<512x64xf32>
    %slice3A_51 = vector.extract_strided_slice %dot_general3A_5 {offsets = [0, 448], sizes = [512, 64], strides = [1, 1]} : vector<512x640xf32> to vector<512x64xf32>
    %get3A_52 = arith.constant 0 : index
    %get3A_53 = arith.constant 7 : index
    %get3A_54 = vector.load %arg2[%get3A_52, %get3A_53] : memref<512x10xf32, #tpu.memory_space<vmem>>, vector<512x1xf32>
    %mul3A_55 = vector.broadcast %get3A_54 : vector<512x1xf32> to vector<512x64xf32>
    %mul3A_56 = arith.mulf %slice3A_51, %mul3A_55 : vector<512x64xf32>
    %add3A_57 = arith.addf %add3A_50, %mul3A_56 : vector<512x64xf32>
    %slice3A_58 = vector.extract_strided_slice %dot_general3A_5 {offsets = [0, 512], sizes = [512, 64], strides = [1, 1]} : vector<512x640xf32> to vector<512x64xf32>
    %get3A_59 = arith.constant 0 : index
    %get3A_60 = arith.constant 8 : index
    %get3A_61 = vector.load %arg2[%get3A_59, %get3A_60] : memref<512x10xf32, #tpu.memory_space<vmem>>, vector<512x1xf32>
    %mul3A_62 = vector.broadcast %get3A_61 : vector<512x1xf32> to vector<512x64xf32>
    %mul3A_63 = arith.mulf %slice3A_58, %mul3A_62 : vector<512x64xf32>
    %add3A_64 = arith.addf %add3A_57, %mul3A_63 : vector<512x64xf32>
    %slice3A_65 = vector.extract_strided_slice %dot_general3A_5 {offsets = [0, 576], sizes = [512, 64], strides = [1, 1]} : vector<512x640xf32> to vector<512x64xf32>
    %get3A_66 = arith.constant 0 : index
    %get3A_67 = arith.constant 9 : index
    %get3A_68 = vector.load %arg2[%get3A_66, %get3A_67] : memref<512x10xf32, #tpu.memory_space<vmem>>, vector<512x1xf32>
    %mul3A_69 = vector.broadcast %get3A_68 : vector<512x1xf32> to vector<512x64xf32>
    %mul3A_70 = arith.mulf %slice3A_65, %mul3A_69 : vector<512x64xf32>
    %add3A_71 = arith.addf %add3A_64, %mul3A_70 : vector<512x64xf32>
    %get3A_72 = arith.constant 0 : index
    %get3A_73 = arith.constant 0 : index
    %get3A_74 = vector.load %arg4[%get3A_72, %get3A_73] : memref<64x128xf32, #tpu.memory_space<vmem>>, vector<64x128xf32>
    %dot_general3A_75 = arith.constant dense<0.000000e+00> : vector<512x128xf32>
    %dot_general3A_76 = tpu.matmul %add3A_71, %get3A_74, %dot_general3A_75 {dimension_numbers = #tpu.dot_dimension_numbers<[1], [0], [0], [1], [0, 0, 1, 1], [], []>, transpose_lhs_hint = false} : vector<512x64xf32>, vector<64x128xf32>, vector<512x128xf32> -> vector<512x128xf32>
    %get3A_77 = arith.constant 0 : index
    %get3A_78 = arith.constant 0 : index
    %get3A_79 = vector.load %arg5[%get3A_77, %get3A_78] : memref<1x128xf32, #tpu.memory_space<vmem>>, vector<1x128xf32>
    %add3A_80 = vector.broadcast %get3A_79 : vector<1x128xf32> to vector<512x128xf32>
    %add3A_81 = arith.addf %dot_general3A_76, %add3A_80 : vector<512x128xf32>
    %tanh3A = math.tanh %add3A_81 : vector<512x128xf32>
    %mul3A_82 = arith.constant 512 : i32
    %mul3A_83 = arith.muli %arg0, %mul3A_82 : i32
    %iota3A = tpu.iota {dimensions = array<i32: 0>} : vector<512x128xi32>
    %add3A_84 = vector.broadcast %mul3A_83 : i32 to vector<512x128xi32>
    %add3A_85 = arith.addi %add3A_84, %iota3A : vector<512x128xi32>
    %lt3A = arith.constant 254464 : i32
    %lt3A_86 = vector.broadcast %lt3A : i32 to vector<512x128xi32>
    %lt3A_87 = arith.cmpi slt, %add3A_85, %lt3A_86 : vector<512x128xi32>
    %jit3A = arith.constant 0.000000e+00 : f32
    %broadcast_in_dim3A = vector.broadcast %jit3A : f32 to vector<512x128xf32>
    %select_n3A = arith.select %lt3A_87, %tanh3A, %broadcast_in_dim3A : vector<512x128xi1>, vector<512x128xf32>
    %swap3A = arith.constant 0 : index
    %swap3A_88 = arith.constant 0 : index
    %swap3A_89 = vector.load %arg6[%swap3A, %swap3A_88] : memref<512x128xf32, #tpu.memory_space<vmem>>, vector<512x128xf32>
    tpu.vector_store %arg6[%swap3A, %swap3A_88], %select_n3A {strides = array<i32>} : memref<512x128xf32, #tpu.memory_space<vmem>>, vector<512x128xf32>,
    return
  }
  func.func @transform_0(%arg0: i32) -> (i32, i32) {
    %c0_i32 = arith.constant 0 : i32
    %c0_i32_0 = arith.constant 0 : i32
    return %arg0, %c0_i32 : i32, i32
  }
  func.func @transform_1(%arg0: i32) -> (i32, i32) {
    %add3A = arith.constant 128 : i32
    %add3A_0 = arith.addi %add3A, %arg0 : i32
    %min3A = arith.constant 624 : i32
    %min3A_1 = arith.minsi %add3A_0, %min3A : i32
    %c0_i32 = arith.constant 0 : i32
    %c0_i32_2 = arith.constant 0 : i32
    return %min3A_1, %c0_i32 : i32, i32
  }
  func.func @transform_2(%arg0: i32) -> (i32, i32) {
    %c0_i32 = arith.constant 0 : i32
    %c0_i32_0 = arith.constant 0 : i32
    %c0_i32_1 = arith.constant 0 : i32
    return %c0_i32, %c0_i32_0 : i32, i32
  }
  func.func @transform_3(%arg0: i32) -> (i32, i32) {
    %c0_i32 = arith.constant 0 : i32
    %c0_i32_0 = arith.constant 0 : i32
    %c0_i32_1 = arith.constant 0 : i32
    return %c0_i32, %c0_i32_0 : i32, i32
  }
  func.func @transform_4(%arg0: i32) -> (i32, i32) {
    %c0_i32 = arith.constant 0 : i32
    %c0_i32_0 = arith.constant 0 : i32
    %c0_i32_1 = arith.constant 0 : i32
    return %c0_i32, %c0_i32_0 : i32, i32
  }
  func.func @transform_5(%arg0: i32) -> (i32, i32) {
    %c0_i32 = arith.constant 0 : i32
    %c0_i32_0 = arith.constant 0 : i32
    return %arg0, %c0_i32 : i32, i32
  }
}

module attributes {stable_mosaic.version = 14 : i64} {
  func.func @_edge_body(%arg0: i32, %arg1: memref<512x64xf32, #tpu.memory_space<vmem>>, %arg2: memref<512x10xf32, #tpu.memory_space<vmem>>, %arg3: memref<64x640xf32, #tpu.memory_space<vmem>>, %arg4: memref<64x128xf32, #tpu.memory_space<vmem>>, %arg5: memref<1x128xf32, #tpu.memory_space<vmem>>, %arg6: memref<512x128xf32, #tpu.memory_space<vmem>>) attributes {dimension_semantics = [#tpu.dimension_semantics<arbitrary>], iteration_bounds = array<i64: 128>, scalar_prefetch = 0 : i64, scratch_operands = 0 : i64, tpu.core_type = #tpu.core_type<tc>, window_params = [{transform_indices = @transform_0, window_bounds = array<i64: 512, 64>}, {transform_indices = @transform_1, window_bounds = array<i64: 512, 10>}, {pipeline_mode = #tpu.pipeline_mode<synchronous>, transform_indices = @transform_2, window_bounds = array<i64: 64, 640>}, {pipeline_mode = #tpu.pipeline_mode<synchronous>, transform_indices = @transform_3, window_bounds = array<i64: 64, 128>}, {pipeline_mode = #tpu.pipeline_mode<synchronous>, transform_indices = @transform_4, window_bounds = array<i64: 1, 128>}, {transform_indices = @transform_5, window_bounds = array<i64: 512, 128>}]} {
    %get3A = arith.constant 0 : index
    %get3A_0 = arith.constant 0 : index
    %get3A_1 = vector.load %arg1[%get3A, %get3A_0] : memref<512x64xf32, #tpu.memory_space<vmem>>, vector<512x64xf32>
    %get3A_2 = arith.constant 0 : index
    %get3A_3 = arith.constant 0 : index
    %get3A_4 = vector.load %arg3[%get3A_2, %get3A_3] : memref<64x640xf32, #tpu.memory_space<vmem>>, vector<64x640xf32>
    %dot_general3A = arith.constant dense<0.000000e+00> : vector<512x640xf32>
    %dot_general3A_5 = tpu.matmul %get3A_1, %get3A_4, %dot_general3A {dimension_numbers = #tpu.dot_dimension_numbers<[1], [0], [0], [1], [0, 0, 1, 1], [], []>, transpose_lhs_hint = false} : vector<512x64xf32>, vector<64x640xf32>, vector<512x640xf32> -> vector<512x640xf32>
    %slice3A = vector.extract_strided_slice %dot_general3A_5 {offsets = [0, 0], sizes = [512, 64], strides = [1, 1]} : vector<512x640xf32> to vector<512x64xf32>
    %get3A_6 = arith.constant 0 : index
    %get3A_7 = arith.constant 0 : index
    %get3A_8 = vector.load %arg2[%get3A_6, %get3A_7] : memref<512x10xf32, #tpu.memory_space<vmem>>, vector<512x1xf32>
    %mul3A = vector.broadcast %get3A_8 : vector<512x1xf32> to vector<512x64xf32>
    %mul3A_9 = arith.mulf %slice3A, %mul3A : vector<512x64xf32>
    %slice3A_10 = vector.extract_strided_slice %dot_general3A_5 {offsets = [0, 64], sizes = [512, 64], strides = [1, 1]} : vector<512x640xf32> to vector<512x64xf32>
    %get3A_11 = arith.constant 0 : index
    %get3A_12 = arith.constant 1 : index
    %get3A_13 = vector.load %arg2[%get3A_11, %get3A_12] : memref<512x10xf32, #tpu.memory_space<vmem>>, vector<512x1xf32>
    %mul3A_14 = vector.broadcast %get3A_13 : vector<512x1xf32> to vector<512x64xf32>
    %mul3A_15 = arith.mulf %slice3A_10, %mul3A_14 : vector<512x64xf32>
    %add3A = arith.addf %mul3A_9, %mul3A_15 : vector<512x64xf32>
    %slice3A_16 = vector.extract_strided_slice %dot_general3A_5 {offsets = [0, 128], sizes = [512, 64], strides = [1, 1]} : vector<512x640xf32> to vector<512x64xf32>
    %get3A_17 = arith.constant 0 : index
    %get3A_18 = arith.constant 2 : index
    %get3A_19 = vector.load %arg2[%get3A_17, %get3A_18] : memref<512x10xf32, #tpu.memory_space<vmem>>, vector<512x1xf32>
    %mul3A_20 = vector.broadcast %get3A_19 : vector<512x1xf32> to vector<512x64xf32>
    %mul3A_21 = arith.mulf %slice3A_16, %mul3A_20 : vector<512x64xf32>
    %add3A_22 = arith.addf %add3A, %mul3A_21 : vector<512x64xf32>
    %slice3A_23 = vector.extract_strided_slice %dot_general3A_5 {offsets = [0, 192], sizes = [512, 64], strides = [1, 1]} : vector<512x640xf32> to vector<512x64xf32>
    %get3A_24 = arith.constant 0 : index
    %get3A_25 = arith.constant 3 : index
    %get3A_26 = vector.load %arg2[%get3A_24, %get3A_25] : memref<512x10xf32, #tpu.memory_space<vmem>>, vector<512x1xf32>
    %mul3A_27 = vector.broadcast %get3A_26 : vector<512x1xf32> to vector<512x64xf32>
    %mul3A_28 = arith.mulf %slice3A_23, %mul3A_27 : vector<512x64xf32>
    %add3A_29 = arith.addf %add3A_22, %mul3A_28 : vector<512x64xf32>
    %slice3A_30 = vector.extract_strided_slice %dot_general3A_5 {offsets = [0, 256], sizes = [512, 64], strides = [1, 1]} : vector<512x640xf32> to vector<512x64xf32>
    %get3A_31 = arith.constant 0 : index
    %get3A_32 = arith.constant 4 : index
    %get3A_33 = vector.load %arg2[%get3A_31, %get3A_32] : memref<512x10xf32, #tpu.memory_space<vmem>>, vector<512x1xf32>
    %mul3A_34 = vector.broadcast %get3A_33 : vector<512x1xf32> to vector<512x64xf32>
    %mul3A_35 = arith.mulf %slice3A_30, %mul3A_34 : vector<512x64xf32>
    %add3A_36 = arith.addf %add3A_29, %mul3A_35 : vector<512x64xf32>
    %slice3A_37 = vector.extract_strided_slice %dot_general3A_5 {offsets = [0, 320], sizes = [512, 64], strides = [1, 1]} : vector<512x640xf32> to vector<512x64xf32>
    %get3A_38 = arith.constant 0 : index
    %get3A_39 = arith.constant 5 : index
    %get3A_40 = vector.load %arg2[%get3A_38, %get3A_39] : memref<512x10xf32, #tpu.memory_space<vmem>>, vector<512x1xf32>
    %mul3A_41 = vector.broadcast %get3A_40 : vector<512x1xf32> to vector<512x64xf32>
    %mul3A_42 = arith.mulf %slice3A_37, %mul3A_41 : vector<512x64xf32>
    %add3A_43 = arith.addf %add3A_36, %mul3A_42 : vector<512x64xf32>
    %slice3A_44 = vector.extract_strided_slice %dot_general3A_5 {offsets = [0, 384], sizes = [512, 64], strides = [1, 1]} : vector<512x640xf32> to vector<512x64xf32>
    %get3A_45 = arith.constant 0 : index
    %get3A_46 = arith.constant 6 : index
    %get3A_47 = vector.load %arg2[%get3A_45, %get3A_46] : memref<512x10xf32, #tpu.memory_space<vmem>>, vector<512x1xf32>
    %mul3A_48 = vector.broadcast %get3A_47 : vector<512x1xf32> to vector<512x64xf32>
    %mul3A_49 = arith.mulf %slice3A_44, %mul3A_48 : vector<512x64xf32>
    %add3A_50 = arith.addf %add3A_43, %mul3A_49 : vector<512x64xf32>
    %slice3A_51 = vector.extract_strided_slice %dot_general3A_5 {offsets = [0, 448], sizes = [512, 64], strides = [1, 1]} : vector<512x640xf32> to vector<512x64xf32>
    %get3A_52 = arith.constant 0 : index
    %get3A_53 = arith.constant 7 : index
    %get3A_54 = vector.load %arg2[%get3A_52, %get3A_53] : memref<512x10xf32, #tpu.memory_space<vmem>>, vector<512x1xf32>
    %mul3A_55 = vector.broadcast %get3A_54 : vector<512x1xf32> to vector<512x64xf32>
    %mul3A_56 = arith.mulf %slice3A_51, %mul3A_55 : vector<512x64xf32>
    %add3A_57 = arith.addf %add3A_50, %mul3A_56 : vector<512x64xf32>
    %slice3A_58 = vector.extract_strided_slice %dot_general3A_5 {offsets = [0, 512], sizes = [512, 64], strides = [1, 1]} : vector<512x640xf32> to vector<512x64xf32>
    %get3A_59 = arith.constant 0 : index
    %get3A_60 = arith.constant 8 : index
    %get3A_61 = vector.load %arg2[%get3A_59, %get3A_60] : memref<512x10xf32, #tpu.memory_space<vmem>>, vector<512x1xf32>
    %mul3A_62 = vector.broadcast %get3A_61 : vector<512x1xf32> to vector<512x64xf32>
    %mul3A_63 = arith.mulf %slice3A_58, %mul3A_62 : vector<512x64xf32>
    %add3A_64 = arith.addf %add3A_57, %mul3A_63 : vector<512x64xf32>
    %slice3A_65 = vector.extract_strided_slice %dot_general3A_5 {offsets = [0, 576], sizes = [512, 64], strides = [1, 1]} : vector<512x640xf32> to vector<512x64xf32>
    %get3A_66 = arith.constant 0 : index
    %get3A_67 = arith.constant 9 : index
    %get3A_68 = vector.load %arg2[%get3A_66, %get3A_67] : memref<512x10xf32, #tpu.memory_space<vmem>>, vector<512x1xf32>
    %mul3A_69 = vector.broadcast %get3A_68 : vector<512x1xf32> to vector<512x64xf32>
    %mul3A_70 = arith.mulf %slice3A_65, %mul3A_69 : vector<512x64xf32>
    %add3A_71 = arith.addf %add3A_64, %mul3A_70 : vector<512x64xf32>
    %get3A_72 = arith.constant 0 : index
    %get3A_73 = arith.constant 0 : index
    %get3A_74 = vector.load %arg4[%get3A_72, %get3A_73] : memref<64x128xf32, #tpu.memory_space<vmem>>, vector<64x128xf32>
    %dot_general3A_75 = arith.constant dense<0.000000e+00> : vector<512x128xf32>
    %dot_general3A_76 = tpu.matmul %add3A_71, %get3A_74, %dot_general3A_75 {dimension_numbers = #tpu.dot_dimension_numbers<[1], [0], [0], [1], [0, 0, 1, 1], [], []>, transpose_lhs_hint = false} : vector<512x64xf32>, vector<64x128xf32>, vector<512x128xf32> -> vector<512x128xf32>
    %get3A_77 = arith.constant 0 : index
    %get3A_78 = arith.constant 0 : index
    %get3A_79 = vector.load %arg5[%get3A_77, %get3A_78] : memref<1x128xf32, #tpu.memory_space<vmem>>, vector<1x128xf32>
    %add3A_80 = vector.broadcast %get3A_79 : vector<1x128xf32> to vector<512x128xf32>
    %add3A_81 = arith.addf %dot_general3A_76, %add3A_80 : vector<512x128xf32>
    %tanh3A = math.tanh %add3A_81 : vector<512x128xf32>
    %mul3A_82 = arith.constant 512 : i32
    %mul3A_83 = arith.muli %arg0, %mul3A_82 : i32
    %iota3A = tpu.iota {dimensions = array<i32: 0>} : vector<512x128xi32>
    %add3A_84 = vector.broadcast %mul3A_83 : i32 to vector<512x128xi32>
    %add3A_85 = arith.addi %add3A_84, %iota3A : vector<512x128xi32>
    %lt3A = arith.constant 123392 : i32
    %lt3A_86 = vector.broadcast %lt3A : i32 to vector<512x128xi32>
    %lt3A_87 = arith.cmpi slt, %add3A_85, %lt3A_86 : vector<512x128xi32>
    %jit3A = arith.constant 0.000000e+00 : f32
    %broadcast_in_dim3A = vector.broadcast %jit3A : f32 to vector<512x128xf32>
    %select_n3A = arith.select %lt3A_87, %tanh3A, %broadcast_in_dim3A : vector<512x128xi1>, vector<512x128xf32>
    %swap3A = arith.constant 0 : index
    %swap3A_88 = arith.constant 0 : index
    %swap3A_89 = vector.load %arg6[%swap3A, %swap3A_88] : memref<512x128xf32, #tpu.memory_space<vmem>>, vector<512x128xf32>
    tpu.vector_store %arg6[%swap3A, %swap3A_88], %select_n3A {strides = array<i32>} : memref<512x128xf32, #tpu.memory_space<vmem>>, vector<512x128xf32>,
    return
  }
  func.func @transform_0(%arg0: i32) -> (i32, i32) {
    %c0_i32 = arith.constant 0 : i32
    %c0_i32_0 = arith.constant 0 : i32
    return %arg0, %c0_i32 : i32, i32
  }
  func.func @transform_1(%arg0: i32) -> (i32, i32) {
    %add3A = arith.constant 384 : i32
    %add3A_0 = arith.addi %add3A, %arg0 : i32
    %min3A = arith.constant 624 : i32
    %min3A_1 = arith.minsi %add3A_0, %min3A : i32
    %c0_i32 = arith.constant 0 : i32
    %c0_i32_2 = arith.constant 0 : i32
    return %min3A_1, %c0_i32 : i32, i32
  }
  func.func @transform_2(%arg0: i32) -> (i32, i32) {
    %c0_i32 = arith.constant 0 : i32
    %c0_i32_0 = arith.constant 0 : i32
    %c0_i32_1 = arith.constant 0 : i32
    return %c0_i32, %c0_i32_0 : i32, i32
  }
  func.func @transform_3(%arg0: i32) -> (i32, i32) {
    %c0_i32 = arith.constant 0 : i32
    %c0_i32_0 = arith.constant 0 : i32
    %c0_i32_1 = arith.constant 0 : i32
    return %c0_i32, %c0_i32_0 : i32, i32
  }
  func.func @transform_4(%arg0: i32) -> (i32, i32) {
    %c0_i32 = arith.constant 0 : i32
    %c0_i32_0 = arith.constant 0 : i32
    %c0_i32_1 = arith.constant 0 : i32
    return %c0_i32, %c0_i32_0 : i32, i32
  }
  func.func @transform_5(%arg0: i32) -> (i32, i32) {
    %c0_i32 = arith.constant 0 : i32
    %c0_i32_0 = arith.constant 0 : i32
    return %arg0, %c0_i32 : i32, i32
  }
}

module attributes {stable_mosaic.version = 14 : i64} {
  func.func @_edge_body(%arg0: i32, %arg1: memref<512x64xf32, #tpu.memory_space<vmem>>, %arg2: memref<512x10xf32, #tpu.memory_space<vmem>>, %arg3: memref<64x640xf32, #tpu.memory_space<vmem>>, %arg4: memref<64x128xf32, #tpu.memory_space<vmem>>, %arg5: memref<1x128xf32, #tpu.memory_space<vmem>>, %arg6: memref<512x128xf32, #tpu.memory_space<vmem>>) attributes {dimension_semantics = [#tpu.dimension_semantics<arbitrary>], iteration_bounds = array<i64: 128>, scalar_prefetch = 0 : i64, scratch_operands = 0 : i64, tpu.core_type = #tpu.core_type<tc>, window_params = [{transform_indices = @transform_0, window_bounds = array<i64: 512, 64>}, {transform_indices = @transform_1, window_bounds = array<i64: 512, 10>}, {pipeline_mode = #tpu.pipeline_mode<synchronous>, transform_indices = @transform_2, window_bounds = array<i64: 64, 640>}, {pipeline_mode = #tpu.pipeline_mode<synchronous>, transform_indices = @transform_3, window_bounds = array<i64: 64, 128>}, {pipeline_mode = #tpu.pipeline_mode<synchronous>, transform_indices = @transform_4, window_bounds = array<i64: 1, 128>}, {transform_indices = @transform_5, window_bounds = array<i64: 512, 128>}]} {
    %get3A = arith.constant 0 : index
    %get3A_0 = arith.constant 0 : index
    %get3A_1 = vector.load %arg1[%get3A, %get3A_0] : memref<512x64xf32, #tpu.memory_space<vmem>>, vector<512x64xf32>
    %get3A_2 = arith.constant 0 : index
    %get3A_3 = arith.constant 0 : index
    %get3A_4 = vector.load %arg3[%get3A_2, %get3A_3] : memref<64x640xf32, #tpu.memory_space<vmem>>, vector<64x640xf32>
    %dot_general3A = arith.constant dense<0.000000e+00> : vector<512x640xf32>
    %dot_general3A_5 = tpu.matmul %get3A_1, %get3A_4, %dot_general3A {dimension_numbers = #tpu.dot_dimension_numbers<[1], [0], [0], [1], [0, 0, 1, 1], [], []>, transpose_lhs_hint = false} : vector<512x64xf32>, vector<64x640xf32>, vector<512x640xf32> -> vector<512x640xf32>
    %slice3A = vector.extract_strided_slice %dot_general3A_5 {offsets = [0, 0], sizes = [512, 64], strides = [1, 1]} : vector<512x640xf32> to vector<512x64xf32>
    %get3A_6 = arith.constant 0 : index
    %get3A_7 = arith.constant 0 : index
    %get3A_8 = vector.load %arg2[%get3A_6, %get3A_7] : memref<512x10xf32, #tpu.memory_space<vmem>>, vector<512x1xf32>
    %mul3A = vector.broadcast %get3A_8 : vector<512x1xf32> to vector<512x64xf32>
    %mul3A_9 = arith.mulf %slice3A, %mul3A : vector<512x64xf32>
    %slice3A_10 = vector.extract_strided_slice %dot_general3A_5 {offsets = [0, 64], sizes = [512, 64], strides = [1, 1]} : vector<512x640xf32> to vector<512x64xf32>
    %get3A_11 = arith.constant 0 : index
    %get3A_12 = arith.constant 1 : index
    %get3A_13 = vector.load %arg2[%get3A_11, %get3A_12] : memref<512x10xf32, #tpu.memory_space<vmem>>, vector<512x1xf32>
    %mul3A_14 = vector.broadcast %get3A_13 : vector<512x1xf32> to vector<512x64xf32>
    %mul3A_15 = arith.mulf %slice3A_10, %mul3A_14 : vector<512x64xf32>
    %add3A = arith.addf %mul3A_9, %mul3A_15 : vector<512x64xf32>
    %slice3A_16 = vector.extract_strided_slice %dot_general3A_5 {offsets = [0, 128], sizes = [512, 64], strides = [1, 1]} : vector<512x640xf32> to vector<512x64xf32>
    %get3A_17 = arith.constant 0 : index
    %get3A_18 = arith.constant 2 : index
    %get3A_19 = vector.load %arg2[%get3A_17, %get3A_18] : memref<512x10xf32, #tpu.memory_space<vmem>>, vector<512x1xf32>
    %mul3A_20 = vector.broadcast %get3A_19 : vector<512x1xf32> to vector<512x64xf32>
    %mul3A_21 = arith.mulf %slice3A_16, %mul3A_20 : vector<512x64xf32>
    %add3A_22 = arith.addf %add3A, %mul3A_21 : vector<512x64xf32>
    %slice3A_23 = vector.extract_strided_slice %dot_general3A_5 {offsets = [0, 192], sizes = [512, 64], strides = [1, 1]} : vector<512x640xf32> to vector<512x64xf32>
    %get3A_24 = arith.constant 0 : index
    %get3A_25 = arith.constant 3 : index
    %get3A_26 = vector.load %arg2[%get3A_24, %get3A_25] : memref<512x10xf32, #tpu.memory_space<vmem>>, vector<512x1xf32>
    %mul3A_27 = vector.broadcast %get3A_26 : vector<512x1xf32> to vector<512x64xf32>
    %mul3A_28 = arith.mulf %slice3A_23, %mul3A_27 : vector<512x64xf32>
    %add3A_29 = arith.addf %add3A_22, %mul3A_28 : vector<512x64xf32>
    %slice3A_30 = vector.extract_strided_slice %dot_general3A_5 {offsets = [0, 256], sizes = [512, 64], strides = [1, 1]} : vector<512x640xf32> to vector<512x64xf32>
    %get3A_31 = arith.constant 0 : index
    %get3A_32 = arith.constant 4 : index
    %get3A_33 = vector.load %arg2[%get3A_31, %get3A_32] : memref<512x10xf32, #tpu.memory_space<vmem>>, vector<512x1xf32>
    %mul3A_34 = vector.broadcast %get3A_33 : vector<512x1xf32> to vector<512x64xf32>
    %mul3A_35 = arith.mulf %slice3A_30, %mul3A_34 : vector<512x64xf32>
    %add3A_36 = arith.addf %add3A_29, %mul3A_35 : vector<512x64xf32>
    %slice3A_37 = vector.extract_strided_slice %dot_general3A_5 {offsets = [0, 320], sizes = [512, 64], strides = [1, 1]} : vector<512x640xf32> to vector<512x64xf32>
    %get3A_38 = arith.constant 0 : index
    %get3A_39 = arith.constant 5 : index
    %get3A_40 = vector.load %arg2[%get3A_38, %get3A_39] : memref<512x10xf32, #tpu.memory_space<vmem>>, vector<512x1xf32>
    %mul3A_41 = vector.broadcast %get3A_40 : vector<512x1xf32> to vector<512x64xf32>
    %mul3A_42 = arith.mulf %slice3A_37, %mul3A_41 : vector<512x64xf32>
    %add3A_43 = arith.addf %add3A_36, %mul3A_42 : vector<512x64xf32>
    %slice3A_44 = vector.extract_strided_slice %dot_general3A_5 {offsets = [0, 384], sizes = [512, 64], strides = [1, 1]} : vector<512x640xf32> to vector<512x64xf32>
    %get3A_45 = arith.constant 0 : index
    %get3A_46 = arith.constant 6 : index
    %get3A_47 = vector.load %arg2[%get3A_45, %get3A_46] : memref<512x10xf32, #tpu.memory_space<vmem>>, vector<512x1xf32>
    %mul3A_48 = vector.broadcast %get3A_47 : vector<512x1xf32> to vector<512x64xf32>
    %mul3A_49 = arith.mulf %slice3A_44, %mul3A_48 : vector<512x64xf32>
    %add3A_50 = arith.addf %add3A_43, %mul3A_49 : vector<512x64xf32>
    %slice3A_51 = vector.extract_strided_slice %dot_general3A_5 {offsets = [0, 448], sizes = [512, 64], strides = [1, 1]} : vector<512x640xf32> to vector<512x64xf32>
    %get3A_52 = arith.constant 0 : index
    %get3A_53 = arith.constant 7 : index
    %get3A_54 = vector.load %arg2[%get3A_52, %get3A_53] : memref<512x10xf32, #tpu.memory_space<vmem>>, vector<512x1xf32>
    %mul3A_55 = vector.broadcast %get3A_54 : vector<512x1xf32> to vector<512x64xf32>
    %mul3A_56 = arith.mulf %slice3A_51, %mul3A_55 : vector<512x64xf32>
    %add3A_57 = arith.addf %add3A_50, %mul3A_56 : vector<512x64xf32>
    %slice3A_58 = vector.extract_strided_slice %dot_general3A_5 {offsets = [0, 512], sizes = [512, 64], strides = [1, 1]} : vector<512x640xf32> to vector<512x64xf32>
    %get3A_59 = arith.constant 0 : index
    %get3A_60 = arith.constant 8 : index
    %get3A_61 = vector.load %arg2[%get3A_59, %get3A_60] : memref<512x10xf32, #tpu.memory_space<vmem>>, vector<512x1xf32>
    %mul3A_62 = vector.broadcast %get3A_61 : vector<512x1xf32> to vector<512x64xf32>
    %mul3A_63 = arith.mulf %slice3A_58, %mul3A_62 : vector<512x64xf32>
    %add3A_64 = arith.addf %add3A_57, %mul3A_63 : vector<512x64xf32>
    %slice3A_65 = vector.extract_strided_slice %dot_general3A_5 {offsets = [0, 576], sizes = [512, 64], strides = [1, 1]} : vector<512x640xf32> to vector<512x64xf32>
    %get3A_66 = arith.constant 0 : index
    %get3A_67 = arith.constant 9 : index
    %get3A_68 = vector.load %arg2[%get3A_66, %get3A_67] : memref<512x10xf32, #tpu.memory_space<vmem>>, vector<512x1xf32>
    %mul3A_69 = vector.broadcast %get3A_68 : vector<512x1xf32> to vector<512x64xf32>
    %mul3A_70 = arith.mulf %slice3A_65, %mul3A_69 : vector<512x64xf32>
    %add3A_71 = arith.addf %add3A_64, %mul3A_70 : vector<512x64xf32>
    %get3A_72 = arith.constant 0 : index
    %get3A_73 = arith.constant 0 : index
    %get3A_74 = vector.load %arg4[%get3A_72, %get3A_73] : memref<64x128xf32, #tpu.memory_space<vmem>>, vector<64x128xf32>
    %dot_general3A_75 = arith.constant dense<0.000000e+00> : vector<512x128xf32>
    %dot_general3A_76 = tpu.matmul %add3A_71, %get3A_74, %dot_general3A_75 {dimension_numbers = #tpu.dot_dimension_numbers<[1], [0], [0], [1], [0, 0, 1, 1], [], []>, transpose_lhs_hint = false} : vector<512x64xf32>, vector<64x128xf32>, vector<512x128xf32> -> vector<512x128xf32>
    %get3A_77 = arith.constant 0 : index
    %get3A_78 = arith.constant 0 : index
    %get3A_79 = vector.load %arg5[%get3A_77, %get3A_78] : memref<1x128xf32, #tpu.memory_space<vmem>>, vector<1x128xf32>
    %add3A_80 = vector.broadcast %get3A_79 : vector<1x128xf32> to vector<512x128xf32>
    %add3A_81 = arith.addf %dot_general3A_76, %add3A_80 : vector<512x128xf32>
    %tanh3A = math.tanh %add3A_81 : vector<512x128xf32>
    %mul3A_82 = arith.constant 512 : i32
    %mul3A_83 = arith.muli %arg0, %mul3A_82 : i32
    %iota3A = tpu.iota {dimensions = array<i32: 0>} : vector<512x128xi32>
    %add3A_84 = vector.broadcast %mul3A_83 : i32 to vector<512x128xi32>
    %add3A_85 = arith.addi %add3A_84, %iota3A : vector<512x128xi32>
    %lt3A = arith.constant 57856 : i32
    %lt3A_86 = vector.broadcast %lt3A : i32 to vector<512x128xi32>
    %lt3A_87 = arith.cmpi slt, %add3A_85, %lt3A_86 : vector<512x128xi32>
    %jit3A = arith.constant 0.000000e+00 : f32
    %broadcast_in_dim3A = vector.broadcast %jit3A : f32 to vector<512x128xf32>
    %select_n3A = arith.select %lt3A_87, %tanh3A, %broadcast_in_dim3A : vector<512x128xi1>, vector<512x128xf32>
    %swap3A = arith.constant 0 : index
    %swap3A_88 = arith.constant 0 : index
    %swap3A_89 = vector.load %arg6[%swap3A, %swap3A_88] : memref<512x128xf32, #tpu.memory_space<vmem>>, vector<512x128xf32>
    tpu.vector_store %arg6[%swap3A, %swap3A_88], %select_n3A {strides = array<i32>} : memref<512x128xf32, #tpu.memory_space<vmem>>, vector<512x128xf32>,
    return
  }
  func.func @transform_0(%arg0: i32) -> (i32, i32) {
    %c0_i32 = arith.constant 0 : i32
    %c0_i32_0 = arith.constant 0 : i32
    return %arg0, %c0_i32 : i32, i32
  }
  func.func @transform_1(%arg0: i32) -> (i32, i32) {
    %add3A = arith.constant 512 : i32
    %add3A_0 = arith.addi %add3A, %arg0 : i32
    %min3A = arith.constant 624 : i32
    %min3A_1 = arith.minsi %add3A_0, %min3A : i32
    %c0_i32 = arith.constant 0 : i32
    %c0_i32_2 = arith.constant 0 : i32
    return %min3A_1, %c0_i32 : i32, i32
  }
  func.func @transform_2(%arg0: i32) -> (i32, i32) {
    %c0_i32 = arith.constant 0 : i32
    %c0_i32_0 = arith.constant 0 : i32
    %c0_i32_1 = arith.constant 0 : i32
    return %c0_i32, %c0_i32_0 : i32, i32
  }
  func.func @transform_3(%arg0: i32) -> (i32, i32) {
    %c0_i32 = arith.constant 0 : i32
    %c0_i32_0 = arith.constant 0 : i32
    %c0_i32_1 = arith.constant 0 : i32
    return %c0_i32, %c0_i32_0 : i32, i32
  }
  func.func @transform_4(%arg0: i32) -> (i32, i32) {
    %c0_i32 = arith.constant 0 : i32
    %c0_i32_0 = arith.constant 0 : i32
    %c0_i32_1 = arith.constant 0 : i32
    return %c0_i32, %c0_i32_0 : i32, i32
  }
  func.func @transform_5(%arg0: i32) -> (i32, i32) {
    %c0_i32 = arith.constant 0 : i32
    %c0_i32_0 = arith.constant 0 : i32
    return %arg0, %c0_i32 : i32, i32
  }
}

module attributes {stable_mosaic.version = 14 : i64} {
  func.func @_edge_body(%arg0: i32, %arg1: memref<512x64xf32, #tpu.memory_space<vmem>>, %arg2: memref<512x10xf32, #tpu.memory_space<vmem>>, %arg3: memref<64x640xf32, #tpu.memory_space<vmem>>, %arg4: memref<64x128xf32, #tpu.memory_space<vmem>>, %arg5: memref<1x128xf32, #tpu.memory_space<vmem>>, %arg6: memref<512x128xf32, #tpu.memory_space<vmem>>) attributes {dimension_semantics = [#tpu.dimension_semantics<arbitrary>], iteration_bounds = array<i64: 128>, scalar_prefetch = 0 : i64, scratch_operands = 0 : i64, tpu.core_type = #tpu.core_type<tc>, window_params = [{transform_indices = @transform_0, window_bounds = array<i64: 512, 64>}, {transform_indices = @transform_1, window_bounds = array<i64: 512, 10>}, {pipeline_mode = #tpu.pipeline_mode<synchronous>, transform_indices = @transform_2, window_bounds = array<i64: 64, 640>}, {pipeline_mode = #tpu.pipeline_mode<synchronous>, transform_indices = @transform_3, window_bounds = array<i64: 64, 128>}, {pipeline_mode = #tpu.pipeline_mode<synchronous>, transform_indices = @transform_4, window_bounds = array<i64: 1, 128>}, {transform_indices = @transform_5, window_bounds = array<i64: 512, 128>}]} {
    %get3A = arith.constant 0 : index
    %get3A_0 = arith.constant 0 : index
    %get3A_1 = vector.load %arg1[%get3A, %get3A_0] : memref<512x64xf32, #tpu.memory_space<vmem>>, vector<512x64xf32>
    %get3A_2 = arith.constant 0 : index
    %get3A_3 = arith.constant 0 : index
    %get3A_4 = vector.load %arg3[%get3A_2, %get3A_3] : memref<64x640xf32, #tpu.memory_space<vmem>>, vector<64x640xf32>
    %dot_general3A = arith.constant dense<0.000000e+00> : vector<512x640xf32>
    %dot_general3A_5 = tpu.matmul %get3A_1, %get3A_4, %dot_general3A {dimension_numbers = #tpu.dot_dimension_numbers<[1], [0], [0], [1], [0, 0, 1, 1], [], []>, transpose_lhs_hint = false} : vector<512x64xf32>, vector<64x640xf32>, vector<512x640xf32> -> vector<512x640xf32>
    %slice3A = vector.extract_strided_slice %dot_general3A_5 {offsets = [0, 0], sizes = [512, 64], strides = [1, 1]} : vector<512x640xf32> to vector<512x64xf32>
    %get3A_6 = arith.constant 0 : index
    %get3A_7 = arith.constant 0 : index
    %get3A_8 = vector.load %arg2[%get3A_6, %get3A_7] : memref<512x10xf32, #tpu.memory_space<vmem>>, vector<512x1xf32>
    %mul3A = vector.broadcast %get3A_8 : vector<512x1xf32> to vector<512x64xf32>
    %mul3A_9 = arith.mulf %slice3A, %mul3A : vector<512x64xf32>
    %slice3A_10 = vector.extract_strided_slice %dot_general3A_5 {offsets = [0, 64], sizes = [512, 64], strides = [1, 1]} : vector<512x640xf32> to vector<512x64xf32>
    %get3A_11 = arith.constant 0 : index
    %get3A_12 = arith.constant 1 : index
    %get3A_13 = vector.load %arg2[%get3A_11, %get3A_12] : memref<512x10xf32, #tpu.memory_space<vmem>>, vector<512x1xf32>
    %mul3A_14 = vector.broadcast %get3A_13 : vector<512x1xf32> to vector<512x64xf32>
    %mul3A_15 = arith.mulf %slice3A_10, %mul3A_14 : vector<512x64xf32>
    %add3A = arith.addf %mul3A_9, %mul3A_15 : vector<512x64xf32>
    %slice3A_16 = vector.extract_strided_slice %dot_general3A_5 {offsets = [0, 128], sizes = [512, 64], strides = [1, 1]} : vector<512x640xf32> to vector<512x64xf32>
    %get3A_17 = arith.constant 0 : index
    %get3A_18 = arith.constant 2 : index
    %get3A_19 = vector.load %arg2[%get3A_17, %get3A_18] : memref<512x10xf32, #tpu.memory_space<vmem>>, vector<512x1xf32>
    %mul3A_20 = vector.broadcast %get3A_19 : vector<512x1xf32> to vector<512x64xf32>
    %mul3A_21 = arith.mulf %slice3A_16, %mul3A_20 : vector<512x64xf32>
    %add3A_22 = arith.addf %add3A, %mul3A_21 : vector<512x64xf32>
    %slice3A_23 = vector.extract_strided_slice %dot_general3A_5 {offsets = [0, 192], sizes = [512, 64], strides = [1, 1]} : vector<512x640xf32> to vector<512x64xf32>
    %get3A_24 = arith.constant 0 : index
    %get3A_25 = arith.constant 3 : index
    %get3A_26 = vector.load %arg2[%get3A_24, %get3A_25] : memref<512x10xf32, #tpu.memory_space<vmem>>, vector<512x1xf32>
    %mul3A_27 = vector.broadcast %get3A_26 : vector<512x1xf32> to vector<512x64xf32>
    %mul3A_28 = arith.mulf %slice3A_23, %mul3A_27 : vector<512x64xf32>
    %add3A_29 = arith.addf %add3A_22, %mul3A_28 : vector<512x64xf32>
    %slice3A_30 = vector.extract_strided_slice %dot_general3A_5 {offsets = [0, 256], sizes = [512, 64], strides = [1, 1]} : vector<512x640xf32> to vector<512x64xf32>
    %get3A_31 = arith.constant 0 : index
    %get3A_32 = arith.constant 4 : index
    %get3A_33 = vector.load %arg2[%get3A_31, %get3A_32] : memref<512x10xf32, #tpu.memory_space<vmem>>, vector<512x1xf32>
    %mul3A_34 = vector.broadcast %get3A_33 : vector<512x1xf32> to vector<512x64xf32>
    %mul3A_35 = arith.mulf %slice3A_30, %mul3A_34 : vector<512x64xf32>
    %add3A_36 = arith.addf %add3A_29, %mul3A_35 : vector<512x64xf32>
    %slice3A_37 = vector.extract_strided_slice %dot_general3A_5 {offsets = [0, 320], sizes = [512, 64], strides = [1, 1]} : vector<512x640xf32> to vector<512x64xf32>
    %get3A_38 = arith.constant 0 : index
    %get3A_39 = arith.constant 5 : index
    %get3A_40 = vector.load %arg2[%get3A_38, %get3A_39] : memref<512x10xf32, #tpu.memory_space<vmem>>, vector<512x1xf32>
    %mul3A_41 = vector.broadcast %get3A_40 : vector<512x1xf32> to vector<512x64xf32>
    %mul3A_42 = arith.mulf %slice3A_37, %mul3A_41 : vector<512x64xf32>
    %add3A_43 = arith.addf %add3A_36, %mul3A_42 : vector<512x64xf32>
    %slice3A_44 = vector.extract_strided_slice %dot_general3A_5 {offsets = [0, 384], sizes = [512, 64], strides = [1, 1]} : vector<512x640xf32> to vector<512x64xf32>
    %get3A_45 = arith.constant 0 : index
    %get3A_46 = arith.constant 6 : index
    %get3A_47 = vector.load %arg2[%get3A_45, %get3A_46] : memref<512x10xf32, #tpu.memory_space<vmem>>, vector<512x1xf32>
    %mul3A_48 = vector.broadcast %get3A_47 : vector<512x1xf32> to vector<512x64xf32>
    %mul3A_49 = arith.mulf %slice3A_44, %mul3A_48 : vector<512x64xf32>
    %add3A_50 = arith.addf %add3A_43, %mul3A_49 : vector<512x64xf32>
    %slice3A_51 = vector.extract_strided_slice %dot_general3A_5 {offsets = [0, 448], sizes = [512, 64], strides = [1, 1]} : vector<512x640xf32> to vector<512x64xf32>
    %get3A_52 = arith.constant 0 : index
    %get3A_53 = arith.constant 7 : index
    %get3A_54 = vector.load %arg2[%get3A_52, %get3A_53] : memref<512x10xf32, #tpu.memory_space<vmem>>, vector<512x1xf32>
    %mul3A_55 = vector.broadcast %get3A_54 : vector<512x1xf32> to vector<512x64xf32>
    %mul3A_56 = arith.mulf %slice3A_51, %mul3A_55 : vector<512x64xf32>
    %add3A_57 = arith.addf %add3A_50, %mul3A_56 : vector<512x64xf32>
    %slice3A_58 = vector.extract_strided_slice %dot_general3A_5 {offsets = [0, 512], sizes = [512, 64], strides = [1, 1]} : vector<512x640xf32> to vector<512x64xf32>
    %get3A_59 = arith.constant 0 : index
    %get3A_60 = arith.constant 8 : index
    %get3A_61 = vector.load %arg2[%get3A_59, %get3A_60] : memref<512x10xf32, #tpu.memory_space<vmem>>, vector<512x1xf32>
    %mul3A_62 = vector.broadcast %get3A_61 : vector<512x1xf32> to vector<512x64xf32>
    %mul3A_63 = arith.mulf %slice3A_58, %mul3A_62 : vector<512x64xf32>
    %add3A_64 = arith.addf %add3A_57, %mul3A_63 : vector<512x64xf32>
    %slice3A_65 = vector.extract_strided_slice %dot_general3A_5 {offsets = [0, 576], sizes = [512, 64], strides = [1, 1]} : vector<512x640xf32> to vector<512x64xf32>
    %get3A_66 = arith.constant 0 : index
    %get3A_67 = arith.constant 9 : index
    %get3A_68 = vector.load %arg2[%get3A_66, %get3A_67] : memref<512x10xf32, #tpu.memory_space<vmem>>, vector<512x1xf32>
    %mul3A_69 = vector.broadcast %get3A_68 : vector<512x1xf32> to vector<512x64xf32>
    %mul3A_70 = arith.mulf %slice3A_65, %mul3A_69 : vector<512x64xf32>
    %add3A_71 = arith.addf %add3A_64, %mul3A_70 : vector<512x64xf32>
    %get3A_72 = arith.constant 0 : index
    %get3A_73 = arith.constant 0 : index
    %get3A_74 = vector.load %arg4[%get3A_72, %get3A_73] : memref<64x128xf32, #tpu.memory_space<vmem>>, vector<64x128xf32>
    %dot_general3A_75 = arith.constant dense<0.000000e+00> : vector<512x128xf32>
    %dot_general3A_76 = tpu.matmul %add3A_71, %get3A_74, %dot_general3A_75 {dimension_numbers = #tpu.dot_dimension_numbers<[1], [0], [0], [1], [0, 0, 1, 1], [], []>, transpose_lhs_hint = false} : vector<512x64xf32>, vector<64x128xf32>, vector<512x128xf32> -> vector<512x128xf32>
    %get3A_77 = arith.constant 0 : index
    %get3A_78 = arith.constant 0 : index
    %get3A_79 = vector.load %arg5[%get3A_77, %get3A_78] : memref<1x128xf32, #tpu.memory_space<vmem>>, vector<1x128xf32>
    %add3A_80 = vector.broadcast %get3A_79 : vector<1x128xf32> to vector<512x128xf32>
    %add3A_81 = arith.addf %dot_general3A_76, %add3A_80 : vector<512x128xf32>
    %tanh3A = math.tanh %add3A_81 : vector<512x128xf32>
    %mul3A_82 = arith.constant 512 : i32
    %mul3A_83 = arith.muli %arg0, %mul3A_82 : i32
    %iota3A = tpu.iota {dimensions = array<i32: 0>} : vector<512x128xi32>
    %add3A_84 = vector.broadcast %mul3A_83 : i32 to vector<512x128xi32>
    %add3A_85 = arith.addi %add3A_84, %iota3A : vector<512x128xi32>
    %lt3A = arith.constant 320000 : i32
    %lt3A_86 = vector.broadcast %lt3A : i32 to vector<512x128xi32>
    %lt3A_87 = arith.cmpi slt, %add3A_85, %lt3A_86 : vector<512x128xi32>
    %jit3A = arith.constant 0.000000e+00 : f32
    %broadcast_in_dim3A = vector.broadcast %jit3A : f32 to vector<512x128xf32>
    %select_n3A = arith.select %lt3A_87, %tanh3A, %broadcast_in_dim3A : vector<512x128xi1>, vector<512x128xf32>
    %swap3A = arith.constant 0 : index
    %swap3A_88 = arith.constant 0 : index
    %swap3A_89 = vector.load %arg6[%swap3A, %swap3A_88] : memref<512x128xf32, #tpu.memory_space<vmem>>, vector<512x128xf32>
    tpu.vector_store %arg6[%swap3A, %swap3A_88], %select_n3A {strides = array<i32>} : memref<512x128xf32, #tpu.memory_space<vmem>>, vector<512x128xf32>,
    return
  }
  func.func @transform_0(%arg0: i32) -> (i32, i32) {
    %c0_i32 = arith.constant 0 : i32
    %c0_i32_0 = arith.constant 0 : i32
    return %arg0, %c0_i32 : i32, i32
  }
  func.func @transform_1(%arg0: i32) -> (i32, i32) {
    %add3A = arith.constant 0 : i32
    %add3A_0 = arith.addi %add3A, %arg0 : i32
    %min3A = arith.constant 624 : i32
    %min3A_1 = arith.minsi %add3A_0, %min3A : i32
    %c0_i32 = arith.constant 0 : i32
    %c0_i32_2 = arith.constant 0 : i32
    return %min3A_1, %c0_i32 : i32, i32
  }
  func.func @transform_2(%arg0: i32) -> (i32, i32) {
    %c0_i32 = arith.constant 0 : i32
    %c0_i32_0 = arith.constant 0 : i32
    %c0_i32_1 = arith.constant 0 : i32
    return %c0_i32, %c0_i32_0 : i32, i32
  }
  func.func @transform_3(%arg0: i32) -> (i32, i32) {
    %c0_i32 = arith.constant 0 : i32
    %c0_i32_0 = arith.constant 0 : i32
    %c0_i32_1 = arith.constant 0 : i32
    return %c0_i32, %c0_i32_0 : i32, i32
  }
  func.func @transform_4(%arg0: i32) -> (i32, i32) {
    %c0_i32 = arith.constant 0 : i32
    %c0_i32_0 = arith.constant 0 : i32
    %c0_i32_1 = arith.constant 0 : i32
    return %c0_i32, %c0_i32_0 : i32, i32
  }
  func.func @transform_5(%arg0: i32) -> (i32, i32) {
    %c0_i32 = arith.constant 0 : i32
    %c0_i32_0 = arith.constant 0 : i32
    return %arg0, %c0_i32 : i32, i32
  }
}

module attributes {stable_mosaic.version = 14 : i64} {
  func.func @_combine_body(%arg0: i32, %arg1: memref<1264x128xf32, #tpu.memory_space<vmem>>, %arg2: memref<1x1264x64xf32, #tpu.memory_space<vmem>>, %arg3: memref<1x1264x64xf32, #tpu.memory_space<vmem>>, %arg4: memref<1x1264x64xf32, #tpu.memory_space<vmem>>, %arg5: memref<1x1264x64xf32, #tpu.memory_space<vmem>>, %arg6: memref<1x1264x64xf32, #tpu.memory_space<vmem>>, %arg7: memref<1x1264x64xf32, #tpu.memory_space<vmem>>, %arg8: memref<1x1264x64xf32, #tpu.memory_space<vmem>>, %arg9: memref<1x1264x64xf32, #tpu.memory_space<vmem>>, %arg10: memref<1x1264x64xf32, #tpu.memory_space<vmem>>, %arg11: memref<1x1264x64xf32, #tpu.memory_space<vmem>>, %arg12: memref<1264x128xf32, #tpu.memory_space<vmem>>) attributes {dimension_semantics = [#tpu.dimension_semantics<arbitrary>], iteration_bounds = array<i64: 8>, scalar_prefetch = 0 : i64, scratch_operands = 0 : i64, tpu.core_type = #tpu.core_type<tc>, window_params = [{transform_indices = @transform_0, window_bounds = array<i64: 1264, 128>}, {transform_indices = @transform_1, window_bounds = array<i64: 1, 1264, 64>}, {transform_indices = @transform_2, window_bounds = array<i64: 1, 1264, 64>}, {transform_indices = @transform_3, window_bounds = array<i64: 1, 1264, 64>}, {transform_indices = @transform_4, window_bounds = array<i64: 1, 1264, 64>}, {transform_indices = @transform_5, window_bounds = array<i64: 1, 1264, 64>}, {transform_indices = @transform_6, window_bounds = array<i64: 1, 1264, 64>}, {transform_indices = @transform_7, window_bounds = array<i64: 1, 1264, 64>}, {transform_indices = @transform_8, window_bounds = array<i64: 1, 1264, 64>}, {transform_indices = @transform_9, window_bounds = array<i64: 1, 1264, 64>}, {transform_indices = @transform_10, window_bounds = array<i64: 1, 1264, 64>}, {transform_indices = @transform_11, window_bounds = array<i64: 1264, 128>}]} {
    %get3A = arith.constant 0 : index
    %get3A_0 = arith.constant 0 : index
    %get3A_1 = vector.load %arg1[%get3A, %get3A_0] : memref<1264x128xf32, #tpu.memory_space<vmem>>, vector<1264x64xf32>
    %get3A_2 = arith.constant 0 : index
    %get3A_3 = arith.constant 64 : index
    %get3A_4 = vector.load %arg1[%get3A_2, %get3A_3] : memref<1264x128xf32, #tpu.memory_space<vmem>>, vector<1264x64xf32>
    %get3A_5 = arith.constant 0 : index
    %get3A_6 = arith.constant 0 : index
    %get3A_7 = arith.constant 0 : index
    %get3A_8 = vector.load %arg2[%get3A_5, %get3A_6, %get3A_7] : memref<1x1264x64xf32, #tpu.memory_space<vmem>>, vector<1x1264x64xf32>
    %get3A_9 = vector.shape_cast %get3A_8 : vector<1x1264x64xf32> to vector<1264x64xf32>
    %add3A = arith.addf %get3A_1, %get3A_9 : vector<1264x64xf32>
    %get3A_10 = arith.constant 0 : index
    %get3A_11 = arith.constant 0 : index
    %get3A_12 = arith.constant 0 : index
    %get3A_13 = vector.load %arg3[%get3A_10, %get3A_11, %get3A_12] : memref<1x1264x64xf32, #tpu.memory_space<vmem>>, vector<1x1264x64xf32>
    %get3A_14 = vector.shape_cast %get3A_13 : vector<1x1264x64xf32> to vector<1264x64xf32>
    %add3A_15 = arith.addf %add3A, %get3A_14 : vector<1264x64xf32>
    %get3A_16 = arith.constant 0 : index
    %get3A_17 = arith.constant 0 : index
    %get3A_18 = arith.constant 0 : index
    %get3A_19 = vector.load %arg4[%get3A_16, %get3A_17, %get3A_18] : memref<1x1264x64xf32, #tpu.memory_space<vmem>>, vector<1x1264x64xf32>
    %get3A_20 = vector.shape_cast %get3A_19 : vector<1x1264x64xf32> to vector<1264x64xf32>
    %add3A_21 = arith.addf %add3A_15, %get3A_20 : vector<1264x64xf32>
    %get3A_22 = arith.constant 0 : index
    %get3A_23 = arith.constant 0 : index
    %get3A_24 = arith.constant 0 : index
    %get3A_25 = vector.load %arg5[%get3A_22, %get3A_23, %get3A_24] : memref<1x1264x64xf32, #tpu.memory_space<vmem>>, vector<1x1264x64xf32>
    %get3A_26 = vector.shape_cast %get3A_25 : vector<1x1264x64xf32> to vector<1264x64xf32>
    %add3A_27 = arith.addf %add3A_21, %get3A_26 : vector<1264x64xf32>
    %get3A_28 = arith.constant 0 : index
    %get3A_29 = arith.constant 0 : index
    %get3A_30 = arith.constant 0 : index
    %get3A_31 = vector.load %arg6[%get3A_28, %get3A_29, %get3A_30] : memref<1x1264x64xf32, #tpu.memory_space<vmem>>, vector<1x1264x64xf32>
    %get3A_32 = vector.shape_cast %get3A_31 : vector<1x1264x64xf32> to vector<1264x64xf32>
    %add3A_33 = arith.addf %add3A_27, %get3A_32 : vector<1264x64xf32>
    %get3A_34 = arith.constant 0 : index
    %get3A_35 = arith.constant 0 : index
    %get3A_36 = arith.constant 0 : index
    %get3A_37 = vector.load %arg7[%get3A_34, %get3A_35, %get3A_36] : memref<1x1264x64xf32, #tpu.memory_space<vmem>>, vector<1x1264x64xf32>
    %get3A_38 = vector.shape_cast %get3A_37 : vector<1x1264x64xf32> to vector<1264x64xf32>
    %add3A_39 = arith.addf %get3A_4, %get3A_38 : vector<1264x64xf32>
    %get3A_40 = arith.constant 0 : index
    %get3A_41 = arith.constant 0 : index
    %get3A_42 = arith.constant 0 : index
    %get3A_43 = vector.load %arg8[%get3A_40, %get3A_41, %get3A_42] : memref<1x1264x64xf32, #tpu.memory_space<vmem>>, vector<1x1264x64xf32>
    %get3A_44 = vector.shape_cast %get3A_43 : vector<1x1264x64xf32> to vector<1264x64xf32>
    %add3A_45 = arith.addf %add3A_39, %get3A_44 : vector<1264x64xf32>
    %get3A_46 = arith.constant 0 : index
    %get3A_47 = arith.constant 0 : index
    %get3A_48 = arith.constant 0 : index
    %get3A_49 = vector.load %arg9[%get3A_46, %get3A_47, %get3A_48] : memref<1x1264x64xf32, #tpu.memory_space<vmem>>, vector<1x1264x64xf32>
    %get3A_50 = vector.shape_cast %get3A_49 : vector<1x1264x64xf32> to vector<1264x64xf32>
    %add3A_51 = arith.addf %add3A_45, %get3A_50 : vector<1264x64xf32>
    %get3A_52 = arith.constant 0 : index
    %get3A_53 = arith.constant 0 : index
    %get3A_54 = arith.constant 0 : index
    %get3A_55 = vector.load %arg10[%get3A_52, %get3A_53, %get3A_54] : memref<1x1264x64xf32, #tpu.memory_space<vmem>>, vector<1x1264x64xf32>
    %get3A_56 = vector.shape_cast %get3A_55 : vector<1x1264x64xf32> to vector<1264x64xf32>
    %add3A_57 = arith.addf %add3A_51, %get3A_56 : vector<1264x64xf32>
    %get3A_58 = arith.constant 0 : index
    %get3A_59 = arith.constant 0 : index
    %get3A_60 = arith.constant 0 : index
    %get3A_61 = vector.load %arg11[%get3A_58, %get3A_59, %get3A_60] : memref<1x1264x64xf32, #tpu.memory_space<vmem>>, vector<1x1264x64xf32>
    %get3A_62 = vector.shape_cast %get3A_61 : vector<1x1264x64xf32> to vector<1264x64xf32>
    %add3A_63 = arith.addf %add3A_57, %get3A_62 : vector<1264x64xf32>
    %swap3A = arith.constant 0 : index
    %swap3A_64 = arith.constant 0 : index
    %swap3A_65 = vector.load %arg12[%swap3A, %swap3A_64] : memref<1264x128xf32, #tpu.memory_space<vmem>>, vector<1264x64xf32>
    tpu.vector_store %arg12[%swap3A, %swap3A_64], %add3A_33 {strides = array<i32>} : memref<1264x128xf32, #tpu.memory_space<vmem>>, vector<1264x64xf32>,
    %swap3A_66 = arith.constant 0 : index
    %swap3A_67 = arith.constant 64 : index
    %swap3A_68 = vector.load %arg12[%swap3A_66, %swap3A_67] : memref<1264x128xf32, #tpu.memory_space<vmem>>, vector<1264x64xf32>
    tpu.vector_store %arg12[%swap3A_66, %swap3A_67], %add3A_63 {strides = array<i32>} : memref<1264x128xf32, #tpu.memory_space<vmem>>, vector<1264x64xf32>,
    return
  }
  func.func @transform_0(%arg0: i32) -> (i32, i32) {
    %c0_i32 = arith.constant 0 : i32
    %c0_i32_0 = arith.constant 0 : i32
    return %arg0, %c0_i32 : i32, i32
  }
  func.func @transform_1(%arg0: i32) -> (i32, i32, i32) {
    %c0_i32 = arith.constant 0 : i32
    %c0_i32_0 = arith.constant 0 : i32
    %c0_i32_1 = arith.constant 0 : i32
    return %c0_i32, %arg0, %c0_i32_0 : i32, i32, i32
  }
  func.func @transform_2(%arg0: i32) -> (i32, i32, i32) {
    %c0_i32 = arith.constant 0 : i32
    %c0_i32_0 = arith.constant 0 : i32
    %c0_i32_1 = arith.constant 0 : i32
    return %c0_i32, %arg0, %c0_i32_0 : i32, i32, i32
  }
  func.func @transform_3(%arg0: i32) -> (i32, i32, i32) {
    %c0_i32 = arith.constant 0 : i32
    %c0_i32_0 = arith.constant 0 : i32
    %c0_i32_1 = arith.constant 0 : i32
    return %c0_i32, %arg0, %c0_i32_0 : i32, i32, i32
  }
  func.func @transform_4(%arg0: i32) -> (i32, i32, i32) {
    %c0_i32 = arith.constant 0 : i32
    %c0_i32_0 = arith.constant 0 : i32
    %c0_i32_1 = arith.constant 0 : i32
    return %c0_i32, %arg0, %c0_i32_0 : i32, i32, i32
  }
  func.func @transform_5(%arg0: i32) -> (i32, i32, i32) {
    %c0_i32 = arith.constant 0 : i32
    %c0_i32_0 = arith.constant 0 : i32
    %c0_i32_1 = arith.constant 0 : i32
    return %c0_i32, %arg0, %c0_i32_0 : i32, i32, i32
  }
  func.func @transform_6(%arg0: i32) -> (i32, i32, i32) {
    %c1_i32 = arith.constant 1 : i32
    %c0_i32 = arith.constant 0 : i32
    %c0_i32_0 = arith.constant 0 : i32
    return %c1_i32, %arg0, %c0_i32 : i32, i32, i32
  }
  func.func @transform_7(%arg0: i32) -> (i32, i32, i32) {
    %c1_i32 = arith.constant 1 : i32
    %c0_i32 = arith.constant 0 : i32
    %c0_i32_0 = arith.constant 0 : i32
    return %c1_i32, %arg0, %c0_i32 : i32, i32, i32
  }
  func.func @transform_8(%arg0: i32) -> (i32, i32, i32) {
    %c1_i32 = arith.constant 1 : i32
    %c0_i32 = arith.constant 0 : i32
    %c0_i32_0 = arith.constant 0 : i32
    return %c1_i32, %arg0, %c0_i32 : i32, i32, i32
  }
  func.func @transform_9(%arg0: i32) -> (i32, i32, i32) {
    %c1_i32 = arith.constant 1 : i32
    %c0_i32 = arith.constant 0 : i32
    %c0_i32_0 = arith.constant 0 : i32
    return %c1_i32, %arg0, %c0_i32 : i32, i32, i32
  }
  func.func @transform_10(%arg0: i32) -> (i32, i32, i32) {
    %c1_i32 = arith.constant 1 : i32
    %c0_i32 = arith.constant 0 : i32
    %c0_i32_0 = arith.constant 0 : i32
    return %c1_i32, %arg0, %c0_i32 : i32, i32, i32
  }
  func.func @transform_11(%arg0: i32) -> (i32, i32) {
    %c0_i32 = arith.constant 0 : i32
    %c0_i32_0 = arith.constant 0 : i32
    return %arg0, %c0_i32 : i32, i32
  }
}

</mosaic_0001>

<sc_bundles>
// kernel: kernel.19.cloned.1.call-start
scs
__scs_entry_jumppad:
0x0: {  	(pc) =	sbr.rel $0x88, $3  }
0x1: {  	(tag) =	ssettag $0x0;
	lr =	simm.s32 $0x1  }
0x2: {  	[smem:$0x3F96] =	sst lr;
	_ =	strace $0xD0000000  }
0x3: {  	_ = 	snop  }
0x4: {  	_ = 	snop  }
0x5: {  	_ = 	snop  }
0x6: {  	_ = 	snop  }
0x7: {  	_ = 	snop  }
__scs_overlays_trampoline_lowered:
0x8: {  	[smem:$0x3FA5] =	sst s0  }
0x9: {  	[smem:$0x3FA6] =	sst s1  }
0xa: {  	[smem:$0x3FA7] =	sst s2  }
0xb: {  	[smem:$0x3FA8] =	sst s3  }
0xc: {  	[smem:$0x3FA9] =	sst s4  }
0xd: {  	[smem:$0x3FAA] =	sst s5  }
0xe: {  	[smem:$0x3FAB] =	sst s6  }
0xf: {  	[smem:$0x3FAC] =	sst s7  }
0x10: {  	[smem:$0x3FAD] =	sst s8  }
0x11: {  	[smem:$0x3FAE] =	sst s9;
	s0 =	simm.s32 @!p0 $0x0  }
0x12: {  	s1 =	sld [smem:$0x3F94];
	s0 =	simm.s32 @p0 $0x1  }
0x13: {  	[smem:$0x3FAF] =	sst s0;
	s0 =	simm.s32 @!p1 $0x0  }
0x14: {  	s2 =	sld [smem:$0x3F93];
	s0 =	simm.s32 @p1 $0x1  }
0x15: {  	[smem:$0x3FB0] =	sst s0;
	s0 =	simm.s32 @!p2 $0x0  }
0x16: {  	s3 =	sld [smem:$0x3FDB];
	s0 =	simm.s32 @p2 $0x1  }
0x17: {  	s4 =	simm.s32 $0x1BF5;
	[smem:$0x3FB2] =	sst s0  }
0x18: {  	s0 =	sld [smem:$0x3F95];
	_ =	swait.ge [sflag:s4], $0x0  }
0x19: {  	s7 =	sld [smem:$0x3F96]  }
0x1a: {  	s8 =	sadd.s32 $0xFFFFE003, lr  }
0x1b: {  	s9 =	sadd.s32 $0xFFFFFEF7, lr;
	s5 =	simm.s32 $0xFFFFFFFF;
	p2 =	slt.u32 s8, $0xFFFFF086  }
0x1c: {  	p1 =	slt.u32 s9, $0xF7A;
	s5 =	simm.s32 @!p2 $0x0  }
0x1d: {  	s5 =	simm.s32 @p1 $0x1;
	p0 =	seq.s32 s7, s2  }
0x1e: {  	s7 =	smul.u32 @!p0 $0xF7A, s2;
	p2 =	seq.s32 @!p0 s5, $0x0  }
0x1f: {  	s9 =	smul.u32 $0xF7A, s1;
	s8 =	simm.s32 @!p0 $0x1BF5;
	p2 =	por !p2, p0  }
0x20: {  	[sflag:s8] =	ssyncset.s32 @!p0 $0xFFFFF086;
	s6 =	sadd.s32 @!p0 s3, s7;
	s7 =	simm.s32 @!p0 $0x108  }
0x21: {  	s3 =	sadd.s32 s3, s9;
	s6 =	sadd.s32 @!p0 $0x88, s6;
	s7 =	simm.s32 @p2 $0x1082  }
0x22: {  	[simem:s7], [sflag:s8] =	dma.local @!p0 [hbm:s6], $0xF7A  }
0x23: {  	s9 =	sor.u32 $0xD0000000, s2;
	s6 =	simm.s32 $0x108;
	_ =	swait.ge @!p0 [sflag:s8], $0x0  }
0x24: {  	s3 =	sadd.s32 $0x88, s3;
	s6 =	simm.s32 @!p1 $0x1082;
	[sflag:s4] =	ssyncset.s32 $0xFFFFF086  }
0x25: {  	[simem:s6], [sflag:s4] =	dma.local [hbm:s3], $0xF7A  }
0x26: {  	[smem:$0x3F96] =	sst s1;
	(tag) =	ssettag s2;
	_ =	strace s9  }
0x27: {  	s1 =	sld [smem:$0x3FA6]  }
0x28: {  	s2 =	sld [smem:$0x3FA7]  }
0x29: {  	s4 =	sld [smem:$0x3FA9]  }
0x2a: {  	p0 =	seq.s32 s5, $0x0;
	s5 =	sld [smem:$0x3FAA]  }
0x2b: {  	s6 =	sld [smem:$0x3FAB]  }
0x2c: {  	s7 =	sld [smem:$0x3FAC]  }
0x2d: {  	s3 =	simm.s32 $0x108;
	s8 =	sld [smem:$0x3FAD]  }
0x2e: {  	s3 =	simm.s32 @!p0 $0x1082;
	s9 =	sld [smem:$0x3FAE]  }
0x2f: {  	lr =	sadd.s32 s0, s3;
	s0 =	sld [smem:$0x3FA5]  }
0x30: {  	s3 =	sld [smem:$0x3FA8]  }
0x31: {  	[smem:$0x3FB1] =	sst s10  }
0x32: {  	s10 =	sld [smem:$0x3FAF];
	_ =	sdelay $0x3  }
0x33: {  	p0 =	seq.s32 s10, $0x1;
	s10 =	sld [smem:$0x3FB1];
	_ =	sdelay $0x3  }
0x34: {  	[smem:$0x3FB1] =	sst s10  }
0x35: {  	s10 =	sld [smem:$0x3FB0];
	_ =	sdelay $0x3  }
0x36: {  	p1 =	seq.s32 s10, $0x1;
	s10 =	sld [smem:$0x3FB1];
	_ =	sdelay $0x3  }
0x37: {  	[smem:$0x3FB1] =	sst s10  }
0x38: {  	s10 =	sld [smem:$0x3FB2]  }
0x39: {  	_ = 	snop;
	(pc) =	sbr.ind lr, $3  }
0x3a: {  	_ = 	snop  }
0x3b: {  	_ = 	snop  }
0x3c: {  	p2 =	seq.s32 s10, $0x1;
	s10 =	sld [smem:$0x3FB1]  }
0x3d: {  	_ =	shalt  }
0x3e: {  	_ =	shalt  }
0x3f: {  	_ =	shalt  }
0x40: {  	_ =	shalt  }
0x41: {  	_ =	shalt  }
0x42: {  	_ =	shalt  }
0x43: {  	_ =	shalt  }
0x44: {  	_ =	shalt  }
0x45: {  	_ =	shalt  }
0x46: {  	_ =	shalt  }
0x47: {  	_ =	shalt  }
0x48: {  	_ =	shalt  }
0x49: {  	_ =	shalt  }
0x4a: {  	_ =	shalt  }
0x4b: {  	_ =	shalt  }
0x4c: {  	_ =	shalt  }
0x4d: {  	_ =	shalt  }
0x4e: {  	_ =	shalt  }
0x4f: {  	_ =	shalt  }
0x50: {  	_ =	shalt  }
0x51: {  	_ =	shalt  }
0x52: {  	_ =	shalt  }
0x53: {  	_ =	shalt  }
0x54: {  	_ =	shalt  }
0x55: {  	_ =	shalt  }
0x56: {  	_ =	shalt  }
0x57: {  	_ =	shalt  }
0x58: {  	_ =	shalt  }
0x59: {  	_ =	shalt  }
0x5a: {  	_ =	shalt  }
0x5b: {  	_ =	shalt  }
0x5c: {  	_ =	shalt  }
0x5d: {  	_ =	shalt  }
0x5e: {  	_ =	shalt  }
0x5f: {  	_ =	shalt  }
0x60: {  	_ =	shalt  }
0x61: {  	_ =	shalt  }
0x62: {  	_ =	shalt  }
0x63: {  	_ =	shalt  }
0x64: {  	_ =	shalt  }
0x65: {  	_ =	shalt  }
0x66: {  	_ =	shalt  }
0x67: {  	_ =	shalt  }
0x68: {  	_ =	shalt  }
0x69: {  	_ =	shalt  }
0x6a: {  	_ =	shalt  }
0x6b: {  	_ =	shalt  }
0x6c: {  	_ =	shalt  }
0x6d: {  	_ =	shalt  }
0x6e: {  	_ =	shalt  }
0x6f: {  	_ =	shalt  }
0x70: {  	_ =	shalt  }
0x71: {  	_ =	shalt  }
0x72: {  	_ =	shalt  }
0x73: {  	_ =	shalt  }
0x74: {  	_ =	shalt  }
0x75: {  	_ =	shalt  }
0x76: {  	_ =	shalt  }
0x77: {  	_ =	shalt  }
0x78: {  	_ =	shalt  }
0x79: {  	_ =	shalt  }
0x7a: {  	_ =	shalt  }
0x7b: {  	_ =	shalt  }
0x7c: {  	_ =	shalt  }
0x7d: {  	_ =	shalt  }
0x7e: {  	_ =	shalt  }
0x7f: {  	_ =	shalt  }
0x80: {  	_ =	shalt  }
0x81: {  	_ =	shalt  }
0x82: {  	_ =	shalt  }
0x83: {  	_ =	shalt  }
0x84: {  	_ =	shalt  }
0x85: {  	_ =	shalt  }
0x86: {  	_ =	shalt  }
0x87: {  	_ =	shalt  }
.Lfunc_end0:
.L_simem_size_0:
called_computation_lowered:
.L_overlay_start_0:
0x88: {  	s2 =	sld [smem:$0x3FD9]  }
0x89: {  	s3 =	sld [smem:$0x3FFE];
	_ =	sdelay $0x1  }
0x8a: {  	s1 =	srdreg.scid  }
0x8b: {  	s0 =	sand.u32 $0x1, s1  }
0x8c: {  	s17 =	sshll.u32 s0, $0xA;
	s2 =	sadd.s32 s3, s2  }
0x8d: {  	s2 =	sadd.s32 s2, s17  }
0x8e: {  	[smem:$0x3FBD] =	sst s2  }
0x8f: {  	_ = 	snop  }
0x90: {  	(tm) =	ssettm $0x1  }
0x91: {  	s18 =	sld [smem:$0x3FFB];
	_ =	sdelay $0x3  }
0x92: {  	_ =	strace s18  }
0x93: {  	s2 =	sld [smem:$0x3FFC];
	_ =	sdelay $0x3  }
0x94: {  	_ =	strace s2  }
0x95: {  	s2 =	sld [smem:$0x3FFD];
	_ =	sdelay $0x3  }
0x96: {  	_ =	strace s2  }
0x97: {  	_ =	strace $0x8FFFFFFF  }
0x98: {  	s19 =	sld [smem:$0x3FDB];
	_ =	sdelay $0x1  }
0x99: {  	s20 =	simm.s32 $_scs_section_size  }
0x9a: {  	s4 =	simm.s32 $_size__tile_overlayer_lowered;
	s5 =	simm.s32 $_tile_overlayer_lowered  }
0x9b: {  	s6 =	simm.s32 $0x1BFF;
	s21 =	sshll.u32 s5, $0x1;
	s3 =	sadd.s32 s20, s19  }
0x9c: {  	s22 =	simm.s32 $0x0;
	s4 =	sshll.u32 s4, $0x1;
	s5 =	sadd.s32 s21, s3  }
0x9d: {  	[timem:s22], [sflag:s6] =	dma.local [hbm:s5], s4  }
0x9e: {  	_ =	swait.ge [sflag:s6], s4  }
0x9f: {  	s4 =	ssub.s32 $0x0, s4;
	[sflag:s6] =	ssyncset.done $0x0  }
0xa0: {  	[sflag:s6] =	ssyncadd.s32 s4;
	_ =	sdelay $0x1  }
0xa1: {  	s23 =	simm.s32 $0x1B8B  }
0xa2: {  	_ =	swait.ge [sflag:s23], $0x1  }
0xa3: {  	[sflag:s23] =	ssyncset.done $0x0  }
0xa4: {  	[sflag:s23] =	ssyncadd.s32 $0xFFFFFFFF  }
0xa5: {  	s4 =	sld [smem:$0x0]  }
0xa6: {  	s5 =	sand.u32 $0xFFFFFFFE, s1  }
0xa7: {  	p0 =	sne.s32 s1, s5  }
0xa8: {  	s5 =	sshll.u32 @p0 s5, $0xE  }
0xa9: {  	s5 =	sadd.s32 @p0 $0x11B8D, s5;
	s6 =	sshll.u32 @p0 s4, $0x11  }
0xaa: {  	s5 =	sor.u32 @p0 s6, s5  }
0xab: {  	[sflag:s5] =	ssyncadd.remote.s32 @p0 $0x1;
	_ =	sdelay $0x1  }
0xac: {  	s5 =	simm.s32 @p0 $0x1B8D  }
0xad: {  	_ =	swait.eq @p0 [sflag:s5], $0x1  }
0xae: {  	[sflag:s5] =	ssyncadd.s32 @p0 $0xFFFFFFFF  }
0xaf: {  	s6 =	sshll.u32 @!p0 s1, $0xE  }
0xb0: {  	s6 =	sor.u32 @!p0 $0x4000, s6;
	s5 =	simm.s32 @!p0 $0x1B8D  }
0xb1: {  	s4 =	sshll.u32 @!p0 s4, $0x11;
	s6 =	sadd.s32 @!p0 $0x11B8D, s6;
	_ =	swait.eq @!p0 [sflag:s5], $0x1  }
0xb2: {  	s4 =	sor.u32 @!p0 s4, s6;
	[sflag:s5] =	ssyncadd.s32 @!p0 $0xFFFFFFFF  }
0xb3: {  	s25 =	simm.s32 $0x1B8E;
	s24 =	sld [smem:$0x3FFE];
	[sflag:s4] =	ssyncadd.remote.s32 @!p0 $0x1  }
0xb4: {  	s26 =	simm.s32 $execute0_lowered;
	[smem:$0x3FD2] =	sst s25  }
0xb5: {  	s5 =	sshll.u32 s26, $0x1;
	_ =	strace $0x80000052;
	[dreg:$0x1] =	wrdreg $0xFFFFFFFF  }
0xb6: {  	s28 =	simm.s32 $_size_execute0_lowered;
	s3 =	sadd.s32 s3, s5;
	[dreg:$0x0] =	wrdreg $0x0  }
0xb7: {  	s5 =	sshll.u32 s28, $0x1;
	[dreg:$0x2] =	wrdreg s3  }
0xb8: {  	[dreg:$0x3] =	wrdreg s5  }
0xb9: {  	[dreg:$0x4] =	wrdreg $0xC0  }
0xba: {  	_ =	task [dreg:s22], $0x5FFFF  }
0xbb: {  	[dreg:$0x1] =	wrdreg $0xFFFFFFFF  }
0xbc: {  	[dreg:$0x0] =	wrdreg $0x60  }
0xbd: {  	[dreg:$0x2] =	wrdreg s24  }
0xbe: {  	[dreg:$0x3] =	wrdreg $0x9  }
0xbf: {  	_ =	task.clear_ibuf [dreg:s22], $0x4FFFF;
	_ =	strace $0x90000052  }
0xc0: {  	s29 =	simm.s32 $0x9;
	_ =	strace $0x80000054  }
0xc1: {  	_ =	swait.ge [sflag:s29], $0x1  }
0xc2: {  	[sflag:s29] =	ssyncadd.s32 $0xFFFFFFFF  }
0xc3: {  	_ =	strace $0x90000054  }
0xc4: {  	_ =	sfence  }
0xc5: {  	s30 =	sld [smem:$0x0];
	_ =	sdelay $0x2  }
0xc6: {  	s31 =	sshll.u32 s1, $0xD;
	s1 =	sshrl.u32 s1, $0x2  }
0xc7: {  	s4 =	sand.u32 $0x4000, s31;
	s1 =	sadd.s32 s1, s30  }
0xc8: {  	s0 =	sor.u32 s4, s0;
	s1 =	sshll.u32 s1, $0x11  }
0xc9: {  	s0 =	sor.u32 s1, s0  }
0xca: {  	s0 =	sadd.s32 $0x8F2B, s0  }
0xcb: {  	[sflag:s0] =	ssyncadd.remote.s32 $0x1  }
0xcc: {  	_ =	sfence.sel $0xFFFF  }
0xcd: {  	[dreg:$0x0] =	wrdreg $0xFFFFFFFF;
	(pc) =	sbr.abs _section_cstart, $3  }
0xce: {  	[dreg:$0x1] =	wrdreg $0xFFFFFFFF  }
0xcf: {  	_ =	task.clear_ibuf [dreg:s22], $0x2FFFF;
	_ =	strace $0x9FFFFFFF  }
0xd0: {  	(tm) =	ssettm $0x7FFFFFFF  }
0xd1: {  	_ =	shalt  }
tec
execute0_lowered:
.L_overlay_start_1:
0x0: {  	(tag) =	ssettag $0x1  }
0x1: {  	s5 =	rddreg [dreg:$0x0]  }
0x2: {  	s0 =	rddreg [dreg:$0x1]  }
0x3: {  	s2 =	simm.s32 $0x0;
	s3 =	srdreg.scid;
	s1 =	stileid.u32  }
0x4: {  	s11 =	simm.s32 $0x100;
	s12 =	simm.s32 $0x1;
	s13 =	simm.s32 $0x2  }
0x5: {  	s14 =	simm.s32 $0x0;
	[smem:$0x7FF] =	sst s2;
	s6 =	sand.u32 $0x1, s3  }
0x6: {  	s3 =	sadd.s32 $0x19600, s5;
	s7 =	sshll.u32 s1, $0xC;
	s4 =	sadd.s32 $0x5C00, s5  }
0x7: {  	s9 =	sshll.u32 s1, $0xF;
	_ =	strace $0x80000053;
	s8 =	sshll.u32 s6, $0xB  }
0x8: {  	s30 =	ssub.s32 $0x2, s6;
	s9 =	sadd.s32 s9, s5;
	s6 =	sshll.u32 s6, $0xE  }
0x9: {  	s7 =	sor.u32 s8, s7;
	s10 =	sshrl.u32 s30, $0x1;
	s6 =	sadd.s32 s6, s9  }
0xa: {  	s9 =	simm.s32 $0x3;
	s7 =	sshrl.u32 s7, $0x3;
	s8 =	ssub.s32 s30, s10  }
0xb: {  	s6 =	sadd.s32 $0x23F000, s6;
	s10 =	simm.s32 $0x80;
	s31 =	sadd.s32 s7, s5  }
0xc: {  	s5 =	smax.u32 s8, $0x1;
	s7 =	sadd.s32 $0x3D000, s31;
	s8 =	sadd.s32 $0x35000, s31  }
.LBB2_1:
0xd: {  	s15 =	sadd.s32 $0x0, s8  }
0xe: {  	[tilespmem:s2], [sflag:$0x3] =	stream.linear.gather [hbm4b:s15+s2], $0x80, $0x38;
	[tilespmem:$0x2100] =	vst v63  }
0xf: {  	_ =	swait.ge [sflag:s9], $0x80  }
0x10: {  	[sflag:s9] =	ssyncset.done $0x0  }
0x11: {  	s31 =	sadd.s32 $0x0, s7;
	[sflag:s9] =	ssyncadd.s32 $0xFFFFFF80  }
0x12: {  	[tilespmem:s10], [sflag:$0x3] =	stream.linear.gather [hbm4b:s31+s2], $0x80, $0x38;
	[tilespmem:$0x2100] =	vst v63  }
0x13: {  	_ =	swait.ge [sflag:s9], $0x80  }
0x14: {  	[sflag:s9] =	ssyncset.done $0x0  }
0x15: {  	[sflag:s9] =	ssyncadd.s32 $0xFFFFFF80  }
0x16: {  	[tilespmem:s11], [sflag:$0x1] =	stream.indirect.gather [hbm4b:s3+s10], $0x40, s2, s10, $0xb8;
	[tilespmem:$0x2100] =	vst v63  }
0x17: {  	_ =	swait.ge [sflag:s12], $0x2000  }
0x18: {  	[sflag:s12] =	ssyncset.done $0x0  }
0x19: {  	[sflag:s12] =	ssyncadd.s32 $0xFFFFE000  }
0x1a: {  	[tilespmem:s11], [sflag:$0x2] =	stream.indirect.gather.add.f32 [hbm:s4], $0x40, s10, s10, $0xb8;
	[tilespmem:$0x2100] =	vst v63  }
0x1b: {  	_ =	swait.ge [sflag:s13], $0x2000  }
0x1c: {  	[sflag:s13] =	ssyncset.done $0x0  }
0x1d: {  	[sflag:s13] =	ssyncadd.s32 $0xFFFFE000  }
0x1e: {  	[hbm4b:s6+s2] =	stream.linear.scatter [tilespmem:s11], [sflag:$0x3], $0x2000, $0x38;
	[tilespmem:$0x2100] =	vst v63  }
0x1f: {  	s16 =	simm.s32 $0x10;
	_ =	swait.ge [sflag:s9], $0x2000  }
0x20: {  	s17 =	simm.s32 $0x20;
	s15 =	sadd.s32 $0x400, s6;
	[sflag:s9] =	ssyncset.done $0x0  }
.LBB2_2:
0x21: {  	s18 =	sadd.s32 s16, s8  }
0x22: {  	[sflag:s9] =	ssyncadd.s32 $0xFFFFE000;
	s19 =	smov.u32 s17;
	s20 =	sadd.s32 $0x10, s17  }
0x23: {  	[tilespmem:s2], [sflag:$0x3] =	stream.linear.gather [hbm4b:s18+s2], $0x80, $0x38;
	[tilespmem:$0x2100] =	vst v63  }
0x24: {  	p0 =	sne.s32 s17, $0xF0;
	_ =	swait.ge [sflag:s9], $0x80  }
0x25: {  	[sflag:s9] =	ssyncset.done $0x0  }
0x26: {  	s17 =	sadd.s32 s16, s7;
	s16 =	smov.u32 s19;
	[sflag:s9] =	ssyncadd.s32 $0xFFFFFF80  }
0x27: {  	[tilespmem:s10], [sflag:$0x3] =	stream.linear.gather [hbm4b:s17+s2], $0x80, $0x38;
	[tilespmem:$0x2100] =	vst v63  }
0x28: {  	_ =	swait.ge [sflag:s9], $0x80  }
0x29: {  	[sflag:s9] =	ssyncset.done $0x0  }
0x2a: {  	[sflag:s9] =	ssyncadd.s32 $0xFFFFFF80  }
0x2b: {  	[tilespmem:s11], [sflag:$0x1] =	stream.indirect.gather [hbm4b:s3+s10], $0x40, s2, s10, $0xb8;
	[tilespmem:$0x2100] =	vst v63  }
0x2c: {  	_ =	swait.ge [sflag:s12], $0x2000  }
0x2d: {  	[sflag:s12] =	ssyncset.done $0x0  }
0x2e: {  	[sflag:s12] =	ssyncadd.s32 $0xFFFFE000  }
0x2f: {  	[tilespmem:s11], [sflag:$0x2] =	stream.indirect.gather.add.f32 [hbm:s4], $0x40, s10, s10, $0xb8;
	[tilespmem:$0x2100] =	vst v63  }
0x30: {  	_ =	swait.ge [sflag:s13], $0x2000  }
.Ltmp0:
0x31: {  	[sflag:s13] =	ssyncset.done $0x0;
	(pc) =	sbr.rel @p0 .LBB2_2-.Ltmp0, $4  }
0x32: {  	[sflag:s13] =	ssyncadd.s32 $0xFFFFE000  }
0x33: {  	[hbm4b:s15+s2] =	stream.linear.scatter [tilespmem:s11], [sflag:$0x3], $0x2000, $0x38;
	[tilespmem:$0x2100] =	vst v63  }
0x34: {  	_ =	swait.ge [sflag:s9], $0x2000  }
0x35: {  	s17 =	smov.u32 s20;
	s15 =	sadd.s32 $0x400, s15;
	[sflag:s9] =	ssyncset.done $0x0  }
0x36: {  	s17 =	sadd.s32 s16, s8;
	[sflag:s9] =	ssyncadd.s32 $0xFFFFE000  }
0x37: {  	[tilespmem:s2], [sflag:$0x3] =	stream.linear.gather [hbm4b:s17+s2], $0x80, $0x38;
	[tilespmem:$0x2100] =	vst v63  }
0x38: {  	_ =	swait.ge [sflag:s9], $0x80  }
0x39: {  	[sflag:s9] =	ssyncset.done $0x0  }
0x3a: {  	s31 =	sadd.s32 s16, s7;
	[sflag:s9] =	ssyncadd.s32 $0xFFFFFF80  }
0x3b: {  	[tilespmem:s10], [sflag:$0x3] =	stream.linear.gather [hbm4b:s31+s2], $0x80, $0x38;
	[tilespmem:$0x2100] =	vst v63  }
0x3c: {  	_ =	swait.ge [sflag:s9], $0x80  }
0x3d: {  	[sflag:s9] =	ssyncset.done $0x0  }
0x3e: {  	[sflag:s9] =	ssyncadd.s32 $0xFFFFFF80  }
0x3f: {  	[tilespmem:s11], [sflag:$0x1] =	stream.indirect.gather [hbm4b:s3+s10], $0x40, s2, s10, $0xb8;
	[tilespmem:$0x2100] =	vst v63  }
0x40: {  	_ =	swait.ge [sflag:s12], $0x2000  }
0x41: {  	[sflag:s12] =	ssyncset.done $0x0  }
0x42: {  	[sflag:s12] =	ssyncadd.s32 $0xFFFFE000  }
0x43: {  	[tilespmem:s11], [sflag:$0x2] =	stream.indirect.gather.add.f32 [hbm:s4], $0x40, s10, s10, $0xb8;
	[tilespmem:$0x2100] =	vst v63  }
0x44: {  	s14 =	sadd.s32 $0x1, s14;
	_ =	swait.ge [sflag:s13], $0x2000  }
0x45: {  	p0 =	sne.s32 s14, s5;
	[sflag:s13] =	ssyncset.done $0x0  }
.Ltmp1:
0x46: {  	[sflag:s13] =	ssyncadd.s32 $0xFFFFE000;
	(pc) =	sbr.rel @p0 .LBB2_1-.Ltmp1, $4  }
0x47: {  	[hbm4b:s15+s2] =	stream.linear.scatter [tilespmem:s11], [sflag:$0x3], $0x2000, $0x38;
	[tilespmem:$0x2100] =	vst v63  }
0x48: {  	_ =	swait.ge [sflag:s9], $0x2000  }
0x49: {  	[sflag:s9] =	ssyncset.done $0x0  }
0x4a: {  	[sflag:s9] =	ssyncadd.s32 $0xFFFFE000  }
0x4b: {  	_ =	sfence.sel $0x180000  }
0x4c: {  	[bflag:$0x0] =	sbarrier.arrive $0xFFFF  }
0x4d: {  	p0 =	sne.s32 s1, $0x0;
	_ =	strace $0x90000053  }
0x4e: {  	s0 =	sadd.s32 @!p0 $0x100000, s0;
	[bflag:$0x2] =	sbarrier.arrive $0xFFFF  }
0x4f: {  	[sflag:s0] =	ssyncadd.tile.s32 @!p0 $0x1;
	_ =	shalt  }
.Lfunc_end2:
_tile_overlayer_lowered:
.L_overlay_start_2:
0x50: {  	(tag) =	ssettag $0x2  }
0x51: {  	s0 =	rddreg [dreg:$0x0];
	s2 =	stileid.u32  }
0x52: {  	s1 =	rddreg [dreg:$0x1];
	p0 =	sne.s32 s2, $0x0  }
0x53: {  	s3 =	rddreg [dreg:$0x2];
	[bflag:$0x3] =	sbarrier.arrive $0xFFFF;
	s2 =	simm.s32 @!p0 $0x1C03  }
0x54: {  	[timem:s3], [sflag:s2] =	dma.local @!p0 [hbm:s0], s1  }
0x55: {  	s0 =	simm.s32 @!p0 $0x3  }
0x56: {  	_ =	swait.ge @!p0 [sflag:s0], s1  }
0x57: {  	s1 =	ssub.s32 @!p0 $0x0, s1;
	[sflag:s0] =	ssyncset.done @!p0 $0x0  }
0x58: {  	[sflag:s0] =	ssyncadd.s32 @!p0 s1  }
0x59: {  	[bflag:$0x3] =	sbarrier.arrive $0xFFFF  }
0x5a: {  	_ =	shalt  }

// kernel: kernel.22.cloned.1.call-start
scs
__scs_entry_jumppad:
0x0: {  	(pc) =	sbr.rel $0x88, $3  }
0x1: {  	(tag) =	ssettag $0x0;
	lr =	simm.s32 $0x1  }
0x2: {  	[smem:$0x3F96] =	sst lr;
	_ =	strace $0xD0000000  }
0x3: {  	_ = 	snop  }
0x4: {  	_ = 	snop  }
0x5: {  	_ = 	snop  }
0x6: {  	_ = 	snop  }
0x7: {  	_ = 	snop  }
__scs_overlays_trampoline_lowered:
0x8: {  	[smem:$0x3FA5] =	sst s0  }
0x9: {  	[smem:$0x3FA6] =	sst s1  }
0xa: {  	[smem:$0x3FA7] =	sst s2  }
0xb: {  	[smem:$0x3FA8] =	sst s3  }
0xc: {  	[smem:$0x3FA9] =	sst s4  }
0xd: {  	[smem:$0x3FAA] =	sst s5  }
0xe: {  	[smem:$0x3FAB] =	sst s6  }
0xf: {  	[smem:$0x3FAC] =	sst s7  }
0x10: {  	[smem:$0x3FAD] =	sst s8  }
0x11: {  	[smem:$0x3FAE] =	sst s9;
	s0 =	simm.s32 @!p0 $0x0  }
0x12: {  	s1 =	sld [smem:$0x3F94];
	s0 =	simm.s32 @p0 $0x1  }
0x13: {  	[smem:$0x3FAF] =	sst s0;
	s0 =	simm.s32 @!p1 $0x0  }
0x14: {  	s2 =	sld [smem:$0x3F93];
	s0 =	simm.s32 @p1 $0x1  }
0x15: {  	[smem:$0x3FB0] =	sst s0;
	s0 =	simm.s32 @!p2 $0x0  }
0x16: {  	s3 =	sld [smem:$0x3FDB];
	s0 =	simm.s32 @p2 $0x1  }
0x17: {  	s4 =	simm.s32 $0x1BF5;
	[smem:$0x3FB2] =	sst s0  }
0x18: {  	s0 =	sld [smem:$0x3F95];
	_ =	swait.ge [sflag:s4], $0x0  }
0x19: {  	s7 =	sld [smem:$0x3F96]  }
0x1a: {  	s8 =	sadd.s32 $0xFFFFE003, lr  }
0x1b: {  	s9 =	sadd.s32 $0xFFFFFEF7, lr;
	s5 =	simm.s32 $0xFFFFFFFF;
	p2 =	slt.u32 s8, $0xFFFFF086  }
0x1c: {  	p1 =	slt.u32 s9, $0xF7A;
	s5 =	simm.s32 @!p2 $0x0  }
0x1d: {  	s5 =	simm.s32 @p1 $0x1;
	p0 =	seq.s32 s7, s2  }
0x1e: {  	s7 =	smul.u32 @!p0 $0xF7A, s2;
	p2 =	seq.s32 @!p0 s5, $0x0  }
0x1f: {  	s9 =	smul.u32 $0xF7A, s1;
	s8 =	simm.s32 @!p0 $0x1BF5;
	p2 =	por !p2, p0  }
0x20: {  	[sflag:s8] =	ssyncset.s32 @!p0 $0xFFFFF086;
	s6 =	sadd.s32 @!p0 s3, s7;
	s7 =	simm.s32 @!p0 $0x108  }
0x21: {  	s3 =	sadd.s32 s3, s9;
	s6 =	sadd.s32 @!p0 $0x88, s6;
	s7 =	simm.s32 @p2 $0x1082  }
0x22: {  	[simem:s7], [sflag:s8] =	dma.local @!p0 [hbm:s6], $0xF7A  }
0x23: {  	s9 =	sor.u32 $0xD0000000, s2;
	s6 =	simm.s32 $0x108;
	_ =	swait.ge @!p0 [sflag:s8], $0x0  }
0x24: {  	s3 =	sadd.s32 $0x88, s3;
	s6 =	simm.s32 @!p1 $0x1082;
	[sflag:s4] =	ssyncset.s32 $0xFFFFF086  }
0x25: {  	[simem:s6], [sflag:s4] =	dma.local [hbm:s3], $0xF7A  }
0x26: {  	[smem:$0x3F96] =	sst s1;
	(tag) =	ssettag s2;
	_ =	strace s9  }
0x27: {  	s1 =	sld [smem:$0x3FA6]  }
0x28: {  	s2 =	sld [smem:$0x3FA7]  }
0x29: {  	s4 =	sld [smem:$0x3FA9]  }
0x2a: {  	p0 =	seq.s32 s5, $0x0;
	s5 =	sld [smem:$0x3FAA]  }
0x2b: {  	s6 =	sld [smem:$0x3FAB]  }
0x2c: {  	s7 =	sld [smem:$0x3FAC]  }
0x2d: {  	s3 =	simm.s32 $0x108;
	s8 =	sld [smem:$0x3FAD]  }
0x2e: {  	s3 =	simm.s32 @!p0 $0x1082;
	s9 =	sld [smem:$0x3FAE]  }
0x2f: {  	lr =	sadd.s32 s0, s3;
	s0 =	sld [smem:$0x3FA5]  }
0x30: {  	s3 =	sld [smem:$0x3FA8]  }
0x31: {  	[smem:$0x3FB1] =	sst s10  }
0x32: {  	s10 =	sld [smem:$0x3FAF];
	_ =	sdelay $0x3  }
0x33: {  	p0 =	seq.s32 s10, $0x1;
	s10 =	sld [smem:$0x3FB1];
	_ =	sdelay $0x3  }
0x34: {  	[smem:$0x3FB1] =	sst s10  }
0x35: {  	s10 =	sld [smem:$0x3FB0];
	_ =	sdelay $0x3  }
0x36: {  	p1 =	seq.s32 s10, $0x1;
	s10 =	sld [smem:$0x3FB1];
	_ =	sdelay $0x3  }
0x37: {  	[smem:$0x3FB1] =	sst s10  }
0x38: {  	s10 =	sld [smem:$0x3FB2]  }
0x39: {  	_ = 	snop;
	(pc) =	sbr.ind lr, $3  }
0x3a: {  	_ = 	snop  }
0x3b: {  	_ = 	snop  }
0x3c: {  	p2 =	seq.s32 s10, $0x1;
	s10 =	sld [smem:$0x3FB1]  }
0x3d: {  	_ =	shalt  }
0x3e: {  	_ =	shalt  }
0x3f: {  	_ =	shalt  }
0x40: {  	_ =	shalt  }
0x41: {  	_ =	shalt  }
0x42: {  	_ =	shalt  }
0x43: {  	_ =	shalt  }
0x44: {  	_ =	shalt  }
0x45: {  	_ =	shalt  }
0x46: {  	_ =	shalt  }
0x47: {  	_ =	shalt  }
0x48: {  	_ =	shalt  }
0x49: {  	_ =	shalt  }
0x4a: {  	_ =	shalt  }
0x4b: {  	_ =	shalt  }
0x4c: {  	_ =	shalt  }
0x4d: {  	_ =	shalt  }
0x4e: {  	_ =	shalt  }
0x4f: {  	_ =	shalt  }
0x50: {  	_ =	shalt  }
0x51: {  	_ =	shalt  }
0x52: {  	_ =	shalt  }
0x53: {  	_ =	shalt  }
0x54: {  	_ =	shalt  }
0x55: {  	_ =	shalt  }
0x56: {  	_ =	shalt  }
0x57: {  	_ =	shalt  }
0x58: {  	_ =	shalt  }
0x59: {  	_ =	shalt  }
0x5a: {  	_ =	shalt  }
0x5b: {  	_ =	shalt  }
0x5c: {  	_ =	shalt  }
0x5d: {  	_ =	shalt  }
0x5e: {  	_ =	shalt  }
0x5f: {  	_ =	shalt  }
0x60: {  	_ =	shalt  }
0x61: {  	_ =	shalt  }
0x62: {  	_ =	shalt  }
0x63: {  	_ =	shalt  }
0x64: {  	_ =	shalt  }
0x65: {  	_ =	shalt  }
0x66: {  	_ =	shalt  }
0x67: {  	_ =	shalt  }
0x68: {  	_ =	shalt  }
0x69: {  	_ =	shalt  }
0x6a: {  	_ =	shalt  }
0x6b: {  	_ =	shalt  }
0x6c: {  	_ =	shalt  }
0x6d: {  	_ =	shalt  }
0x6e: {  	_ =	shalt  }
0x6f: {  	_ =	shalt  }
0x70: {  	_ =	shalt  }
0x71: {  	_ =	shalt  }
0x72: {  	_ =	shalt  }
0x73: {  	_ =	shalt  }
0x74: {  	_ =	shalt  }
0x75: {  	_ =	shalt  }
0x76: {  	_ =	shalt  }
0x77: {  	_ =	shalt  }
0x78: {  	_ =	shalt  }
0x79: {  	_ =	shalt  }
0x7a: {  	_ =	shalt  }
0x7b: {  	_ =	shalt  }
0x7c: {  	_ =	shalt  }
0x7d: {  	_ =	shalt  }
0x7e: {  	_ =	shalt  }
0x7f: {  	_ =	shalt  }
0x80: {  	_ =	shalt  }
0x81: {  	_ =	shalt  }
0x82: {  	_ =	shalt  }
0x83: {  	_ =	shalt  }
0x84: {  	_ =	shalt  }
0x85: {  	_ =	shalt  }
0x86: {  	_ =	shalt  }
0x87: {  	_ =	shalt  }
.Lfunc_end0:
.L_simem_size_0:
called_computation.1_lowered:
.L_overlay_start_0:
0x88: {  	s2 =	sld [smem:$0x3FD9]  }
0x89: {  	s3 =	sld [smem:$0x3FFE];
	_ =	sdelay $0x1  }
0x8a: {  	s1 =	srdreg.scid  }
0x8b: {  	s0 =	sand.u32 $0x1, s1  }
0x8c: {  	s17 =	sshll.u32 s0, $0xA;
	s2 =	sadd.s32 s3, s2  }
0x8d: {  	s2 =	sadd.s32 s2, s17  }
0x8e: {  	[smem:$0x3FBD] =	sst s2  }
0x8f: {  	_ = 	snop  }
0x90: {  	s2 =	sld [smem:$0x3FD0];
	(tm) =	ssettm $0x1  }
0x91: {  	s18 =	sld [smem:$0x3FFB];
	_ =	sdelay $0x3  }
0x92: {  	_ =	strace s18  }
0x93: {  	s3 =	sld [smem:$0x3FFC];
	_ =	sdelay $0x3  }
0x94: {  	_ =	strace s3  }
0x95: {  	s3 =	sld [smem:$0x3FFD];
	_ =	sdelay $0x3  }
0x96: {  	_ =	strace s3  }
0x97: {  	_ =	strace $0x8FFFFFFF  }
0x98: {  	s19 =	sld [smem:$0x3FDB];
	_ =	sdelay $0x1  }
0x99: {  	s4 =	simm.s32 $_scs_section_size  }
0x9a: {  	s5 =	simm.s32 $_size__tile_overlayer_lowered;
	s6 =	simm.s32 $_tile_overlayer_lowered  }
0x9b: {  	s22 =	simm.s32 $0x1BFF;
	s21 =	sshll.u32 s6, $0x1;
	s3 =	sadd.s32 s4, s19  }
0x9c: {  	s7 =	simm.s32 $0x0;
	s20 =	sshll.u32 s5, $0x1;
	s5 =	sadd.s32 s21, s3  }
0x9d: {  	[timem:s7], [sflag:s22] =	dma.local [hbm:s5], s20  }
0x9e: {  	_ =	swait.ge [sflag:s22], s20  }
0x9f: {  	s4 =	ssub.s32 $0x0, s20;
	[sflag:s22] =	ssyncset.done $0x0  }
0xa0: {  	[sflag:s22] =	ssyncadd.s32 s4;
	_ =	sdelay $0x1  }
0xa1: {  	s23 =	simm.s32 $0x1B8B  }
0xa2: {  	_ =	swait.ge [sflag:s23], $0x1  }
0xa3: {  	[sflag:s23] =	ssyncset.done $0x0  }
0xa4: {  	s25 =	simm.s32 $0x1B8E;
	s24 =	sld [smem:$0x3FFE];
	[sflag:s23] =	ssyncadd.s32 $0xFFFFFFFF  }
0xa5: {  	s26 =	simm.s32 $execute0_lowered;
	[smem:$0x3FD2] =	sst s25  }
0xa6: {  	s5 =	sshll.u32 s26, $0x1;
	_ =	strace $0x80000046;
	[dreg:$0x1] =	wrdreg $0xFFFFFFFF  }
0xa7: {  	s28 =	simm.s32 $_size_execute0_lowered;
	s3 =	sadd.s32 s3, s5;
	[dreg:$0x0] =	wrdreg $0x0  }
0xa8: {  	s5 =	sshll.u32 s28, $0x1;
	[dreg:$0x2] =	wrdreg s3  }
0xa9: {  	[dreg:$0x3] =	wrdreg s5  }
0xaa: {  	[dreg:$0x4] =	wrdreg $0xC0  }
0xab: {  	_ =	task [dreg:s7], $0x5FFFF  }
0xac: {  	[dreg:$0x1] =	wrdreg $0xFFFFFFFF  }
0xad: {  	[dreg:$0x0] =	wrdreg $0x60  }
0xae: {  	[dreg:$0x2] =	wrdreg s24  }
0xaf: {  	[dreg:$0x3] =	wrdreg s2  }
0xb0: {  	[dreg:$0x4] =	wrdreg $0xA  }
0xb1: {  	_ =	task.clear_ibuf [dreg:s7], $0x5FFFF;
	_ =	strace $0x90000046  }
0xb2: {  	s29 =	simm.s32 $0xA;
	_ =	strace $0x80000048  }
0xb3: {  	_ =	swait.ge [sflag:s29], $0x1  }
0xb4: {  	[sflag:s29] =	ssyncadd.s32 $0xFFFFFFFF  }
0xb5: {  	_ =	strace $0x90000048  }
0xb6: {  	_ =	sfence  }
0xb7: {  	s30 =	sld [smem:$0x0];
	_ =	sdelay $0x2  }
0xb8: {  	s31 =	sshll.u32 s1, $0xD;
	s1 =	sshrl.u32 s1, $0x2  }
0xb9: {  	s3 =	sand.u32 $0x4000, s31;
	s1 =	sadd.s32 s1, s30  }
0xba: {  	s0 =	sor.u32 s3, s0;
	s1 =	sshll.u32 s1, $0x11  }
0xbb: {  	s0 =	sor.u32 s1, s0  }
0xbc: {  	s0 =	sadd.s32 $0x8F2B, s0  }
0xbd: {  	[sflag:s0] =	ssyncadd.remote.s32 $0x1  }
0xbe: {  	_ =	sfence.sel $0xFFFF  }
0xbf: {  	[dreg:$0x0] =	wrdreg $0xFFFFFFFF;
	(pc) =	sbr.abs _section_cstart, $3  }
0xc0: {  	[dreg:$0x1] =	wrdreg $0xFFFFFFFF  }
0xc1: {  	_ =	task.clear_ibuf [dreg:s7], $0x2FFFF;
	_ =	strace $0x9FFFFFFF  }
0xc2: {  	(tm) =	ssettm $0x7FFFFFFF  }
0xc3: {  	_ =	shalt  }
tec
execute0_lowered:
.L_overlay_start_1:
0x0: {  	(tag) =	ssettag $0x1  }
0x1: {  	s5 =	rddreg [dreg:$0x0]  }
0x2: {  	s7 =	rddreg [dreg:$0x1]  }
0x3: {  	s0 =	rddreg [dreg:$0x2]  }
0x4: {  	s2 =	simm.s32 $0x0;
	s3 =	srdreg.scid;
	s1 =	stileid.u32  }
0x5: {  	s12 =	simm.s32 $0x1;
	s13 =	simm.s32 $0x2;
	s14 =	simm.s32 $0x0  }
0x6: {  	[smem:$0x7FF] =	sst s2;
	s6 =	sand.u32 $0x1, s3;
	s3 =	sadd.s32 $0x19600, s5  }
0x7: {  	s8 =	sshll.u32 s1, $0xC;
	s4 =	sadd.s32 $0x5C00, s5;
	s10 =	sshll.u32 s1, $0xF  }
0x8: {  	_ =	strace $0x80000047;
	s9 =	sshll.u32 s6, $0xB;
	s30 =	ssub.s32 $0x2, s6  }
0x9: {  	s10 =	sadd.s32 s10, s5;
	s6 =	sshll.u32 s6, $0xE;
	s8 =	sor.u32 s9, s8  }
0xa: {  	s11 =	sshrl.u32 s30, $0x1;
	s6 =	sadd.s32 s6, s10;
	s10 =	simm.s32 $0x80  }
0xb: {  	s8 =	sshrl.u32 s8, $0x3;
	s9 =	ssub.s32 s30, s11;
	s6 =	sadd.s32 $0x3F000, s6  }
0xc: {  	s11 =	simm.s32 $0x100;
	s31 =	sadd.s32 s8, s5;
	s5 =	smax.u32 s9, $0x1  }
0xd: {  	s7 =	sadd.s32 s8, s7;
	s9 =	simm.s32 $0x3;
	s8 =	sadd.s32 $0x2D000, s31  }
.LBB2_1:
0xe: {  	s15 =	sadd.s32 $0x0, s8  }
0xf: {  	[tilespmem:s2], [sflag:$0x3] =	stream.linear.gather [hbm4b:s15+s2], $0x80, $0x38;
	[tilespmem:$0x2100] =	vst v63  }
0x10: {  	_ =	swait.ge [sflag:s9], $0x80  }
0x11: {  	[sflag:s9] =	ssyncset.done $0x0  }
0x12: {  	s31 =	sadd.s32 $0x0, s7;
	[sflag:s9] =	ssyncadd.s32 $0xFFFFFF80  }
0x13: {  	[tilespmem:s10], [sflag:$0x3] =	stream.linear.gather [hbm4b:s31+s2], $0x80, $0x38;
	[tilespmem:$0x2100] =	vst v63  }
0x14: {  	_ =	swait.ge [sflag:s9], $0x80  }
0x15: {  	[sflag:s9] =	ssyncset.done $0x0  }
0x16: {  	[sflag:s9] =	ssyncadd.s32 $0xFFFFFF80  }
0x17: {  	[tilespmem:s11], [sflag:$0x1] =	stream.indirect.gather [hbm4b:s3+s10], $0x40, s2, s10, $0xb8;
	[tilespmem:$0x2100] =	vst v63  }
0x18: {  	_ =	swait.ge [sflag:s12], $0x2000  }
0x19: {  	[sflag:s12] =	ssyncset.done $0x0  }
0x1a: {  	[sflag:s12] =	ssyncadd.s32 $0xFFFFE000  }
0x1b: {  	[tilespmem:s11], [sflag:$0x2] =	stream.indirect.gather.add.f32 [hbm:s4], $0x40, s10, s10, $0xb8;
	[tilespmem:$0x2100] =	vst v63  }
0x1c: {  	_ =	swait.ge [sflag:s13], $0x2000  }
0x1d: {  	[sflag:s13] =	ssyncset.done $0x0  }
0x1e: {  	[sflag:s13] =	ssyncadd.s32 $0xFFFFE000  }
0x1f: {  	[hbm4b:s6+s2] =	stream.linear.scatter [tilespmem:s11], [sflag:$0x3], $0x2000, $0x38;
	[tilespmem:$0x2100] =	vst v63  }
0x20: {  	s16 =	simm.s32 $0x10;
	_ =	swait.ge [sflag:s9], $0x2000  }
0x21: {  	s17 =	simm.s32 $0x20;
	s15 =	sadd.s32 $0x400, s6;
	[sflag:s9] =	ssyncset.done $0x0  }
.LBB2_2:
0x22: {  	s18 =	sadd.s32 s16, s8  }
0x23: {  	[sflag:s9] =	ssyncadd.s32 $0xFFFFE000;
	s19 =	smov.u32 s17;
	s20 =	sadd.s32 $0x10, s17  }
0x24: {  	[tilespmem:s2], [sflag:$0x3] =	stream.linear.gather [hbm4b:s18+s2], $0x80, $0x38;
	[tilespmem:$0x2100] =	vst v63  }
0x25: {  	p0 =	sne.s32 s17, $0xF0;
	_ =	swait.ge [sflag:s9], $0x80  }
0x26: {  	[sflag:s9] =	ssyncset.done $0x0  }
0x27: {  	s17 =	sadd.s32 s16, s7;
	s16 =	smov.u32 s19;
	[sflag:s9] =	ssyncadd.s32 $0xFFFFFF80  }
0x28: {  	[tilespmem:s10], [sflag:$0x3] =	stream.linear.gather [hbm4b:s17+s2], $0x80, $0x38;
	[tilespmem:$0x2100] =	vst v63  }
0x29: {  	_ =	swait.ge [sflag:s9], $0x80  }
0x2a: {  	[sflag:s9] =	ssyncset.done $0x0  }
0x2b: {  	[sflag:s9] =	ssyncadd.s32 $0xFFFFFF80  }
0x2c: {  	[tilespmem:s11], [sflag:$0x1] =	stream.indirect.gather [hbm4b:s3+s10], $0x40, s2, s10, $0xb8;
	[tilespmem:$0x2100] =	vst v63  }
0x2d: {  	_ =	swait.ge [sflag:s12], $0x2000  }
0x2e: {  	[sflag:s12] =	ssyncset.done $0x0  }
0x2f: {  	[sflag:s12] =	ssyncadd.s32 $0xFFFFE000  }
0x30: {  	[tilespmem:s11], [sflag:$0x2] =	stream.indirect.gather.add.f32 [hbm:s4], $0x40, s10, s10, $0xb8;
	[tilespmem:$0x2100] =	vst v63  }
0x31: {  	_ =	swait.ge [sflag:s13], $0x2000  }
.Ltmp0:
0x32: {  	[sflag:s13] =	ssyncset.done $0x0;
	(pc) =	sbr.rel @p0 .LBB2_2-.Ltmp0, $4  }
0x33: {  	[sflag:s13] =	ssyncadd.s32 $0xFFFFE000  }
0x34: {  	[hbm4b:s15+s2] =	stream.linear.scatter [tilespmem:s11], [sflag:$0x3], $0x2000, $0x38;
	[tilespmem:$0x2100] =	vst v63  }
0x35: {  	_ =	swait.ge [sflag:s9], $0x2000  }
0x36: {  	s17 =	smov.u32 s20;
	s15 =	sadd.s32 $0x400, s15;
	[sflag:s9] =	ssyncset.done $0x0  }
0x37: {  	s17 =	sadd.s32 s16, s8;
	[sflag:s9] =	ssyncadd.s32 $0xFFFFE000  }
0x38: {  	[tilespmem:s2], [sflag:$0x3] =	stream.linear.gather [hbm4b:s17+s2], $0x80, $0x38;
	[tilespmem:$0x2100] =	vst v63  }
0x39: {  	_ =	swait.ge [sflag:s9], $0x80  }
0x3a: {  	[sflag:s9] =	ssyncset.done $0x0  }
0x3b: {  	s31 =	sadd.s32 s16, s7;
	[sflag:s9] =	ssyncadd.s32 $0xFFFFFF80  }
0x3c: {  	[tilespmem:s10], [sflag:$0x3] =	stream.linear.gather [hbm4b:s31+s2], $0x80, $0x38;
	[tilespmem:$0x2100] =	vst v63  }
0x3d: {  	_ =	swait.ge [sflag:s9], $0x80  }
0x3e: {  	[sflag:s9] =	ssyncset.done $0x0  }
0x3f: {  	[sflag:s9] =	ssyncadd.s32 $0xFFFFFF80  }
0x40: {  	[tilespmem:s11], [sflag:$0x1] =	stream.indirect.gather [hbm4b:s3+s10], $0x40, s2, s10, $0xb8;
	[tilespmem:$0x2100] =	vst v63  }
0x41: {  	_ =	swait.ge [sflag:s12], $0x2000  }
0x42: {  	[sflag:s12] =	ssyncset.done $0x0  }
0x43: {  	[sflag:s12] =	ssyncadd.s32 $0xFFFFE000  }
0x44: {  	[tilespmem:s11], [sflag:$0x2] =	stream.indirect.gather.add.f32 [hbm:s4], $0x40, s10, s10, $0xb8;
	[tilespmem:$0x2100] =	vst v63  }
0x45: {  	s14 =	sadd.s32 $0x1, s14;
	_ =	swait.ge [sflag:s13], $0x2000  }
0x46: {  	p0 =	sne.s32 s14, s5;
	[sflag:s13] =	ssyncset.done $0x0  }
.Ltmp1:
0x47: {  	[sflag:s13] =	ssyncadd.s32 $0xFFFFE000;
	(pc) =	sbr.rel @p0 .LBB2_1-.Ltmp1, $4  }
0x48: {  	[hbm4b:s15+s2] =	stream.linear.scatter [tilespmem:s11], [sflag:$0x3], $0x2000, $0x38;
	[tilespmem:$0x2100] =	vst v63  }
0x49: {  	_ =	swait.ge [sflag:s9], $0x2000  }
0x4a: {  	[sflag:s9] =	ssyncset.done $0x0  }
0x4b: {  	[sflag:s9] =	ssyncadd.s32 $0xFFFFE000  }
0x4c: {  	_ =	sfence.sel $0x180000  }
0x4d: {  	[bflag:$0x0] =	sbarrier.arrive $0xFFFF  }
0x4e: {  	p0 =	sne.s32 s1, $0x0;
	_ =	strace $0x90000047  }
0x4f: {  	s0 =	sadd.s32 @!p0 $0x100000, s0;
	[bflag:$0x2] =	sbarrier.arrive $0xFFFF  }
0x50: {  	[sflag:s0] =	ssyncadd.tile.s32 @!p0 $0x1;
	_ =	shalt  }
.Lfunc_end2:
_tile_overlayer_lowered:
.L_overlay_start_2:
0x51: {  	(tag) =	ssettag $0x2  }
0x52: {  	s0 =	rddreg [dreg:$0x0];
	s2 =	stileid.u32  }
0x53: {  	s1 =	rddreg [dreg:$0x1];
	p0 =	sne.s32 s2, $0x0  }
0x54: {  	s3 =	rddreg [dreg:$0x2];
	[bflag:$0x3] =	sbarrier.arrive $0xFFFF;
	s2 =	simm.s32 @!p0 $0x1C03  }
0x55: {  	[timem:s3], [sflag:s2] =	dma.local @!p0 [hbm:s0], s1  }
0x56: {  	s0 =	simm.s32 @!p0 $0x3  }
0x57: {  	_ =	swait.ge @!p0 [sflag:s0], s1  }
0x58: {  	s1 =	ssub.s32 @!p0 $0x0, s1;
	[sflag:s0] =	ssyncset.done @!p0 $0x0  }
0x59: {  	[sflag:s0] =	ssyncadd.s32 @!p0 s1  }
0x5a: {  	[bflag:$0x3] =	sbarrier.arrive $0xFFFF  }
0x5b: {  	_ =	shalt  }

// kernel: kernel.25.cloned.1.call-start
scs
__scs_entry_jumppad:
0x0: {  	(pc) =	sbr.rel $0x88, $3  }
0x1: {  	(tag) =	ssettag $0x0;
	lr =	simm.s32 $0x1  }
0x2: {  	[smem:$0x3F96] =	sst lr;
	_ =	strace $0xD0000000  }
0x3: {  	_ = 	snop  }
0x4: {  	_ = 	snop  }
0x5: {  	_ = 	snop  }
0x6: {  	_ = 	snop  }
0x7: {  	_ = 	snop  }
__scs_overlays_trampoline_lowered:
0x8: {  	[smem:$0x3FA5] =	sst s0  }
0x9: {  	[smem:$0x3FA6] =	sst s1  }
0xa: {  	[smem:$0x3FA7] =	sst s2  }
0xb: {  	[smem:$0x3FA8] =	sst s3  }
0xc: {  	[smem:$0x3FA9] =	sst s4  }
0xd: {  	[smem:$0x3FAA] =	sst s5  }
0xe: {  	[smem:$0x3FAB] =	sst s6  }
0xf: {  	[smem:$0x3FAC] =	sst s7  }
0x10: {  	[smem:$0x3FAD] =	sst s8  }
0x11: {  	[smem:$0x3FAE] =	sst s9;
	s0 =	simm.s32 @!p0 $0x0  }
0x12: {  	s1 =	sld [smem:$0x3F94];
	s0 =	simm.s32 @p0 $0x1  }
0x13: {  	[smem:$0x3FAF] =	sst s0;
	s0 =	simm.s32 @!p1 $0x0  }
0x14: {  	s2 =	sld [smem:$0x3F93];
	s0 =	simm.s32 @p1 $0x1  }
0x15: {  	[smem:$0x3FB0] =	sst s0;
	s0 =	simm.s32 @!p2 $0x0  }
0x16: {  	s3 =	sld [smem:$0x3FDB];
	s0 =	simm.s32 @p2 $0x1  }
0x17: {  	s4 =	simm.s32 $0x1BF5;
	[smem:$0x3FB2] =	sst s0  }
0x18: {  	s0 =	sld [smem:$0x3F95];
	_ =	swait.ge [sflag:s4], $0x0  }
0x19: {  	s7 =	sld [smem:$0x3F96]  }
0x1a: {  	s8 =	sadd.s32 $0xFFFFE003, lr  }
0x1b: {  	s9 =	sadd.s32 $0xFFFFFEF7, lr;
	s5 =	simm.s32 $0xFFFFFFFF;
	p2 =	slt.u32 s8, $0xFFFFF086  }
0x1c: {  	p1 =	slt.u32 s9, $0xF7A;
	s5 =	simm.s32 @!p2 $0x0  }
0x1d: {  	s5 =	simm.s32 @p1 $0x1;
	p0 =	seq.s32 s7, s2  }
0x1e: {  	s7 =	smul.u32 @!p0 $0xF7A, s2;
	p2 =	seq.s32 @!p0 s5, $0x0  }
0x1f: {  	s9 =	smul.u32 $0xF7A, s1;
	s8 =	simm.s32 @!p0 $0x1BF5;
	p2 =	por !p2, p0  }
0x20: {  	[sflag:s8] =	ssyncset.s32 @!p0 $0xFFFFF086;
	s6 =	sadd.s32 @!p0 s3, s7;
	s7 =	simm.s32 @!p0 $0x108  }
0x21: {  	s3 =	sadd.s32 s3, s9;
	s6 =	sadd.s32 @!p0 $0x88, s6;
	s7 =	simm.s32 @p2 $0x1082  }
0x22: {  	[simem:s7], [sflag:s8] =	dma.local @!p0 [hbm:s6], $0xF7A  }
0x23: {  	s9 =	sor.u32 $0xD0000000, s2;
	s6 =	simm.s32 $0x108;
	_ =	swait.ge @!p0 [sflag:s8], $0x0  }
0x24: {  	s3 =	sadd.s32 $0x88, s3;
	s6 =	simm.s32 @!p1 $0x1082;
	[sflag:s4] =	ssyncset.s32 $0xFFFFF086  }
0x25: {  	[simem:s6], [sflag:s4] =	dma.local [hbm:s3], $0xF7A  }
0x26: {  	[smem:$0x3F96] =	sst s1;
	(tag) =	ssettag s2;
	_ =	strace s9  }
0x27: {  	s1 =	sld [smem:$0x3FA6]  }
0x28: {  	s2 =	sld [smem:$0x3FA7]  }
0x29: {  	s4 =	sld [smem:$0x3FA9]  }
0x2a: {  	p0 =	seq.s32 s5, $0x0;
	s5 =	sld [smem:$0x3FAA]  }
0x2b: {  	s6 =	sld [smem:$0x3FAB]  }
0x2c: {  	s7 =	sld [smem:$0x3FAC]  }
0x2d: {  	s3 =	simm.s32 $0x108;
	s8 =	sld [smem:$0x3FAD]  }
0x2e: {  	s3 =	simm.s32 @!p0 $0x1082;
	s9 =	sld [smem:$0x3FAE]  }
0x2f: {  	lr =	sadd.s32 s0, s3;
	s0 =	sld [smem:$0x3FA5]  }
0x30: {  	s3 =	sld [smem:$0x3FA8]  }
0x31: {  	[smem:$0x3FB1] =	sst s10  }
0x32: {  	s10 =	sld [smem:$0x3FAF];
	_ =	sdelay $0x3  }
0x33: {  	p0 =	seq.s32 s10, $0x1;
	s10 =	sld [smem:$0x3FB1];
	_ =	sdelay $0x3  }
0x34: {  	[smem:$0x3FB1] =	sst s10  }
0x35: {  	s10 =	sld [smem:$0x3FB0];
	_ =	sdelay $0x3  }
0x36: {  	p1 =	seq.s32 s10, $0x1;
	s10 =	sld [smem:$0x3FB1];
	_ =	sdelay $0x3  }
0x37: {  	[smem:$0x3FB1] =	sst s10  }
0x38: {  	s10 =	sld [smem:$0x3FB2]  }
0x39: {  	_ = 	snop;
	(pc) =	sbr.ind lr, $3  }
0x3a: {  	_ = 	snop  }
0x3b: {  	_ = 	snop  }
0x3c: {  	p2 =	seq.s32 s10, $0x1;
	s10 =	sld [smem:$0x3FB1]  }
0x3d: {  	_ =	shalt  }
0x3e: {  	_ =	shalt  }
0x3f: {  	_ =	shalt  }
0x40: {  	_ =	shalt  }
0x41: {  	_ =	shalt  }
0x42: {  	_ =	shalt  }
0x43: {  	_ =	shalt  }
0x44: {  	_ =	shalt  }
0x45: {  	_ =	shalt  }
0x46: {  	_ =	shalt  }
0x47: {  	_ =	shalt  }
0x48: {  	_ =	shalt  }
0x49: {  	_ =	shalt  }
0x4a: {  	_ =	shalt  }
0x4b: {  	_ =	shalt  }
0x4c: {  	_ =	shalt  }
0x4d: {  	_ =	shalt  }
0x4e: {  	_ =	shalt  }
0x4f: {  	_ =	shalt  }
0x50: {  	_ =	shalt  }
0x51: {  	_ =	shalt  }
0x52: {  	_ =	shalt  }
0x53: {  	_ =	shalt  }
0x54: {  	_ =	shalt  }
0x55: {  	_ =	shalt  }
0x56: {  	_ =	shalt  }
0x57: {  	_ =	shalt  }
0x58: {  	_ =	shalt  }
0x59: {  	_ =	shalt  }
0x5a: {  	_ =	shalt  }
0x5b: {  	_ =	shalt  }
0x5c: {  	_ =	shalt  }
0x5d: {  	_ =	shalt  }
0x5e: {  	_ =	shalt  }
0x5f: {  	_ =	shalt  }
0x60: {  	_ =	shalt  }
0x61: {  	_ =	shalt  }
0x62: {  	_ =	shalt  }
0x63: {  	_ =	shalt  }
0x64: {  	_ =	shalt  }
0x65: {  	_ =	shalt  }
0x66: {  	_ =	shalt  }
0x67: {  	_ =	shalt  }
0x68: {  	_ =	shalt  }
0x69: {  	_ =	shalt  }
0x6a: {  	_ =	shalt  }
0x6b: {  	_ =	shalt  }
0x6c: {  	_ =	shalt  }
0x6d: {  	_ =	shalt  }
0x6e: {  	_ =	shalt  }
0x6f: {  	_ =	shalt  }
0x70: {  	_ =	shalt  }
0x71: {  	_ =	shalt  }
0x72: {  	_ =	shalt  }
0x73: {  	_ =	shalt  }
0x74: {  	_ =	shalt  }
0x75: {  	_ =	shalt  }
0x76: {  	_ =	shalt  }
0x77: {  	_ =	shalt  }
0x78: {  	_ =	shalt  }
0x79: {  	_ =	shalt  }
0x7a: {  	_ =	shalt  }
0x7b: {  	_ =	shalt  }
0x7c: {  	_ =	shalt  }
0x7d: {  	_ =	shalt  }
0x7e: {  	_ =	shalt  }
0x7f: {  	_ =	shalt  }
0x80: {  	_ =	shalt  }
0x81: {  	_ =	shalt  }
0x82: {  	_ =	shalt  }
0x83: {  	_ =	shalt  }
0x84: {  	_ =	shalt  }
0x85: {  	_ =	shalt  }
0x86: {  	_ =	shalt  }
0x87: {  	_ =	shalt  }
.Lfunc_end0:
.L_simem_size_0:
called_computation.2_lowered:
.L_overlay_start_0:
0x88: {  	s2 =	sld [smem:$0x3FD9]  }
0x89: {  	s3 =	sld [smem:$0x3FFE];
	_ =	sdelay $0x1  }
0x8a: {  	s1 =	srdreg.scid  }
0x8b: {  	s0 =	sand.u32 $0x1, s1  }
0x8c: {  	s17 =	sshll.u32 s0, $0xA;
	s2 =	sadd.s32 s3, s2  }
0x8d: {  	s2 =	sadd.s32 s2, s17  }
0x8e: {  	[smem:$0x3FBD] =	sst s2  }
0x8f: {  	_ = 	snop  }
0x90: {  	(tm) =	ssettm $0x1  }
0x91: {  	s18 =	sld [smem:$0x3FFB];
	_ =	sdelay $0x3  }
0x92: {  	_ =	strace s18  }
0x93: {  	s2 =	sld [smem:$0x3FFC];
	_ =	sdelay $0x3  }
0x94: {  	_ =	strace s2  }
0x95: {  	s2 =	sld [smem:$0x3FFD];
	_ =	sdelay $0x3  }
0x96: {  	_ =	strace s2  }
0x97: {  	_ =	strace $0x8FFFFFFF  }
0x98: {  	s19 =	sld [smem:$0x3FDB];
	_ =	sdelay $0x1  }
0x99: {  	s20 =	simm.s32 $_scs_section_size  }
0x9a: {  	s4 =	simm.s32 $_size__tile_overlayer_lowered;
	s5 =	simm.s32 $_tile_overlayer_lowered  }
0x9b: {  	s6 =	simm.s32 $0x1BFF;
	s21 =	sshll.u32 s5, $0x1;
	s3 =	sadd.s32 s20, s19  }
0x9c: {  	s22 =	simm.s32 $0x0;
	s4 =	sshll.u32 s4, $0x1;
	s5 =	sadd.s32 s21, s3  }
0x9d: {  	[timem:s22], [sflag:s6] =	dma.local [hbm:s5], s4  }
0x9e: {  	_ =	swait.ge [sflag:s6], s4  }
0x9f: {  	s4 =	ssub.s32 $0x0, s4;
	[sflag:s6] =	ssyncset.done $0x0  }
0xa0: {  	[sflag:s6] =	ssyncadd.s32 s4;
	_ =	sdelay $0x1  }
0xa1: {  	s23 =	simm.s32 $0x1B8B  }
0xa2: {  	_ =	swait.ge [sflag:s23], $0x1  }
0xa3: {  	[sflag:s23] =	ssyncset.done $0x0  }
0xa4: {  	[sflag:s23] =	ssyncadd.s32 $0xFFFFFFFF  }
0xa5: {  	s4 =	sld [smem:$0x0]  }
0xa6: {  	s5 =	sand.u32 $0xFFFFFFFE, s1  }
0xa7: {  	p0 =	sne.s32 s1, s5  }
0xa8: {  	s5 =	sshll.u32 @p0 s5, $0xE  }
0xa9: {  	s5 =	sadd.s32 @p0 $0x11B8D, s5;
	s6 =	sshll.u32 @p0 s4, $0x11  }
0xaa: {  	s5 =	sor.u32 @p0 s6, s5  }
0xab: {  	[sflag:s5] =	ssyncadd.remote.s32 @p0 $0x1;
	_ =	sdelay $0x1  }
0xac: {  	s5 =	simm.s32 @p0 $0x1B8D  }
0xad: {  	_ =	swait.eq @p0 [sflag:s5], $0x1  }
0xae: {  	[sflag:s5] =	ssyncadd.s32 @p0 $0xFFFFFFFF  }
0xaf: {  	s6 =	sshll.u32 @!p0 s1, $0xE  }
0xb0: {  	s6 =	sor.u32 @!p0 $0x4000, s6;
	s5 =	simm.s32 @!p0 $0x1B8D  }
0xb1: {  	s4 =	sshll.u32 @!p0 s4, $0x11;
	s6 =	sadd.s32 @!p0 $0x11B8D, s6;
	_ =	swait.eq @!p0 [sflag:s5], $0x1  }
0xb2: {  	s4 =	sor.u32 @!p0 s4, s6;
	[sflag:s5] =	ssyncadd.s32 @!p0 $0xFFFFFFFF  }
0xb3: {  	s25 =	simm.s32 $0x1B8E;
	s24 =	sld [smem:$0x3FFE];
	[sflag:s4] =	ssyncadd.remote.s32 @!p0 $0x1  }
0xb4: {  	s26 =	simm.s32 $execute0_lowered;
	[smem:$0x3FD2] =	sst s25  }
0xb5: {  	s5 =	sshll.u32 s26, $0x1;
	_ =	strace $0x80000049;
	[dreg:$0x1] =	wrdreg $0xFFFFFFFF  }
0xb6: {  	s28 =	simm.s32 $_size_execute0_lowered;
	s3 =	sadd.s32 s3, s5;
	[dreg:$0x0] =	wrdreg $0x0  }
0xb7: {  	s5 =	sshll.u32 s28, $0x1;
	[dreg:$0x2] =	wrdreg s3  }
0xb8: {  	[dreg:$0x3] =	wrdreg s5  }
0xb9: {  	[dreg:$0x4] =	wrdreg $0xC0  }
0xba: {  	_ =	task [dreg:s22], $0x5FFFF  }
0xbb: {  	[dreg:$0x1] =	wrdreg $0xFFFFFFFF  }
0xbc: {  	[dreg:$0x0] =	wrdreg $0x60  }
0xbd: {  	[dreg:$0x2] =	wrdreg s24  }
0xbe: {  	[dreg:$0x3] =	wrdreg $0xC  }
0xbf: {  	_ =	task.clear_ibuf [dreg:s22], $0x4FFFF;
	_ =	strace $0x90000049  }
0xc0: {  	s29 =	simm.s32 $0xC;
	_ =	strace $0x8000004B  }
0xc1: {  	_ =	swait.ge [sflag:s29], $0x1  }
0xc2: {  	[sflag:s29] =	ssyncadd.s32 $0xFFFFFFFF  }
0xc3: {  	_ =	strace $0x9000004B  }
0xc4: {  	_ =	sfence  }
0xc5: {  	s30 =	sld [smem:$0x0];
	_ =	sdelay $0x2  }
0xc6: {  	s31 =	sshll.u32 s1, $0xD;
	s1 =	sshrl.u32 s1, $0x2  }
0xc7: {  	s4 =	sand.u32 $0x4000, s31;
	s1 =	sadd.s32 s1, s30  }
0xc8: {  	s0 =	sor.u32 s4, s0;
	s1 =	sshll.u32 s1, $0x11  }
0xc9: {  	s0 =	sor.u32 s1, s0  }
0xca: {  	s0 =	sadd.s32 $0x8F2B, s0  }
0xcb: {  	[sflag:s0] =	ssyncadd.remote.s32 $0x1  }
0xcc: {  	_ =	sfence.sel $0xFFFF  }
0xcd: {  	[dreg:$0x0] =	wrdreg $0xFFFFFFFF;
	(pc) =	sbr.abs _section_cstart, $3  }
0xce: {  	[dreg:$0x1] =	wrdreg $0xFFFFFFFF  }
0xcf: {  	_ =	task.clear_ibuf [dreg:s22], $0x2FFFF;
	_ =	strace $0x9FFFFFFF  }
0xd0: {  	(tm) =	ssettm $0x7FFFFFFF  }
0xd1: {  	_ =	shalt  }
tec
execute0_lowered:
.L_overlay_start_1:
0x0: {  	(tag) =	ssettag $0x1  }
0x1: {  	s5 =	rddreg [dreg:$0x0]  }
0x2: {  	s0 =	rddreg [dreg:$0x1]  }
0x3: {  	s2 =	simm.s32 $0x0;
	s3 =	srdreg.scid;
	s1 =	stileid.u32  }
0x4: {  	s11 =	simm.s32 $0x100;
	s12 =	simm.s32 $0x1;
	s13 =	simm.s32 $0x2  }
0x5: {  	s14 =	simm.s32 $0x0;
	[smem:$0x7FF] =	sst s2;
	s6 =	sand.u32 $0x1, s3  }
0x6: {  	s3 =	sadd.s32 $0x19600, s5;
	s7 =	sshll.u32 s1, $0xC;
	s4 =	sadd.s32 $0x5C00, s5  }
0x7: {  	s9 =	sshll.u32 s1, $0xF;
	_ =	strace $0x8000004A;
	s8 =	sshll.u32 s6, $0xB  }
0x8: {  	s30 =	ssub.s32 $0x2, s6;
	s9 =	sadd.s32 s9, s5;
	s6 =	sshll.u32 s6, $0xE  }
0x9: {  	s7 =	sor.u32 s8, s7;
	s10 =	sshrl.u32 s30, $0x1;
	s6 =	sadd.s32 s6, s9  }
0xa: {  	s9 =	simm.s32 $0x3;
	s7 =	sshrl.u32 s7, $0x3;
	s8 =	ssub.s32 s30, s10  }
0xb: {  	s6 =	sadd.s32 $0xBF000, s6;
	s10 =	simm.s32 $0x80;
	s31 =	sadd.s32 s7, s5  }
0xc: {  	s5 =	smax.u32 s8, $0x1;
	s7 =	sadd.s32 $0x37000, s31;
	s8 =	sadd.s32 $0x2F000, s31  }
.LBB2_1:
0xd: {  	s15 =	sadd.s32 $0x0, s8  }
0xe: {  	[tilespmem:s2], [sflag:$0x3] =	stream.linear.gather [hbm4b:s15+s2], $0x80, $0x38;
	[tilespmem:$0x2100] =	vst v63  }
0xf: {  	_ =	swait.ge [sflag:s9], $0x80  }
0x10: {  	[sflag:s9] =	ssyncset.done $0x0  }
0x11: {  	s31 =	sadd.s32 $0x0, s7;
	[sflag:s9] =	ssyncadd.s32 $0xFFFFFF80  }
0x12: {  	[tilespmem:s10], [sflag:$0x3] =	stream.linear.gather [hbm4b:s31+s2], $0x80, $0x38;
	[tilespmem:$0x2100] =	vst v63  }
0x13: {  	_ =	swait.ge [sflag:s9], $0x80  }
0x14: {  	[sflag:s9] =	ssyncset.done $0x0  }
0x15: {  	[sflag:s9] =	ssyncadd.s32 $0xFFFFFF80  }
0x16: {  	[tilespmem:s11], [sflag:$0x1] =	stream.indirect.gather [hbm4b:s3+s10], $0x40, s2, s10, $0xb8;
	[tilespmem:$0x2100] =	vst v63  }
0x17: {  	_ =	swait.ge [sflag:s12], $0x2000  }
0x18: {  	[sflag:s12] =	ssyncset.done $0x0  }
0x19: {  	[sflag:s12] =	ssyncadd.s32 $0xFFFFE000  }
0x1a: {  	[tilespmem:s11], [sflag:$0x2] =	stream.indirect.gather.add.f32 [hbm:s4], $0x40, s10, s10, $0xb8;
	[tilespmem:$0x2100] =	vst v63  }
0x1b: {  	_ =	swait.ge [sflag:s13], $0x2000  }
0x1c: {  	[sflag:s13] =	ssyncset.done $0x0  }
0x1d: {  	[sflag:s13] =	ssyncadd.s32 $0xFFFFE000  }
0x1e: {  	[hbm4b:s6+s2] =	stream.linear.scatter [tilespmem:s11], [sflag:$0x3], $0x2000, $0x38;
	[tilespmem:$0x2100] =	vst v63  }
0x1f: {  	s16 =	simm.s32 $0x10;
	_ =	swait.ge [sflag:s9], $0x2000  }
0x20: {  	s17 =	simm.s32 $0x20;
	s15 =	sadd.s32 $0x400, s6;
	[sflag:s9] =	ssyncset.done $0x0  }
.LBB2_2:
0x21: {  	s18 =	sadd.s32 s16, s8  }
0x22: {  	[sflag:s9] =	ssyncadd.s32 $0xFFFFE000;
	s19 =	smov.u32 s17;
	s20 =	sadd.s32 $0x10, s17  }
0x23: {  	[tilespmem:s2], [sflag:$0x3] =	stream.linear.gather [hbm4b:s18+s2], $0x80, $0x38;
	[tilespmem:$0x2100] =	vst v63  }
0x24: {  	p0 =	sne.s32 s17, $0xF0;
	_ =	swait.ge [sflag:s9], $0x80  }
0x25: {  	[sflag:s9] =	ssyncset.done $0x0  }
0x26: {  	s17 =	sadd.s32 s16, s7;
	s16 =	smov.u32 s19;
	[sflag:s9] =	ssyncadd.s32 $0xFFFFFF80  }
0x27: {  	[tilespmem:s10], [sflag:$0x3] =	stream.linear.gather [hbm4b:s17+s2], $0x80, $0x38;
	[tilespmem:$0x2100] =	vst v63  }
0x28: {  	_ =	swait.ge [sflag:s9], $0x80  }
0x29: {  	[sflag:s9] =	ssyncset.done $0x0  }
0x2a: {  	[sflag:s9] =	ssyncadd.s32 $0xFFFFFF80  }
0x2b: {  	[tilespmem:s11], [sflag:$0x1] =	stream.indirect.gather [hbm4b:s3+s10], $0x40, s2, s10, $0xb8;
	[tilespmem:$0x2100] =	vst v63  }
0x2c: {  	_ =	swait.ge [sflag:s12], $0x2000  }
0x2d: {  	[sflag:s12] =	ssyncset.done $0x0  }
0x2e: {  	[sflag:s12] =	ssyncadd.s32 $0xFFFFE000  }
0x2f: {  	[tilespmem:s11], [sflag:$0x2] =	stream.indirect.gather.add.f32 [hbm:s4], $0x40, s10, s10, $0xb8;
	[tilespmem:$0x2100] =	vst v63  }
0x30: {  	_ =	swait.ge [sflag:s13], $0x2000  }
.Ltmp0:
0x31: {  	[sflag:s13] =	ssyncset.done $0x0;
	(pc) =	sbr.rel @p0 .LBB2_2-.Ltmp0, $4  }
0x32: {  	[sflag:s13] =	ssyncadd.s32 $0xFFFFE000  }
0x33: {  	[hbm4b:s15+s2] =	stream.linear.scatter [tilespmem:s11], [sflag:$0x3], $0x2000, $0x38;
	[tilespmem:$0x2100] =	vst v63  }
0x34: {  	_ =	swait.ge [sflag:s9], $0x2000  }
0x35: {  	s17 =	smov.u32 s20;
	s15 =	sadd.s32 $0x400, s15;
	[sflag:s9] =	ssyncset.done $0x0  }
0x36: {  	s17 =	sadd.s32 s16, s8;
	[sflag:s9] =	ssyncadd.s32 $0xFFFFE000  }
0x37: {  	[tilespmem:s2], [sflag:$0x3] =	stream.linear.gather [hbm4b:s17+s2], $0x80, $0x38;
	[tilespmem:$0x2100] =	vst v63  }
0x38: {  	_ =	swait.ge [sflag:s9], $0x80  }
0x39: {  	[sflag:s9] =	ssyncset.done $0x0  }
0x3a: {  	s31 =	sadd.s32 s16, s7;
	[sflag:s9] =	ssyncadd.s32 $0xFFFFFF80  }
0x3b: {  	[tilespmem:s10], [sflag:$0x3] =	stream.linear.gather [hbm4b:s31+s2], $0x80, $0x38;
	[tilespmem:$0x2100] =	vst v63  }
0x3c: {  	_ =	swait.ge [sflag:s9], $0x80  }
0x3d: {  	[sflag:s9] =	ssyncset.done $0x0  }
0x3e: {  	[sflag:s9] =	ssyncadd.s32 $0xFFFFFF80  }
0x3f: {  	[tilespmem:s11], [sflag:$0x1] =	stream.indirect.gather [hbm4b:s3+s10], $0x40, s2, s10, $0xb8;
	[tilespmem:$0x2100] =	vst v63  }
0x40: {  	_ =	swait.ge [sflag:s12], $0x2000  }
0x41: {  	[sflag:s12] =	ssyncset.done $0x0  }
0x42: {  	[sflag:s12] =	ssyncadd.s32 $0xFFFFE000  }
0x43: {  	[tilespmem:s11], [sflag:$0x2] =	stream.indirect.gather.add.f32 [hbm:s4], $0x40, s10, s10, $0xb8;
	[tilespmem:$0x2100] =	vst v63  }
0x44: {  	s14 =	sadd.s32 $0x1, s14;
	_ =	swait.ge [sflag:s13], $0x2000  }
0x45: {  	p0 =	sne.s32 s14, s5;
	[sflag:s13] =	ssyncset.done $0x0  }
.Ltmp1:
0x46: {  	[sflag:s13] =	ssyncadd.s32 $0xFFFFE000;
	(pc) =	sbr.rel @p0 .LBB2_1-.Ltmp1, $4  }
0x47: {  	[hbm4b:s15+s2] =	stream.linear.scatter [tilespmem:s11], [sflag:$0x3], $0x2000, $0x38;
	[tilespmem:$0x2100] =	vst v63  }
0x48: {  	_ =	swait.ge [sflag:s9], $0x2000  }
0x49: {  	[sflag:s9] =	ssyncset.done $0x0  }
0x4a: {  	[sflag:s9] =	ssyncadd.s32 $0xFFFFE000  }
0x4b: {  	_ =	sfence.sel $0x180000  }
0x4c: {  	[bflag:$0x0] =	sbarrier.arrive $0xFFFF  }
0x4d: {  	p0 =	sne.s32 s1, $0x0;
	_ =	strace $0x9000004A  }
0x4e: {  	s0 =	sadd.s32 @!p0 $0x100000, s0;
	[bflag:$0x2] =	sbarrier.arrive $0xFFFF  }
0x4f: {  	[sflag:s0] =	ssyncadd.tile.s32 @!p0 $0x1;
	_ =	shalt  }
.Lfunc_end2:
_tile_overlayer_lowered:
.L_overlay_start_2:
0x50: {  	(tag) =	ssettag $0x2  }
0x51: {  	s0 =	rddreg [dreg:$0x0];
	s2 =	stileid.u32  }
0x52: {  	s1 =	rddreg [dreg:$0x1];
	p0 =	sne.s32 s2, $0x0  }
0x53: {  	s3 =	rddreg [dreg:$0x2];
	[bflag:$0x3] =	sbarrier.arrive $0xFFFF;
	s2 =	simm.s32 @!p0 $0x1C03  }
0x54: {  	[timem:s3], [sflag:s2] =	dma.local @!p0 [hbm:s0], s1  }
0x55: {  	s0 =	simm.s32 @!p0 $0x3  }
0x56: {  	_ =	swait.ge @!p0 [sflag:s0], s1  }
0x57: {  	s1 =	ssub.s32 @!p0 $0x0, s1;
	[sflag:s0] =	ssyncset.done @!p0 $0x0  }
0x58: {  	[sflag:s0] =	ssyncadd.s32 @!p0 s1  }
0x59: {  	[bflag:$0x3] =	sbarrier.arrive $0xFFFF  }
0x5a: {  	_ =	shalt  }

// kernel: kernel.28.cloned.1.call-start
scs
__scs_entry_jumppad:
0x0: {  	(pc) =	sbr.rel $0x88, $3  }
0x1: {  	(tag) =	ssettag $0x0;
	lr =	simm.s32 $0x1  }
0x2: {  	[smem:$0x3F96] =	sst lr;
	_ =	strace $0xD0000000  }
0x3: {  	_ = 	snop  }
0x4: {  	_ = 	snop  }
0x5: {  	_ = 	snop  }
0x6: {  	_ = 	snop  }
0x7: {  	_ = 	snop  }
__scs_overlays_trampoline_lowered:
0x8: {  	[smem:$0x3FA5] =	sst s0  }
0x9: {  	[smem:$0x3FA6] =	sst s1  }
0xa: {  	[smem:$0x3FA7] =	sst s2  }
0xb: {  	[smem:$0x3FA8] =	sst s3  }
0xc: {  	[smem:$0x3FA9] =	sst s4  }
0xd: {  	[smem:$0x3FAA] =	sst s5  }
0xe: {  	[smem:$0x3FAB] =	sst s6  }
0xf: {  	[smem:$0x3FAC] =	sst s7  }
0x10: {  	[smem:$0x3FAD] =	sst s8  }
0x11: {  	[smem:$0x3FAE] =	sst s9;
	s0 =	simm.s32 @!p0 $0x0  }
0x12: {  	s1 =	sld [smem:$0x3F94];
	s0 =	simm.s32 @p0 $0x1  }
0x13: {  	[smem:$0x3FAF] =	sst s0;
	s0 =	simm.s32 @!p1 $0x0  }
0x14: {  	s2 =	sld [smem:$0x3F93];
	s0 =	simm.s32 @p1 $0x1  }
0x15: {  	[smem:$0x3FB0] =	sst s0;
	s0 =	simm.s32 @!p2 $0x0  }
0x16: {  	s3 =	sld [smem:$0x3FDB];
	s0 =	simm.s32 @p2 $0x1  }
0x17: {  	s4 =	simm.s32 $0x1BF5;
	[smem:$0x3FB2] =	sst s0  }
0x18: {  	s0 =	sld [smem:$0x3F95];
	_ =	swait.ge [sflag:s4], $0x0  }
0x19: {  	s7 =	sld [smem:$0x3F96]  }
0x1a: {  	s8 =	sadd.s32 $0xFFFFE003, lr  }
0x1b: {  	s9 =	sadd.s32 $0xFFFFFEF7, lr;
	s5 =	simm.s32 $0xFFFFFFFF;
	p2 =	slt.u32 s8, $0xFFFFF086  }
0x1c: {  	p1 =	slt.u32 s9, $0xF7A;
	s5 =	simm.s32 @!p2 $0x0  }
0x1d: {  	s5 =	simm.s32 @p1 $0x1;
	p0 =	seq.s32 s7, s2  }
0x1e: {  	s7 =	smul.u32 @!p0 $0xF7A, s2;
	p2 =	seq.s32 @!p0 s5, $0x0  }
0x1f: {  	s9 =	smul.u32 $0xF7A, s1;
	s8 =	simm.s32 @!p0 $0x1BF5;
	p2 =	por !p2, p0  }
0x20: {  	[sflag:s8] =	ssyncset.s32 @!p0 $0xFFFFF086;
	s6 =	sadd.s32 @!p0 s3, s7;
	s7 =	simm.s32 @!p0 $0x108  }
0x21: {  	s3 =	sadd.s32 s3, s9;
	s6 =	sadd.s32 @!p0 $0x88, s6;
	s7 =	simm.s32 @p2 $0x1082  }
0x22: {  	[simem:s7], [sflag:s8] =	dma.local @!p0 [hbm:s6], $0xF7A  }
0x23: {  	s9 =	sor.u32 $0xD0000000, s2;
	s6 =	simm.s32 $0x108;
	_ =	swait.ge @!p0 [sflag:s8], $0x0  }
0x24: {  	s3 =	sadd.s32 $0x88, s3;
	s6 =	simm.s32 @!p1 $0x1082;
	[sflag:s4] =	ssyncset.s32 $0xFFFFF086  }
0x25: {  	[simem:s6], [sflag:s4] =	dma.local [hbm:s3], $0xF7A  }
0x26: {  	[smem:$0x3F96] =	sst s1;
	(tag) =	ssettag s2;
	_ =	strace s9  }
0x27: {  	s1 =	sld [smem:$0x3FA6]  }
0x28: {  	s2 =	sld [smem:$0x3FA7]  }
0x29: {  	s4 =	sld [smem:$0x3FA9]  }
0x2a: {  	p0 =	seq.s32 s5, $0x0;
	s5 =	sld [smem:$0x3FAA]  }
0x2b: {  	s6 =	sld [smem:$0x3FAB]  }
0x2c: {  	s7 =	sld [smem:$0x3FAC]  }
0x2d: {  	s3 =	simm.s32 $0x108;
	s8 =	sld [smem:$0x3FAD]  }
0x2e: {  	s3 =	simm.s32 @!p0 $0x1082;
	s9 =	sld [smem:$0x3FAE]  }
0x2f: {  	lr =	sadd.s32 s0, s3;
	s0 =	sld [smem:$0x3FA5]  }
0x30: {  	s3 =	sld [smem:$0x3FA8]  }
0x31: {  	[smem:$0x3FB1] =	sst s10  }
0x32: {  	s10 =	sld [smem:$0x3FAF];
	_ =	sdelay $0x3  }
0x33: {  	p0 =	seq.s32 s10, $0x1;
	s10 =	sld [smem:$0x3FB1];
	_ =	sdelay $0x3  }
0x34: {  	[smem:$0x3FB1] =	sst s10  }
0x35: {  	s10 =	sld [smem:$0x3FB0];
	_ =	sdelay $0x3  }
0x36: {  	p1 =	seq.s32 s10, $0x1;
	s10 =	sld [smem:$0x3FB1];
	_ =	sdelay $0x3  }
0x37: {  	[smem:$0x3FB1] =	sst s10  }
0x38: {  	s10 =	sld [smem:$0x3FB2]  }
0x39: {  	_ = 	snop;
	(pc) =	sbr.ind lr, $3  }
0x3a: {  	_ = 	snop  }
0x3b: {  	_ = 	snop  }
0x3c: {  	p2 =	seq.s32 s10, $0x1;
	s10 =	sld [smem:$0x3FB1]  }
0x3d: {  	_ =	shalt  }
0x3e: {  	_ =	shalt  }
0x3f: {  	_ =	shalt  }
0x40: {  	_ =	shalt  }
0x41: {  	_ =	shalt  }
0x42: {  	_ =	shalt  }
0x43: {  	_ =	shalt  }
0x44: {  	_ =	shalt  }
0x45: {  	_ =	shalt  }
0x46: {  	_ =	shalt  }
0x47: {  	_ =	shalt  }
0x48: {  	_ =	shalt  }
0x49: {  	_ =	shalt  }
0x4a: {  	_ =	shalt  }
0x4b: {  	_ =	shalt  }
0x4c: {  	_ =	shalt  }
0x4d: {  	_ =	shalt  }
0x4e: {  	_ =	shalt  }
0x4f: {  	_ =	shalt  }
0x50: {  	_ =	shalt  }
0x51: {  	_ =	shalt  }
0x52: {  	_ =	shalt  }
0x53: {  	_ =	shalt  }
0x54: {  	_ =	shalt  }
0x55: {  	_ =	shalt  }
0x56: {  	_ =	shalt  }
0x57: {  	_ =	shalt  }
0x58: {  	_ =	shalt  }
0x59: {  	_ =	shalt  }
0x5a: {  	_ =	shalt  }
0x5b: {  	_ =	shalt  }
0x5c: {  	_ =	shalt  }
0x5d: {  	_ =	shalt  }
0x5e: {  	_ =	shalt  }
0x5f: {  	_ =	shalt  }
0x60: {  	_ =	shalt  }
0x61: {  	_ =	shalt  }
0x62: {  	_ =	shalt  }
0x63: {  	_ =	shalt  }
0x64: {  	_ =	shalt  }
0x65: {  	_ =	shalt  }
0x66: {  	_ =	shalt  }
0x67: {  	_ =	shalt  }
0x68: {  	_ =	shalt  }
0x69: {  	_ =	shalt  }
0x6a: {  	_ =	shalt  }
0x6b: {  	_ =	shalt  }
0x6c: {  	_ =	shalt  }
0x6d: {  	_ =	shalt  }
0x6e: {  	_ =	shalt  }
0x6f: {  	_ =	shalt  }
0x70: {  	_ =	shalt  }
0x71: {  	_ =	shalt  }
0x72: {  	_ =	shalt  }
0x73: {  	_ =	shalt  }
0x74: {  	_ =	shalt  }
0x75: {  	_ =	shalt  }
0x76: {  	_ =	shalt  }
0x77: {  	_ =	shalt  }
0x78: {  	_ =	shalt  }
0x79: {  	_ =	shalt  }
0x7a: {  	_ =	shalt  }
0x7b: {  	_ =	shalt  }
0x7c: {  	_ =	shalt  }
0x7d: {  	_ =	shalt  }
0x7e: {  	_ =	shalt  }
0x7f: {  	_ =	shalt  }
0x80: {  	_ =	shalt  }
0x81: {  	_ =	shalt  }
0x82: {  	_ =	shalt  }
0x83: {  	_ =	shalt  }
0x84: {  	_ =	shalt  }
0x85: {  	_ =	shalt  }
0x86: {  	_ =	shalt  }
0x87: {  	_ =	shalt  }
.Lfunc_end0:
.L_simem_size_0:
called_computation.3_lowered:
.L_overlay_start_0:
0x88: {  	s2 =	sld [smem:$0x3FD9]  }
0x89: {  	s3 =	sld [smem:$0x3FFE];
	_ =	sdelay $0x1  }
0x8a: {  	s1 =	srdreg.scid  }
0x8b: {  	s0 =	sand.u32 $0x1, s1  }
0x8c: {  	s17 =	sshll.u32 s0, $0xA;
	s2 =	sadd.s32 s3, s2  }
0x8d: {  	s2 =	sadd.s32 s2, s17  }
0x8e: {  	[smem:$0x3FBD] =	sst s2  }
0x8f: {  	_ = 	snop  }
0x90: {  	(tm) =	ssettm $0x1  }
0x91: {  	s18 =	sld [smem:$0x3FFB];
	_ =	sdelay $0x3  }
0x92: {  	_ =	strace s18  }
0x93: {  	s2 =	sld [smem:$0x3FFC];
	_ =	sdelay $0x3  }
0x94: {  	_ =	strace s2  }
0x95: {  	s2 =	sld [smem:$0x3FFD];
	_ =	sdelay $0x3  }
0x96: {  	_ =	strace s2  }
0x97: {  	_ =	strace $0x8FFFFFFF  }
0x98: {  	s19 =	sld [smem:$0x3FDB];
	_ =	sdelay $0x1  }
0x99: {  	s20 =	simm.s32 $_scs_section_size  }
0x9a: {  	s4 =	simm.s32 $_size__tile_overlayer_lowered;
	s5 =	simm.s32 $_tile_overlayer_lowered  }
0x9b: {  	s6 =	simm.s32 $0x1BFF;
	s21 =	sshll.u32 s5, $0x1;
	s3 =	sadd.s32 s20, s19  }
0x9c: {  	s22 =	simm.s32 $0x0;
	s4 =	sshll.u32 s4, $0x1;
	s5 =	sadd.s32 s21, s3  }
0x9d: {  	[timem:s22], [sflag:s6] =	dma.local [hbm:s5], s4  }
0x9e: {  	_ =	swait.ge [sflag:s6], s4  }
0x9f: {  	s4 =	ssub.s32 $0x0, s4;
	[sflag:s6] =	ssyncset.done $0x0  }
0xa0: {  	[sflag:s6] =	ssyncadd.s32 s4;
	_ =	sdelay $0x1  }
0xa1: {  	s23 =	simm.s32 $0x1B8B  }
0xa2: {  	_ =	swait.ge [sflag:s23], $0x1  }
0xa3: {  	[sflag:s23] =	ssyncset.done $0x0  }
0xa4: {  	[sflag:s23] =	ssyncadd.s32 $0xFFFFFFFF  }
0xa5: {  	s4 =	sld [smem:$0x0]  }
0xa6: {  	s5 =	sand.u32 $0xFFFFFFFE, s1  }
0xa7: {  	p0 =	sne.s32 s1, s5  }
0xa8: {  	s5 =	sshll.u32 @p0 s5, $0xE  }
0xa9: {  	s5 =	sadd.s32 @p0 $0x11B8D, s5;
	s6 =	sshll.u32 @p0 s4, $0x11  }
0xaa: {  	s5 =	sor.u32 @p0 s6, s5  }
0xab: {  	[sflag:s5] =	ssyncadd.remote.s32 @p0 $0x1;
	_ =	sdelay $0x1  }
0xac: {  	s5 =	simm.s32 @p0 $0x1B8D  }
0xad: {  	_ =	swait.eq @p0 [sflag:s5], $0x1  }
0xae: {  	[sflag:s5] =	ssyncadd.s32 @p0 $0xFFFFFFFF  }
0xaf: {  	s6 =	sshll.u32 @!p0 s1, $0xE  }
0xb0: {  	s6 =	sor.u32 @!p0 $0x4000, s6;
	s5 =	simm.s32 @!p0 $0x1B8D  }
0xb1: {  	s4 =	sshll.u32 @!p0 s4, $0x11;
	s6 =	sadd.s32 @!p0 $0x11B8D, s6;
	_ =	swait.eq @!p0 [sflag:s5], $0x1  }
0xb2: {  	s4 =	sor.u32 @!p0 s4, s6;
	[sflag:s5] =	ssyncadd.s32 @!p0 $0xFFFFFFFF  }
0xb3: {  	s25 =	simm.s32 $0x1B8E;
	s24 =	sld [smem:$0x3FFE];
	[sflag:s4] =	ssyncadd.remote.s32 @!p0 $0x1  }
0xb4: {  	s26 =	simm.s32 $execute0_lowered;
	[smem:$0x3FD2] =	sst s25  }
0xb5: {  	s5 =	sshll.u32 s26, $0x1;
	_ =	strace $0x8000004C;
	[dreg:$0x1] =	wrdreg $0xFFFFFFFF  }
0xb6: {  	s28 =	simm.s32 $_size_execute0_lowered;
	s3 =	sadd.s32 s3, s5;
	[dreg:$0x0] =	wrdreg $0x0  }
0xb7: {  	s5 =	sshll.u32 s28, $0x1;
	[dreg:$0x2] =	wrdreg s3  }
0xb8: {  	[dreg:$0x3] =	wrdreg s5  }
0xb9: {  	[dreg:$0x4] =	wrdreg $0xC0  }
0xba: {  	_ =	task [dreg:s22], $0x5FFFF  }
0xbb: {  	[dreg:$0x1] =	wrdreg $0xFFFFFFFF  }
0xbc: {  	[dreg:$0x0] =	wrdreg $0x60  }
0xbd: {  	[dreg:$0x2] =	wrdreg s24  }
0xbe: {  	[dreg:$0x3] =	wrdreg $0xD  }
0xbf: {  	_ =	task.clear_ibuf [dreg:s22], $0x4FFFF;
	_ =	strace $0x9000004C  }
0xc0: {  	s29 =	simm.s32 $0xD;
	_ =	strace $0x8000004E  }
0xc1: {  	_ =	swait.ge [sflag:s29], $0x1  }
0xc2: {  	[sflag:s29] =	ssyncadd.s32 $0xFFFFFFFF  }
0xc3: {  	_ =	strace $0x9000004E  }
0xc4: {  	_ =	sfence  }
0xc5: {  	s30 =	sld [smem:$0x0];
	_ =	sdelay $0x2  }
0xc6: {  	s31 =	sshll.u32 s1, $0xD;
	s1 =	sshrl.u32 s1, $0x2  }
0xc7: {  	s4 =	sand.u32 $0x4000, s31;
	s1 =	sadd.s32 s1, s30  }
0xc8: {  	s0 =	sor.u32 s4, s0;
	s1 =	sshll.u32 s1, $0x11  }
0xc9: {  	s0 =	sor.u32 s1, s0  }
0xca: {  	s0 =	sadd.s32 $0x8F2B, s0  }
0xcb: {  	[sflag:s0] =	ssyncadd.remote.s32 $0x1  }
0xcc: {  	_ =	sfence.sel $0xFFFF  }
0xcd: {  	[dreg:$0x0] =	wrdreg $0xFFFFFFFF;
	(pc) =	sbr.abs _section_cstart, $3  }
0xce: {  	[dreg:$0x1] =	wrdreg $0xFFFFFFFF  }
0xcf: {  	_ =	task.clear_ibuf [dreg:s22], $0x2FFFF;
	_ =	strace $0x9FFFFFFF  }
0xd0: {  	(tm) =	ssettm $0x7FFFFFFF  }
0xd1: {  	_ =	shalt  }
tec
execute0_lowered:
.L_overlay_start_1:
0x0: {  	(tag) =	ssettag $0x1  }
0x1: {  	s5 =	rddreg [dreg:$0x0]  }
0x2: {  	s0 =	rddreg [dreg:$0x1]  }
0x3: {  	s2 =	simm.s32 $0x0;
	s3 =	srdreg.scid;
	s1 =	stileid.u32  }
0x4: {  	s11 =	simm.s32 $0x100;
	s12 =	simm.s32 $0x1;
	s13 =	simm.s32 $0x2  }
0x5: {  	s14 =	simm.s32 $0x0;
	[smem:$0x7FF] =	sst s2;
	s6 =	sand.u32 $0x1, s3  }
0x6: {  	s3 =	sadd.s32 $0x19600, s5;
	s7 =	sshll.u32 s1, $0xC;
	s4 =	sadd.s32 $0x5C00, s5  }
0x7: {  	s9 =	sshll.u32 s1, $0xF;
	_ =	strace $0x8000004D;
	s8 =	sshll.u32 s6, $0xB  }
0x8: {  	s30 =	ssub.s32 $0x2, s6;
	s9 =	sadd.s32 s9, s5;
	s6 =	sshll.u32 s6, $0xE  }
0x9: {  	s7 =	sor.u32 s8, s7;
	s10 =	sshrl.u32 s30, $0x1;
	s6 =	sadd.s32 s6, s9  }
0xa: {  	s9 =	simm.s32 $0x3;
	s7 =	sshrl.u32 s7, $0x3;
	s8 =	ssub.s32 s30, s10  }
0xb: {  	s6 =	sadd.s32 $0x13F000, s6;
	s10 =	simm.s32 $0x80;
	s31 =	sadd.s32 s7, s5  }
0xc: {  	s5 =	smax.u32 s8, $0x1;
	s7 =	sadd.s32 $0x39000, s31;
	s8 =	sadd.s32 $0x31000, s31  }
.LBB2_1:
0xd: {  	s15 =	sadd.s32 $0x0, s8  }
0xe: {  	[tilespmem:s2], [sflag:$0x3] =	stream.linear.gather [hbm4b:s15+s2], $0x80, $0x38;
	[tilespmem:$0x2100] =	vst v63  }
0xf: {  	_ =	swait.ge [sflag:s9], $0x80  }
0x10: {  	[sflag:s9] =	ssyncset.done $0x0  }
0x11: {  	s31 =	sadd.s32 $0x0, s7;
	[sflag:s9] =	ssyncadd.s32 $0xFFFFFF80  }
0x12: {  	[tilespmem:s10], [sflag:$0x3] =	stream.linear.gather [hbm4b:s31+s2], $0x80, $0x38;
	[tilespmem:$0x2100] =	vst v63  }
0x13: {  	_ =	swait.ge [sflag:s9], $0x80  }
0x14: {  	[sflag:s9] =	ssyncset.done $0x0  }
0x15: {  	[sflag:s9] =	ssyncadd.s32 $0xFFFFFF80  }
0x16: {  	[tilespmem:s11], [sflag:$0x1] =	stream.indirect.gather [hbm4b:s3+s10], $0x40, s2, s10, $0xb8;
	[tilespmem:$0x2100] =	vst v63  }
0x17: {  	_ =	swait.ge [sflag:s12], $0x2000  }
0x18: {  	[sflag:s12] =	ssyncset.done $0x0  }
0x19: {  	[sflag:s12] =	ssyncadd.s32 $0xFFFFE000  }
0x1a: {  	[tilespmem:s11], [sflag:$0x2] =	stream.indirect.gather.add.f32 [hbm:s4], $0x40, s10, s10, $0xb8;
	[tilespmem:$0x2100] =	vst v63  }
0x1b: {  	_ =	swait.ge [sflag:s13], $0x2000  }
0x1c: {  	[sflag:s13] =	ssyncset.done $0x0  }
0x1d: {  	[sflag:s13] =	ssyncadd.s32 $0xFFFFE000  }
0x1e: {  	[hbm4b:s6+s2] =	stream.linear.scatter [tilespmem:s11], [sflag:$0x3], $0x2000, $0x38;
	[tilespmem:$0x2100] =	vst v63  }
0x1f: {  	s16 =	simm.s32 $0x10;
	_ =	swait.ge [sflag:s9], $0x2000  }
0x20: {  	s17 =	simm.s32 $0x20;
	s15 =	sadd.s32 $0x400, s6;
	[sflag:s9] =	ssyncset.done $0x0  }
.LBB2_2:
0x21: {  	s18 =	sadd.s32 s16, s8  }
0x22: {  	[sflag:s9] =	ssyncadd.s32 $0xFFFFE000;
	s19 =	smov.u32 s17;
	s20 =	sadd.s32 $0x10, s17  }
0x23: {  	[tilespmem:s2], [sflag:$0x3] =	stream.linear.gather [hbm4b:s18+s2], $0x80, $0x38;
	[tilespmem:$0x2100] =	vst v63  }
0x24: {  	p0 =	sne.s32 s17, $0xF0;
	_ =	swait.ge [sflag:s9], $0x80  }
0x25: {  	[sflag:s9] =	ssyncset.done $0x0  }
0x26: {  	s17 =	sadd.s32 s16, s7;
	s16 =	smov.u32 s19;
	[sflag:s9] =	ssyncadd.s32 $0xFFFFFF80  }
0x27: {  	[tilespmem:s10], [sflag:$0x3] =	stream.linear.gather [hbm4b:s17+s2], $0x80, $0x38;
	[tilespmem:$0x2100] =	vst v63  }
0x28: {  	_ =	swait.ge [sflag:s9], $0x80  }
0x29: {  	[sflag:s9] =	ssyncset.done $0x0  }
0x2a: {  	[sflag:s9] =	ssyncadd.s32 $0xFFFFFF80  }
0x2b: {  	[tilespmem:s11], [sflag:$0x1] =	stream.indirect.gather [hbm4b:s3+s10], $0x40, s2, s10, $0xb8;
	[tilespmem:$0x2100] =	vst v63  }
0x2c: {  	_ =	swait.ge [sflag:s12], $0x2000  }
0x2d: {  	[sflag:s12] =	ssyncset.done $0x0  }
0x2e: {  	[sflag:s12] =	ssyncadd.s32 $0xFFFFE000  }
0x2f: {  	[tilespmem:s11], [sflag:$0x2] =	stream.indirect.gather.add.f32 [hbm:s4], $0x40, s10, s10, $0xb8;
	[tilespmem:$0x2100] =	vst v63  }
0x30: {  	_ =	swait.ge [sflag:s13], $0x2000  }
.Ltmp0:
0x31: {  	[sflag:s13] =	ssyncset.done $0x0;
	(pc) =	sbr.rel @p0 .LBB2_2-.Ltmp0, $4  }
0x32: {  	[sflag:s13] =	ssyncadd.s32 $0xFFFFE000  }
0x33: {  	[hbm4b:s15+s2] =	stream.linear.scatter [tilespmem:s11], [sflag:$0x3], $0x2000, $0x38;
	[tilespmem:$0x2100] =	vst v63  }
0x34: {  	_ =	swait.ge [sflag:s9], $0x2000  }
0x35: {  	s17 =	smov.u32 s20;
	s15 =	sadd.s32 $0x400, s15;
	[sflag:s9] =	ssyncset.done $0x0  }
0x36: {  	s17 =	sadd.s32 s16, s8;
	[sflag:s9] =	ssyncadd.s32 $0xFFFFE000  }
0x37: {  	[tilespmem:s2], [sflag:$0x3] =	stream.linear.gather [hbm4b:s17+s2], $0x80, $0x38;
	[tilespmem:$0x2100] =	vst v63  }
0x38: {  	_ =	swait.ge [sflag:s9], $0x80  }
0x39: {  	[sflag:s9] =	ssyncset.done $0x0  }
0x3a: {  	s31 =	sadd.s32 s16, s7;
	[sflag:s9] =	ssyncadd.s32 $0xFFFFFF80  }
0x3b: {  	[tilespmem:s10], [sflag:$0x3] =	stream.linear.gather [hbm4b:s31+s2], $0x80, $0x38;
	[tilespmem:$0x2100] =	vst v63  }
0x3c: {  	_ =	swait.ge [sflag:s9], $0x80  }
0x3d: {  	[sflag:s9] =	ssyncset.done $0x0  }
0x3e: {  	[sflag:s9] =	ssyncadd.s32 $0xFFFFFF80  }
0x3f: {  	[tilespmem:s11], [sflag:$0x1] =	stream.indirect.gather [hbm4b:s3+s10], $0x40, s2, s10, $0xb8;
	[tilespmem:$0x2100] =	vst v63  }
0x40: {  	_ =	swait.ge [sflag:s12], $0x2000  }
0x41: {  	[sflag:s12] =	ssyncset.done $0x0  }
0x42: {  	[sflag:s12] =	ssyncadd.s32 $0xFFFFE000  }
0x43: {  	[tilespmem:s11], [sflag:$0x2] =	stream.indirect.gather.add.f32 [hbm:s4], $0x40, s10, s10, $0xb8;
	[tilespmem:$0x2100] =	vst v63  }
0x44: {  	s14 =	sadd.s32 $0x1, s14;
	_ =	swait.ge [sflag:s13], $0x2000  }
0x45: {  	p0 =	sne.s32 s14, s5;
	[sflag:s13] =	ssyncset.done $0x0  }
.Ltmp1:
0x46: {  	[sflag:s13] =	ssyncadd.s32 $0xFFFFE000;
	(pc) =	sbr.rel @p0 .LBB2_1-.Ltmp1, $4  }
0x47: {  	[hbm4b:s15+s2] =	stream.linear.scatter [tilespmem:s11], [sflag:$0x3], $0x2000, $0x38;
	[tilespmem:$0x2100] =	vst v63  }
0x48: {  	_ =	swait.ge [sflag:s9], $0x2000  }
0x49: {  	[sflag:s9] =	ssyncset.done $0x0  }
0x4a: {  	[sflag:s9] =	ssyncadd.s32 $0xFFFFE000  }
0x4b: {  	_ =	sfence.sel $0x180000  }
0x4c: {  	[bflag:$0x0] =	sbarrier.arrive $0xFFFF  }
0x4d: {  	p0 =	sne.s32 s1, $0x0;
	_ =	strace $0x9000004D  }
0x4e: {  	s0 =	sadd.s32 @!p0 $0x100000, s0;
	[bflag:$0x2] =	sbarrier.arrive $0xFFFF  }
0x4f: {  	[sflag:s0] =	ssyncadd.tile.s32 @!p0 $0x1;
	_ =	shalt  }
.Lfunc_end2:
_tile_overlayer_lowered:
.L_overlay_start_2:
0x50: {  	(tag) =	ssettag $0x2  }
0x51: {  	s0 =	rddreg [dreg:$0x0];
	s2 =	stileid.u32  }
0x52: {  	s1 =	rddreg [dreg:$0x1];
	p0 =	sne.s32 s2, $0x0  }
0x53: {  	s3 =	rddreg [dreg:$0x2];
	[bflag:$0x3] =	sbarrier.arrive $0xFFFF;
	s2 =	simm.s32 @!p0 $0x1C03  }
0x54: {  	[timem:s3], [sflag:s2] =	dma.local @!p0 [hbm:s0], s1  }
0x55: {  	s0 =	simm.s32 @!p0 $0x3  }
0x56: {  	_ =	swait.ge @!p0 [sflag:s0], s1  }
0x57: {  	s1 =	ssub.s32 @!p0 $0x0, s1;
	[sflag:s0] =	ssyncset.done @!p0 $0x0  }
0x58: {  	[sflag:s0] =	ssyncadd.s32 @!p0 s1  }
0x59: {  	[bflag:$0x3] =	sbarrier.arrive $0xFFFF  }
0x5a: {  	_ =	shalt  }

// kernel: kernel.31.cloned.1.call-start
scs
__scs_entry_jumppad:
0x0: {  	(pc) =	sbr.rel $0x88, $3  }
0x1: {  	(tag) =	ssettag $0x0;
	lr =	simm.s32 $0x1  }
0x2: {  	[smem:$0x3F96] =	sst lr;
	_ =	strace $0xD0000000  }
0x3: {  	_ = 	snop  }
0x4: {  	_ = 	snop  }
0x5: {  	_ = 	snop  }
0x6: {  	_ = 	snop  }
0x7: {  	_ = 	snop  }
__scs_overlays_trampoline_lowered:
0x8: {  	[smem:$0x3FA5] =	sst s0  }
0x9: {  	[smem:$0x3FA6] =	sst s1  }
0xa: {  	[smem:$0x3FA7] =	sst s2  }
0xb: {  	[smem:$0x3FA8] =	sst s3  }
0xc: {  	[smem:$0x3FA9] =	sst s4  }
0xd: {  	[smem:$0x3FAA] =	sst s5  }
0xe: {  	[smem:$0x3FAB] =	sst s6  }
0xf: {  	[smem:$0x3FAC] =	sst s7  }
0x10: {  	[smem:$0x3FAD] =	sst s8  }
0x11: {  	[smem:$0x3FAE] =	sst s9;
	s0 =	simm.s32 @!p0 $0x0  }
0x12: {  	s1 =	sld [smem:$0x3F94];
	s0 =	simm.s32 @p0 $0x1  }
0x13: {  	[smem:$0x3FAF] =	sst s0;
	s0 =	simm.s32 @!p1 $0x0  }
0x14: {  	s2 =	sld [smem:$0x3F93];
	s0 =	simm.s32 @p1 $0x1  }
0x15: {  	[smem:$0x3FB0] =	sst s0;
	s0 =	simm.s32 @!p2 $0x0  }
0x16: {  	s3 =	sld [smem:$0x3FDB];
	s0 =	simm.s32 @p2 $0x1  }
0x17: {  	s4 =	simm.s32 $0x1BF5;
	[smem:$0x3FB2] =	sst s0  }
0x18: {  	s0 =	sld [smem:$0x3F95];
	_ =	swait.ge [sflag:s4], $0x0  }
0x19: {  	s7 =	sld [smem:$0x3F96]  }
0x1a: {  	s8 =	sadd.s32 $0xFFFFE003, lr  }
0x1b: {  	s9 =	sadd.s32 $0xFFFFFEF7, lr;
	s5 =	simm.s32 $0xFFFFFFFF;
	p2 =	slt.u32 s8, $0xFFFFF086  }
0x1c: {  	p1 =	slt.u32 s9, $0xF7A;
	s5 =	simm.s32 @!p2 $0x0  }
0x1d: {  	s5 =	simm.s32 @p1 $0x1;
	p0 =	seq.s32 s7, s2  }
0x1e: {  	s7 =	smul.u32 @!p0 $0xF7A, s2;
	p2 =	seq.s32 @!p0 s5, $0x0  }
0x1f: {  	s9 =	smul.u32 $0xF7A, s1;
	s8 =	simm.s32 @!p0 $0x1BF5;
	p2 =	por !p2, p0  }
0x20: {  	[sflag:s8] =	ssyncset.s32 @!p0 $0xFFFFF086;
	s6 =	sadd.s32 @!p0 s3, s7;
	s7 =	simm.s32 @!p0 $0x108  }
0x21: {  	s3 =	sadd.s32 s3, s9;
	s6 =	sadd.s32 @!p0 $0x88, s6;
	s7 =	simm.s32 @p2 $0x1082  }
0x22: {  	[simem:s7], [sflag:s8] =	dma.local @!p0 [hbm:s6], $0xF7A  }
0x23: {  	s9 =	sor.u32 $0xD0000000, s2;
	s6 =	simm.s32 $0x108;
	_ =	swait.ge @!p0 [sflag:s8], $0x0  }
0x24: {  	s3 =	sadd.s32 $0x88, s3;
	s6 =	simm.s32 @!p1 $0x1082;
	[sflag:s4] =	ssyncset.s32 $0xFFFFF086  }
0x25: {  	[simem:s6], [sflag:s4] =	dma.local [hbm:s3], $0xF7A  }
0x26: {  	[smem:$0x3F96] =	sst s1;
	(tag) =	ssettag s2;
	_ =	strace s9  }
0x27: {  	s1 =	sld [smem:$0x3FA6]  }
0x28: {  	s2 =	sld [smem:$0x3FA7]  }
0x29: {  	s4 =	sld [smem:$0x3FA9]  }
0x2a: {  	p0 =	seq.s32 s5, $0x0;
	s5 =	sld [smem:$0x3FAA]  }
0x2b: {  	s6 =	sld [smem:$0x3FAB]  }
0x2c: {  	s7 =	sld [smem:$0x3FAC]  }
0x2d: {  	s3 =	simm.s32 $0x108;
	s8 =	sld [smem:$0x3FAD]  }
0x2e: {  	s3 =	simm.s32 @!p0 $0x1082;
	s9 =	sld [smem:$0x3FAE]  }
0x2f: {  	lr =	sadd.s32 s0, s3;
	s0 =	sld [smem:$0x3FA5]  }
0x30: {  	s3 =	sld [smem:$0x3FA8]  }
0x31: {  	[smem:$0x3FB1] =	sst s10  }
0x32: {  	s10 =	sld [smem:$0x3FAF];
	_ =	sdelay $0x3  }
0x33: {  	p0 =	seq.s32 s10, $0x1;
	s10 =	sld [smem:$0x3FB1];
	_ =	sdelay $0x3  }
0x34: {  	[smem:$0x3FB1] =	sst s10  }
0x35: {  	s10 =	sld [smem:$0x3FB0];
	_ =	sdelay $0x3  }
0x36: {  	p1 =	seq.s32 s10, $0x1;
	s10 =	sld [smem:$0x3FB1];
	_ =	sdelay $0x3  }
0x37: {  	[smem:$0x3FB1] =	sst s10  }
0x38: {  	s10 =	sld [smem:$0x3FB2]  }
0x39: {  	_ = 	snop;
	(pc) =	sbr.ind lr, $3  }
0x3a: {  	_ = 	snop  }
0x3b: {  	_ = 	snop  }
0x3c: {  	p2 =	seq.s32 s10, $0x1;
	s10 =	sld [smem:$0x3FB1]  }
0x3d: {  	_ =	shalt  }
0x3e: {  	_ =	shalt  }
0x3f: {  	_ =	shalt  }
0x40: {  	_ =	shalt  }
0x41: {  	_ =	shalt  }
0x42: {  	_ =	shalt  }
0x43: {  	_ =	shalt  }
0x44: {  	_ =	shalt  }
0x45: {  	_ =	shalt  }
0x46: {  	_ =	shalt  }
0x47: {  	_ =	shalt  }
0x48: {  	_ =	shalt  }
0x49: {  	_ =	shalt  }
0x4a: {  	_ =	shalt  }
0x4b: {  	_ =	shalt  }
0x4c: {  	_ =	shalt  }
0x4d: {  	_ =	shalt  }
0x4e: {  	_ =	shalt  }
0x4f: {  	_ =	shalt  }
0x50: {  	_ =	shalt  }
0x51: {  	_ =	shalt  }
0x52: {  	_ =	shalt  }
0x53: {  	_ =	shalt  }
0x54: {  	_ =	shalt  }
0x55: {  	_ =	shalt  }
0x56: {  	_ =	shalt  }
0x57: {  	_ =	shalt  }
0x58: {  	_ =	shalt  }
0x59: {  	_ =	shalt  }
0x5a: {  	_ =	shalt  }
0x5b: {  	_ =	shalt  }
0x5c: {  	_ =	shalt  }
0x5d: {  	_ =	shalt  }
0x5e: {  	_ =	shalt  }
0x5f: {  	_ =	shalt  }
0x60: {  	_ =	shalt  }
0x61: {  	_ =	shalt  }
0x62: {  	_ =	shalt  }
0x63: {  	_ =	shalt  }
0x64: {  	_ =	shalt  }
0x65: {  	_ =	shalt  }
0x66: {  	_ =	shalt  }
0x67: {  	_ =	shalt  }
0x68: {  	_ =	shalt  }
0x69: {  	_ =	shalt  }
0x6a: {  	_ =	shalt  }
0x6b: {  	_ =	shalt  }
0x6c: {  	_ =	shalt  }
0x6d: {  	_ =	shalt  }
0x6e: {  	_ =	shalt  }
0x6f: {  	_ =	shalt  }
0x70: {  	_ =	shalt  }
0x71: {  	_ =	shalt  }
0x72: {  	_ =	shalt  }
0x73: {  	_ =	shalt  }
0x74: {  	_ =	shalt  }
0x75: {  	_ =	shalt  }
0x76: {  	_ =	shalt  }
0x77: {  	_ =	shalt  }
0x78: {  	_ =	shalt  }
0x79: {  	_ =	shalt  }
0x7a: {  	_ =	shalt  }
0x7b: {  	_ =	shalt  }
0x7c: {  	_ =	shalt  }
0x7d: {  	_ =	shalt  }
0x7e: {  	_ =	shalt  }
0x7f: {  	_ =	shalt  }
0x80: {  	_ =	shalt  }
0x81: {  	_ =	shalt  }
0x82: {  	_ =	shalt  }
0x83: {  	_ =	shalt  }
0x84: {  	_ =	shalt  }
0x85: {  	_ =	shalt  }
0x86: {  	_ =	shalt  }
0x87: {  	_ =	shalt  }
.Lfunc_end0:
.L_simem_size_0:
called_computation.4_lowered:
.L_overlay_start_0:
0x88: {  	s2 =	sld [smem:$0x3FD9]  }
0x89: {  	s3 =	sld [smem:$0x3FFE];
	_ =	sdelay $0x1  }
0x8a: {  	s1 =	srdreg.scid  }
0x8b: {  	s0 =	sand.u32 $0x1, s1  }
0x8c: {  	s17 =	sshll.u32 s0, $0xA;
	s2 =	sadd.s32 s3, s2  }
0x8d: {  	s2 =	sadd.s32 s2, s17  }
0x8e: {  	[smem:$0x3FBD] =	sst s2  }
0x8f: {  	_ = 	snop  }
0x90: {  	(tm) =	ssettm $0x1  }
0x91: {  	s18 =	sld [smem:$0x3FFB];
	_ =	sdelay $0x3  }
0x92: {  	_ =	strace s18  }
0x93: {  	s2 =	sld [smem:$0x3FFC];
	_ =	sdelay $0x3  }
0x94: {  	_ =	strace s2  }
0x95: {  	s2 =	sld [smem:$0x3FFD];
	_ =	sdelay $0x3  }
0x96: {  	_ =	strace s2  }
0x97: {  	_ =	strace $0x8FFFFFFF  }
0x98: {  	s19 =	sld [smem:$0x3FDB];
	_ =	sdelay $0x1  }
0x99: {  	s20 =	simm.s32 $_scs_section_size  }
0x9a: {  	s4 =	simm.s32 $_size__tile_overlayer_lowered;
	s5 =	simm.s32 $_tile_overlayer_lowered  }
0x9b: {  	s6 =	simm.s32 $0x1BFF;
	s21 =	sshll.u32 s5, $0x1;
	s3 =	sadd.s32 s20, s19  }
0x9c: {  	s22 =	simm.s32 $0x0;
	s4 =	sshll.u32 s4, $0x1;
	s5 =	sadd.s32 s21, s3  }
0x9d: {  	[timem:s22], [sflag:s6] =	dma.local [hbm:s5], s4  }
0x9e: {  	_ =	swait.ge [sflag:s6], s4  }
0x9f: {  	s4 =	ssub.s32 $0x0, s4;
	[sflag:s6] =	ssyncset.done $0x0  }
0xa0: {  	[sflag:s6] =	ssyncadd.s32 s4;
	_ =	sdelay $0x1  }
0xa1: {  	s23 =	simm.s32 $0x1B8B  }
0xa2: {  	_ =	swait.ge [sflag:s23], $0x1  }
0xa3: {  	[sflag:s23] =	ssyncset.done $0x0  }
0xa4: {  	[sflag:s23] =	ssyncadd.s32 $0xFFFFFFFF  }
0xa5: {  	s4 =	sld [smem:$0x0]  }
0xa6: {  	s5 =	sand.u32 $0xFFFFFFFE, s1  }
0xa7: {  	p0 =	sne.s32 s1, s5  }
0xa8: {  	s5 =	sshll.u32 @p0 s5, $0xE  }
0xa9: {  	s5 =	sadd.s32 @p0 $0x11B8D, s5;
	s6 =	sshll.u32 @p0 s4, $0x11  }
0xaa: {  	s5 =	sor.u32 @p0 s6, s5  }
0xab: {  	[sflag:s5] =	ssyncadd.remote.s32 @p0 $0x1;
	_ =	sdelay $0x1  }
0xac: {  	s5 =	simm.s32 @p0 $0x1B8D  }
0xad: {  	_ =	swait.eq @p0 [sflag:s5], $0x1  }
0xae: {  	[sflag:s5] =	ssyncadd.s32 @p0 $0xFFFFFFFF  }
0xaf: {  	s6 =	sshll.u32 @!p0 s1, $0xE  }
0xb0: {  	s6 =	sor.u32 @!p0 $0x4000, s6;
	s5 =	simm.s32 @!p0 $0x1B8D  }
0xb1: {  	s4 =	sshll.u32 @!p0 s4, $0x11;
	s6 =	sadd.s32 @!p0 $0x11B8D, s6;
	_ =	swait.eq @!p0 [sflag:s5], $0x1  }
0xb2: {  	s4 =	sor.u32 @!p0 s4, s6;
	[sflag:s5] =	ssyncadd.s32 @!p0 $0xFFFFFFFF  }
0xb3: {  	s25 =	simm.s32 $0x1B8E;
	s24 =	sld [smem:$0x3FFE];
	[sflag:s4] =	ssyncadd.remote.s32 @!p0 $0x1  }
0xb4: {  	s26 =	simm.s32 $execute0_lowered;
	[smem:$0x3FD2] =	sst s25  }
0xb5: {  	s5 =	sshll.u32 s26, $0x1;
	_ =	strace $0x8000004F;
	[dreg:$0x1] =	wrdreg $0xFFFFFFFF  }
0xb6: {  	s28 =	simm.s32 $_size_execute0_lowered;
	s3 =	sadd.s32 s3, s5;
	[dreg:$0x0] =	wrdreg $0x0  }
0xb7: {  	s5 =	sshll.u32 s28, $0x1;
	[dreg:$0x2] =	wrdreg s3  }
0xb8: {  	[dreg:$0x3] =	wrdreg s5  }
0xb9: {  	[dreg:$0x4] =	wrdreg $0xC0  }
0xba: {  	_ =	task [dreg:s22], $0x5FFFF  }
0xbb: {  	[dreg:$0x1] =	wrdreg $0xFFFFFFFF  }
0xbc: {  	[dreg:$0x0] =	wrdreg $0x60  }
0xbd: {  	[dreg:$0x2] =	wrdreg s24  }
0xbe: {  	[dreg:$0x3] =	wrdreg $0xB  }
0xbf: {  	_ =	task.clear_ibuf [dreg:s22], $0x4FFFF;
	_ =	strace $0x9000004F  }
0xc0: {  	s29 =	simm.s32 $0xB;
	_ =	strace $0x80000051  }
0xc1: {  	_ =	swait.ge [sflag:s29], $0x1  }
0xc2: {  	[sflag:s29] =	ssyncadd.s32 $0xFFFFFFFF  }
0xc3: {  	_ =	strace $0x90000051  }
0xc4: {  	_ =	sfence  }
0xc5: {  	s30 =	sld [smem:$0x0];
	_ =	sdelay $0x2  }
0xc6: {  	s31 =	sshll.u32 s1, $0xD;
	s1 =	sshrl.u32 s1, $0x2  }
0xc7: {  	s4 =	sand.u32 $0x4000, s31;
	s1 =	sadd.s32 s1, s30  }
0xc8: {  	s0 =	sor.u32 s4, s0;
	s1 =	sshll.u32 s1, $0x11  }
0xc9: {  	s0 =	sor.u32 s1, s0  }
0xca: {  	s0 =	sadd.s32 $0x8F2B, s0  }
0xcb: {  	[sflag:s0] =	ssyncadd.remote.s32 $0x1  }
0xcc: {  	_ =	sfence.sel $0xFFFF  }
0xcd: {  	[dreg:$0x0] =	wrdreg $0xFFFFFFFF;
	(pc) =	sbr.abs _section_cstart, $3  }
0xce: {  	[dreg:$0x1] =	wrdreg $0xFFFFFFFF  }
0xcf: {  	_ =	task.clear_ibuf [dreg:s22], $0x2FFFF;
	_ =	strace $0x9FFFFFFF  }
0xd0: {  	(tm) =	ssettm $0x7FFFFFFF  }
0xd1: {  	_ =	shalt  }
tec
execute0_lowered:
.L_overlay_start_1:
0x0: {  	(tag) =	ssettag $0x1  }
0x1: {  	s5 =	rddreg [dreg:$0x0]  }
0x2: {  	s0 =	rddreg [dreg:$0x1]  }
0x3: {  	s2 =	simm.s32 $0x0;
	s3 =	srdreg.scid;
	s1 =	stileid.u32  }
0x4: {  	s11 =	simm.s32 $0x100;
	s12 =	simm.s32 $0x1;
	s13 =	simm.s32 $0x2  }
0x5: {  	s14 =	simm.s32 $0x0;
	[smem:$0x7FF] =	sst s2;
	s6 =	sand.u32 $0x1, s3  }
0x6: {  	s3 =	sadd.s32 $0x19600, s5;
	s7 =	sshll.u32 s1, $0xC;
	s4 =	sadd.s32 $0x5C00, s5  }
0x7: {  	s9 =	sshll.u32 s1, $0xF;
	_ =	strace $0x80000050;
	s8 =	sshll.u32 s6, $0xB  }
0x8: {  	s30 =	ssub.s32 $0x2, s6;
	s9 =	sadd.s32 s9, s5;
	s6 =	sshll.u32 s6, $0xE  }
0x9: {  	s7 =	sor.u32 s8, s7;
	s10 =	sshrl.u32 s30, $0x1;
	s6 =	sadd.s32 s6, s9  }
0xa: {  	s9 =	simm.s32 $0x3;
	s7 =	sshrl.u32 s7, $0x3;
	s8 =	ssub.s32 s30, s10  }
0xb: {  	s6 =	sadd.s32 $0x1BF000, s6;
	s10 =	simm.s32 $0x80;
	s31 =	sadd.s32 s7, s5  }
0xc: {  	s5 =	smax.u32 s8, $0x1;
	s7 =	sadd.s32 $0x3B000, s31;
	s8 =	sadd.s32 $0x33000, s31  }
.LBB2_1:
0xd: {  	s15 =	sadd.s32 $0x0, s8  }
0xe: {  	[tilespmem:s2], [sflag:$0x3] =	stream.linear.gather [hbm4b:s15+s2], $0x80, $0x38;
	[tilespmem:$0x2100] =	vst v63  }
0xf: {  	_ =	swait.ge [sflag:s9], $0x80  }
0x10: {  	[sflag:s9] =	ssyncset.done $0x0  }
0x11: {  	s31 =	sadd.s32 $0x0, s7;
	[sflag:s9] =	ssyncadd.s32 $0xFFFFFF80  }
0x12: {  	[tilespmem:s10], [sflag:$0x3] =	stream.linear.gather [hbm4b:s31+s2], $0x80, $0x38;
	[tilespmem:$0x2100] =	vst v63  }
0x13: {  	_ =	swait.ge [sflag:s9], $0x80  }
0x14: {  	[sflag:s9] =	ssyncset.done $0x0  }
0x15: {  	[sflag:s9] =	ssyncadd.s32 $0xFFFFFF80  }
0x16: {  	[tilespmem:s11], [sflag:$0x1] =	stream.indirect.gather [hbm4b:s3+s10], $0x40, s2, s10, $0xb8;
	[tilespmem:$0x2100] =	vst v63  }
0x17: {  	_ =	swait.ge [sflag:s12], $0x2000  }
0x18: {  	[sflag:s12] =	ssyncset.done $0x0  }
0x19: {  	[sflag:s12] =	ssyncadd.s32 $0xFFFFE000  }
0x1a: {  	[tilespmem:s11], [sflag:$0x2] =	stream.indirect.gather.add.f32 [hbm:s4], $0x40, s10, s10, $0xb8;
	[tilespmem:$0x2100] =	vst v63  }
0x1b: {  	_ =	swait.ge [sflag:s13], $0x2000  }
0x1c: {  	[sflag:s13] =	ssyncset.done $0x0  }
0x1d: {  	[sflag:s13] =	ssyncadd.s32 $0xFFFFE000  }
0x1e: {  	[hbm4b:s6+s2] =	stream.linear.scatter [tilespmem:s11], [sflag:$0x3], $0x2000, $0x38;
	[tilespmem:$0x2100] =	vst v63  }
0x1f: {  	s16 =	simm.s32 $0x10;
	_ =	swait.ge [sflag:s9], $0x2000  }
0x20: {  	s17 =	simm.s32 $0x20;
	s15 =	sadd.s32 $0x400, s6;
	[sflag:s9] =	ssyncset.done $0x0  }
.LBB2_2:
0x21: {  	s18 =	sadd.s32 s16, s8  }
0x22: {  	[sflag:s9] =	ssyncadd.s32 $0xFFFFE000;
	s19 =	smov.u32 s17;
	s20 =	sadd.s32 $0x10, s17  }
0x23: {  	[tilespmem:s2], [sflag:$0x3] =	stream.linear.gather [hbm4b:s18+s2], $0x80, $0x38;
	[tilespmem:$0x2100] =	vst v63  }
0x24: {  	p0 =	sne.s32 s17, $0xF0;
	_ =	swait.ge [sflag:s9], $0x80  }
0x25: {  	[sflag:s9] =	ssyncset.done $0x0  }
0x26: {  	s17 =	sadd.s32 s16, s7;
	s16 =	smov.u32 s19;
	[sflag:s9] =	ssyncadd.s32 $0xFFFFFF80  }
0x27: {  	[tilespmem:s10], [sflag:$0x3] =	stream.linear.gather [hbm4b:s17+s2], $0x80, $0x38;
	[tilespmem:$0x2100] =	vst v63  }
0x28: {  	_ =	swait.ge [sflag:s9], $0x80  }
0x29: {  	[sflag:s9] =	ssyncset.done $0x0  }
0x2a: {  	[sflag:s9] =	ssyncadd.s32 $0xFFFFFF80  }
0x2b: {  	[tilespmem:s11], [sflag:$0x1] =	stream.indirect.gather [hbm4b:s3+s10], $0x40, s2, s10, $0xb8;
	[tilespmem:$0x2100] =	vst v63  }
0x2c: {  	_ =	swait.ge [sflag:s12], $0x2000  }
0x2d: {  	[sflag:s12] =	ssyncset.done $0x0  }
0x2e: {  	[sflag:s12] =	ssyncadd.s32 $0xFFFFE000  }
0x2f: {  	[tilespmem:s11], [sflag:$0x2] =	stream.indirect.gather.add.f32 [hbm:s4], $0x40, s10, s10, $0xb8;
	[tilespmem:$0x2100] =	vst v63  }
0x30: {  	_ =	swait.ge [sflag:s13], $0x2000  }
.Ltmp0:
0x31: {  	[sflag:s13] =	ssyncset.done $0x0;
	(pc) =	sbr.rel @p0 .LBB2_2-.Ltmp0, $4  }
0x32: {  	[sflag:s13] =	ssyncadd.s32 $0xFFFFE000  }
0x33: {  	[hbm4b:s15+s2] =	stream.linear.scatter [tilespmem:s11], [sflag:$0x3], $0x2000, $0x38;
	[tilespmem:$0x2100] =	vst v63  }
0x34: {  	_ =	swait.ge [sflag:s9], $0x2000  }
0x35: {  	s17 =	smov.u32 s20;
	s15 =	sadd.s32 $0x400, s15;
	[sflag:s9] =	ssyncset.done $0x0  }
0x36: {  	s17 =	sadd.s32 s16, s8;
	[sflag:s9] =	ssyncadd.s32 $0xFFFFE000  }
0x37: {  	[tilespmem:s2], [sflag:$0x3] =	stream.linear.gather [hbm4b:s17+s2], $0x80, $0x38;
	[tilespmem:$0x2100] =	vst v63  }
0x38: {  	_ =	swait.ge [sflag:s9], $0x80  }
0x39: {  	[sflag:s9] =	ssyncset.done $0x0  }
0x3a: {  	s31 =	sadd.s32 s16, s7;
	[sflag:s9] =	ssyncadd.s32 $0xFFFFFF80  }
0x3b: {  	[tilespmem:s10], [sflag:$0x3] =	stream.linear.gather [hbm4b:s31+s2], $0x80, $0x38;
	[tilespmem:$0x2100] =	vst v63  }
0x3c: {  	_ =	swait.ge [sflag:s9], $0x80  }
0x3d: {  	[sflag:s9] =	ssyncset.done $0x0  }
0x3e: {  	[sflag:s9] =	ssyncadd.s32 $0xFFFFFF80  }
0x3f: {  	[tilespmem:s11], [sflag:$0x1] =	stream.indirect.gather [hbm4b:s3+s10], $0x40, s2, s10, $0xb8;
	[tilespmem:$0x2100] =	vst v63  }
0x40: {  	_ =	swait.ge [sflag:s12], $0x2000  }
0x41: {  	[sflag:s12] =	ssyncset.done $0x0  }
0x42: {  	[sflag:s12] =	ssyncadd.s32 $0xFFFFE000  }
0x43: {  	[tilespmem:s11], [sflag:$0x2] =	stream.indirect.gather.add.f32 [hbm:s4], $0x40, s10, s10, $0xb8;
	[tilespmem:$0x2100] =	vst v63  }
0x44: {  	s14 =	sadd.s32 $0x1, s14;
	_ =	swait.ge [sflag:s13], $0x2000  }
0x45: {  	p0 =	sne.s32 s14, s5;
	[sflag:s13] =	ssyncset.done $0x0  }
.Ltmp1:
0x46: {  	[sflag:s13] =	ssyncadd.s32 $0xFFFFE000;
	(pc) =	sbr.rel @p0 .LBB2_1-.Ltmp1, $4  }
0x47: {  	[hbm4b:s15+s2] =	stream.linear.scatter [tilespmem:s11], [sflag:$0x3], $0x2000, $0x38;
	[tilespmem:$0x2100] =	vst v63  }
0x48: {  	_ =	swait.ge [sflag:s9], $0x2000  }
0x49: {  	[sflag:s9] =	ssyncset.done $0x0  }
0x4a: {  	[sflag:s9] =	ssyncadd.s32 $0xFFFFE000  }
0x4b: {  	_ =	sfence.sel $0x180000  }
0x4c: {  	[bflag:$0x0] =	sbarrier.arrive $0xFFFF  }
0x4d: {  	p0 =	sne.s32 s1, $0x0;
	_ =	strace $0x90000050  }
0x4e: {  	s0 =	sadd.s32 @!p0 $0x100000, s0;
	[bflag:$0x2] =	sbarrier.arrive $0xFFFF  }
0x4f: {  	[sflag:s0] =	ssyncadd.tile.s32 @!p0 $0x1;
	_ =	shalt  }
.Lfunc_end2:
_tile_overlayer_lowered:
.L_overlay_start_2:
0x50: {  	(tag) =	ssettag $0x2  }
0x51: {  	s0 =	rddreg [dreg:$0x0];
	s2 =	stileid.u32  }
0x52: {  	s1 =	rddreg [dreg:$0x1];
	p0 =	sne.s32 s2, $0x0  }
0x53: {  	s3 =	rddreg [dreg:$0x2];
	[bflag:$0x3] =	sbarrier.arrive $0xFFFF;
	s2 =	simm.s32 @!p0 $0x1C03  }
0x54: {  	[timem:s3], [sflag:s2] =	dma.local @!p0 [hbm:s0], s1  }
0x55: {  	s0 =	simm.s32 @!p0 $0x3  }
0x56: {  	_ =	swait.ge @!p0 [sflag:s0], s1  }
0x57: {  	s1 =	ssub.s32 @!p0 $0x0, s1;
	[sflag:s0] =	ssyncset.done @!p0 $0x0  }
0x58: {  	[sflag:s0] =	ssyncadd.s32 @!p0 s1  }
0x59: {  	[bflag:$0x3] =	sbarrier.arrive $0xFFFF  }
0x5a: {  	_ =	shalt  }

// kernel: kernel.34.cloned.1.call-start
scs
__scs_entry_jumppad:
0x0: {  	(pc) =	sbr.rel $0x88, $3  }
0x1: {  	(tag) =	ssettag $0x0;
	lr =	simm.s32 $0x1  }
0x2: {  	[smem:$0x3F96] =	sst lr;
	_ =	strace $0xD0000000  }
0x3: {  	_ = 	snop  }
0x4: {  	_ = 	snop  }
0x5: {  	_ = 	snop  }
0x6: {  	_ = 	snop  }
0x7: {  	_ = 	snop  }
__scs_overlays_trampoline_lowered:
0x8: {  	[smem:$0x3FA5] =	sst s0  }
0x9: {  	[smem:$0x3FA6] =	sst s1  }
0xa: {  	[smem:$0x3FA7] =	sst s2  }
0xb: {  	[smem:$0x3FA8] =	sst s3  }
0xc: {  	[smem:$0x3FA9] =	sst s4  }
0xd: {  	[smem:$0x3FAA] =	sst s5  }
0xe: {  	[smem:$0x3FAB] =	sst s6  }
0xf: {  	[smem:$0x3FAC] =	sst s7  }
0x10: {  	[smem:$0x3FAD] =	sst s8  }
0x11: {  	[smem:$0x3FAE] =	sst s9;
	s0 =	simm.s32 @!p0 $0x0  }
0x12: {  	s1 =	sld [smem:$0x3F94];
	s0 =	simm.s32 @p0 $0x1  }
0x13: {  	[smem:$0x3FAF] =	sst s0;
	s0 =	simm.s32 @!p1 $0x0  }
0x14: {  	s2 =	sld [smem:$0x3F93];
	s0 =	simm.s32 @p1 $0x1  }
0x15: {  	[smem:$0x3FB0] =	sst s0;
	s0 =	simm.s32 @!p2 $0x0  }
0x16: {  	s3 =	sld [smem:$0x3FDB];
	s0 =	simm.s32 @p2 $0x1  }
0x17: {  	s4 =	simm.s32 $0x1BF5;
	[smem:$0x3FB2] =	sst s0  }
0x18: {  	s0 =	sld [smem:$0x3F95];
	_ =	swait.ge [sflag:s4], $0x0  }
0x19: {  	s7 =	sld [smem:$0x3F96]  }
0x1a: {  	s8 =	sadd.s32 $0xFFFFE003, lr  }
0x1b: {  	s9 =	sadd.s32 $0xFFFFFEF7, lr;
	s5 =	simm.s32 $0xFFFFFFFF;
	p2 =	slt.u32 s8, $0xFFFFF086  }
0x1c: {  	p1 =	slt.u32 s9, $0xF7A;
	s5 =	simm.s32 @!p2 $0x0  }
0x1d: {  	s5 =	simm.s32 @p1 $0x1;
	p0 =	seq.s32 s7, s2  }
0x1e: {  	s7 =	smul.u32 @!p0 $0xF7A, s2;
	p2 =	seq.s32 @!p0 s5, $0x0  }
0x1f: {  	s9 =	smul.u32 $0xF7A, s1;
	s8 =	simm.s32 @!p0 $0x1BF5;
	p2 =	por !p2, p0  }
0x20: {  	[sflag:s8] =	ssyncset.s32 @!p0 $0xFFFFF086;
	s6 =	sadd.s32 @!p0 s3, s7;
	s7 =	simm.s32 @!p0 $0x108  }
0x21: {  	s3 =	sadd.s32 s3, s9;
	s6 =	sadd.s32 @!p0 $0x88, s6;
	s7 =	simm.s32 @p2 $0x1082  }
0x22: {  	[simem:s7], [sflag:s8] =	dma.local @!p0 [hbm:s6], $0xF7A  }
0x23: {  	s9 =	sor.u32 $0xD0000000, s2;
	s6 =	simm.s32 $0x108;
	_ =	swait.ge @!p0 [sflag:s8], $0x0  }
0x24: {  	s3 =	sadd.s32 $0x88, s3;
	s6 =	simm.s32 @!p1 $0x1082;
	[sflag:s4] =	ssyncset.s32 $0xFFFFF086  }
0x25: {  	[simem:s6], [sflag:s4] =	dma.local [hbm:s3], $0xF7A  }
0x26: {  	[smem:$0x3F96] =	sst s1;
	(tag) =	ssettag s2;
	_ =	strace s9  }
0x27: {  	s1 =	sld [smem:$0x3FA6]  }
0x28: {  	s2 =	sld [smem:$0x3FA7]  }
0x29: {  	s4 =	sld [smem:$0x3FA9]  }
0x2a: {  	p0 =	seq.s32 s5, $0x0;
	s5 =	sld [smem:$0x3FAA]  }
0x2b: {  	s6 =	sld [smem:$0x3FAB]  }
0x2c: {  	s7 =	sld [smem:$0x3FAC]  }
0x2d: {  	s3 =	simm.s32 $0x108;
	s8 =	sld [smem:$0x3FAD]  }
0x2e: {  	s3 =	simm.s32 @!p0 $0x1082;
	s9 =	sld [smem:$0x3FAE]  }
0x2f: {  	lr =	sadd.s32 s0, s3;
	s0 =	sld [smem:$0x3FA5]  }
0x30: {  	s3 =	sld [smem:$0x3FA8]  }
0x31: {  	[smem:$0x3FB1] =	sst s10  }
0x32: {  	s10 =	sld [smem:$0x3FAF];
	_ =	sdelay $0x3  }
0x33: {  	p0 =	seq.s32 s10, $0x1;
	s10 =	sld [smem:$0x3FB1];
	_ =	sdelay $0x3  }
0x34: {  	[smem:$0x3FB1] =	sst s10  }
0x35: {  	s10 =	sld [smem:$0x3FB0];
	_ =	sdelay $0x3  }
0x36: {  	p1 =	seq.s32 s10, $0x1;
	s10 =	sld [smem:$0x3FB1];
	_ =	sdelay $0x3  }
0x37: {  	[smem:$0x3FB1] =	sst s10  }
0x38: {  	s10 =	sld [smem:$0x3FB2]  }
0x39: {  	_ = 	snop;
	(pc) =	sbr.ind lr, $3  }
0x3a: {  	_ = 	snop  }
0x3b: {  	_ = 	snop  }
0x3c: {  	p2 =	seq.s32 s10, $0x1;
	s10 =	sld [smem:$0x3FB1]  }
0x3d: {  	_ =	shalt  }
0x3e: {  	_ =	shalt  }
0x3f: {  	_ =	shalt  }
0x40: {  	_ =	shalt  }
0x41: {  	_ =	shalt  }
0x42: {  	_ =	shalt  }
0x43: {  	_ =	shalt  }
0x44: {  	_ =	shalt  }
0x45: {  	_ =	shalt  }
0x46: {  	_ =	shalt  }
0x47: {  	_ =	shalt  }
0x48: {  	_ =	shalt  }
0x49: {  	_ =	shalt  }
0x4a: {  	_ =	shalt  }
0x4b: {  	_ =	shalt  }
0x4c: {  	_ =	shalt  }
0x4d: {  	_ =	shalt  }
0x4e: {  	_ =	shalt  }
0x4f: {  	_ =	shalt  }
0x50: {  	_ =	shalt  }
0x51: {  	_ =	shalt  }
0x52: {  	_ =	shalt  }
0x53: {  	_ =	shalt  }
0x54: {  	_ =	shalt  }
0x55: {  	_ =	shalt  }
0x56: {  	_ =	shalt  }
0x57: {  	_ =	shalt  }
0x58: {  	_ =	shalt  }
0x59: {  	_ =	shalt  }
0x5a: {  	_ =	shalt  }
0x5b: {  	_ =	shalt  }
0x5c: {  	_ =	shalt  }
0x5d: {  	_ =	shalt  }
0x5e: {  	_ =	shalt  }
0x5f: {  	_ =	shalt  }
0x60: {  	_ =	shalt  }
0x61: {  	_ =	shalt  }
0x62: {  	_ =	shalt  }
0x63: {  	_ =	shalt  }
0x64: {  	_ =	shalt  }
0x65: {  	_ =	shalt  }
0x66: {  	_ =	shalt  }
0x67: {  	_ =	shalt  }
0x68: {  	_ =	shalt  }
0x69: {  	_ =	shalt  }
0x6a: {  	_ =	shalt  }
0x6b: {  	_ =	shalt  }
0x6c: {  	_ =	shalt  }
0x6d: {  	_ =	shalt  }
0x6e: {  	_ =	shalt  }
0x6f: {  	_ =	shalt  }
0x70: {  	_ =	shalt  }
0x71: {  	_ =	shalt  }
0x72: {  	_ =	shalt  }
0x73: {  	_ =	shalt  }
0x74: {  	_ =	shalt  }
0x75: {  	_ =	shalt  }
0x76: {  	_ =	shalt  }
0x77: {  	_ =	shalt  }
0x78: {  	_ =	shalt  }
0x79: {  	_ =	shalt  }
0x7a: {  	_ =	shalt  }
0x7b: {  	_ =	shalt  }
0x7c: {  	_ =	shalt  }
0x7d: {  	_ =	shalt  }
0x7e: {  	_ =	shalt  }
0x7f: {  	_ =	shalt  }
0x80: {  	_ =	shalt  }
0x81: {  	_ =	shalt  }
0x82: {  	_ =	shalt  }
0x83: {  	_ =	shalt  }
0x84: {  	_ =	shalt  }
0x85: {  	_ =	shalt  }
0x86: {  	_ =	shalt  }
0x87: {  	_ =	shalt  }
.Lfunc_end0:
.L_simem_size_0:
called_computation.5_lowered:
.L_overlay_start_0:
0x88: {  	s2 =	sld [smem:$0x3FD9]  }
0x89: {  	s3 =	sld [smem:$0x3FFE];
	_ =	sdelay $0x1  }
0x8a: {  	s1 =	srdreg.scid  }
0x8b: {  	s0 =	sand.u32 $0x1, s1  }
0x8c: {  	s17 =	sshll.u32 s0, $0xA;
	s2 =	sadd.s32 s3, s2  }
0x8d: {  	s2 =	sadd.s32 s2, s17  }
0x8e: {  	[smem:$0x3FBD] =	sst s2  }
0x8f: {  	_ = 	snop  }
0x90: {  	s18 =	sld [smem:$0x3FD0];
	(tm) =	ssettm $0x1  }
0x91: {  	s19 =	sld [smem:$0x3FFB];
	_ =	sdelay $0x3  }
0x92: {  	_ =	strace s19  }
0x93: {  	s2 =	sld [smem:$0x3FFC];
	_ =	sdelay $0x3  }
0x94: {  	_ =	strace s2  }
0x95: {  	s2 =	sld [smem:$0x3FFD];
	_ =	sdelay $0x3  }
0x96: {  	_ =	strace s2  }
0x97: {  	_ =	strace $0x8FFFFFFF  }
0x98: {  	s20 =	sld [smem:$0x3FDB];
	_ =	sdelay $0x1  }
0x99: {  	s4 =	simm.s32 $_scs_section_size  }
0x9a: {  	s5 =	simm.s32 $_size__tile_overlayer_lowered;
	s6 =	simm.s32 $_tile_overlayer_lowered  }
0x9b: {  	s7 =	simm.s32 $0x1BFF;
	s21 =	sshll.u32 s6, $0x1;
	s4 =	sadd.s32 s4, s20  }
0x9c: {  	s22 =	simm.s32 $0x0;
	s5 =	sshll.u32 s5, $0x1;
	s6 =	sadd.s32 s21, s4  }
0x9d: {  	[timem:s22], [sflag:s7] =	dma.local [hbm:s6], s5  }
0x9e: {  	_ =	swait.ge [sflag:s7], s5  }
0x9f: {  	s5 =	ssub.s32 $0x0, s5;
	[sflag:s7] =	ssyncset.done $0x0  }
0xa0: {  	[sflag:s7] =	ssyncadd.s32 s5;
	_ =	sdelay $0x1  }
0xa1: {  	s23 =	simm.s32 $0x1B8B  }
0xa2: {  	_ =	swait.ge [sflag:s23], $0x1  }
0xa3: {  	[sflag:s23] =	ssyncset.done $0x0  }
0xa4: {  	[sflag:s23] =	ssyncadd.s32 $0xFFFFFFFF  }
0xa5: {  	s5 =	sld [smem:$0x0]  }
0xa6: {  	s6 =	sand.u32 $0xFFFFFFFE, s1  }
0xa7: {  	p0 =	sne.s32 s1, s6  }
0xa8: {  	s6 =	sshll.u32 @p0 s6, $0xE  }
0xa9: {  	s6 =	sadd.s32 @p0 $0x11B8D, s6;
	s7 =	sshll.u32 @p0 s5, $0x11  }
0xaa: {  	s6 =	sor.u32 @p0 s7, s6  }
0xab: {  	[sflag:s6] =	ssyncadd.remote.s32 @p0 $0x1;
	_ =	sdelay $0x1  }
0xac: {  	s6 =	simm.s32 @p0 $0x1B8D  }
0xad: {  	_ =	swait.eq @p0 [sflag:s6], $0x1  }
0xae: {  	[sflag:s6] =	ssyncadd.s32 @p0 $0xFFFFFFFF  }
0xaf: {  	s7 =	sshll.u32 @!p0 s1, $0xE  }
0xb0: {  	s7 =	sor.u32 @!p0 $0x4000, s7;
	s6 =	simm.s32 @!p0 $0x1B8D  }
0xb1: {  	s5 =	sshll.u32 @!p0 s5, $0x11;
	s7 =	sadd.s32 @!p0 $0x11B8D, s7;
	_ =	swait.eq @!p0 [sflag:s6], $0x1  }
0xb2: {  	s5 =	sor.u32 @!p0 s5, s7;
	[sflag:s6] =	ssyncadd.s32 @!p0 $0xFFFFFFFF  }
0xb3: {  	s25 =	simm.s32 $0x1B8E;
	s24 =	sld [smem:$0x3FFE];
	[sflag:s5] =	ssyncadd.remote.s32 @!p0 $0x1  }
0xb4: {  	s26 =	simm.s32 $execute0_lowered;
	[smem:$0x3FD2] =	sst s25  }
0xb5: {  	s6 =	sshll.u32 s26, $0x1;
	_ =	strace $0x80000061;
	[dreg:$0x1] =	wrdreg $0xFFFFFFFF  }
0xb6: {  	s28 =	simm.s32 $_size_execute0_lowered;
	s4 =	sadd.s32 s4, s6;
	[dreg:$0x0] =	wrdreg $0x0  }
0xb7: {  	s6 =	sshll.u32 s28, $0x1;
	[dreg:$0x2] =	wrdreg s4  }
0xb8: {  	[dreg:$0x3] =	wrdreg s6  }
0xb9: {  	[dreg:$0x4] =	wrdreg $0xC0  }
0xba: {  	_ =	task [dreg:s22], $0x5FFFF  }
0xbb: {  	[dreg:$0x1] =	wrdreg $0xFFFFFFFF  }
0xbc: {  	[dreg:$0x0] =	wrdreg $0x60  }
0xbd: {  	[dreg:$0x2] =	wrdreg s24  }
0xbe: {  	[dreg:$0x3] =	wrdreg s18  }
0xbf: {  	[dreg:$0x4] =	wrdreg $0xBE800  }
0xc0: {  	[dreg:$0x5] =	wrdreg $0x9  }
0xc1: {  	_ =	task.clear_ibuf [dreg:s22], $0x6FFFF;
	_ =	strace $0x90000061  }
0xc2: {  	s29 =	simm.s32 $0x9;
	_ =	strace $0x80000063  }
0xc3: {  	_ =	swait.ge [sflag:s29], $0x1  }
0xc4: {  	[sflag:s29] =	ssyncadd.s32 $0xFFFFFFFF  }
0xc5: {  	_ =	strace $0x90000063  }
0xc6: {  	_ =	sfence  }
0xc7: {  	s30 =	sld [smem:$0x0];
	_ =	sdelay $0x2  }
0xc8: {  	s31 =	sshll.u32 s1, $0xD;
	s1 =	sshrl.u32 s1, $0x2  }
0xc9: {  	s4 =	sand.u32 $0x4000, s31;
	s1 =	sadd.s32 s1, s30  }
0xca: {  	s0 =	sor.u32 s4, s0;
	s1 =	sshll.u32 s1, $0x11  }
0xcb: {  	s0 =	sor.u32 s1, s0  }
0xcc: {  	s0 =	sadd.s32 $0x8F2B, s0  }
0xcd: {  	[sflag:s0] =	ssyncadd.remote.s32 $0x1  }
0xce: {  	_ =	sfence.sel $0xFFFF  }
0xcf: {  	[dreg:$0x0] =	wrdreg $0xFFFFFFFF;
	(pc) =	sbr.abs _section_cstart, $3  }
0xd0: {  	[dreg:$0x1] =	wrdreg $0xFFFFFFFF  }
0xd1: {  	_ =	task.clear_ibuf [dreg:s22], $0x2FFFF;
	_ =	strace $0x9FFFFFFF  }
0xd2: {  	(tm) =	ssettm $0x7FFFFFFF  }
0xd3: {  	_ =	shalt  }
tec
execute0_lowered:
.L_overlay_start_1:
0x0: {  	(tag) =	ssettag $0x1  }
0x1: {  	s4 =	rddreg [dreg:$0x0]  }
0x2: {  	s5 =	rddreg [dreg:$0x1]  }
0x3: {  	s2 =	rddreg [dreg:$0x2]  }
0x4: {  	s0 =	rddreg [dreg:$0x3]  }
0x5: {  	s1 =	stileid.u32;
	s6 =	srdreg.scid  }
0x6: {  	s3 =	simm.s32 $0x0;
	s12 =	simm.s32 $0x40;
	s13 =	simm.s32 $0x80  }
0x7: {  	s14 =	simm.s32 $0x0;
	s6 =	sand.u32 $0x1, s6;
	s7 =	smul.u32 $0x13C0, s1  }
0x8: {  	[smem:$0x7FF] =	sst s3;
	s8 =	sshll.u32 s1, $0x10;
	s11 =	smul.u32 $0x9E00, s1  }
0x9: {  	s10 =	sshll.u32 s1, $0x9;
	s9 =	smul.u32 $0x13C00, s6;
	_ =	strace $0x80000062  }
0xa: {  	s8 =	sadd.s32 s8, s4;
	s29 =	ssub.s32 $0x2, s6;
	s10 =	sadd.s32 s10, s4  }
0xb: {  	s6 =	sshll.u32 s6, $0x3;
	s30 =	sshrl.u32 s29, $0x1;
	s31 =	sshrl.u32 s11, $0x3  }
0xc: {  	s8 =	sadd.s32 s6, s8;
	s7 =	sadd.s32 s7, s9;
	s9 =	ssub.s32 s29, s30  }
0xd: {  	s8 =	sadd.s32 $0xBA1000, s8;
	s7 =	sadd.s32 s7, s4;
	s4 =	sadd.s32 s5, s31  }
0xe: {  	s5 =	sadd.s32 s11, s2;
	s11 =	simm.s32 $0x1;
	s6 =	sadd.s32 $0x1DD000, s7  }
0xf: {  	s7 =	smax.u32 s9, $0x1;
	s9 =	sadd.s32 $0x35000, s10;
	s10 =	simm.s32 $0x2080  }
.LBB2_1:
0x10: {  	[tilespmem:s10], [sflag:$0x1] =	stream.linear.gather [hbm4b:s4+s3], $0x9E00, $0x38;
	[tilespmem:$0x15C80] =	vst v63  }
0x11: {  	_ =	swait.ge [sflag:s11], $0x9E00  }
0x12: {  	[sflag:s11] =	ssyncset.done $0x0  }
0x13: {  	[sflag:s11] =	ssyncadd.s32 $0xFFFF6200  }
0x14: {  	[spmem:s5] =	stream.linear.scatter [tilespmem:s10], [sflag:$0x1], $0x9E00, $0x38;
	[tilespmem:$0x15C80] =	vst v63  }
0x15: {  	_ =	swait.ge [sflag:s11], $0x9E00  }
0x16: {  	[sflag:s11] =	ssyncset.done $0x0  }
0x17: {  	[sflag:s11] =	ssyncadd.s32 $0xFFFF6200  }
0x18: {  	s15 =	sadd.s32 $0x0, s9;
	[bflag:$0x0] =	sbarrier.arrive $0xFFFF  }
0x19: {  	[tilespmem:s3], [sflag:$0x1] =	stream.linear.gather [hbm4b:s15+s3], $0x80, $0x38;
	[tilespmem:$0x15C80] =	vst v63  }
0x1a: {  	_ =	swait.ge [sflag:s11], $0x80  }
0x1b: {  	[sflag:s11] =	ssyncset.done $0x0  }
0x1c: {  	[sflag:s11] =	ssyncadd.s32 $0xFFFFFF80  }
0x1d: {  	[tilespmem:s13], [sflag:$0x1] =	stream.strided.gather [hbm4b:s8+s12], $0x2000, s13, s12, $0x38;
	[tilespmem:$0x15C80] =	vst v63  }
0x1e: {  	_ =	swait.ge [sflag:s11], $0x2000  }
0x1f: {  	[sflag:s11] =	ssyncset.done $0x0  }
0x20: {  	[sflag:s11] =	ssyncadd.s32 $0xFFFFE000  }
0x21: {  	[spmem:s2] =	stream.indirect.scatter.add.f32 [tilespmem:s13], [sflag:$0x1], $0x40, s3, s13, $0xb8;
	[tilespmem:$0x15C80] =	vst v63  }
0x22: {  	s16 =	simm.s32 $0x10;
	_ =	swait.ge [sflag:s11], $0x2000  }
0x23: {  	s17 =	simm.s32 $0x20;
	s15 =	sadd.s32 $0x800, s8;
	[sflag:s11] =	ssyncset.done $0x0  }
.LBB2_2:
0x24: {  	s18 =	sadd.s32 s16, s9  }
0x25: {  	[sflag:s11] =	ssyncadd.s32 $0xFFFFE000;
	s16 =	smov.u32 s17;
	s19 =	sadd.s32 $0x10, s17  }
0x26: {  	[tilespmem:s3], [sflag:$0x1] =	stream.linear.gather [hbm4b:s18+s3], $0x80, $0x38;
	[tilespmem:$0x15C80] =	vst v63  }
0x27: {  	p0 =	sne.s32 s17, $0x1F0;
	_ =	swait.ge [sflag:s11], $0x80  }
0x28: {  	[sflag:s11] =	ssyncset.done $0x0  }
0x29: {  	[sflag:s11] =	ssyncadd.s32 $0xFFFFFF80  }
0x2a: {  	[tilespmem:s13], [sflag:$0x1] =	stream.strided.gather [hbm4b:s15+s12], $0x2000, s13, s12, $0x38;
	[tilespmem:$0x15C80] =	vst v63  }
0x2b: {  	_ =	swait.ge [sflag:s11], $0x2000  }
.Ltmp0:
0x2c: {  	[sflag:s11] =	ssyncset.done $0x0;
	(pc) =	sbr.rel @p0 .LBB2_2-.Ltmp0, $4  }
0x2d: {  	[sflag:s11] =	ssyncadd.s32 $0xFFFFE000  }
0x2e: {  	[spmem:s2] =	stream.indirect.scatter.add.f32 [tilespmem:s13], [sflag:$0x1], $0x40, s3, s13, $0xb8;
	[tilespmem:$0x15C80] =	vst v63  }
0x2f: {  	_ =	swait.ge [sflag:s11], $0x2000  }
0x30: {  	s17 =	smov.u32 s19;
	s15 =	sadd.s32 $0x800, s15;
	[sflag:s11] =	ssyncset.done $0x0  }
0x31: {  	s16 =	sadd.s32 s16, s9;
	[sflag:s11] =	ssyncadd.s32 $0xFFFFE000  }
0x32: {  	[tilespmem:s3], [sflag:$0x1] =	stream.linear.gather [hbm4b:s16+s3], $0x80, $0x38;
	[tilespmem:$0x15C80] =	vst v63  }
0x33: {  	_ =	swait.ge [sflag:s11], $0x80  }
0x34: {  	[sflag:s11] =	ssyncset.done $0x0  }
0x35: {  	[sflag:s11] =	ssyncadd.s32 $0xFFFFFF80  }
0x36: {  	[tilespmem:s13], [sflag:$0x1] =	stream.strided.gather [hbm4b:s15+s12], $0x2000, s13, s12, $0x38;
	[tilespmem:$0x15C80] =	vst v63  }
0x37: {  	_ =	swait.ge [sflag:s11], $0x2000  }
0x38: {  	[sflag:s11] =	ssyncset.done $0x0  }
0x39: {  	[sflag:s11] =	ssyncadd.s32 $0xFFFFE000  }
0x3a: {  	[spmem:s2] =	stream.indirect.scatter.add.f32 [tilespmem:s13], [sflag:$0x1], $0x40, s3, s13, $0xb8;
	[tilespmem:$0x15C80] =	vst v63  }
0x3b: {  	_ =	swait.ge [sflag:s11], $0x2000  }
0x3c: {  	[sflag:s11] =	ssyncset.done $0x0  }
0x3d: {  	[sflag:s11] =	ssyncadd.s32 $0xFFFFE000  }
0x3e: {  	[bflag:$0x0] =	sbarrier.arrive $0xFFFF  }
0x3f: {  	[tilespmem:s10], [sflag:$0x1] =	stream.linear.gather [spmem:s5], $0x9E00, $0x38;
	[tilespmem:$0x15C80] =	vst v63  }
0x40: {  	s14 =	sadd.s32 $0x1, s14;
	_ =	swait.ge [sflag:s11], $0x9E00  }
0x41: {  	p0 =	sne.s32 s14, s7;
	[sflag:s11] =	ssyncset.done $0x0  }
.Ltmp1:
0x42: {  	[sflag:s11] =	ssyncadd.s32 $0xFFFF6200;
	(pc) =	sbr.rel @p0 .LBB2_1-.Ltmp1, $4  }
0x43: {  	[hbm4b:s6+s3] =	stream.linear.scatter [tilespmem:s10], [sflag:$0x1], $0x9E00, $0x38;
	[tilespmem:$0x15C80] =	vst v63  }
0x44: {  	_ =	swait.ge [sflag:s11], $0x9E00  }
0x45: {  	[sflag:s11] =	ssyncset.done $0x0  }
0x46: {  	[sflag:s11] =	ssyncadd.s32 $0xFFFF6200  }
0x47: {  	_ =	sfence.sel $0x180000  }
0x48: {  	[bflag:$0x0] =	sbarrier.arrive $0xFFFF  }
0x49: {  	p0 =	sne.s32 s1, $0x0;
	_ =	strace $0x90000062  }
0x4a: {  	s0 =	sadd.s32 @!p0 $0x100000, s0;
	[bflag:$0x2] =	sbarrier.arrive $0xFFFF  }
0x4b: {  	[sflag:s0] =	ssyncadd.tile.s32 @!p0 $0x1;
	_ =	shalt  }
.Lfunc_end2:
_tile_overlayer_lowered:
.L_overlay_start_2:
0x4c: {  	(tag) =	ssettag $0x2  }
0x4d: {  	s0 =	rddreg [dreg:$0x0];
	s2 =	stileid.u32  }
0x4e: {  	s1 =	rddreg [dreg:$0x1];
	p0 =	sne.s32 s2, $0x0  }
0x4f: {  	s3 =	rddreg [dreg:$0x2];
	[bflag:$0x3] =	sbarrier.arrive $0xFFFF;
	s2 =	simm.s32 @!p0 $0x1C01  }
0x50: {  	[timem:s3], [sflag:s2] =	dma.local @!p0 [hbm:s0], s1  }
0x51: {  	s0 =	simm.s32 @!p0 $0x1  }
0x52: {  	_ =	swait.ge @!p0 [sflag:s0], s1  }
0x53: {  	s1 =	ssub.s32 @!p0 $0x0, s1;
	[sflag:s0] =	ssyncset.done @!p0 $0x0  }
0x54: {  	[sflag:s0] =	ssyncadd.s32 @!p0 s1  }
0x55: {  	[bflag:$0x3] =	sbarrier.arrive $0xFFFF  }
0x56: {  	_ =	shalt  }

// kernel: kernel.37.cloned.1.call-start
scs
__scs_entry_jumppad:
0x0: {  	(pc) =	sbr.rel $0x88, $3  }
0x1: {  	(tag) =	ssettag $0x0;
	lr =	simm.s32 $0x1  }
0x2: {  	[smem:$0x3F96] =	sst lr;
	_ =	strace $0xD0000000  }
0x3: {  	_ = 	snop  }
0x4: {  	_ = 	snop  }
0x5: {  	_ = 	snop  }
0x6: {  	_ = 	snop  }
0x7: {  	_ = 	snop  }
__scs_overlays_trampoline_lowered:
0x8: {  	[smem:$0x3FA5] =	sst s0  }
0x9: {  	[smem:$0x3FA6] =	sst s1  }
0xa: {  	[smem:$0x3FA7] =	sst s2  }
0xb: {  	[smem:$0x3FA8] =	sst s3  }
0xc: {  	[smem:$0x3FA9] =	sst s4  }
0xd: {  	[smem:$0x3FAA] =	sst s5  }
0xe: {  	[smem:$0x3FAB] =	sst s6  }
0xf: {  	[smem:$0x3FAC] =	sst s7  }
0x10: {  	[smem:$0x3FAD] =	sst s8  }
0x11: {  	[smem:$0x3FAE] =	sst s9;
	s0 =	simm.s32 @!p0 $0x0  }
0x12: {  	s1 =	sld [smem:$0x3F94];
	s0 =	simm.s32 @p0 $0x1  }
0x13: {  	[smem:$0x3FAF] =	sst s0;
	s0 =	simm.s32 @!p1 $0x0  }
0x14: {  	s2 =	sld [smem:$0x3F93];
	s0 =	simm.s32 @p1 $0x1  }
0x15: {  	[smem:$0x3FB0] =	sst s0;
	s0 =	simm.s32 @!p2 $0x0  }
0x16: {  	s3 =	sld [smem:$0x3FDB];
	s0 =	simm.s32 @p2 $0x1  }
0x17: {  	s4 =	simm.s32 $0x1BF5;
	[smem:$0x3FB2] =	sst s0  }
0x18: {  	s0 =	sld [smem:$0x3F95];
	_ =	swait.ge [sflag:s4], $0x0  }
0x19: {  	s7 =	sld [smem:$0x3F96]  }
0x1a: {  	s8 =	sadd.s32 $0xFFFFE003, lr  }
0x1b: {  	s9 =	sadd.s32 $0xFFFFFEF7, lr;
	s5 =	simm.s32 $0xFFFFFFFF;
	p2 =	slt.u32 s8, $0xFFFFF086  }
0x1c: {  	p1 =	slt.u32 s9, $0xF7A;
	s5 =	simm.s32 @!p2 $0x0  }
0x1d: {  	s5 =	simm.s32 @p1 $0x1;
	p0 =	seq.s32 s7, s2  }
0x1e: {  	s7 =	smul.u32 @!p0 $0xF7A, s2;
	p2 =	seq.s32 @!p0 s5, $0x0  }
0x1f: {  	s9 =	smul.u32 $0xF7A, s1;
	s8 =	simm.s32 @!p0 $0x1BF5;
	p2 =	por !p2, p0  }
0x20: {  	[sflag:s8] =	ssyncset.s32 @!p0 $0xFFFFF086;
	s6 =	sadd.s32 @!p0 s3, s7;
	s7 =	simm.s32 @!p0 $0x108  }
0x21: {  	s3 =	sadd.s32 s3, s9;
	s6 =	sadd.s32 @!p0 $0x88, s6;
	s7 =	simm.s32 @p2 $0x1082  }
0x22: {  	[simem:s7], [sflag:s8] =	dma.local @!p0 [hbm:s6], $0xF7A  }
0x23: {  	s9 =	sor.u32 $0xD0000000, s2;
	s6 =	simm.s32 $0x108;
	_ =	swait.ge @!p0 [sflag:s8], $0x0  }
0x24: {  	s3 =	sadd.s32 $0x88, s3;
	s6 =	simm.s32 @!p1 $0x1082;
	[sflag:s4] =	ssyncset.s32 $0xFFFFF086  }
0x25: {  	[simem:s6], [sflag:s4] =	dma.local [hbm:s3], $0xF7A  }
0x26: {  	[smem:$0x3F96] =	sst s1;
	(tag) =	ssettag s2;
	_ =	strace s9  }
0x27: {  	s1 =	sld [smem:$0x3FA6]  }
0x28: {  	s2 =	sld [smem:$0x3FA7]  }
0x29: {  	s4 =	sld [smem:$0x3FA9]  }
0x2a: {  	p0 =	seq.s32 s5, $0x0;
	s5 =	sld [smem:$0x3FAA]  }
0x2b: {  	s6 =	sld [smem:$0x3FAB]  }
0x2c: {  	s7 =	sld [smem:$0x3FAC]  }
0x2d: {  	s3 =	simm.s32 $0x108;
	s8 =	sld [smem:$0x3FAD]  }
0x2e: {  	s3 =	simm.s32 @!p0 $0x1082;
	s9 =	sld [smem:$0x3FAE]  }
0x2f: {  	lr =	sadd.s32 s0, s3;
	s0 =	sld [smem:$0x3FA5]  }
0x30: {  	s3 =	sld [smem:$0x3FA8]  }
0x31: {  	[smem:$0x3FB1] =	sst s10  }
0x32: {  	s10 =	sld [smem:$0x3FAF];
	_ =	sdelay $0x3  }
0x33: {  	p0 =	seq.s32 s10, $0x1;
	s10 =	sld [smem:$0x3FB1];
	_ =	sdelay $0x3  }
0x34: {  	[smem:$0x3FB1] =	sst s10  }
0x35: {  	s10 =	sld [smem:$0x3FB0];
	_ =	sdelay $0x3  }
0x36: {  	p1 =	seq.s32 s10, $0x1;
	s10 =	sld [smem:$0x3FB1];
	_ =	sdelay $0x3  }
0x37: {  	[smem:$0x3FB1] =	sst s10  }
0x38: {  	s10 =	sld [smem:$0x3FB2]  }
0x39: {  	_ = 	snop;
	(pc) =	sbr.ind lr, $3  }
0x3a: {  	_ = 	snop  }
0x3b: {  	_ = 	snop  }
0x3c: {  	p2 =	seq.s32 s10, $0x1;
	s10 =	sld [smem:$0x3FB1]  }
0x3d: {  	_ =	shalt  }
0x3e: {  	_ =	shalt  }
0x3f: {  	_ =	shalt  }
0x40: {  	_ =	shalt  }
0x41: {  	_ =	shalt  }
0x42: {  	_ =	shalt  }
0x43: {  	_ =	shalt  }
0x44: {  	_ =	shalt  }
0x45: {  	_ =	shalt  }
0x46: {  	_ =	shalt  }
0x47: {  	_ =	shalt  }
0x48: {  	_ =	shalt  }
0x49: {  	_ =	shalt  }
0x4a: {  	_ =	shalt  }
0x4b: {  	_ =	shalt  }
0x4c: {  	_ =	shalt  }
0x4d: {  	_ =	shalt  }
0x4e: {  	_ =	shalt  }
0x4f: {  	_ =	shalt  }
0x50: {  	_ =	shalt  }
0x51: {  	_ =	shalt  }
0x52: {  	_ =	shalt  }
0x53: {  	_ =	shalt  }
0x54: {  	_ =	shalt  }
0x55: {  	_ =	shalt  }
0x56: {  	_ =	shalt  }
0x57: {  	_ =	shalt  }
0x58: {  	_ =	shalt  }
0x59: {  	_ =	shalt  }
0x5a: {  	_ =	shalt  }
0x5b: {  	_ =	shalt  }
0x5c: {  	_ =	shalt  }
0x5d: {  	_ =	shalt  }
0x5e: {  	_ =	shalt  }
0x5f: {  	_ =	shalt  }
0x60: {  	_ =	shalt  }
0x61: {  	_ =	shalt  }
0x62: {  	_ =	shalt  }
0x63: {  	_ =	shalt  }
0x64: {  	_ =	shalt  }
0x65: {  	_ =	shalt  }
0x66: {  	_ =	shalt  }
0x67: {  	_ =	shalt  }
0x68: {  	_ =	shalt  }
0x69: {  	_ =	shalt  }
0x6a: {  	_ =	shalt  }
0x6b: {  	_ =	shalt  }
0x6c: {  	_ =	shalt  }
0x6d: {  	_ =	shalt  }
0x6e: {  	_ =	shalt  }
0x6f: {  	_ =	shalt  }
0x70: {  	_ =	shalt  }
0x71: {  	_ =	shalt  }
0x72: {  	_ =	shalt  }
0x73: {  	_ =	shalt  }
0x74: {  	_ =	shalt  }
0x75: {  	_ =	shalt  }
0x76: {  	_ =	shalt  }
0x77: {  	_ =	shalt  }
0x78: {  	_ =	shalt  }
0x79: {  	_ =	shalt  }
0x7a: {  	_ =	shalt  }
0x7b: {  	_ =	shalt  }
0x7c: {  	_ =	shalt  }
0x7d: {  	_ =	shalt  }
0x7e: {  	_ =	shalt  }
0x7f: {  	_ =	shalt  }
0x80: {  	_ =	shalt  }
0x81: {  	_ =	shalt  }
0x82: {  	_ =	shalt  }
0x83: {  	_ =	shalt  }
0x84: {  	_ =	shalt  }
0x85: {  	_ =	shalt  }
0x86: {  	_ =	shalt  }
0x87: {  	_ =	shalt  }
.Lfunc_end0:
.L_simem_size_0:
called_computation.6_lowered:
.L_overlay_start_0:
0x88: {  	s2 =	sld [smem:$0x3FD9]  }
0x89: {  	s3 =	sld [smem:$0x3FFE];
	_ =	sdelay $0x1  }
0x8a: {  	s1 =	srdreg.scid  }
0x8b: {  	s0 =	sand.u32 $0x1, s1  }
0x8c: {  	s17 =	sshll.u32 s0, $0xA;
	s2 =	sadd.s32 s3, s2  }
0x8d: {  	s2 =	sadd.s32 s2, s17  }
0x8e: {  	[smem:$0x3FBD] =	sst s2  }
0x8f: {  	_ = 	snop  }
0x90: {  	s18 =	sld [smem:$0x3FD0];
	(tm) =	ssettm $0x1  }
0x91: {  	s19 =	sld [smem:$0x3FFB];
	_ =	sdelay $0x3  }
0x92: {  	_ =	strace s19  }
0x93: {  	s2 =	sld [smem:$0x3FFC];
	_ =	sdelay $0x3  }
0x94: {  	_ =	strace s2  }
0x95: {  	s2 =	sld [smem:$0x3FFD];
	_ =	sdelay $0x3  }
0x96: {  	_ =	strace s2  }
0x97: {  	_ =	strace $0x8FFFFFFF  }
0x98: {  	s20 =	sld [smem:$0x3FDB];
	_ =	sdelay $0x1  }
0x99: {  	s4 =	simm.s32 $_scs_section_size  }
0x9a: {  	s5 =	simm.s32 $_size__tile_overlayer_lowered;
	s6 =	simm.s32 $_tile_overlayer_lowered  }
0x9b: {  	s7 =	simm.s32 $0x1BFF;
	s21 =	sshll.u32 s6, $0x1;
	s4 =	sadd.s32 s4, s20  }
0x9c: {  	s22 =	simm.s32 $0x0;
	s5 =	sshll.u32 s5, $0x1;
	s6 =	sadd.s32 s21, s4  }
0x9d: {  	[timem:s22], [sflag:s7] =	dma.local [hbm:s6], s5  }
0x9e: {  	_ =	swait.ge [sflag:s7], s5  }
0x9f: {  	s5 =	ssub.s32 $0x0, s5;
	[sflag:s7] =	ssyncset.done $0x0  }
0xa0: {  	[sflag:s7] =	ssyncadd.s32 s5;
	_ =	sdelay $0x1  }
0xa1: {  	s23 =	simm.s32 $0x1B8B  }
0xa2: {  	_ =	swait.ge [sflag:s23], $0x1  }
0xa3: {  	[sflag:s23] =	ssyncset.done $0x0  }
0xa4: {  	[sflag:s23] =	ssyncadd.s32 $0xFFFFFFFF  }
0xa5: {  	s5 =	sld [smem:$0x0]  }
0xa6: {  	s6 =	sand.u32 $0xFFFFFFFE, s1  }
0xa7: {  	p0 =	sne.s32 s1, s6  }
0xa8: {  	s6 =	sshll.u32 @p0 s6, $0xE  }
0xa9: {  	s6 =	sadd.s32 @p0 $0x11B8D, s6;
	s7 =	sshll.u32 @p0 s5, $0x11  }
0xaa: {  	s6 =	sor.u32 @p0 s7, s6  }
0xab: {  	[sflag:s6] =	ssyncadd.remote.s32 @p0 $0x1;
	_ =	sdelay $0x1  }
0xac: {  	s6 =	simm.s32 @p0 $0x1B8D  }
0xad: {  	_ =	swait.eq @p0 [sflag:s6], $0x1  }
0xae: {  	[sflag:s6] =	ssyncadd.s32 @p0 $0xFFFFFFFF  }
0xaf: {  	s7 =	sshll.u32 @!p0 s1, $0xE  }
0xb0: {  	s7 =	sor.u32 @!p0 $0x4000, s7;
	s6 =	simm.s32 @!p0 $0x1B8D  }
0xb1: {  	s5 =	sshll.u32 @!p0 s5, $0x11;
	s7 =	sadd.s32 @!p0 $0x11B8D, s7;
	_ =	swait.eq @!p0 [sflag:s6], $0x1  }
0xb2: {  	s5 =	sor.u32 @!p0 s5, s7;
	[sflag:s6] =	ssyncadd.s32 @!p0 $0xFFFFFFFF  }
0xb3: {  	s25 =	simm.s32 $0x1B8E;
	s24 =	sld [smem:$0x3FFE];
	[sflag:s5] =	ssyncadd.remote.s32 @!p0 $0x1  }
0xb4: {  	s26 =	simm.s32 $execute0_lowered;
	[smem:$0x3FD2] =	sst s25  }
0xb5: {  	s6 =	sshll.u32 s26, $0x1;
	_ =	strace $0x80000055;
	[dreg:$0x1] =	wrdreg $0xFFFFFFFF  }
0xb6: {  	s28 =	simm.s32 $_size_execute0_lowered;
	s4 =	sadd.s32 s4, s6;
	[dreg:$0x0] =	wrdreg $0x0  }
0xb7: {  	s6 =	sshll.u32 s28, $0x1;
	[dreg:$0x2] =	wrdreg s4  }
0xb8: {  	[dreg:$0x3] =	wrdreg s6  }
0xb9: {  	[dreg:$0x4] =	wrdreg $0xC0  }
0xba: {  	_ =	task [dreg:s22], $0x5FFFF  }
0xbb: {  	[dreg:$0x1] =	wrdreg $0xFFFFFFFF  }
0xbc: {  	[dreg:$0x0] =	wrdreg $0x60  }
0xbd: {  	[dreg:$0x2] =	wrdreg s24  }
0xbe: {  	[dreg:$0x3] =	wrdreg s18  }
0xbf: {  	[dreg:$0x4] =	wrdreg $0xBE800  }
0xc0: {  	[dreg:$0x5] =	wrdreg $0xA  }
0xc1: {  	_ =	task.clear_ibuf [dreg:s22], $0x6FFFF;
	_ =	strace $0x90000055  }
0xc2: {  	s29 =	simm.s32 $0xA;
	_ =	strace $0x80000057  }
0xc3: {  	_ =	swait.ge [sflag:s29], $0x1  }
0xc4: {  	[sflag:s29] =	ssyncadd.s32 $0xFFFFFFFF  }
0xc5: {  	_ =	strace $0x90000057  }
0xc6: {  	_ =	sfence  }
0xc7: {  	s30 =	sld [smem:$0x0];
	_ =	sdelay $0x2  }
0xc8: {  	s31 =	sshll.u32 s1, $0xD;
	s1 =	sshrl.u32 s1, $0x2  }
0xc9: {  	s4 =	sand.u32 $0x4000, s31;
	s1 =	sadd.s32 s1, s30  }
0xca: {  	s0 =	sor.u32 s4, s0;
	s1 =	sshll.u32 s1, $0x11  }
0xcb: {  	s0 =	sor.u32 s1, s0  }
0xcc: {  	s0 =	sadd.s32 $0x8F2B, s0  }
0xcd: {  	[sflag:s0] =	ssyncadd.remote.s32 $0x1  }
0xce: {  	_ =	sfence.sel $0xFFFF  }
0xcf: {  	[dreg:$0x0] =	wrdreg $0xFFFFFFFF;
	(pc) =	sbr.abs _section_cstart, $3  }
0xd0: {  	[dreg:$0x1] =	wrdreg $0xFFFFFFFF  }
0xd1: {  	_ =	task.clear_ibuf [dreg:s22], $0x2FFFF;
	_ =	strace $0x9FFFFFFF  }
0xd2: {  	(tm) =	ssettm $0x7FFFFFFF  }
0xd3: {  	_ =	shalt  }
tec
execute0_lowered:
.L_overlay_start_1:
0x0: {  	(tag) =	ssettag $0x1  }
0x1: {  	s4 =	rddreg [dreg:$0x0]  }
0x2: {  	s5 =	rddreg [dreg:$0x1]  }
0x3: {  	s2 =	rddreg [dreg:$0x2]  }
0x4: {  	s0 =	rddreg [dreg:$0x3]  }
0x5: {  	s1 =	stileid.u32;
	s6 =	srdreg.scid  }
0x6: {  	s3 =	simm.s32 $0x0;
	s12 =	simm.s32 $0x40;
	s13 =	simm.s32 $0x80  }
0x7: {  	s14 =	simm.s32 $0x0;
	s6 =	sand.u32 $0x1, s6;
	s7 =	smul.u32 $0x13C0, s1  }
0x8: {  	[smem:$0x7FF] =	sst s3;
	s8 =	sshll.u32 s1, $0x10;
	s11 =	smul.u32 $0x9E00, s1  }
0x9: {  	s10 =	sshll.u32 s1, $0x9;
	s9 =	smul.u32 $0x13C00, s6;
	_ =	strace $0x80000056  }
0xa: {  	s8 =	sadd.s32 s8, s4;
	s29 =	ssub.s32 $0x2, s6;
	s10 =	sadd.s32 s10, s4  }
0xb: {  	s6 =	sshll.u32 s6, $0x3;
	s30 =	sshrl.u32 s29, $0x1;
	s31 =	sshrl.u32 s11, $0x3  }
0xc: {  	s8 =	sadd.s32 s6, s8;
	s7 =	sadd.s32 s7, s9;
	s9 =	ssub.s32 s29, s30  }
0xd: {  	s8 =	sadd.s32 $0x8A1000, s8;
	s7 =	sadd.s32 s7, s4;
	s4 =	sadd.s32 s5, s31  }
0xe: {  	s5 =	sadd.s32 s11, s2;
	s11 =	simm.s32 $0x1;
	s6 =	sadd.s32 $0x3F000, s7  }
0xf: {  	s7 =	smax.u32 s9, $0x1;
	s9 =	sadd.s32 $0x2D000, s10;
	s10 =	simm.s32 $0x2080  }
.LBB2_1:
0x10: {  	[tilespmem:s10], [sflag:$0x1] =	stream.linear.gather [hbm4b:s4+s3], $0x9E00, $0x38;
	[tilespmem:$0x15C80] =	vst v63  }
0x11: {  	_ =	swait.ge [sflag:s11], $0x9E00  }
0x12: {  	[sflag:s11] =	ssyncset.done $0x0  }
0x13: {  	[sflag:s11] =	ssyncadd.s32 $0xFFFF6200  }
0x14: {  	[spmem:s5] =	stream.linear.scatter [tilespmem:s10], [sflag:$0x1], $0x9E00, $0x38;
	[tilespmem:$0x15C80] =	vst v63  }
0x15: {  	_ =	swait.ge [sflag:s11], $0x9E00  }
0x16: {  	[sflag:s11] =	ssyncset.done $0x0  }
0x17: {  	[sflag:s11] =	ssyncadd.s32 $0xFFFF6200  }
0x18: {  	s15 =	sadd.s32 $0x0, s9;
	[bflag:$0x0] =	sbarrier.arrive $0xFFFF  }
0x19: {  	[tilespmem:s3], [sflag:$0x1] =	stream.linear.gather [hbm4b:s15+s3], $0x80, $0x38;
	[tilespmem:$0x15C80] =	vst v63  }
0x1a: {  	_ =	swait.ge [sflag:s11], $0x80  }
0x1b: {  	[sflag:s11] =	ssyncset.done $0x0  }
0x1c: {  	[sflag:s11] =	ssyncadd.s32 $0xFFFFFF80  }
0x1d: {  	[tilespmem:s13], [sflag:$0x1] =	stream.strided.gather [hbm4b:s8+s12], $0x2000, s13, s12, $0x38;
	[tilespmem:$0x15C80] =	vst v63  }
0x1e: {  	_ =	swait.ge [sflag:s11], $0x2000  }
0x1f: {  	[sflag:s11] =	ssyncset.done $0x0  }
0x20: {  	[sflag:s11] =	ssyncadd.s32 $0xFFFFE000  }
0x21: {  	[spmem:s2] =	stream.indirect.scatter.add.f32 [tilespmem:s13], [sflag:$0x1], $0x40, s3, s13, $0xb8;
	[tilespmem:$0x15C80] =	vst v63  }
0x22: {  	s16 =	simm.s32 $0x10;
	_ =	swait.ge [sflag:s11], $0x2000  }
0x23: {  	s17 =	simm.s32 $0x20;
	s15 =	sadd.s32 $0x800, s8;
	[sflag:s11] =	ssyncset.done $0x0  }
.LBB2_2:
0x24: {  	s18 =	sadd.s32 s16, s9  }
0x25: {  	[sflag:s11] =	ssyncadd.s32 $0xFFFFE000;
	s16 =	smov.u32 s17;
	s19 =	sadd.s32 $0x10, s17  }
0x26: {  	[tilespmem:s3], [sflag:$0x1] =	stream.linear.gather [hbm4b:s18+s3], $0x80, $0x38;
	[tilespmem:$0x15C80] =	vst v63  }
0x27: {  	p0 =	sne.s32 s17, $0x1F0;
	_ =	swait.ge [sflag:s11], $0x80  }
0x28: {  	[sflag:s11] =	ssyncset.done $0x0  }
0x29: {  	[sflag:s11] =	ssyncadd.s32 $0xFFFFFF80  }
0x2a: {  	[tilespmem:s13], [sflag:$0x1] =	stream.strided.gather [hbm4b:s15+s12], $0x2000, s13, s12, $0x38;
	[tilespmem:$0x15C80] =	vst v63  }
0x2b: {  	_ =	swait.ge [sflag:s11], $0x2000  }
.Ltmp0:
0x2c: {  	[sflag:s11] =	ssyncset.done $0x0;
	(pc) =	sbr.rel @p0 .LBB2_2-.Ltmp0, $4  }
0x2d: {  	[sflag:s11] =	ssyncadd.s32 $0xFFFFE000  }
0x2e: {  	[spmem:s2] =	stream.indirect.scatter.add.f32 [tilespmem:s13], [sflag:$0x1], $0x40, s3, s13, $0xb8;
	[tilespmem:$0x15C80] =	vst v63  }
0x2f: {  	_ =	swait.ge [sflag:s11], $0x2000  }
0x30: {  	s17 =	smov.u32 s19;
	s15 =	sadd.s32 $0x800, s15;
	[sflag:s11] =	ssyncset.done $0x0  }
0x31: {  	s16 =	sadd.s32 s16, s9;
	[sflag:s11] =	ssyncadd.s32 $0xFFFFE000  }
0x32: {  	[tilespmem:s3], [sflag:$0x1] =	stream.linear.gather [hbm4b:s16+s3], $0x80, $0x38;
	[tilespmem:$0x15C80] =	vst v63  }
0x33: {  	_ =	swait.ge [sflag:s11], $0x80  }
0x34: {  	[sflag:s11] =	ssyncset.done $0x0  }
0x35: {  	[sflag:s11] =	ssyncadd.s32 $0xFFFFFF80  }
0x36: {  	[tilespmem:s13], [sflag:$0x1] =	stream.strided.gather [hbm4b:s15+s12], $0x2000, s13, s12, $0x38;
	[tilespmem:$0x15C80] =	vst v63  }
0x37: {  	_ =	swait.ge [sflag:s11], $0x2000  }
0x38: {  	[sflag:s11] =	ssyncset.done $0x0  }
0x39: {  	[sflag:s11] =	ssyncadd.s32 $0xFFFFE000  }
0x3a: {  	[spmem:s2] =	stream.indirect.scatter.add.f32 [tilespmem:s13], [sflag:$0x1], $0x40, s3, s13, $0xb8;
	[tilespmem:$0x15C80] =	vst v63  }
0x3b: {  	_ =	swait.ge [sflag:s11], $0x2000  }
0x3c: {  	[sflag:s11] =	ssyncset.done $0x0  }
0x3d: {  	[sflag:s11] =	ssyncadd.s32 $0xFFFFE000  }
0x3e: {  	[bflag:$0x0] =	sbarrier.arrive $0xFFFF  }
0x3f: {  	[tilespmem:s10], [sflag:$0x1] =	stream.linear.gather [spmem:s5], $0x9E00, $0x38;
	[tilespmem:$0x15C80] =	vst v63  }
0x40: {  	s14 =	sadd.s32 $0x1, s14;
	_ =	swait.ge [sflag:s11], $0x9E00  }
0x41: {  	p0 =	sne.s32 s14, s7;
	[sflag:s11] =	ssyncset.done $0x0  }
.Ltmp1:
0x42: {  	[sflag:s11] =	ssyncadd.s32 $0xFFFF6200;
	(pc) =	sbr.rel @p0 .LBB2_1-.Ltmp1, $4  }
0x43: {  	[hbm4b:s6+s3] =	stream.linear.scatter [tilespmem:s10], [sflag:$0x1], $0x9E00, $0x38;
	[tilespmem:$0x15C80] =	vst v63  }
0x44: {  	_ =	swait.ge [sflag:s11], $0x9E00  }
0x45: {  	[sflag:s11] =	ssyncset.done $0x0  }
0x46: {  	[sflag:s11] =	ssyncadd.s32 $0xFFFF6200  }
0x47: {  	_ =	sfence.sel $0x180000  }
0x48: {  	[bflag:$0x0] =	sbarrier.arrive $0xFFFF  }
0x49: {  	p0 =	sne.s32 s1, $0x0;
	_ =	strace $0x90000056  }
0x4a: {  	s0 =	sadd.s32 @!p0 $0x100000, s0;
	[bflag:$0x2] =	sbarrier.arrive $0xFFFF  }
0x4b: {  	[sflag:s0] =	ssyncadd.tile.s32 @!p0 $0x1;
	_ =	shalt  }
.Lfunc_end2:
_tile_overlayer_lowered:
.L_overlay_start_2:
0x4c: {  	(tag) =	ssettag $0x2  }
0x4d: {  	s0 =	rddreg [dreg:$0x0];
	s2 =	stileid.u32  }
0x4e: {  	s1 =	rddreg [dreg:$0x1];
	p0 =	sne.s32 s2, $0x0  }
0x4f: {  	s3 =	rddreg [dreg:$0x2];
	[bflag:$0x3] =	sbarrier.arrive $0xFFFF;
	s2 =	simm.s32 @!p0 $0x1C01  }
0x50: {  	[timem:s3], [sflag:s2] =	dma.local @!p0 [hbm:s0], s1  }
0x51: {  	s0 =	simm.s32 @!p0 $0x1  }
0x52: {  	_ =	swait.ge @!p0 [sflag:s0], s1  }
0x53: {  	s1 =	ssub.s32 @!p0 $0x0, s1;
	[sflag:s0] =	ssyncset.done @!p0 $0x0  }
0x54: {  	[sflag:s0] =	ssyncadd.s32 @!p0 s1  }
0x55: {  	[bflag:$0x3] =	sbarrier.arrive $0xFFFF  }
0x56: {  	_ =	shalt  }

// kernel: kernel.40.cloned.1.call-start
scs
__scs_entry_jumppad:
0x0: {  	(pc) =	sbr.rel $0x88, $3  }
0x1: {  	(tag) =	ssettag $0x0;
	lr =	simm.s32 $0x1  }
0x2: {  	[smem:$0x3F96] =	sst lr;
	_ =	strace $0xD0000000  }
0x3: {  	_ = 	snop  }
0x4: {  	_ = 	snop  }
0x5: {  	_ = 	snop  }
0x6: {  	_ = 	snop  }
0x7: {  	_ = 	snop  }
__scs_overlays_trampoline_lowered:
0x8: {  	[smem:$0x3FA5] =	sst s0  }
0x9: {  	[smem:$0x3FA6] =	sst s1  }
0xa: {  	[smem:$0x3FA7] =	sst s2  }
0xb: {  	[smem:$0x3FA8] =	sst s3  }
0xc: {  	[smem:$0x3FA9] =	sst s4  }
0xd: {  	[smem:$0x3FAA] =	sst s5  }
0xe: {  	[smem:$0x3FAB] =	sst s6  }
0xf: {  	[smem:$0x3FAC] =	sst s7  }
0x10: {  	[smem:$0x3FAD] =	sst s8  }
0x11: {  	[smem:$0x3FAE] =	sst s9;
	s0 =	simm.s32 @!p0 $0x0  }
0x12: {  	s1 =	sld [smem:$0x3F94];
	s0 =	simm.s32 @p0 $0x1  }
0x13: {  	[smem:$0x3FAF] =	sst s0;
	s0 =	simm.s32 @!p1 $0x0  }
0x14: {  	s2 =	sld [smem:$0x3F93];
	s0 =	simm.s32 @p1 $0x1  }
0x15: {  	[smem:$0x3FB0] =	sst s0;
	s0 =	simm.s32 @!p2 $0x0  }
0x16: {  	s3 =	sld [smem:$0x3FDB];
	s0 =	simm.s32 @p2 $0x1  }
0x17: {  	s4 =	simm.s32 $0x1BF5;
	[smem:$0x3FB2] =	sst s0  }
0x18: {  	s0 =	sld [smem:$0x3F95];
	_ =	swait.ge [sflag:s4], $0x0  }
0x19: {  	s7 =	sld [smem:$0x3F96]  }
0x1a: {  	s8 =	sadd.s32 $0xFFFFE003, lr  }
0x1b: {  	s9 =	sadd.s32 $0xFFFFFEF7, lr;
	s5 =	simm.s32 $0xFFFFFFFF;
	p2 =	slt.u32 s8, $0xFFFFF086  }
0x1c: {  	p1 =	slt.u32 s9, $0xF7A;
	s5 =	simm.s32 @!p2 $0x0  }
0x1d: {  	s5 =	simm.s32 @p1 $0x1;
	p0 =	seq.s32 s7, s2  }
0x1e: {  	s7 =	smul.u32 @!p0 $0xF7A, s2;
	p2 =	seq.s32 @!p0 s5, $0x0  }
0x1f: {  	s9 =	smul.u32 $0xF7A, s1;
	s8 =	simm.s32 @!p0 $0x1BF5;
	p2 =	por !p2, p0  }
0x20: {  	[sflag:s8] =	ssyncset.s32 @!p0 $0xFFFFF086;
	s6 =	sadd.s32 @!p0 s3, s7;
	s7 =	simm.s32 @!p0 $0x108  }
0x21: {  	s3 =	sadd.s32 s3, s9;
	s6 =	sadd.s32 @!p0 $0x88, s6;
	s7 =	simm.s32 @p2 $0x1082  }
0x22: {  	[simem:s7], [sflag:s8] =	dma.local @!p0 [hbm:s6], $0xF7A  }
0x23: {  	s9 =	sor.u32 $0xD0000000, s2;
	s6 =	simm.s32 $0x108;
	_ =	swait.ge @!p0 [sflag:s8], $0x0  }
0x24: {  	s3 =	sadd.s32 $0x88, s3;
	s6 =	simm.s32 @!p1 $0x1082;
	[sflag:s4] =	ssyncset.s32 $0xFFFFF086  }
0x25: {  	[simem:s6], [sflag:s4] =	dma.local [hbm:s3], $0xF7A  }
0x26: {  	[smem:$0x3F96] =	sst s1;
	(tag) =	ssettag s2;
	_ =	strace s9  }
0x27: {  	s1 =	sld [smem:$0x3FA6]  }
0x28: {  	s2 =	sld [smem:$0x3FA7]  }
0x29: {  	s4 =	sld [smem:$0x3FA9]  }
0x2a: {  	p0 =	seq.s32 s5, $0x0;
	s5 =	sld [smem:$0x3FAA]  }
0x2b: {  	s6 =	sld [smem:$0x3FAB]  }
0x2c: {  	s7 =	sld [smem:$0x3FAC]  }
0x2d: {  	s3 =	simm.s32 $0x108;
	s8 =	sld [smem:$0x3FAD]  }
0x2e: {  	s3 =	simm.s32 @!p0 $0x1082;
	s9 =	sld [smem:$0x3FAE]  }
0x2f: {  	lr =	sadd.s32 s0, s3;
	s0 =	sld [smem:$0x3FA5]  }
0x30: {  	s3 =	sld [smem:$0x3FA8]  }
0x31: {  	[smem:$0x3FB1] =	sst s10  }
0x32: {  	s10 =	sld [smem:$0x3FAF];
	_ =	sdelay $0x3  }
0x33: {  	p0 =	seq.s32 s10, $0x1;
	s10 =	sld [smem:$0x3FB1];
	_ =	sdelay $0x3  }
0x34: {  	[smem:$0x3FB1] =	sst s10  }
0x35: {  	s10 =	sld [smem:$0x3FB0];
	_ =	sdelay $0x3  }
0x36: {  	p1 =	seq.s32 s10, $0x1;
	s10 =	sld [smem:$0x3FB1];
	_ =	sdelay $0x3  }
0x37: {  	[smem:$0x3FB1] =	sst s10  }
0x38: {  	s10 =	sld [smem:$0x3FB2]  }
0x39: {  	_ = 	snop;
	(pc) =	sbr.ind lr, $3  }
0x3a: {  	_ = 	snop  }
0x3b: {  	_ = 	snop  }
0x3c: {  	p2 =	seq.s32 s10, $0x1;
	s10 =	sld [smem:$0x3FB1]  }
0x3d: {  	_ =	shalt  }
0x3e: {  	_ =	shalt  }
0x3f: {  	_ =	shalt  }
0x40: {  	_ =	shalt  }
0x41: {  	_ =	shalt  }
0x42: {  	_ =	shalt  }
0x43: {  	_ =	shalt  }
0x44: {  	_ =	shalt  }
0x45: {  	_ =	shalt  }
0x46: {  	_ =	shalt  }
0x47: {  	_ =	shalt  }
0x48: {  	_ =	shalt  }
0x49: {  	_ =	shalt  }
0x4a: {  	_ =	shalt  }
0x4b: {  	_ =	shalt  }
0x4c: {  	_ =	shalt  }
0x4d: {  	_ =	shalt  }
0x4e: {  	_ =	shalt  }
0x4f: {  	_ =	shalt  }
0x50: {  	_ =	shalt  }
0x51: {  	_ =	shalt  }
0x52: {  	_ =	shalt  }
0x53: {  	_ =	shalt  }
0x54: {  	_ =	shalt  }
0x55: {  	_ =	shalt  }
0x56: {  	_ =	shalt  }
0x57: {  	_ =	shalt  }
0x58: {  	_ =	shalt  }
0x59: {  	_ =	shalt  }
0x5a: {  	_ =	shalt  }
0x5b: {  	_ =	shalt  }
0x5c: {  	_ =	shalt  }
0x5d: {  	_ =	shalt  }
0x5e: {  	_ =	shalt  }
0x5f: {  	_ =	shalt  }
0x60: {  	_ =	shalt  }
0x61: {  	_ =	shalt  }
0x62: {  	_ =	shalt  }
0x63: {  	_ =	shalt  }
0x64: {  	_ =	shalt  }
0x65: {  	_ =	shalt  }
0x66: {  	_ =	shalt  }
0x67: {  	_ =	shalt  }
0x68: {  	_ =	shalt  }
0x69: {  	_ =	shalt  }
0x6a: {  	_ =	shalt  }
0x6b: {  	_ =	shalt  }
0x6c: {  	_ =	shalt  }
0x6d: {  	_ =	shalt  }
0x6e: {  	_ =	shalt  }
0x6f: {  	_ =	shalt  }
0x70: {  	_ =	shalt  }
0x71: {  	_ =	shalt  }
0x72: {  	_ =	shalt  }
0x73: {  	_ =	shalt  }
0x74: {  	_ =	shalt  }
0x75: {  	_ =	shalt  }
0x76: {  	_ =	shalt  }
0x77: {  	_ =	shalt  }
0x78: {  	_ =	shalt  }
0x79: {  	_ =	shalt  }
0x7a: {  	_ =	shalt  }
0x7b: {  	_ =	shalt  }
0x7c: {  	_ =	shalt  }
0x7d: {  	_ =	shalt  }
0x7e: {  	_ =	shalt  }
0x7f: {  	_ =	shalt  }
0x80: {  	_ =	shalt  }
0x81: {  	_ =	shalt  }
0x82: {  	_ =	shalt  }
0x83: {  	_ =	shalt  }
0x84: {  	_ =	shalt  }
0x85: {  	_ =	shalt  }
0x86: {  	_ =	shalt  }
0x87: {  	_ =	shalt  }
.Lfunc_end0:
.L_simem_size_0:
called_computation.7_lowered:
.L_overlay_start_0:
0x88: {  	s2 =	sld [smem:$0x3FD9]  }
0x89: {  	s3 =	sld [smem:$0x3FFE];
	_ =	sdelay $0x1  }
0x8a: {  	s1 =	srdreg.scid  }
0x8b: {  	s0 =	sand.u32 $0x1, s1  }
0x8c: {  	s17 =	sshll.u32 s0, $0xA;
	s2 =	sadd.s32 s3, s2  }
0x8d: {  	s2 =	sadd.s32 s2, s17  }
0x8e: {  	[smem:$0x3FBD] =	sst s2  }
0x8f: {  	_ = 	snop  }
0x90: {  	s18 =	sld [smem:$0x3FD0];
	(tm) =	ssettm $0x1  }
0x91: {  	s19 =	sld [smem:$0x3FFB];
	_ =	sdelay $0x3  }
0x92: {  	_ =	strace s19  }
0x93: {  	s2 =	sld [smem:$0x3FFC];
	_ =	sdelay $0x3  }
0x94: {  	_ =	strace s2  }
0x95: {  	s2 =	sld [smem:$0x3FFD];
	_ =	sdelay $0x3  }
0x96: {  	_ =	strace s2  }
0x97: {  	_ =	strace $0x8FFFFFFF  }
0x98: {  	s20 =	sld [smem:$0x3FDB];
	_ =	sdelay $0x1  }
0x99: {  	s4 =	simm.s32 $_scs_section_size  }
0x9a: {  	s5 =	simm.s32 $_size__tile_overlayer_lowered;
	s6 =	simm.s32 $_tile_overlayer_lowered  }
0x9b: {  	s7 =	simm.s32 $0x1BFF;
	s21 =	sshll.u32 s6, $0x1;
	s4 =	sadd.s32 s4, s20  }
0x9c: {  	s22 =	simm.s32 $0x0;
	s5 =	sshll.u32 s5, $0x1;
	s6 =	sadd.s32 s21, s4  }
0x9d: {  	[timem:s22], [sflag:s7] =	dma.local [hbm:s6], s5  }
0x9e: {  	_ =	swait.ge [sflag:s7], s5  }
0x9f: {  	s5 =	ssub.s32 $0x0, s5;
	[sflag:s7] =	ssyncset.done $0x0  }
0xa0: {  	[sflag:s7] =	ssyncadd.s32 s5;
	_ =	sdelay $0x1  }
0xa1: {  	s23 =	simm.s32 $0x1B8B  }
0xa2: {  	_ =	swait.ge [sflag:s23], $0x1  }
0xa3: {  	[sflag:s23] =	ssyncset.done $0x0  }
0xa4: {  	[sflag:s23] =	ssyncadd.s32 $0xFFFFFFFF  }
0xa5: {  	s5 =	sld [smem:$0x0]  }
0xa6: {  	s6 =	sand.u32 $0xFFFFFFFE, s1  }
0xa7: {  	p0 =	sne.s32 s1, s6  }
0xa8: {  	s6 =	sshll.u32 @p0 s6, $0xE  }
0xa9: {  	s6 =	sadd.s32 @p0 $0x11B8D, s6;
	s7 =	sshll.u32 @p0 s5, $0x11  }
0xaa: {  	s6 =	sor.u32 @p0 s7, s6  }
0xab: {  	[sflag:s6] =	ssyncadd.remote.s32 @p0 $0x1;
	_ =	sdelay $0x1  }
0xac: {  	s6 =	simm.s32 @p0 $0x1B8D  }
0xad: {  	_ =	swait.eq @p0 [sflag:s6], $0x1  }
0xae: {  	[sflag:s6] =	ssyncadd.s32 @p0 $0xFFFFFFFF  }
0xaf: {  	s7 =	sshll.u32 @!p0 s1, $0xE  }
0xb0: {  	s7 =	sor.u32 @!p0 $0x4000, s7;
	s6 =	simm.s32 @!p0 $0x1B8D  }
0xb1: {  	s5 =	sshll.u32 @!p0 s5, $0x11;
	s7 =	sadd.s32 @!p0 $0x11B8D, s7;
	_ =	swait.eq @!p0 [sflag:s6], $0x1  }
0xb2: {  	s5 =	sor.u32 @!p0 s5, s7;
	[sflag:s6] =	ssyncadd.s32 @!p0 $0xFFFFFFFF  }
0xb3: {  	s25 =	simm.s32 $0x1B8E;
	s24 =	sld [smem:$0x3FFE];
	[sflag:s5] =	ssyncadd.remote.s32 @!p0 $0x1  }
0xb4: {  	s26 =	simm.s32 $execute0_lowered;
	[smem:$0x3FD2] =	sst s25  }
0xb5: {  	s6 =	sshll.u32 s26, $0x1;
	_ =	strace $0x80000058;
	[dreg:$0x1] =	wrdreg $0xFFFFFFFF  }
0xb6: {  	s28 =	simm.s32 $_size_execute0_lowered;
	s4 =	sadd.s32 s4, s6;
	[dreg:$0x0] =	wrdreg $0x0  }
0xb7: {  	s6 =	sshll.u32 s28, $0x1;
	[dreg:$0x2] =	wrdreg s4  }
0xb8: {  	[dreg:$0x3] =	wrdreg s6  }
0xb9: {  	[dreg:$0x4] =	wrdreg $0xC0  }
0xba: {  	_ =	task [dreg:s22], $0x5FFFF  }
0xbb: {  	[dreg:$0x1] =	wrdreg $0xFFFFFFFF  }
0xbc: {  	[dreg:$0x0] =	wrdreg $0x60  }
0xbd: {  	[dreg:$0x2] =	wrdreg s24  }
0xbe: {  	[dreg:$0x3] =	wrdreg s18  }
0xbf: {  	[dreg:$0x4] =	wrdreg $0xBE800  }
0xc0: {  	[dreg:$0x5] =	wrdreg $0xC  }
0xc1: {  	_ =	task.clear_ibuf [dreg:s22], $0x6FFFF;
	_ =	strace $0x90000058  }
0xc2: {  	s29 =	simm.s32 $0xC;
	_ =	strace $0x8000005A  }
0xc3: {  	_ =	swait.ge [sflag:s29], $0x1  }
0xc4: {  	[sflag:s29] =	ssyncadd.s32 $0xFFFFFFFF  }
0xc5: {  	_ =	strace $0x9000005A  }
0xc6: {  	_ =	sfence  }
0xc7: {  	s30 =	sld [smem:$0x0];
	_ =	sdelay $0x2  }
0xc8: {  	s31 =	sshll.u32 s1, $0xD;
	s1 =	sshrl.u32 s1, $0x2  }
0xc9: {  	s4 =	sand.u32 $0x4000, s31;
	s1 =	sadd.s32 s1, s30  }
0xca: {  	s0 =	sor.u32 s4, s0;
	s1 =	sshll.u32 s1, $0x11  }
0xcb: {  	s0 =	sor.u32 s1, s0  }
0xcc: {  	s0 =	sadd.s32 $0x8F2B, s0  }
0xcd: {  	[sflag:s0] =	ssyncadd.remote.s32 $0x1  }
0xce: {  	_ =	sfence.sel $0xFFFF  }
0xcf: {  	[dreg:$0x0] =	wrdreg $0xFFFFFFFF;
	(pc) =	sbr.abs _section_cstart, $3  }
0xd0: {  	[dreg:$0x1] =	wrdreg $0xFFFFFFFF  }
0xd1: {  	_ =	task.clear_ibuf [dreg:s22], $0x2FFFF;
	_ =	strace $0x9FFFFFFF  }
0xd2: {  	(tm) =	ssettm $0x7FFFFFFF  }
0xd3: {  	_ =	shalt  }
tec
execute0_lowered:
.L_overlay_start_1:
0x0: {  	(tag) =	ssettag $0x1  }
0x1: {  	s4 =	rddreg [dreg:$0x0]  }
0x2: {  	s5 =	rddreg [dreg:$0x1]  }
0x3: {  	s2 =	rddreg [dreg:$0x2]  }
0x4: {  	s0 =	rddreg [dreg:$0x3]  }
0x5: {  	s1 =	stileid.u32;
	s6 =	srdreg.scid  }
0x6: {  	s3 =	simm.s32 $0x0;
	s12 =	simm.s32 $0x40;
	s13 =	simm.s32 $0x80  }
0x7: {  	s14 =	simm.s32 $0x0;
	s6 =	sand.u32 $0x1, s6;
	s7 =	smul.u32 $0x13C0, s1  }
0x8: {  	[smem:$0x7FF] =	sst s3;
	s8 =	sshll.u32 s1, $0x10;
	s11 =	smul.u32 $0x9E00, s1  }
0x9: {  	s10 =	sshll.u32 s1, $0x9;
	s9 =	smul.u32 $0x13C00, s6;
	_ =	strace $0x80000059  }
0xa: {  	s8 =	sadd.s32 s8, s4;
	s29 =	ssub.s32 $0x2, s6;
	s10 =	sadd.s32 s10, s4  }
0xb: {  	s6 =	sshll.u32 s6, $0x3;
	s30 =	sshrl.u32 s29, $0x1;
	s31 =	sshrl.u32 s11, $0x3  }
0xc: {  	s8 =	sadd.s32 s6, s8;
	s7 =	sadd.s32 s7, s9;
	s9 =	ssub.s32 s29, s30  }
0xd: {  	s8 =	sadd.s32 $0x9A1000, s8;
	s7 =	sadd.s32 s7, s4;
	s4 =	sadd.s32 s5, s31  }
0xe: {  	s5 =	sadd.s32 s11, s2;
	s11 =	simm.s32 $0x1;
	s6 =	sadd.s32 $0x66800, s7  }
0xf: {  	s7 =	smax.u32 s9, $0x1;
	s9 =	sadd.s32 $0x2F000, s10;
	s10 =	simm.s32 $0x2080  }
.LBB2_1:
0x10: {  	[tilespmem:s10], [sflag:$0x1] =	stream.linear.gather [hbm4b:s4+s3], $0x9E00, $0x38;
	[tilespmem:$0x15C80] =	vst v63  }
0x11: {  	_ =	swait.ge [sflag:s11], $0x9E00  }
0x12: {  	[sflag:s11] =	ssyncset.done $0x0  }
0x13: {  	[sflag:s11] =	ssyncadd.s32 $0xFFFF6200  }
0x14: {  	[spmem:s5] =	stream.linear.scatter [tilespmem:s10], [sflag:$0x1], $0x9E00, $0x38;
	[tilespmem:$0x15C80] =	vst v63  }
0x15: {  	_ =	swait.ge [sflag:s11], $0x9E00  }
0x16: {  	[sflag:s11] =	ssyncset.done $0x0  }
0x17: {  	[sflag:s11] =	ssyncadd.s32 $0xFFFF6200  }
0x18: {  	s15 =	sadd.s32 $0x0, s9;
	[bflag:$0x0] =	sbarrier.arrive $0xFFFF  }
0x19: {  	[tilespmem:s3], [sflag:$0x1] =	stream.linear.gather [hbm4b:s15+s3], $0x80, $0x38;
	[tilespmem:$0x15C80] =	vst v63  }
0x1a: {  	_ =	swait.ge [sflag:s11], $0x80  }
0x1b: {  	[sflag:s11] =	ssyncset.done $0x0  }
0x1c: {  	[sflag:s11] =	ssyncadd.s32 $0xFFFFFF80  }
0x1d: {  	[tilespmem:s13], [sflag:$0x1] =	stream.strided.gather [hbm4b:s8+s12], $0x2000, s13, s12, $0x38;
	[tilespmem:$0x15C80] =	vst v63  }
0x1e: {  	_ =	swait.ge [sflag:s11], $0x2000  }
0x1f: {  	[sflag:s11] =	ssyncset.done $0x0  }
0x20: {  	[sflag:s11] =	ssyncadd.s32 $0xFFFFE000  }
0x21: {  	[spmem:s2] =	stream.indirect.scatter.add.f32 [tilespmem:s13], [sflag:$0x1], $0x40, s3, s13, $0xb8;
	[tilespmem:$0x15C80] =	vst v63  }
0x22: {  	s16 =	simm.s32 $0x10;
	_ =	swait.ge [sflag:s11], $0x2000  }
0x23: {  	s17 =	simm.s32 $0x20;
	s15 =	sadd.s32 $0x800, s8;
	[sflag:s11] =	ssyncset.done $0x0  }
.LBB2_2:
0x24: {  	s18 =	sadd.s32 s16, s9  }
0x25: {  	[sflag:s11] =	ssyncadd.s32 $0xFFFFE000;
	s16 =	smov.u32 s17;
	s19 =	sadd.s32 $0x10, s17  }
0x26: {  	[tilespmem:s3], [sflag:$0x1] =	stream.linear.gather [hbm4b:s18+s3], $0x80, $0x38;
	[tilespmem:$0x15C80] =	vst v63  }
0x27: {  	p0 =	sne.s32 s17, $0x1F0;
	_ =	swait.ge [sflag:s11], $0x80  }
0x28: {  	[sflag:s11] =	ssyncset.done $0x0  }
0x29: {  	[sflag:s11] =	ssyncadd.s32 $0xFFFFFF80  }
0x2a: {  	[tilespmem:s13], [sflag:$0x1] =	stream.strided.gather [hbm4b:s15+s12], $0x2000, s13, s12, $0x38;
	[tilespmem:$0x15C80] =	vst v63  }
0x2b: {  	_ =	swait.ge [sflag:s11], $0x2000  }
.Ltmp0:
0x2c: {  	[sflag:s11] =	ssyncset.done $0x0;
	(pc) =	sbr.rel @p0 .LBB2_2-.Ltmp0, $4  }
0x2d: {  	[sflag:s11] =	ssyncadd.s32 $0xFFFFE000  }
0x2e: {  	[spmem:s2] =	stream.indirect.scatter.add.f32 [tilespmem:s13], [sflag:$0x1], $0x40, s3, s13, $0xb8;
	[tilespmem:$0x15C80] =	vst v63  }
0x2f: {  	_ =	swait.ge [sflag:s11], $0x2000  }
0x30: {  	s17 =	smov.u32 s19;
	s15 =	sadd.s32 $0x800, s15;
	[sflag:s11] =	ssyncset.done $0x0  }
0x31: {  	s16 =	sadd.s32 s16, s9;
	[sflag:s11] =	ssyncadd.s32 $0xFFFFE000  }
0x32: {  	[tilespmem:s3], [sflag:$0x1] =	stream.linear.gather [hbm4b:s16+s3], $0x80, $0x38;
	[tilespmem:$0x15C80] =	vst v63  }
0x33: {  	_ =	swait.ge [sflag:s11], $0x80  }
0x34: {  	[sflag:s11] =	ssyncset.done $0x0  }
0x35: {  	[sflag:s11] =	ssyncadd.s32 $0xFFFFFF80  }
0x36: {  	[tilespmem:s13], [sflag:$0x1] =	stream.strided.gather [hbm4b:s15+s12], $0x2000, s13, s12, $0x38;
	[tilespmem:$0x15C80] =	vst v63  }
0x37: {  	_ =	swait.ge [sflag:s11], $0x2000  }
0x38: {  	[sflag:s11] =	ssyncset.done $0x0  }
0x39: {  	[sflag:s11] =	ssyncadd.s32 $0xFFFFE000  }
0x3a: {  	[spmem:s2] =	stream.indirect.scatter.add.f32 [tilespmem:s13], [sflag:$0x1], $0x40, s3, s13, $0xb8;
	[tilespmem:$0x15C80] =	vst v63  }
0x3b: {  	_ =	swait.ge [sflag:s11], $0x2000  }
0x3c: {  	[sflag:s11] =	ssyncset.done $0x0  }
0x3d: {  	[sflag:s11] =	ssyncadd.s32 $0xFFFFE000  }
0x3e: {  	[bflag:$0x0] =	sbarrier.arrive $0xFFFF  }
0x3f: {  	[tilespmem:s10], [sflag:$0x1] =	stream.linear.gather [spmem:s5], $0x9E00, $0x38;
	[tilespmem:$0x15C80] =	vst v63  }
0x40: {  	s14 =	sadd.s32 $0x1, s14;
	_ =	swait.ge [sflag:s11], $0x9E00  }
0x41: {  	p0 =	sne.s32 s14, s7;
	[sflag:s11] =	ssyncset.done $0x0  }
.Ltmp1:
0x42: {  	[sflag:s11] =	ssyncadd.s32 $0xFFFF6200;
	(pc) =	sbr.rel @p0 .LBB2_1-.Ltmp1, $4  }
0x43: {  	[hbm4b:s6+s3] =	stream.linear.scatter [tilespmem:s10], [sflag:$0x1], $0x9E00, $0x38;
	[tilespmem:$0x15C80] =	vst v63  }
0x44: {  	_ =	swait.ge [sflag:s11], $0x9E00  }
0x45: {  	[sflag:s11] =	ssyncset.done $0x0  }
0x46: {  	[sflag:s11] =	ssyncadd.s32 $0xFFFF6200  }
0x47: {  	_ =	sfence.sel $0x180000  }
0x48: {  	[bflag:$0x0] =	sbarrier.arrive $0xFFFF  }
0x49: {  	p0 =	sne.s32 s1, $0x0;
	_ =	strace $0x90000059  }
0x4a: {  	s0 =	sadd.s32 @!p0 $0x100000, s0;
	[bflag:$0x2] =	sbarrier.arrive $0xFFFF  }
0x4b: {  	[sflag:s0] =	ssyncadd.tile.s32 @!p0 $0x1;
	_ =	shalt  }
.Lfunc_end2:
_tile_overlayer_lowered:
.L_overlay_start_2:
0x4c: {  	(tag) =	ssettag $0x2  }
0x4d: {  	s0 =	rddreg [dreg:$0x0];
	s2 =	stileid.u32  }
0x4e: {  	s1 =	rddreg [dreg:$0x1];
	p0 =	sne.s32 s2, $0x0  }
0x4f: {  	s3 =	rddreg [dreg:$0x2];
	[bflag:$0x3] =	sbarrier.arrive $0xFFFF;
	s2 =	simm.s32 @!p0 $0x1C01  }
0x50: {  	[timem:s3], [sflag:s2] =	dma.local @!p0 [hbm:s0], s1  }
0x51: {  	s0 =	simm.s32 @!p0 $0x1  }
0x52: {  	_ =	swait.ge @!p0 [sflag:s0], s1  }
0x53: {  	s1 =	ssub.s32 @!p0 $0x0, s1;
	[sflag:s0] =	ssyncset.done @!p0 $0x0  }
0x54: {  	[sflag:s0] =	ssyncadd.s32 @!p0 s1  }
0x55: {  	[bflag:$0x3] =	sbarrier.arrive $0xFFFF  }
0x56: {  	_ =	shalt  }

// kernel: kernel.43.cloned.1.call-start
scs
__scs_entry_jumppad:
0x0: {  	(pc) =	sbr.rel $0x88, $3  }
0x1: {  	(tag) =	ssettag $0x0;
	lr =	simm.s32 $0x1  }
0x2: {  	[smem:$0x3F96] =	sst lr;
	_ =	strace $0xD0000000  }
0x3: {  	_ = 	snop  }
0x4: {  	_ = 	snop  }
0x5: {  	_ = 	snop  }
0x6: {  	_ = 	snop  }
0x7: {  	_ = 	snop  }
__scs_overlays_trampoline_lowered:
0x8: {  	[smem:$0x3FA5] =	sst s0  }
0x9: {  	[smem:$0x3FA6] =	sst s1  }
0xa: {  	[smem:$0x3FA7] =	sst s2  }
0xb: {  	[smem:$0x3FA8] =	sst s3  }
0xc: {  	[smem:$0x3FA9] =	sst s4  }
0xd: {  	[smem:$0x3FAA] =	sst s5  }
0xe: {  	[smem:$0x3FAB] =	sst s6  }
0xf: {  	[smem:$0x3FAC] =	sst s7  }
0x10: {  	[smem:$0x3FAD] =	sst s8  }
0x11: {  	[smem:$0x3FAE] =	sst s9;
	s0 =	simm.s32 @!p0 $0x0  }
0x12: {  	s1 =	sld [smem:$0x3F94];
	s0 =	simm.s32 @p0 $0x1  }
0x13: {  	[smem:$0x3FAF] =	sst s0;
	s0 =	simm.s32 @!p1 $0x0  }
0x14: {  	s2 =	sld [smem:$0x3F93];
	s0 =	simm.s32 @p1 $0x1  }
0x15: {  	[smem:$0x3FB0] =	sst s0;
	s0 =	simm.s32 @!p2 $0x0  }
0x16: {  	s3 =	sld [smem:$0x3FDB];
	s0 =	simm.s32 @p2 $0x1  }
0x17: {  	s4 =	simm.s32 $0x1BF5;
	[smem:$0x3FB2] =	sst s0  }
0x18: {  	s0 =	sld [smem:$0x3F95];
	_ =	swait.ge [sflag:s4], $0x0  }
0x19: {  	s7 =	sld [smem:$0x3F96]  }
0x1a: {  	s8 =	sadd.s32 $0xFFFFE003, lr  }
0x1b: {  	s9 =	sadd.s32 $0xFFFFFEF7, lr;
	s5 =	simm.s32 $0xFFFFFFFF;
	p2 =	slt.u32 s8, $0xFFFFF086  }
0x1c: {  	p1 =	slt.u32 s9, $0xF7A;
	s5 =	simm.s32 @!p2 $0x0  }
0x1d: {  	s5 =	simm.s32 @p1 $0x1;
	p0 =	seq.s32 s7, s2  }
0x1e: {  	s7 =	smul.u32 @!p0 $0xF7A, s2;
	p2 =	seq.s32 @!p0 s5, $0x0  }
0x1f: {  	s9 =	smul.u32 $0xF7A, s1;
	s8 =	simm.s32 @!p0 $0x1BF5;
	p2 =	por !p2, p0  }
0x20: {  	[sflag:s8] =	ssyncset.s32 @!p0 $0xFFFFF086;
	s6 =	sadd.s32 @!p0 s3, s7;
	s7 =	simm.s32 @!p0 $0x108  }
0x21: {  	s3 =	sadd.s32 s3, s9;
	s6 =	sadd.s32 @!p0 $0x88, s6;
	s7 =	simm.s32 @p2 $0x1082  }
0x22: {  	[simem:s7], [sflag:s8] =	dma.local @!p0 [hbm:s6], $0xF7A  }
0x23: {  	s9 =	sor.u32 $0xD0000000, s2;
	s6 =	simm.s32 $0x108;
	_ =	swait.ge @!p0 [sflag:s8], $0x0  }
0x24: {  	s3 =	sadd.s32 $0x88, s3;
	s6 =	simm.s32 @!p1 $0x1082;
	[sflag:s4] =	ssyncset.s32 $0xFFFFF086  }
0x25: {  	[simem:s6], [sflag:s4] =	dma.local [hbm:s3], $0xF7A  }
0x26: {  	[smem:$0x3F96] =	sst s1;
	(tag) =	ssettag s2;
	_ =	strace s9  }
0x27: {  	s1 =	sld [smem:$0x3FA6]  }
0x28: {  	s2 =	sld [smem:$0x3FA7]  }
0x29: {  	s4 =	sld [smem:$0x3FA9]  }
0x2a: {  	p0 =	seq.s32 s5, $0x0;
	s5 =	sld [smem:$0x3FAA]  }
0x2b: {  	s6 =	sld [smem:$0x3FAB]  }
0x2c: {  	s7 =	sld [smem:$0x3FAC]  }
0x2d: {  	s3 =	simm.s32 $0x108;
	s8 =	sld [smem:$0x3FAD]  }
0x2e: {  	s3 =	simm.s32 @!p0 $0x1082;
	s9 =	sld [smem:$0x3FAE]  }
0x2f: {  	lr =	sadd.s32 s0, s3;
	s0 =	sld [smem:$0x3FA5]  }
0x30: {  	s3 =	sld [smem:$0x3FA8]  }
0x31: {  	[smem:$0x3FB1] =	sst s10  }
0x32: {  	s10 =	sld [smem:$0x3FAF];
	_ =	sdelay $0x3  }
0x33: {  	p0 =	seq.s32 s10, $0x1;
	s10 =	sld [smem:$0x3FB1];
	_ =	sdelay $0x3  }
0x34: {  	[smem:$0x3FB1] =	sst s10  }
0x35: {  	s10 =	sld [smem:$0x3FB0];
	_ =	sdelay $0x3  }
0x36: {  	p1 =	seq.s32 s10, $0x1;
	s10 =	sld [smem:$0x3FB1];
	_ =	sdelay $0x3  }
0x37: {  	[smem:$0x3FB1] =	sst s10  }
0x38: {  	s10 =	sld [smem:$0x3FB2]  }
0x39: {  	_ = 	snop;
	(pc) =	sbr.ind lr, $3  }
0x3a: {  	_ = 	snop  }
0x3b: {  	_ = 	snop  }
0x3c: {  	p2 =	seq.s32 s10, $0x1;
	s10 =	sld [smem:$0x3FB1]  }
0x3d: {  	_ =	shalt  }
0x3e: {  	_ =	shalt  }
0x3f: {  	_ =	shalt  }
0x40: {  	_ =	shalt  }
0x41: {  	_ =	shalt  }
0x42: {  	_ =	shalt  }
0x43: {  	_ =	shalt  }
0x44: {  	_ =	shalt  }
0x45: {  	_ =	shalt  }
0x46: {  	_ =	shalt  }
0x47: {  	_ =	shalt  }
0x48: {  	_ =	shalt  }
0x49: {  	_ =	shalt  }
0x4a: {  	_ =	shalt  }
0x4b: {  	_ =	shalt  }
0x4c: {  	_ =	shalt  }
0x4d: {  	_ =	shalt  }
0x4e: {  	_ =	shalt  }
0x4f: {  	_ =	shalt  }
0x50: {  	_ =	shalt  }
0x51: {  	_ =	shalt  }
0x52: {  	_ =	shalt  }
0x53: {  	_ =	shalt  }
0x54: {  	_ =	shalt  }
0x55: {  	_ =	shalt  }
0x56: {  	_ =	shalt  }
0x57: {  	_ =	shalt  }
0x58: {  	_ =	shalt  }
0x59: {  	_ =	shalt  }
0x5a: {  	_ =	shalt  }
0x5b: {  	_ =	shalt  }
0x5c: {  	_ =	shalt  }
0x5d: {  	_ =	shalt  }
0x5e: {  	_ =	shalt  }
0x5f: {  	_ =	shalt  }
0x60: {  	_ =	shalt  }
0x61: {  	_ =	shalt  }
0x62: {  	_ =	shalt  }
0x63: {  	_ =	shalt  }
0x64: {  	_ =	shalt  }
0x65: {  	_ =	shalt  }
0x66: {  	_ =	shalt  }
0x67: {  	_ =	shalt  }
0x68: {  	_ =	shalt  }
0x69: {  	_ =	shalt  }
0x6a: {  	_ =	shalt  }
0x6b: {  	_ =	shalt  }
0x6c: {  	_ =	shalt  }
0x6d: {  	_ =	shalt  }
0x6e: {  	_ =	shalt  }
0x6f: {  	_ =	shalt  }
0x70: {  	_ =	shalt  }
0x71: {  	_ =	shalt  }
0x72: {  	_ =	shalt  }
0x73: {  	_ =	shalt  }
0x74: {  	_ =	shalt  }
0x75: {  	_ =	shalt  }
0x76: {  	_ =	shalt  }
0x77: {  	_ =	shalt  }
0x78: {  	_ =	shalt  }
0x79: {  	_ =	shalt  }
0x7a: {  	_ =	shalt  }
0x7b: {  	_ =	shalt  }
0x7c: {  	_ =	shalt  }
0x7d: {  	_ =	shalt  }
0x7e: {  	_ =	shalt  }
0x7f: {  	_ =	shalt  }
0x80: {  	_ =	shalt  }
0x81: {  	_ =	shalt  }
0x82: {  	_ =	shalt  }
0x83: {  	_ =	shalt  }
0x84: {  	_ =	shalt  }
0x85: {  	_ =	shalt  }
0x86: {  	_ =	shalt  }
0x87: {  	_ =	shalt  }
.Lfunc_end0:
.L_simem_size_0:
called_computation.8_lowered:
.L_overlay_start_0:
0x88: {  	s2 =	sld [smem:$0x3FD9]  }
0x89: {  	s3 =	sld [smem:$0x3FFE];
	_ =	sdelay $0x1  }
0x8a: {  	s1 =	srdreg.scid  }
0x8b: {  	s0 =	sand.u32 $0x1, s1  }
0x8c: {  	s17 =	sshll.u32 s0, $0xA;
	s2 =	sadd.s32 s3, s2  }
0x8d: {  	s2 =	sadd.s32 s2, s17  }
0x8e: {  	[smem:$0x3FBD] =	sst s2  }
0x8f: {  	_ = 	snop  }
0x90: {  	s18 =	sld [smem:$0x3FD0];
	(tm) =	ssettm $0x1  }
0x91: {  	s19 =	sld [smem:$0x3FFB];
	_ =	sdelay $0x3  }
0x92: {  	_ =	strace s19  }
0x93: {  	s2 =	sld [smem:$0x3FFC];
	_ =	sdelay $0x3  }
0x94: {  	_ =	strace s2  }
0x95: {  	s2 =	sld [smem:$0x3FFD];
	_ =	sdelay $0x3  }
0x96: {  	_ =	strace s2  }
0x97: {  	_ =	strace $0x8FFFFFFF  }
0x98: {  	s20 =	sld [smem:$0x3FDB];
	_ =	sdelay $0x1  }
0x99: {  	s4 =	simm.s32 $_scs_section_size  }
0x9a: {  	s5 =	simm.s32 $_size__tile_overlayer_lowered;
	s6 =	simm.s32 $_tile_overlayer_lowered  }
0x9b: {  	s7 =	simm.s32 $0x1BFF;
	s21 =	sshll.u32 s6, $0x1;
	s4 =	sadd.s32 s4, s20  }
0x9c: {  	s22 =	simm.s32 $0x0;
	s5 =	sshll.u32 s5, $0x1;
	s6 =	sadd.s32 s21, s4  }
0x9d: {  	[timem:s22], [sflag:s7] =	dma.local [hbm:s6], s5  }
0x9e: {  	_ =	swait.ge [sflag:s7], s5  }
0x9f: {  	s5 =	ssub.s32 $0x0, s5;
	[sflag:s7] =	ssyncset.done $0x0  }
0xa0: {  	[sflag:s7] =	ssyncadd.s32 s5;
	_ =	sdelay $0x1  }
0xa1: {  	s23 =	simm.s32 $0x1B8B  }
0xa2: {  	_ =	swait.ge [sflag:s23], $0x1  }
0xa3: {  	[sflag:s23] =	ssyncset.done $0x0  }
0xa4: {  	[sflag:s23] =	ssyncadd.s32 $0xFFFFFFFF  }
0xa5: {  	s5 =	sld [smem:$0x0]  }
0xa6: {  	s6 =	sand.u32 $0xFFFFFFFE, s1  }
0xa7: {  	p0 =	sne.s32 s1, s6  }
0xa8: {  	s6 =	sshll.u32 @p0 s6, $0xE  }
0xa9: {  	s6 =	sadd.s32 @p0 $0x11B8D, s6;
	s7 =	sshll.u32 @p0 s5, $0x11  }
0xaa: {  	s6 =	sor.u32 @p0 s7, s6  }
0xab: {  	[sflag:s6] =	ssyncadd.remote.s32 @p0 $0x1;
	_ =	sdelay $0x1  }
0xac: {  	s6 =	simm.s32 @p0 $0x1B8D  }
0xad: {  	_ =	swait.eq @p0 [sflag:s6], $0x1  }
0xae: {  	[sflag:s6] =	ssyncadd.s32 @p0 $0xFFFFFFFF  }
0xaf: {  	s7 =	sshll.u32 @!p0 s1, $0xE  }
0xb0: {  	s7 =	sor.u32 @!p0 $0x4000, s7;
	s6 =	simm.s32 @!p0 $0x1B8D  }
0xb1: {  	s5 =	sshll.u32 @!p0 s5, $0x11;
	s7 =	sadd.s32 @!p0 $0x11B8D, s7;
	_ =	swait.eq @!p0 [sflag:s6], $0x1  }
0xb2: {  	s5 =	sor.u32 @!p0 s5, s7;
	[sflag:s6] =	ssyncadd.s32 @!p0 $0xFFFFFFFF  }
0xb3: {  	s25 =	simm.s32 $0x1B8E;
	s24 =	sld [smem:$0x3FFE];
	[sflag:s5] =	ssyncadd.remote.s32 @!p0 $0x1  }
0xb4: {  	s26 =	simm.s32 $execute0_lowered;
	[smem:$0x3FD2] =	sst s25  }
0xb5: {  	s6 =	sshll.u32 s26, $0x1;
	_ =	strace $0x8000005B;
	[dreg:$0x1] =	wrdreg $0xFFFFFFFF  }
0xb6: {  	s28 =	simm.s32 $_size_execute0_lowered;
	s4 =	sadd.s32 s4, s6;
	[dreg:$0x0] =	wrdreg $0x0  }
0xb7: {  	s6 =	sshll.u32 s28, $0x1;
	[dreg:$0x2] =	wrdreg s4  }
0xb8: {  	[dreg:$0x3] =	wrdreg s6  }
0xb9: {  	[dreg:$0x4] =	wrdreg $0xC0  }
0xba: {  	_ =	task [dreg:s22], $0x5FFFF  }
0xbb: {  	[dreg:$0x1] =	wrdreg $0xFFFFFFFF  }
0xbc: {  	[dreg:$0x0] =	wrdreg $0x60  }
0xbd: {  	[dreg:$0x2] =	wrdreg s24  }
0xbe: {  	[dreg:$0x3] =	wrdreg s18  }
0xbf: {  	[dreg:$0x4] =	wrdreg $0xBE800  }
0xc0: {  	[dreg:$0x5] =	wrdreg $0xD  }
0xc1: {  	_ =	task.clear_ibuf [dreg:s22], $0x6FFFF;
	_ =	strace $0x9000005B  }
0xc2: {  	s29 =	simm.s32 $0xD;
	_ =	strace $0x8000005D  }
0xc3: {  	_ =	swait.ge [sflag:s29], $0x1  }
0xc4: {  	[sflag:s29] =	ssyncadd.s32 $0xFFFFFFFF  }
0xc5: {  	_ =	strace $0x9000005D  }
0xc6: {  	_ =	sfence  }
0xc7: {  	s30 =	sld [smem:$0x0];
	_ =	sdelay $0x2  }
0xc8: {  	s31 =	sshll.u32 s1, $0xD;
	s1 =	sshrl.u32 s1, $0x2  }
0xc9: {  	s4 =	sand.u32 $0x4000, s31;
	s1 =	sadd.s32 s1, s30  }
0xca: {  	s0 =	sor.u32 s4, s0;
	s1 =	sshll.u32 s1, $0x11  }
0xcb: {  	s0 =	sor.u32 s1, s0  }
0xcc: {  	s0 =	sadd.s32 $0x8F2B, s0  }
0xcd: {  	[sflag:s0] =	ssyncadd.remote.s32 $0x1  }
0xce: {  	_ =	sfence.sel $0xFFFF  }
0xcf: {  	[dreg:$0x0] =	wrdreg $0xFFFFFFFF;
	(pc) =	sbr.abs _section_cstart, $3  }
0xd0: {  	[dreg:$0x1] =	wrdreg $0xFFFFFFFF  }
0xd1: {  	_ =	task.clear_ibuf [dreg:s22], $0x2FFFF;
	_ =	strace $0x9FFFFFFF  }
0xd2: {  	(tm) =	ssettm $0x7FFFFFFF  }
0xd3: {  	_ =	shalt  }
tec
execute0_lowered:
.L_overlay_start_1:
0x0: {  	(tag) =	ssettag $0x1  }
0x1: {  	s4 =	rddreg [dreg:$0x0]  }
0x2: {  	s5 =	rddreg [dreg:$0x1]  }
0x3: {  	s2 =	rddreg [dreg:$0x2]  }
0x4: {  	s0 =	rddreg [dreg:$0x3]  }
0x5: {  	s1 =	stileid.u32;
	s6 =	srdreg.scid  }
0x6: {  	s3 =	simm.s32 $0x0;
	s12 =	simm.s32 $0x40;
	s13 =	simm.s32 $0x80  }
0x7: {  	s14 =	simm.s32 $0x0;
	s6 =	sand.u32 $0x1, s6;
	s7 =	smul.u32 $0x13C0, s1  }
0x8: {  	[smem:$0x7FF] =	sst s3;
	s8 =	sshll.u32 s1, $0x10;
	s11 =	smul.u32 $0x9E00, s1  }
0x9: {  	s10 =	sshll.u32 s1, $0x9;
	s9 =	smul.u32 $0x13C00, s6;
	_ =	strace $0x8000005C  }
0xa: {  	s8 =	sadd.s32 s8, s4;
	s29 =	ssub.s32 $0x2, s6;
	s10 =	sadd.s32 s10, s4  }
0xb: {  	s6 =	sshll.u32 s6, $0x3;
	s30 =	sshrl.u32 s29, $0x1;
	s31 =	sshrl.u32 s11, $0x3  }
0xc: {  	s8 =	sadd.s32 s6, s8;
	s7 =	sadd.s32 s7, s9;
	s9 =	ssub.s32 s29, s30  }
0xd: {  	s8 =	sadd.s32 $0x8E000, s8;
	s7 =	sadd.s32 s7, s4;
	s4 =	sadd.s32 s5, s31  }
0xe: {  	s5 =	sadd.s32 s11, s2;
	s11 =	simm.s32 $0x1;
	s6 =	sadd.s32 $0x18E000, s7  }
0xf: {  	s7 =	smax.u32 s9, $0x1;
	s9 =	sadd.s32 $0x31000, s10;
	s10 =	simm.s32 $0x2080  }
.LBB2_1:
0x10: {  	[tilespmem:s10], [sflag:$0x1] =	stream.linear.gather [hbm4b:s4+s3], $0x9E00, $0x38;
	[tilespmem:$0x15C80] =	vst v63  }
0x11: {  	_ =	swait.ge [sflag:s11], $0x9E00  }
0x12: {  	[sflag:s11] =	ssyncset.done $0x0  }
0x13: {  	[sflag:s11] =	ssyncadd.s32 $0xFFFF6200  }
0x14: {  	[spmem:s5] =	stream.linear.scatter [tilespmem:s10], [sflag:$0x1], $0x9E00, $0x38;
	[tilespmem:$0x15C80] =	vst v63  }
0x15: {  	_ =	swait.ge [sflag:s11], $0x9E00  }
0x16: {  	[sflag:s11] =	ssyncset.done $0x0  }
0x17: {  	[sflag:s11] =	ssyncadd.s32 $0xFFFF6200  }
0x18: {  	s15 =	sadd.s32 $0x0, s9;
	[bflag:$0x0] =	sbarrier.arrive $0xFFFF  }
0x19: {  	[tilespmem:s3], [sflag:$0x1] =	stream.linear.gather [hbm4b:s15+s3], $0x80, $0x38;
	[tilespmem:$0x15C80] =	vst v63  }
0x1a: {  	_ =	swait.ge [sflag:s11], $0x80  }
0x1b: {  	[sflag:s11] =	ssyncset.done $0x0  }
0x1c: {  	[sflag:s11] =	ssyncadd.s32 $0xFFFFFF80  }
0x1d: {  	[tilespmem:s13], [sflag:$0x1] =	stream.strided.gather [hbm4b:s8+s12], $0x2000, s13, s12, $0x38;
	[tilespmem:$0x15C80] =	vst v63  }
0x1e: {  	_ =	swait.ge [sflag:s11], $0x2000  }
0x1f: {  	[sflag:s11] =	ssyncset.done $0x0  }
0x20: {  	[sflag:s11] =	ssyncadd.s32 $0xFFFFE000  }
0x21: {  	[spmem:s2] =	stream.indirect.scatter.add.f32 [tilespmem:s13], [sflag:$0x1], $0x40, s3, s13, $0xb8;
	[tilespmem:$0x15C80] =	vst v63  }
0x22: {  	s16 =	simm.s32 $0x10;
	_ =	swait.ge [sflag:s11], $0x2000  }
0x23: {  	s17 =	simm.s32 $0x20;
	s15 =	sadd.s32 $0x800, s8;
	[sflag:s11] =	ssyncset.done $0x0  }
.LBB2_2:
0x24: {  	s18 =	sadd.s32 s16, s9  }
0x25: {  	[sflag:s11] =	ssyncadd.s32 $0xFFFFE000;
	s16 =	smov.u32 s17;
	s19 =	sadd.s32 $0x10, s17  }
0x26: {  	[tilespmem:s3], [sflag:$0x1] =	stream.linear.gather [hbm4b:s18+s3], $0x80, $0x38;
	[tilespmem:$0x15C80] =	vst v63  }
0x27: {  	p0 =	sne.s32 s17, $0x1F0;
	_ =	swait.ge [sflag:s11], $0x80  }
0x28: {  	[sflag:s11] =	ssyncset.done $0x0  }
0x29: {  	[sflag:s11] =	ssyncadd.s32 $0xFFFFFF80  }
0x2a: {  	[tilespmem:s13], [sflag:$0x1] =	stream.strided.gather [hbm4b:s15+s12], $0x2000, s13, s12, $0x38;
	[tilespmem:$0x15C80] =	vst v63  }
0x2b: {  	_ =	swait.ge [sflag:s11], $0x2000  }
.Ltmp0:
0x2c: {  	[sflag:s11] =	ssyncset.done $0x0;
	(pc) =	sbr.rel @p0 .LBB2_2-.Ltmp0, $4  }
0x2d: {  	[sflag:s11] =	ssyncadd.s32 $0xFFFFE000  }
0x2e: {  	[spmem:s2] =	stream.indirect.scatter.add.f32 [tilespmem:s13], [sflag:$0x1], $0x40, s3, s13, $0xb8;
	[tilespmem:$0x15C80] =	vst v63  }
0x2f: {  	_ =	swait.ge [sflag:s11], $0x2000  }
0x30: {  	s17 =	smov.u32 s19;
	s15 =	sadd.s32 $0x800, s15;
	[sflag:s11] =	ssyncset.done $0x0  }
0x31: {  	s16 =	sadd.s32 s16, s9;
	[sflag:s11] =	ssyncadd.s32 $0xFFFFE000  }
0x32: {  	[tilespmem:s3], [sflag:$0x1] =	stream.linear.gather [hbm4b:s16+s3], $0x80, $0x38;
	[tilespmem:$0x15C80] =	vst v63  }
0x33: {  	_ =	swait.ge [sflag:s11], $0x80  }
0x34: {  	[sflag:s11] =	ssyncset.done $0x0  }
0x35: {  	[sflag:s11] =	ssyncadd.s32 $0xFFFFFF80  }
0x36: {  	[tilespmem:s13], [sflag:$0x1] =	stream.strided.gather [hbm4b:s15+s12], $0x2000, s13, s12, $0x38;
	[tilespmem:$0x15C80] =	vst v63  }
0x37: {  	_ =	swait.ge [sflag:s11], $0x2000  }
0x38: {  	[sflag:s11] =	ssyncset.done $0x0  }
0x39: {  	[sflag:s11] =	ssyncadd.s32 $0xFFFFE000  }
0x3a: {  	[spmem:s2] =	stream.indirect.scatter.add.f32 [tilespmem:s13], [sflag:$0x1], $0x40, s3, s13, $0xb8;
	[tilespmem:$0x15C80] =	vst v63  }
0x3b: {  	_ =	swait.ge [sflag:s11], $0x2000  }
0x3c: {  	[sflag:s11] =	ssyncset.done $0x0  }
0x3d: {  	[sflag:s11] =	ssyncadd.s32 $0xFFFFE000  }
0x3e: {  	[bflag:$0x0] =	sbarrier.arrive $0xFFFF  }
0x3f: {  	[tilespmem:s10], [sflag:$0x1] =	stream.linear.gather [spmem:s5], $0x9E00, $0x38;
	[tilespmem:$0x15C80] =	vst v63  }
0x40: {  	s14 =	sadd.s32 $0x1, s14;
	_ =	swait.ge [sflag:s11], $0x9E00  }
0x41: {  	p0 =	sne.s32 s14, s7;
	[sflag:s11] =	ssyncset.done $0x0  }
.Ltmp1:
0x42: {  	[sflag:s11] =	ssyncadd.s32 $0xFFFF6200;
	(pc) =	sbr.rel @p0 .LBB2_1-.Ltmp1, $4  }
0x43: {  	[hbm4b:s6+s3] =	stream.linear.scatter [tilespmem:s10], [sflag:$0x1], $0x9E00, $0x38;
	[tilespmem:$0x15C80] =	vst v63  }
0x44: {  	_ =	swait.ge [sflag:s11], $0x9E00  }
0x45: {  	[sflag:s11] =	ssyncset.done $0x0  }
0x46: {  	[sflag:s11] =	ssyncadd.s32 $0xFFFF6200  }
0x47: {  	_ =	sfence.sel $0x180000  }
0x48: {  	[bflag:$0x0] =	sbarrier.arrive $0xFFFF  }
0x49: {  	p0 =	sne.s32 s1, $0x0;
	_ =	strace $0x9000005C  }
0x4a: {  	s0 =	sadd.s32 @!p0 $0x100000, s0;
	[bflag:$0x2] =	sbarrier.arrive $0xFFFF  }
0x4b: {  	[sflag:s0] =	ssyncadd.tile.s32 @!p0 $0x1;
	_ =	shalt  }
.Lfunc_end2:
_tile_overlayer_lowered:
.L_overlay_start_2:
0x4c: {  	(tag) =	ssettag $0x2  }
0x4d: {  	s0 =	rddreg [dreg:$0x0];
	s2 =	stileid.u32  }
0x4e: {  	s1 =	rddreg [dreg:$0x1];
	p0 =	sne.s32 s2, $0x0  }
0x4f: {  	s3 =	rddreg [dreg:$0x2];
	[bflag:$0x3] =	sbarrier.arrive $0xFFFF;
	s2 =	simm.s32 @!p0 $0x1C01  }
0x50: {  	[timem:s3], [sflag:s2] =	dma.local @!p0 [hbm:s0], s1  }
0x51: {  	s0 =	simm.s32 @!p0 $0x1  }
0x52: {  	_ =	swait.ge @!p0 [sflag:s0], s1  }
0x53: {  	s1 =	ssub.s32 @!p0 $0x0, s1;
	[sflag:s0] =	ssyncset.done @!p0 $0x0  }
0x54: {  	[sflag:s0] =	ssyncadd.s32 @!p0 s1  }
0x55: {  	[bflag:$0x3] =	sbarrier.arrive $0xFFFF  }
0x56: {  	_ =	shalt  }

// kernel: kernel.46.cloned.1.call-start
scs
__scs_entry_jumppad:
0x0: {  	(pc) =	sbr.rel $0x88, $3  }
0x1: {  	(tag) =	ssettag $0x0;
	lr =	simm.s32 $0x1  }
0x2: {  	[smem:$0x3F96] =	sst lr;
	_ =	strace $0xD0000000  }
0x3: {  	_ = 	snop  }
0x4: {  	_ = 	snop  }
0x5: {  	_ = 	snop  }
0x6: {  	_ = 	snop  }
0x7: {  	_ = 	snop  }
__scs_overlays_trampoline_lowered:
0x8: {  	[smem:$0x3FA5] =	sst s0  }
0x9: {  	[smem:$0x3FA6] =	sst s1  }
0xa: {  	[smem:$0x3FA7] =	sst s2  }
0xb: {  	[smem:$0x3FA8] =	sst s3  }
0xc: {  	[smem:$0x3FA9] =	sst s4  }
0xd: {  	[smem:$0x3FAA] =	sst s5  }
0xe: {  	[smem:$0x3FAB] =	sst s6  }
0xf: {  	[smem:$0x3FAC] =	sst s7  }
0x10: {  	[smem:$0x3FAD] =	sst s8  }
0x11: {  	[smem:$0x3FAE] =	sst s9;
	s0 =	simm.s32 @!p0 $0x0  }
0x12: {  	s1 =	sld [smem:$0x3F94];
	s0 =	simm.s32 @p0 $0x1  }
0x13: {  	[smem:$0x3FAF] =	sst s0;
	s0 =	simm.s32 @!p1 $0x0  }
0x14: {  	s2 =	sld [smem:$0x3F93];
	s0 =	simm.s32 @p1 $0x1  }
0x15: {  	[smem:$0x3FB0] =	sst s0;
	s0 =	simm.s32 @!p2 $0x0  }
0x16: {  	s3 =	sld [smem:$0x3FDB];
	s0 =	simm.s32 @p2 $0x1  }
0x17: {  	s4 =	simm.s32 $0x1BF5;
	[smem:$0x3FB2] =	sst s0  }
0x18: {  	s0 =	sld [smem:$0x3F95];
	_ =	swait.ge [sflag:s4], $0x0  }
0x19: {  	s7 =	sld [smem:$0x3F96]  }
0x1a: {  	s8 =	sadd.s32 $0xFFFFE003, lr  }
0x1b: {  	s9 =	sadd.s32 $0xFFFFFEF7, lr;
	s5 =	simm.s32 $0xFFFFFFFF;
	p2 =	slt.u32 s8, $0xFFFFF086  }
0x1c: {  	p1 =	slt.u32 s9, $0xF7A;
	s5 =	simm.s32 @!p2 $0x0  }
0x1d: {  	s5 =	simm.s32 @p1 $0x1;
	p0 =	seq.s32 s7, s2  }
0x1e: {  	s7 =	smul.u32 @!p0 $0xF7A, s2;
	p2 =	seq.s32 @!p0 s5, $0x0  }
0x1f: {  	s9 =	smul.u32 $0xF7A, s1;
	s8 =	simm.s32 @!p0 $0x1BF5;
	p2 =	por !p2, p0  }
0x20: {  	[sflag:s8] =	ssyncset.s32 @!p0 $0xFFFFF086;
	s6 =	sadd.s32 @!p0 s3, s7;
	s7 =	simm.s32 @!p0 $0x108  }
0x21: {  	s3 =	sadd.s32 s3, s9;
	s6 =	sadd.s32 @!p0 $0x88, s6;
	s7 =	simm.s32 @p2 $0x1082  }
0x22: {  	[simem:s7], [sflag:s8] =	dma.local @!p0 [hbm:s6], $0xF7A  }
0x23: {  	s9 =	sor.u32 $0xD0000000, s2;
	s6 =	simm.s32 $0x108;
	_ =	swait.ge @!p0 [sflag:s8], $0x0  }
0x24: {  	s3 =	sadd.s32 $0x88, s3;
	s6 =	simm.s32 @!p1 $0x1082;
	[sflag:s4] =	ssyncset.s32 $0xFFFFF086  }
0x25: {  	[simem:s6], [sflag:s4] =	dma.local [hbm:s3], $0xF7A  }
0x26: {  	[smem:$0x3F96] =	sst s1;
	(tag) =	ssettag s2;
	_ =	strace s9  }
0x27: {  	s1 =	sld [smem:$0x3FA6]  }
0x28: {  	s2 =	sld [smem:$0x3FA7]  }
0x29: {  	s4 =	sld [smem:$0x3FA9]  }
0x2a: {  	p0 =	seq.s32 s5, $0x0;
	s5 =	sld [smem:$0x3FAA]  }
0x2b: {  	s6 =	sld [smem:$0x3FAB]  }
0x2c: {  	s7 =	sld [smem:$0x3FAC]  }
0x2d: {  	s3 =	simm.s32 $0x108;
	s8 =	sld [smem:$0x3FAD]  }
0x2e: {  	s3 =	simm.s32 @!p0 $0x1082;
	s9 =	sld [smem:$0x3FAE]  }
0x2f: {  	lr =	sadd.s32 s0, s3;
	s0 =	sld [smem:$0x3FA5]  }
0x30: {  	s3 =	sld [smem:$0x3FA8]  }
0x31: {  	[smem:$0x3FB1] =	sst s10  }
0x32: {  	s10 =	sld [smem:$0x3FAF];
	_ =	sdelay $0x3  }
0x33: {  	p0 =	seq.s32 s10, $0x1;
	s10 =	sld [smem:$0x3FB1];
	_ =	sdelay $0x3  }
0x34: {  	[smem:$0x3FB1] =	sst s10  }
0x35: {  	s10 =	sld [smem:$0x3FB0];
	_ =	sdelay $0x3  }
0x36: {  	p1 =	seq.s32 s10, $0x1;
	s10 =	sld [smem:$0x3FB1];
	_ =	sdelay $0x3  }
0x37: {  	[smem:$0x3FB1] =	sst s10  }
0x38: {  	s10 =	sld [smem:$0x3FB2]  }
0x39: {  	_ = 	snop;
	(pc) =	sbr.ind lr, $3  }
0x3a: {  	_ = 	snop  }
0x3b: {  	_ = 	snop  }
0x3c: {  	p2 =	seq.s32 s10, $0x1;
	s10 =	sld [smem:$0x3FB1]  }
0x3d: {  	_ =	shalt  }
0x3e: {  	_ =	shalt  }
0x3f: {  	_ =	shalt  }
0x40: {  	_ =	shalt  }
0x41: {  	_ =	shalt  }
0x42: {  	_ =	shalt  }
0x43: {  	_ =	shalt  }
0x44: {  	_ =	shalt  }
0x45: {  	_ =	shalt  }
0x46: {  	_ =	shalt  }
0x47: {  	_ =	shalt  }
0x48: {  	_ =	shalt  }
0x49: {  	_ =	shalt  }
0x4a: {  	_ =	shalt  }
0x4b: {  	_ =	shalt  }
0x4c: {  	_ =	shalt  }
0x4d: {  	_ =	shalt  }
0x4e: {  	_ =	shalt  }
0x4f: {  	_ =	shalt  }
0x50: {  	_ =	shalt  }
0x51: {  	_ =	shalt  }
0x52: {  	_ =	shalt  }
0x53: {  	_ =	shalt  }
0x54: {  	_ =	shalt  }
0x55: {  	_ =	shalt  }
0x56: {  	_ =	shalt  }
0x57: {  	_ =	shalt  }
0x58: {  	_ =	shalt  }
0x59: {  	_ =	shalt  }
0x5a: {  	_ =	shalt  }
0x5b: {  	_ =	shalt  }
0x5c: {  	_ =	shalt  }
0x5d: {  	_ =	shalt  }
0x5e: {  	_ =	shalt  }
0x5f: {  	_ =	shalt  }
0x60: {  	_ =	shalt  }
0x61: {  	_ =	shalt  }
0x62: {  	_ =	shalt  }
0x63: {  	_ =	shalt  }
0x64: {  	_ =	shalt  }
0x65: {  	_ =	shalt  }
0x66: {  	_ =	shalt  }
0x67: {  	_ =	shalt  }
0x68: {  	_ =	shalt  }
0x69: {  	_ =	shalt  }
0x6a: {  	_ =	shalt  }
0x6b: {  	_ =	shalt  }
0x6c: {  	_ =	shalt  }
0x6d: {  	_ =	shalt  }
0x6e: {  	_ =	shalt  }
0x6f: {  	_ =	shalt  }
0x70: {  	_ =	shalt  }
0x71: {  	_ =	shalt  }
0x72: {  	_ =	shalt  }
0x73: {  	_ =	shalt  }
0x74: {  	_ =	shalt  }
0x75: {  	_ =	shalt  }
0x76: {  	_ =	shalt  }
0x77: {  	_ =	shalt  }
0x78: {  	_ =	shalt  }
0x79: {  	_ =	shalt  }
0x7a: {  	_ =	shalt  }
0x7b: {  	_ =	shalt  }
0x7c: {  	_ =	shalt  }
0x7d: {  	_ =	shalt  }
0x7e: {  	_ =	shalt  }
0x7f: {  	_ =	shalt  }
0x80: {  	_ =	shalt  }
0x81: {  	_ =	shalt  }
0x82: {  	_ =	shalt  }
0x83: {  	_ =	shalt  }
0x84: {  	_ =	shalt  }
0x85: {  	_ =	shalt  }
0x86: {  	_ =	shalt  }
0x87: {  	_ =	shalt  }
.Lfunc_end0:
.L_simem_size_0:
called_computation.9_lowered:
.L_overlay_start_0:
0x88: {  	s2 =	sld [smem:$0x3FD9]  }
0x89: {  	s3 =	sld [smem:$0x3FFE];
	_ =	sdelay $0x1  }
0x8a: {  	s1 =	srdreg.scid  }
0x8b: {  	s0 =	sand.u32 $0x1, s1  }
0x8c: {  	s17 =	sshll.u32 s0, $0xA;
	s2 =	sadd.s32 s3, s2  }
0x8d: {  	s2 =	sadd.s32 s2, s17  }
0x8e: {  	[smem:$0x3FBD] =	sst s2  }
0x8f: {  	_ = 	snop  }
0x90: {  	s18 =	sld [smem:$0x3FD0];
	(tm) =	ssettm $0x1  }
0x91: {  	s19 =	sld [smem:$0x3FFB];
	_ =	sdelay $0x3  }
0x92: {  	_ =	strace s19  }
0x93: {  	s2 =	sld [smem:$0x3FFC];
	_ =	sdelay $0x3  }
0x94: {  	_ =	strace s2  }
0x95: {  	s2 =	sld [smem:$0x3FFD];
	_ =	sdelay $0x3  }
0x96: {  	_ =	strace s2  }
0x97: {  	_ =	strace $0x8FFFFFFF  }
0x98: {  	s20 =	sld [smem:$0x3FDB];
	_ =	sdelay $0x1  }
0x99: {  	s4 =	simm.s32 $_scs_section_size  }
0x9a: {  	s5 =	simm.s32 $_size__tile_overlayer_lowered;
	s6 =	simm.s32 $_tile_overlayer_lowered  }
0x9b: {  	s7 =	simm.s32 $0x1BFF;
	s21 =	sshll.u32 s6, $0x1;
	s4 =	sadd.s32 s4, s20  }
0x9c: {  	s22 =	simm.s32 $0x0;
	s5 =	sshll.u32 s5, $0x1;
	s6 =	sadd.s32 s21, s4  }
0x9d: {  	[timem:s22], [sflag:s7] =	dma.local [hbm:s6], s5  }
0x9e: {  	_ =	swait.ge [sflag:s7], s5  }
0x9f: {  	s5 =	ssub.s32 $0x0, s5;
	[sflag:s7] =	ssyncset.done $0x0  }
0xa0: {  	[sflag:s7] =	ssyncadd.s32 s5;
	_ =	sdelay $0x1  }
0xa1: {  	s23 =	simm.s32 $0x1B8B  }
0xa2: {  	_ =	swait.ge [sflag:s23], $0x1  }
0xa3: {  	[sflag:s23] =	ssyncset.done $0x0  }
0xa4: {  	[sflag:s23] =	ssyncadd.s32 $0xFFFFFFFF  }
0xa5: {  	s5 =	sld [smem:$0x0]  }
0xa6: {  	s6 =	sand.u32 $0xFFFFFFFE, s1  }
0xa7: {  	p0 =	sne.s32 s1, s6  }
0xa8: {  	s6 =	sshll.u32 @p0 s6, $0xE  }
0xa9: {  	s6 =	sadd.s32 @p0 $0x11B8D, s6;
	s7 =	sshll.u32 @p0 s5, $0x11  }
0xaa: {  	s6 =	sor.u32 @p0 s7, s6  }
0xab: {  	[sflag:s6] =	ssyncadd.remote.s32 @p0 $0x1;
	_ =	sdelay $0x1  }
0xac: {  	s6 =	simm.s32 @p0 $0x1B8D  }
0xad: {  	_ =	swait.eq @p0 [sflag:s6], $0x1  }
0xae: {  	[sflag:s6] =	ssyncadd.s32 @p0 $0xFFFFFFFF  }
0xaf: {  	s7 =	sshll.u32 @!p0 s1, $0xE  }
0xb0: {  	s7 =	sor.u32 @!p0 $0x4000, s7;
	s6 =	simm.s32 @!p0 $0x1B8D  }
0xb1: {  	s5 =	sshll.u32 @!p0 s5, $0x11;
	s7 =	sadd.s32 @!p0 $0x11B8D, s7;
	_ =	swait.eq @!p0 [sflag:s6], $0x1  }
0xb2: {  	s5 =	sor.u32 @!p0 s5, s7;
	[sflag:s6] =	ssyncadd.s32 @!p0 $0xFFFFFFFF  }
0xb3: {  	s25 =	simm.s32 $0x1B8E;
	s24 =	sld [smem:$0x3FFE];
	[sflag:s5] =	ssyncadd.remote.s32 @!p0 $0x1  }
0xb4: {  	s26 =	simm.s32 $execute0_lowered;
	[smem:$0x3FD2] =	sst s25  }
0xb5: {  	s6 =	sshll.u32 s26, $0x1;
	_ =	strace $0x8000005E;
	[dreg:$0x1] =	wrdreg $0xFFFFFFFF  }
0xb6: {  	s28 =	simm.s32 $_size_execute0_lowered;
	s4 =	sadd.s32 s4, s6;
	[dreg:$0x0] =	wrdreg $0x0  }
0xb7: {  	s6 =	sshll.u32 s28, $0x1;
	[dreg:$0x2] =	wrdreg s4  }
0xb8: {  	[dreg:$0x3] =	wrdreg s6  }
0xb9: {  	[dreg:$0x4] =	wrdreg $0xC0  }
0xba: {  	_ =	task [dreg:s22], $0x5FFFF  }
0xbb: {  	[dreg:$0x1] =	wrdreg $0xFFFFFFFF  }
0xbc: {  	[dreg:$0x0] =	wrdreg $0x60  }
0xbd: {  	[dreg:$0x2] =	wrdreg s24  }
0xbe: {  	[dreg:$0x3] =	wrdreg s18  }
0xbf: {  	[dreg:$0x4] =	wrdreg $0xBE800  }
0xc0: {  	[dreg:$0x5] =	wrdreg $0xB  }
0xc1: {  	_ =	task.clear_ibuf [dreg:s22], $0x6FFFF;
	_ =	strace $0x9000005E  }
0xc2: {  	s29 =	simm.s32 $0xB;
	_ =	strace $0x80000060  }
0xc3: {  	_ =	swait.ge [sflag:s29], $0x1  }
0xc4: {  	[sflag:s29] =	ssyncadd.s32 $0xFFFFFFFF  }
0xc5: {  	_ =	strace $0x90000060  }
0xc6: {  	_ =	sfence  }
0xc7: {  	s30 =	sld [smem:$0x0];
	_ =	sdelay $0x2  }
0xc8: {  	s31 =	sshll.u32 s1, $0xD;
	s1 =	sshrl.u32 s1, $0x2  }
0xc9: {  	s4 =	sand.u32 $0x4000, s31;
	s1 =	sadd.s32 s1, s30  }
0xca: {  	s0 =	sor.u32 s4, s0;
	s1 =	sshll.u32 s1, $0x11  }
0xcb: {  	s0 =	sor.u32 s1, s0  }
0xcc: {  	s0 =	sadd.s32 $0x8F2B, s0  }
0xcd: {  	[sflag:s0] =	ssyncadd.remote.s32 $0x1  }
0xce: {  	_ =	sfence.sel $0xFFFF  }
0xcf: {  	[dreg:$0x0] =	wrdreg $0xFFFFFFFF;
	(pc) =	sbr.abs _section_cstart, $3  }
0xd0: {  	[dreg:$0x1] =	wrdreg $0xFFFFFFFF  }
0xd1: {  	_ =	task.clear_ibuf [dreg:s22], $0x2FFFF;
	_ =	strace $0x9FFFFFFF  }
0xd2: {  	(tm) =	ssettm $0x7FFFFFFF  }
0xd3: {  	_ =	shalt  }
tec
execute0_lowered:
.L_overlay_start_1:
0x0: {  	(tag) =	ssettag $0x1  }
0x1: {  	s4 =	rddreg [dreg:$0x0]  }
0x2: {  	s5 =	rddreg [dreg:$0x1]  }
0x3: {  	s2 =	rddreg [dreg:$0x2]  }
0x4: {  	s0 =	rddreg [dreg:$0x3]  }
0x5: {  	s1 =	stileid.u32;
	s6 =	srdreg.scid  }
0x6: {  	s3 =	simm.s32 $0x0;
	s12 =	simm.s32 $0x40;
	s13 =	simm.s32 $0x80  }
0x7: {  	s14 =	simm.s32 $0x0;
	s6 =	sand.u32 $0x1, s6;
	s7 =	smul.u32 $0x13C0, s1  }
0x8: {  	[smem:$0x7FF] =	sst s3;
	s8 =	sshll.u32 s1, $0x10;
	s11 =	smul.u32 $0x9E00, s1  }
0x9: {  	s10 =	sshll.u32 s1, $0x9;
	s9 =	smul.u32 $0x13C00, s6;
	_ =	strace $0x8000005F  }
0xa: {  	s8 =	sadd.s32 s8, s4;
	s29 =	ssub.s32 $0x2, s6;
	s10 =	sadd.s32 s10, s4  }
0xb: {  	s6 =	sshll.u32 s6, $0x3;
	s30 =	sshrl.u32 s29, $0x1;
	s31 =	sshrl.u32 s11, $0x3  }
0xc: {  	s8 =	sadd.s32 s6, s8;
	s7 =	sadd.s32 s7, s9;
	s9 =	ssub.s32 s29, s30  }
0xd: {  	s8 =	sadd.s32 $0xAA1000, s8;
	s7 =	sadd.s32 s7, s4;
	s4 =	sadd.s32 s5, s31  }
0xe: {  	s5 =	sadd.s32 s11, s2;
	s11 =	simm.s32 $0x1;
	s6 =	sadd.s32 $0x1B5800, s7  }
0xf: {  	s7 =	smax.u32 s9, $0x1;
	s9 =	sadd.s32 $0x33000, s10;
	s10 =	simm.s32 $0x2080  }
.LBB2_1:
0x10: {  	[tilespmem:s10], [sflag:$0x1] =	stream.linear.gather [hbm4b:s4+s3], $0x9E00, $0x38;
	[tilespmem:$0x15C80] =	vst v63  }
0x11: {  	_ =	swait.ge [sflag:s11], $0x9E00  }
0x12: {  	[sflag:s11] =	ssyncset.done $0x0  }
0x13: {  	[sflag:s11] =	ssyncadd.s32 $0xFFFF6200  }
0x14: {  	[spmem:s5] =	stream.linear.scatter [tilespmem:s10], [sflag:$0x1], $0x9E00, $0x38;
	[tilespmem:$0x15C80] =	vst v63  }
0x15: {  	_ =	swait.ge [sflag:s11], $0x9E00  }
0x16: {  	[sflag:s11] =	ssyncset.done $0x0  }
0x17: {  	[sflag:s11] =	ssyncadd.s32 $0xFFFF6200  }
0x18: {  	s15 =	sadd.s32 $0x0, s9;
	[bflag:$0x0] =	sbarrier.arrive $0xFFFF  }
0x19: {  	[tilespmem:s3], [sflag:$0x1] =	stream.linear.gather [hbm4b:s15+s3], $0x80, $0x38;
	[tilespmem:$0x15C80] =	vst v63  }
0x1a: {  	_ =	swait.ge [sflag:s11], $0x80  }
0x1b: {  	[sflag:s11] =	ssyncset.done $0x0  }
0x1c: {  	[sflag:s11] =	ssyncadd.s32 $0xFFFFFF80  }
0x1d: {  	[tilespmem:s13], [sflag:$0x1] =	stream.strided.gather [hbm4b:s8+s12], $0x2000, s13, s12, $0x38;
	[tilespmem:$0x15C80] =	vst v63  }
0x1e: {  	_ =	swait.ge [sflag:s11], $0x2000  }
0x1f: {  	[sflag:s11] =	ssyncset.done $0x0  }
0x20: {  	[sflag:s11] =	ssyncadd.s32 $0xFFFFE000  }
0x21: {  	[spmem:s2] =	stream.indirect.scatter.add.f32 [tilespmem:s13], [sflag:$0x1], $0x40, s3, s13, $0xb8;
	[tilespmem:$0x15C80] =	vst v63  }
0x22: {  	s16 =	simm.s32 $0x10;
	_ =	swait.ge [sflag:s11], $0x2000  }
0x23: {  	s17 =	simm.s32 $0x20;
	s15 =	sadd.s32 $0x800, s8;
	[sflag:s11] =	ssyncset.done $0x0  }
.LBB2_2:
0x24: {  	s18 =	sadd.s32 s16, s9  }
0x25: {  	[sflag:s11] =	ssyncadd.s32 $0xFFFFE000;
	s16 =	smov.u32 s17;
	s19 =	sadd.s32 $0x10, s17  }
0x26: {  	[tilespmem:s3], [sflag:$0x1] =	stream.linear.gather [hbm4b:s18+s3], $0x80, $0x38;
	[tilespmem:$0x15C80] =	vst v63  }
0x27: {  	p0 =	sne.s32 s17, $0x1F0;
	_ =	swait.ge [sflag:s11], $0x80  }
0x28: {  	[sflag:s11] =	ssyncset.done $0x0  }
0x29: {  	[sflag:s11] =	ssyncadd.s32 $0xFFFFFF80  }
0x2a: {  	[tilespmem:s13], [sflag:$0x1] =	stream.strided.gather [hbm4b:s15+s12], $0x2000, s13, s12, $0x38;
	[tilespmem:$0x15C80] =	vst v63  }
0x2b: {  	_ =	swait.ge [sflag:s11], $0x2000  }
.Ltmp0:
0x2c: {  	[sflag:s11] =	ssyncset.done $0x0;
	(pc) =	sbr.rel @p0 .LBB2_2-.Ltmp0, $4  }
0x2d: {  	[sflag:s11] =	ssyncadd.s32 $0xFFFFE000  }
0x2e: {  	[spmem:s2] =	stream.indirect.scatter.add.f32 [tilespmem:s13], [sflag:$0x1], $0x40, s3, s13, $0xb8;
	[tilespmem:$0x15C80] =	vst v63  }
0x2f: {  	_ =	swait.ge [sflag:s11], $0x2000  }
0x30: {  	s17 =	smov.u32 s19;
	s15 =	sadd.s32 $0x800, s15;
	[sflag:s11] =	ssyncset.done $0x0  }
0x31: {  	s16 =	sadd.s32 s16, s9;
	[sflag:s11] =	ssyncadd.s32 $0xFFFFE000  }
0x32: {  	[tilespmem:s3], [sflag:$0x1] =	stream.linear.gather [hbm4b:s16+s3], $0x80, $0x38;
	[tilespmem:$0x15C80] =	vst v63  }
0x33: {  	_ =	swait.ge [sflag:s11], $0x80  }
0x34: {  	[sflag:s11] =	ssyncset.done $0x0  }
0x35: {  	[sflag:s11] =	ssyncadd.s32 $0xFFFFFF80  }
0x36: {  	[tilespmem:s13], [sflag:$0x1] =	stream.strided.gather [hbm4b:s15+s12], $0x2000, s13, s12, $0x38;
	[tilespmem:$0x15C80] =	vst v63  }
0x37: {  	_ =	swait.ge [sflag:s11], $0x2000  }
0x38: {  	[sflag:s11] =	ssyncset.done $0x0  }
0x39: {  	[sflag:s11] =	ssyncadd.s32 $0xFFFFE000  }
0x3a: {  	[spmem:s2] =	stream.indirect.scatter.add.f32 [tilespmem:s13], [sflag:$0x1], $0x40, s3, s13, $0xb8;
	[tilespmem:$0x15C80] =	vst v63  }
0x3b: {  	_ =	swait.ge [sflag:s11], $0x2000  }
0x3c: {  	[sflag:s11] =	ssyncset.done $0x0  }
0x3d: {  	[sflag:s11] =	ssyncadd.s32 $0xFFFFE000  }
0x3e: {  	[bflag:$0x0] =	sbarrier.arrive $0xFFFF  }
0x3f: {  	[tilespmem:s10], [sflag:$0x1] =	stream.linear.gather [spmem:s5], $0x9E00, $0x38;
	[tilespmem:$0x15C80] =	vst v63  }
0x40: {  	s14 =	sadd.s32 $0x1, s14;
	_ =	swait.ge [sflag:s11], $0x9E00  }
0x41: {  	p0 =	sne.s32 s14, s7;
	[sflag:s11] =	ssyncset.done $0x0  }
.Ltmp1:
0x42: {  	[sflag:s11] =	ssyncadd.s32 $0xFFFF6200;
	(pc) =	sbr.rel @p0 .LBB2_1-.Ltmp1, $4  }
0x43: {  	[hbm4b:s6+s3] =	stream.linear.scatter [tilespmem:s10], [sflag:$0x1], $0x9E00, $0x38;
	[tilespmem:$0x15C80] =	vst v63  }
0x44: {  	_ =	swait.ge [sflag:s11], $0x9E00  }
0x45: {  	[sflag:s11] =	ssyncset.done $0x0  }
0x46: {  	[sflag:s11] =	ssyncadd.s32 $0xFFFF6200  }
0x47: {  	_ =	sfence.sel $0x180000  }
0x48: {  	[bflag:$0x0] =	sbarrier.arrive $0xFFFF  }
0x49: {  	p0 =	sne.s32 s1, $0x0;
	_ =	strace $0x9000005F  }
0x4a: {  	s0 =	sadd.s32 @!p0 $0x100000, s0;
	[bflag:$0x2] =	sbarrier.arrive $0xFFFF  }
0x4b: {  	[sflag:s0] =	ssyncadd.tile.s32 @!p0 $0x1;
	_ =	shalt  }
.Lfunc_end2:
_tile_overlayer_lowered:
.L_overlay_start_2:
0x4c: {  	(tag) =	ssettag $0x2  }
0x4d: {  	s0 =	rddreg [dreg:$0x0];
	s2 =	stileid.u32  }
0x4e: {  	s1 =	rddreg [dreg:$0x1];
	p0 =	sne.s32 s2, $0x0  }
0x4f: {  	s3 =	rddreg [dreg:$0x2];
	[bflag:$0x3] =	sbarrier.arrive $0xFFFF;
	s2 =	simm.s32 @!p0 $0x1C01  }
0x50: {  	[timem:s3], [sflag:s2] =	dma.local @!p0 [hbm:s0], s1  }
0x51: {  	s0 =	simm.s32 @!p0 $0x1  }
0x52: {  	_ =	swait.ge @!p0 [sflag:s0], s1  }
0x53: {  	s1 =	ssub.s32 @!p0 $0x0, s1;
	[sflag:s0] =	ssyncset.done @!p0 $0x0  }
0x54: {  	[sflag:s0] =	ssyncadd.s32 @!p0 s1  }
0x55: {  	[bflag:$0x3] =	sbarrier.arrive $0xFFFF  }
0x56: {  	_ =	shalt  }

</sc_bundles>
